<compile_context>
chip_gen: v7x
topology: tpu7x:2x2x1
jax: 0.10.2.dev20260603
libtpu: 0.0.44.dev20260713+nightly
codegen_flags: <defaults>
</compile_context>

<pallas_src>
import functools
import math

import jax
import jax.numpy as jnp
from jax import lax
from jax.experimental import pallas as pl
from jax.experimental.pallas import tpu as pltpu
from jax.experimental.pallas import tpu_sc as plsc

VOCAB = 100000
D = 128
SCALE = math.sqrt(float(D))

_INFO = plsc.get_sparse_core_info()
_NC = _INFO.num_cores
_NS = _INFO.num_subcores
_NW = _NC * _NS

CHUNK = 128


NBUF = 5
LOOK = 3


@functools.cache
def _gather_kernel(B):
    n_chunks = B // _NW // CHUNK
    per_w = n_chunks * CHUNK
    assert n_chunks % NBUF == 0 and n_chunks > 2 * NBUF
    mesh = plsc.VectorSubcoreMesh(core_axis_name="c", subcore_axis_name="s")

    @functools.partial(
        pl.kernel,
        mesh=mesh,
        out_type=jax.ShapeDtypeStruct((B, D), jnp.float32),
        scratch_types=(
            [pltpu.VMEM((n_chunks, CHUNK), jnp.int32)]
            + [pltpu.VMEM((CHUNK, D), jnp.float32) for _ in range(NBUF)]
            + [pltpu.SemaphoreType.DMA for _ in range(2 * NBUF)]
        ),
    )
    def k(idx_hbm, table_hbm, out_hbm, idx_v, *rest):
        rows = rest[:NBUF]
        gsem = rest[NBUF:2 * NBUF]
        wsem = rest[2 * NBUF:3 * NBUF]
        wid = lax.axis_index("s") * _NC + lax.axis_index("c")
        pltpu.sync_copy(idx_hbm.at[wid], idx_v)
        base = wid * per_w

        def start_gather(c, b):
            pltpu.async_copy(table_hbm.at[idx_v.at[c]], rows[b], gsem[b])

        def wait_gather(c, b):
            pltpu.make_async_copy(table_hbm.at[idx_v.at[c]], rows[b],
                                  gsem[b]).wait()

        def scale_rows(b):
            r = rows[b]
            unroll = 2

            def srow(i, carry):
                for u in range(unroll):
                    for j in range(D // 16):
                        sl = (i * unroll + u, pl.ds(j * 16, 16))
                        r[sl] = r[sl] * SCALE
                return carry

            lax.fori_loop(0, CHUNK // unroll, srow, 0)

        def start_write(c, b):
            pltpu.async_copy(rows[b], out_hbm.at[pl.ds(base + c * CHUNK, CHUNK)],
                             wsem[b])

        def wait_write(c, b):
            pltpu.make_async_copy(rows[b],
                                  out_hbm.at[pl.ds(base + c * CHUNK, CHUNK)],
                                  wsem[b]).wait()

        for c in range(LOOK):
            start_gather(c, c)
        for g in range(NBUF):
            wait_gather(g, g)
            scale_rows(g)
            start_write(g, g)
            if g + LOOK >= NBUF:
                wait_write(g + LOOK - NBUF, (g + LOOK) % NBUF)
            start_gather(g + LOOK, (g + LOOK) % NBUF)

        def body(outer, carry):
            for b in range(NBUF):
                g = outer * NBUF + b
                wait_gather(g, b)
                scale_rows(b)
                start_write(g, b)
                b2 = (b + LOOK) % NBUF
                wait_write(g + LOOK - NBUF, b2)
                start_gather(g + LOOK, b2)
            return carry

        lax.fori_loop(1, n_chunks // NBUF - 1, body, 0)

        for g in range(n_chunks - NBUF, n_chunks):
            b = g % NBUF
            wait_gather(g, b)
            scale_rows(b)
            start_write(g, b)
            if g + LOOK < n_chunks:
                b2 = (g + LOOK) % NBUF
                wait_write(g + LOOK - NBUF, b2)
                start_gather(g + LOOK, b2)
        for g in range(n_chunks - NBUF, n_chunks):
            wait_write(g, g % NBUF)

    return k


def kernel(tokens, table):
    b, h = tokens.shape
    B = b * h
    idx = tokens.reshape(_NW, B // _NW // CHUNK, CHUNK)
    out = _gather_kernel(B)(idx, table)
    return out.reshape(b, h, D)

# --- scband reference (transcript-rebuilt; emitter-appended) ---
"""Pipeline reference for scband-embedding-41815801594673 (READ-ONLY COPY).

The authoritative reference and input builder live on the scoring server;
editing this copy changes nothing except your own understanding.
"""

import jax, jax.numpy as jnp
import numpy as np
import math

VOCAB = 100000
D = 128
BATCH = 4096
HIST = 200

def setup_inputs(seed: int = 0) -> dict:
    key = jax.random.key(seed)
    k1, k2 = jax.random.split(key)
    tokens = jax.random.randint(k1, (BATCH, HIST), 0, VOCAB, dtype=jnp.int64 if jax.config.jax_enable_x64 else jnp.int32)
    table = jax.random.normal(k2, (VOCAB, D), dtype=jnp.float32)
    return {"tokens": tokens, "table": table}

def reference(tokens, table):
    # Faithful translation of: self.embedding(tokens) * math.sqrt(args.D)
    emb = jnp.take(table, tokens, axis=0)
    return emb * math.sqrt(D)

if __name__ == "__main__":
    import jax
    _d = setup_inputs()
    print(jax.jit(kernel)(*tuple(_d.values())))

</pallas_src>

<mosaic_0001>
#map = affine_map<(d0, d1) -> (0, 0, 0)>
#map1 = affine_map<(d0, d1) -> (0, 0)>
module attributes {stable_mosaic.version = 14 : i64} {
  func.func @k(%arg0: i32, %arg1: i32, %arg2: memref<32x200x128xi32, #tpu.memory_space<hbm>>, %arg3: memref<100000x128xf32, #tpu.memory_space<hbm>>, %arg4: memref<819200x128xf32, #tpu.memory_space<hbm>>, %arg5: memref<200x128xi32, #tpu.memory_space<vmem>>, %arg6: memref<128x128xf32, #tpu.memory_space<vmem>>, %arg7: memref<128x128xf32, #tpu.memory_space<vmem>>, %arg8: memref<128x128xf32, #tpu.memory_space<vmem>>, %arg9: memref<128x128xf32, #tpu.memory_space<vmem>>, %arg10: memref<128x128xf32, #tpu.memory_space<vmem>>, %arg11: memref<!tpu.dma_semaphore, #tpu.memory_space<semaphore_mem>>, %arg12: memref<!tpu.dma_semaphore, #tpu.memory_space<semaphore_mem>>, %arg13: memref<!tpu.dma_semaphore, #tpu.memory_space<semaphore_mem>>, %arg14: memref<!tpu.dma_semaphore, #tpu.memory_space<semaphore_mem>>, %arg15: memref<!tpu.dma_semaphore, #tpu.memory_space<semaphore_mem>>, %arg16: memref<!tpu.dma_semaphore, #tpu.memory_space<semaphore_mem>>, %arg17: memref<!tpu.dma_semaphore, #tpu.memory_space<semaphore_mem>>, %arg18: memref<!tpu.dma_semaphore, #tpu.memory_space<semaphore_mem>>, %arg19: memref<!tpu.dma_semaphore, #tpu.memory_space<semaphore_mem>>, %arg20: memref<!tpu.dma_semaphore, #tpu.memory_space<semaphore_mem>>) attributes {dimension_semantics = [#tpu.dimension_semantics<core_parallel>, #tpu.dimension_semantics<subcore_parallel>], iteration_bounds = array<i64: 2, 16>, scalar_prefetch = 0 : i64, scratch_operands = 16 : i64, tpu.core_type = #tpu.core_type<sc_vector_subcore>, window_params = [{transform_indices = #map}, {transform_indices = #map1}, {transform_indices = #map1}]} {
    %mul3A = arith.constant 2 : i32
    %mul3A_0 = arith.muli %arg1, %mul3A : i32
    %add3A = arith.addi %mul3A_0, %arg0 : i32
    "tpu.region"() ({
      %run_scoped3A = tpu.sem_alloc : memref<!tpu.dma_semaphore, #tpu.memory_space<semaphore_mem>>
      %dma_start3A_326 = arith.constant 0 : i32
      %dma_start3A_327 = arith.constant 0 : i32
      %dma_start3A_328 = tpu.memref_slice %arg2[%add3A, %dma_start3A_326, %dma_start3A_327] : memref<32x200x128xi32, #tpu.memory_space<hbm>> -> memref<1x200x128xi32, #tpu.memory_space<hbm>>
      %dma_start3A_329 = tpu.memref_squeeze %dma_start3A_328 : memref<1x200x128xi32, #tpu.memory_space<hbm>> -> memref<200x128xi32, #tpu.memory_space<hbm>>
      %dma_start3A_330 = arith.constant 0 : i32
      %dma_start3A_331 = arith.constant 0 : i32
      %dma_start3A_332 = tpu.memref_slice %arg2[%add3A, %dma_start3A_330, %dma_start3A_331] : memref<32x200x128xi32, #tpu.memory_space<hbm>> -> memref<1x200x128xi32, #tpu.memory_space<hbm>>
      %dma_start3A_333 = tpu.memref_squeeze %dma_start3A_332 : memref<1x200x128xi32, #tpu.memory_space<hbm>> -> memref<200x128xi32, #tpu.memory_space<hbm>>
      tpu.enqueue_dma source(%dma_start3A_333 : memref<200x128xi32, #tpu.memory_space<hbm>>) target(%arg5 : memref<200x128xi32, #tpu.memory_space<vmem>>) target_semaphore(%run_scoped3A : memref<!tpu.dma_semaphore, #tpu.memory_space<semaphore_mem>>)
      %dma_wait3A_334 = arith.constant 0 : i32
      %dma_wait3A_335 = arith.constant 0 : i32
      %dma_wait3A_336 = tpu.memref_slice %arg2[%add3A, %dma_wait3A_334, %dma_wait3A_335] : memref<32x200x128xi32, #tpu.memory_space<hbm>> -> memref<1x200x128xi32, #tpu.memory_space<hbm>>
      %dma_wait3A_337 = tpu.memref_squeeze %dma_wait3A_336 : memref<1x200x128xi32, #tpu.memory_space<hbm>> -> memref<200x128xi32, #tpu.memory_space<hbm>>
      %dma_wait3A_338 = arith.constant 0 : i32
      %dma_wait3A_339 = arith.constant 0 : i32
      %dma_wait3A_340 = tpu.memref_slice %arg2[%add3A, %dma_wait3A_338, %dma_wait3A_339] : memref<32x200x128xi32, #tpu.memory_space<hbm>> -> memref<1x200x128xi32, #tpu.memory_space<hbm>>
      %dma_wait3A_341 = tpu.memref_squeeze %dma_wait3A_340 : memref<1x200x128xi32, #tpu.memory_space<hbm>> -> memref<200x128xi32, #tpu.memory_space<hbm>>
      tpu.wait_dma2 semaphore(%run_scoped3A : memref<!tpu.dma_semaphore, #tpu.memory_space<semaphore_mem>>) src(%dma_wait3A_341 : memref<200x128xi32, #tpu.memory_space<hbm>>) dst(%arg5 : memref<200x128xi32, #tpu.memory_space<vmem>>)
      tpu.yield
    }) : () -> ()
    %mul3A_1 = arith.constant 25600 : i32
    %mul3A_2 = arith.muli %add3A, %mul3A_1 : i32
    %dma_start3A = arith.constant 0 : i32
    %dma_start3A_3 = arith.constant 0 : i32
    %dma_start3A_4 = tpu.memref_slice %arg5[%dma_start3A, %dma_start3A_3] : memref<200x128xi32, #tpu.memory_space<vmem>> -> memref<1x128xi32, #tpu.memory_space<vmem>>
    %dma_start3A_5 = tpu.memref_squeeze %dma_start3A_4 : memref<1x128xi32, #tpu.memory_space<vmem>> -> memref<128xi32, #tpu.memory_space<vmem>>
    %dma_start3A_6 = arith.constant 0 : i32
    %dma_start3A_7 = arith.constant 0 : i32
    %dma_start3A_8 = tpu.memref_slice %arg3[%dma_start3A_6, %dma_start3A_7] : memref<100000x128xf32, #tpu.memory_space<hbm>> -> memref<100000x128xf32, #tpu.memory_space<hbm>>
    tpu.enqueue_indirect_dma source(%dma_start3A_8 : memref<100000x128xf32, #tpu.memory_space<hbm>>) target(%arg6 : memref<128x128xf32, #tpu.memory_space<vmem>>) offsets(%dma_start3A_5 : memref<128xi32, #tpu.memory_space<vmem>>) semaphore(%arg11 : memref<!tpu.dma_semaphore, #tpu.memory_space<semaphore_mem>>)
    %dma_start3A_9 = arith.constant 1 : i32
    %dma_start3A_10 = arith.constant 0 : i32
    %dma_start3A_11 = tpu.memref_slice %arg5[%dma_start3A_9, %dma_start3A_10] : memref<200x128xi32, #tpu.memory_space<vmem>> -> memref<1x128xi32, #tpu.memory_space<vmem>>
    %dma_start3A_12 = tpu.memref_squeeze %dma_start3A_11 : memref<1x128xi32, #tpu.memory_space<vmem>> -> memref<128xi32, #tpu.memory_space<vmem>>
    %dma_start3A_13 = arith.constant 0 : i32
    %dma_start3A_14 = arith.constant 0 : i32
    %dma_start3A_15 = tpu.memref_slice %arg3[%dma_start3A_13, %dma_start3A_14] : memref<100000x128xf32, #tpu.memory_space<hbm>> -> memref<100000x128xf32, #tpu.memory_space<hbm>>
    tpu.enqueue_indirect_dma source(%dma_start3A_15 : memref<100000x128xf32, #tpu.memory_space<hbm>>) target(%arg7 : memref<128x128xf32, #tpu.memory_space<vmem>>) offsets(%dma_start3A_12 : memref<128xi32, #tpu.memory_space<vmem>>) semaphore(%arg12 : memref<!tpu.dma_semaphore, #tpu.memory_space<semaphore_mem>>)
    %dma_start3A_16 = arith.constant 2 : i32
    %dma_start3A_17 = arith.constant 0 : i32
    %dma_start3A_18 = tpu.memref_slice %arg5[%dma_start3A_16, %dma_start3A_17] : memref<200x128xi32, #tpu.memory_space<vmem>> -> memref<1x128xi32, #tpu.memory_space<vmem>>
    %dma_start3A_19 = tpu.memref_squeeze %dma_start3A_18 : memref<1x128xi32, #tpu.memory_space<vmem>> -> memref<128xi32, #tpu.memory_space<vmem>>
    %dma_start3A_20 = arith.constant 0 : i32
    %dma_start3A_21 = arith.constant 0 : i32
    %dma_start3A_22 = tpu.memref_slice %arg3[%dma_start3A_20, %dma_start3A_21] : memref<100000x128xf32, #tpu.memory_space<hbm>> -> memref<100000x128xf32, #tpu.memory_space<hbm>>
    tpu.enqueue_indirect_dma source(%dma_start3A_22 : memref<100000x128xf32, #tpu.memory_space<hbm>>) target(%arg8 : memref<128x128xf32, #tpu.memory_space<vmem>>) offsets(%dma_start3A_19 : memref<128xi32, #tpu.memory_space<vmem>>) semaphore(%arg13 : memref<!tpu.dma_semaphore, #tpu.memory_space<semaphore_mem>>)
    %dma_wait3A = arith.constant 0 : i32
    %dma_wait3A_23 = arith.constant 0 : i32
    %dma_wait3A_24 = tpu.memref_slice %arg5[%dma_wait3A, %dma_wait3A_23] : memref<200x128xi32, #tpu.memory_space<vmem>> -> memref<1x128xi32, #tpu.memory_space<vmem>>
    %dma_wait3A_25 = tpu.memref_squeeze %dma_wait3A_24 : memref<1x128xi32, #tpu.memory_space<vmem>> -> memref<128xi32, #tpu.memory_space<vmem>>
    %dma_wait3A_26 = arith.constant 0 : i32
    %dma_wait3A_27 = arith.constant 0 : i32
    %dma_wait3A_28 = tpu.memref_slice %arg3[%dma_wait3A_26, %dma_wait3A_27] : memref<100000x128xf32, #tpu.memory_space<hbm>> -> memref<100000x128xf32, #tpu.memory_space<hbm>>
    tpu.wait_indirect_dma semaphore(%arg11 : memref<!tpu.dma_semaphore, #tpu.memory_space<semaphore_mem>>) src(%dma_wait3A_28 : memref<100000x128xf32, #tpu.memory_space<hbm>>) dst(%arg6 : memref<128x128xf32, #tpu.memory_space<vmem>>)
    %scan3A = arith.constant 0 : i32
    %scan3A_29 = arith.constant 0 : i32
    %scan3A_30 = arith.constant 64 : i32
    %scan3A_31 = arith.addi %scan3A_29, %scan3A_30 : i32
    %scan3A_32 = arith.constant 1 : i32
    scf.for %scan3A_326 = %scan3A_29 to %scan3A_31 step %scan3A_32  : i32 {
      %mul3A_327 = arith.constant 2 : i32
      %mul3A_328 = arith.muli %scan3A_326, %mul3A_327 : i32
      %add3A_329 = arith.constant 0 : i32
      %add3A_330 = arith.addi %mul3A_328, %add3A_329 : i32
      %get3A = arith.index_cast %add3A_330 : i32 to index
      %get3A_331 = arith.constant 0 : index
      %get3A_332 = tpu.vector_load %arg6[%get3A, %get3A_331] {strides = array<i32>} : memref<128x128xf32, #tpu.memory_space<vmem>>, vector<1x16xf32>,
      %get3A_333 = vector.shape_cast %get3A_332 : vector<1x16xf32> to vector<16xf32>
      %mul3A_334 = arith.constant 11.3137083 : f32
      %mul3A_335 = vector.broadcast %mul3A_334 : f32 to vector<16xf32>
      %mul3A_336 = arith.mulf %get3A_333, %mul3A_335 : vector<16xf32>
      %swap3A = arith.index_cast %add3A_330 : i32 to index
      %swap3A_337 = arith.constant 0 : index
      %swap3A_338 = tpu.vector_load %arg6[%swap3A, %swap3A_337] {strides = array<i32>} : memref<128x128xf32, #tpu.memory_space<vmem>>, vector<1x16xf32>,
      %swap3A_339 = vector.shape_cast %swap3A_338 : vector<1x16xf32> to vector<16xf32>
      %swap3A_340 = vector.shape_cast %mul3A_336 : vector<16xf32> to vector<1x16xf32>
      tpu.vector_store %arg6[%swap3A, %swap3A_337], %swap3A_340 {strides = array<i32>} : memref<128x128xf32, #tpu.memory_space<vmem>>, vector<1x16xf32>,
      %mul3A_341 = arith.constant 2 : i32
      %mul3A_342 = arith.muli %scan3A_326, %mul3A_341 : i32
      %add3A_343 = arith.constant 0 : i32
      %add3A_344 = arith.addi %mul3A_342, %add3A_343 : i32
      %get3A_345 = arith.index_cast %add3A_344 : i32 to index
      %get3A_346 = arith.constant 16 : index
      %get3A_347 = tpu.vector_load %arg6[%get3A_345, %get3A_346] {strides = array<i32>} : memref<128x128xf32, #tpu.memory_space<vmem>>, vector<1x16xf32>,
      %get3A_348 = vector.shape_cast %get3A_347 : vector<1x16xf32> to vector<16xf32>
      %mul3A_349 = arith.constant 11.3137083 : f32
      %mul3A_350 = vector.broadcast %mul3A_349 : f32 to vector<16xf32>
      %mul3A_351 = arith.mulf %get3A_348, %mul3A_350 : vector<16xf32>
      %swap3A_352 = arith.index_cast %add3A_344 : i32 to index
      %swap3A_353 = arith.constant 16 : index
      %swap3A_354 = tpu.vector_load %arg6[%swap3A_352, %swap3A_353] {strides = array<i32>} : memref<128x128xf32, #tpu.memory_space<vmem>>, vector<1x16xf32>,
      %swap3A_355 = vector.shape_cast %swap3A_354 : vector<1x16xf32> to vector<16xf32>
      %swap3A_356 = vector.shape_cast %mul3A_351 : vector<16xf32> to vector<1x16xf32>
      tpu.vector_store %arg6[%swap3A_352, %swap3A_353], %swap3A_356 {strides = array<i32>} : memref<128x128xf32, #tpu.memory_space<vmem>>, vector<1x16xf32>,
      %mul3A_357 = arith.constant 2 : i32
      %mul3A_358 = arith.muli %scan3A_326, %mul3A_357 : i32
      %add3A_359 = arith.constant 0 : i32
      %add3A_360 = arith.addi %mul3A_358, %add3A_359 : i32
      %get3A_361 = arith.index_cast %add3A_360 : i32 to index
      %get3A_362 = arith.constant 32 : index
      %get3A_363 = tpu.vector_load %arg6[%get3A_361, %get3A_362] {strides = array<i32>} : memref<128x128xf32, #tpu.memory_space<vmem>>, vector<1x16xf32>,
      %get3A_364 = vector.shape_cast %get3A_363 : vector<1x16xf32> to vector<16xf32>
      %mul3A_365 = arith.constant 11.3137083 : f32
      %mul3A_366 = vector.broadcast %mul3A_365 : f32 to vector<16xf32>
      %mul3A_367 = arith.mulf %get3A_364, %mul3A_366 : vector<16xf32>
      %swap3A_368 = arith.index_cast %add3A_360 : i32 to index
      %swap3A_369 = arith.constant 32 : index
      %swap3A_370 = tpu.vector_load %arg6[%swap3A_368, %swap3A_369] {strides = array<i32>} : memref<128x128xf32, #tpu.memory_space<vmem>>, vector<1x16xf32>,
      %swap3A_371 = vector.shape_cast %swap3A_370 : vector<1x16xf32> to vector<16xf32>
      %swap3A_372 = vector.shape_cast %mul3A_367 : vector<16xf32> to vector<1x16xf32>
      tpu.vector_store %arg6[%swap3A_368, %swap3A_369], %swap3A_372 {strides = array<i32>} : memref<128x128xf32, #tpu.memory_space<vmem>>, vector<1x16xf32>,
      %mul3A_373 = arith.constant 2 : i32
      %mul3A_374 = arith.muli %scan3A_326, %mul3A_373 : i32
      %add3A_375 = arith.constant 0 : i32
      %add3A_376 = arith.addi %mul3A_374, %add3A_375 : i32
      %get3A_377 = arith.index_cast %add3A_376 : i32 to index
      %get3A_378 = arith.constant 48 : index
      %get3A_379 = tpu.vector_load %arg6[%get3A_377, %get3A_378] {strides = array<i32>} : memref<128x128xf32, #tpu.memory_space<vmem>>, vector<1x16xf32>,
      %get3A_380 = vector.shape_cast %get3A_379 : vector<1x16xf32> to vector<16xf32>
      %mul3A_381 = arith.constant 11.3137083 : f32
      %mul3A_382 = vector.broadcast %mul3A_381 : f32 to vector<16xf32>
      %mul3A_383 = arith.mulf %get3A_380, %mul3A_382 : vector<16xf32>
      %swap3A_384 = arith.index_cast %add3A_376 : i32 to index
      %swap3A_385 = arith.constant 48 : index
      %swap3A_386 = tpu.vector_load %arg6[%swap3A_384, %swap3A_385] {strides = array<i32>} : memref<128x128xf32, #tpu.memory_space<vmem>>, vector<1x16xf32>,
      %swap3A_387 = vector.shape_cast %swap3A_386 : vector<1x16xf32> to vector<16xf32>
      %swap3A_388 = vector.shape_cast %mul3A_383 : vector<16xf32> to vector<1x16xf32>
      tpu.vector_store %arg6[%swap3A_384, %swap3A_385], %swap3A_388 {strides = array<i32>} : memref<128x128xf32, #tpu.memory_space<vmem>>, vector<1x16xf32>,
      %mul3A_389 = arith.constant 2 : i32
      %mul3A_390 = arith.muli %scan3A_326, %mul3A_389 : i32
      %add3A_391 = arith.constant 0 : i32
      %add3A_392 = arith.addi %mul3A_390, %add3A_391 : i32
      %get3A_393 = arith.index_cast %add3A_392 : i32 to index
      %get3A_394 = arith.constant 64 : index
      %get3A_395 = tpu.vector_load %arg6[%get3A_393, %get3A_394] {strides = array<i32>} : memref<128x128xf32, #tpu.memory_space<vmem>>, vector<1x16xf32>,
      %get3A_396 = vector.shape_cast %get3A_395 : vector<1x16xf32> to vector<16xf32>
      %mul3A_397 = arith.constant 11.3137083 : f32
      %mul3A_398 = vector.broadcast %mul3A_397 : f32 to vector<16xf32>
      %mul3A_399 = arith.mulf %get3A_396, %mul3A_398 : vector<16xf32>
      %swap3A_400 = arith.index_cast %add3A_392 : i32 to index
      %swap3A_401 = arith.constant 64 : index
      %swap3A_402 = tpu.vector_load %arg6[%swap3A_400, %swap3A_401] {strides = array<i32>} : memref<128x128xf32, #tpu.memory_space<vmem>>, vector<1x16xf32>,
      %swap3A_403 = vector.shape_cast %swap3A_402 : vector<1x16xf32> to vector<16xf32>
      %swap3A_404 = vector.shape_cast %mul3A_399 : vector<16xf32> to vector<1x16xf32>
      tpu.vector_store %arg6[%swap3A_400, %swap3A_401], %swap3A_404 {strides = array<i32>} : memref<128x128xf32, #tpu.memory_space<vmem>>, vector<1x16xf32>,
      %mul3A_405 = arith.constant 2 : i32
      %mul3A_406 = arith.muli %scan3A_326, %mul3A_405 : i32
      %add3A_407 = arith.constant 0 : i32
      %add3A_408 = arith.addi %mul3A_406, %add3A_407 : i32
      %get3A_409 = arith.index_cast %add3A_408 : i32 to index
      %get3A_410 = arith.constant 80 : index
      %get3A_411 = tpu.vector_load %arg6[%get3A_409, %get3A_410] {strides = array<i32>} : memref<128x128xf32, #tpu.memory_space<vmem>>, vector<1x16xf32>,
      %get3A_412 = vector.shape_cast %get3A_411 : vector<1x16xf32> to vector<16xf32>
      %mul3A_413 = arith.constant 11.3137083 : f32
      %mul3A_414 = vector.broadcast %mul3A_413 : f32 to vector<16xf32>
      %mul3A_415 = arith.mulf %get3A_412, %mul3A_414 : vector<16xf32>
      %swap3A_416 = arith.index_cast %add3A_408 : i32 to index
      %swap3A_417 = arith.constant 80 : index
      %swap3A_418 = tpu.vector_load %arg6[%swap3A_416, %swap3A_417] {strides = array<i32>} : memref<128x128xf32, #tpu.memory_space<vmem>>, vector<1x16xf32>,
      %swap3A_419 = vector.shape_cast %swap3A_418 : vector<1x16xf32> to vector<16xf32>
      %swap3A_420 = vector.shape_cast %mul3A_415 : vector<16xf32> to vector<1x16xf32>
      tpu.vector_store %arg6[%swap3A_416, %swap3A_417], %swap3A_420 {strides = array<i32>} : memref<128x128xf32, #tpu.memory_space<vmem>>, vector<1x16xf32>,
      %mul3A_421 = arith.constant 2 : i32
      %mul3A_422 = arith.muli %scan3A_326, %mul3A_421 : i32
      %add3A_423 = arith.constant 0 : i32
      %add3A_424 = arith.addi %mul3A_422, %add3A_423 : i32
      %get3A_425 = arith.index_cast %add3A_424 : i32 to index
      %get3A_426 = arith.constant 96 : index
      %get3A_427 = tpu.vector_load %arg6[%get3A_425, %get3A_426] {strides = array<i32>} : memref<128x128xf32, #tpu.memory_space<vmem>>, vector<1x16xf32>,
      %get3A_428 = vector.shape_cast %get3A_427 : vector<1x16xf32> to vector<16xf32>
      %mul3A_429 = arith.constant 11.3137083 : f32
      %mul3A_430 = vector.broadcast %mul3A_429 : f32 to vector<16xf32>
      %mul3A_431 = arith.mulf %get3A_428, %mul3A_430 : vector<16xf32>
      %swap3A_432 = arith.index_cast %add3A_424 : i32 to index
      %swap3A_433 = arith.constant 96 : index
      %swap3A_434 = tpu.vector_load %arg6[%swap3A_432, %swap3A_433] {strides = array<i32>} : memref<128x128xf32, #tpu.memory_space<vmem>>, vector<1x16xf32>,
      %swap3A_435 = vector.shape_cast %swap3A_434 : vector<1x16xf32> to vector<16xf32>
      %swap3A_436 = vector.shape_cast %mul3A_431 : vector<16xf32> to vector<1x16xf32>
      tpu.vector_store %arg6[%swap3A_432, %swap3A_433], %swap3A_436 {strides = array<i32>} : memref<128x128xf32, #tpu.memory_space<vmem>>, vector<1x16xf32>,
      %mul3A_437 = arith.constant 2 : i32
      %mul3A_438 = arith.muli %scan3A_326, %mul3A_437 : i32
      %add3A_439 = arith.constant 0 : i32
      %add3A_440 = arith.addi %mul3A_438, %add3A_439 : i32
      %get3A_441 = arith.index_cast %add3A_440 : i32 to index
      %get3A_442 = arith.constant 112 : index
      %get3A_443 = tpu.vector_load %arg6[%get3A_441, %get3A_442] {strides = array<i32>} : memref<128x128xf32, #tpu.memory_space<vmem>>, vector<1x16xf32>,
      %get3A_444 = vector.shape_cast %get3A_443 : vector<1x16xf32> to vector<16xf32>
      %mul3A_445 = arith.constant 11.3137083 : f32
      %mul3A_446 = vector.broadcast %mul3A_445 : f32 to vector<16xf32>
      %mul3A_447 = arith.mulf %get3A_444, %mul3A_446 : vector<16xf32>
      %swap3A_448 = arith.index_cast %add3A_440 : i32 to index
      %swap3A_449 = arith.constant 112 : index
      %swap3A_450 = tpu.vector_load %arg6[%swap3A_448, %swap3A_449] {strides = array<i32>} : memref<128x128xf32, #tpu.memory_space<vmem>>, vector<1x16xf32>,
      %swap3A_451 = vector.shape_cast %swap3A_450 : vector<1x16xf32> to vector<16xf32>
      %swap3A_452 = vector.shape_cast %mul3A_447 : vector<16xf32> to vector<1x16xf32>
      tpu.vector_store %arg6[%swap3A_448, %swap3A_449], %swap3A_452 {strides = array<i32>} : memref<128x128xf32, #tpu.memory_space<vmem>>, vector<1x16xf32>,
      %mul3A_453 = arith.constant 2 : i32
      %mul3A_454 = arith.muli %scan3A_326, %mul3A_453 : i32
      %add3A_455 = arith.constant 1 : i32
      %add3A_456 = arith.addi %mul3A_454, %add3A_455 : i32
      %get3A_457 = arith.index_cast %add3A_456 : i32 to index
      %get3A_458 = arith.constant 0 : index
      %get3A_459 = tpu.vector_load %arg6[%get3A_457, %get3A_458] {strides = array<i32>} : memref<128x128xf32, #tpu.memory_space<vmem>>, vector<1x16xf32>,
      %get3A_460 = vector.shape_cast %get3A_459 : vector<1x16xf32> to vector<16xf32>
      %mul3A_461 = arith.constant 11.3137083 : f32
      %mul3A_462 = vector.broadcast %mul3A_461 : f32 to vector<16xf32>
      %mul3A_463 = arith.mulf %get3A_460, %mul3A_462 : vector<16xf32>
      %swap3A_464 = arith.index_cast %add3A_456 : i32 to index
      %swap3A_465 = arith.constant 0 : index
      %swap3A_466 = tpu.vector_load %arg6[%swap3A_464, %swap3A_465] {strides = array<i32>} : memref<128x128xf32, #tpu.memory_space<vmem>>, vector<1x16xf32>,
      %swap3A_467 = vector.shape_cast %swap3A_466 : vector<1x16xf32> to vector<16xf32>
      %swap3A_468 = vector.shape_cast %mul3A_463 : vector<16xf32> to vector<1x16xf32>
      tpu.vector_store %arg6[%swap3A_464, %swap3A_465], %swap3A_468 {strides = array<i32>} : memref<128x128xf32, #tpu.memory_space<vmem>>, vector<1x16xf32>,
      %mul3A_469 = arith.constant 2 : i32
      %mul3A_470 = arith.muli %scan3A_326, %mul3A_469 : i32
      %add3A_471 = arith.constant 1 : i32
      %add3A_472 = arith.addi %mul3A_470, %add3A_471 : i32
      %get3A_473 = arith.index_cast %add3A_472 : i32 to index
      %get3A_474 = arith.constant 16 : index
      %get3A_475 = tpu.vector_load %arg6[%get3A_473, %get3A_474] {strides = array<i32>} : memref<128x128xf32, #tpu.memory_space<vmem>>, vector<1x16xf32>,
      %get3A_476 = vector.shape_cast %get3A_475 : vector<1x16xf32> to vector<16xf32>
      %mul3A_477 = arith.constant 11.3137083 : f32
      %mul3A_478 = vector.broadcast %mul3A_477 : f32 to vector<16xf32>
      %mul3A_479 = arith.mulf %get3A_476, %mul3A_478 : vector<16xf32>
      %swap3A_480 = arith.index_cast %add3A_472 : i32 to index
      %swap3A_481 = arith.constant 16 : index
      %swap3A_482 = tpu.vector_load %arg6[%swap3A_480, %swap3A_481] {strides = array<i32>} : memref<128x128xf32, #tpu.memory_space<vmem>>, vector<1x16xf32>,
      %swap3A_483 = vector.shape_cast %swap3A_482 : vector<1x16xf32> to vector<16xf32>
      %swap3A_484 = vector.shape_cast %mul3A_479 : vector<16xf32> to vector<1x16xf32>
      tpu.vector_store %arg6[%swap3A_480, %swap3A_481], %swap3A_484 {strides = array<i32>} : memref<128x128xf32, #tpu.memory_space<vmem>>, vector<1x16xf32>,
      %mul3A_485 = arith.constant 2 : i32
      %mul3A_486 = arith.muli %scan3A_326, %mul3A_485 : i32
      %add3A_487 = arith.constant 1 : i32
      %add3A_488 = arith.addi %mul3A_486, %add3A_487 : i32
      %get3A_489 = arith.index_cast %add3A_488 : i32 to index
      %get3A_490 = arith.constant 32 : index
      %get3A_491 = tpu.vector_load %arg6[%get3A_489, %get3A_490] {strides = array<i32>} : memref<128x128xf32, #tpu.memory_space<vmem>>, vector<1x16xf32>,
      %get3A_492 = vector.shape_cast %get3A_491 : vector<1x16xf32> to vector<16xf32>
      %mul3A_493 = arith.constant 11.3137083 : f32
      %mul3A_494 = vector.broadcast %mul3A_493 : f32 to vector<16xf32>
      %mul3A_495 = arith.mulf %get3A_492, %mul3A_494 : vector<16xf32>
      %swap3A_496 = arith.index_cast %add3A_488 : i32 to index
      %swap3A_497 = arith.constant 32 : index
      %swap3A_498 = tpu.vector_load %arg6[%swap3A_496, %swap3A_497] {strides = array<i32>} : memref<128x128xf32, #tpu.memory_space<vmem>>, vector<1x16xf32>,
      %swap3A_499 = vector.shape_cast %swap3A_498 : vector<1x16xf32> to vector<16xf32>
      %swap3A_500 = vector.shape_cast %mul3A_495 : vector<16xf32> to vector<1x16xf32>
      tpu.vector_store %arg6[%swap3A_496, %swap3A_497], %swap3A_500 {strides = array<i32>} : memref<128x128xf32, #tpu.memory_space<vmem>>, vector<1x16xf32>,
      %mul3A_501 = arith.constant 2 : i32
      %mul3A_502 = arith.muli %scan3A_326, %mul3A_501 : i32
      %add3A_503 = arith.constant 1 : i32
      %add3A_504 = arith.addi %mul3A_502, %add3A_503 : i32
      %get3A_505 = arith.index_cast %add3A_504 : i32 to index
      %get3A_506 = arith.constant 48 : index
      %get3A_507 = tpu.vector_load %arg6[%get3A_505, %get3A_506] {strides = array<i32>} : memref<128x128xf32, #tpu.memory_space<vmem>>, vector<1x16xf32>,
      %get3A_508 = vector.shape_cast %get3A_507 : vector<1x16xf32> to vector<16xf32>
      %mul3A_509 = arith.constant 11.3137083 : f32
      %mul3A_510 = vector.broadcast %mul3A_509 : f32 to vector<16xf32>
      %mul3A_511 = arith.mulf %get3A_508, %mul3A_510 : vector<16xf32>
      %swap3A_512 = arith.index_cast %add3A_504 : i32 to index
      %swap3A_513 = arith.constant 48 : index
      %swap3A_514 = tpu.vector_load %arg6[%swap3A_512, %swap3A_513] {strides = array<i32>} : memref<128x128xf32, #tpu.memory_space<vmem>>, vector<1x16xf32>,
      %swap3A_515 = vector.shape_cast %swap3A_514 : vector<1x16xf32> to vector<16xf32>
      %swap3A_516 = vector.shape_cast %mul3A_511 : vector<16xf32> to vector<1x16xf32>
      tpu.vector_store %arg6[%swap3A_512, %swap3A_513], %swap3A_516 {strides = array<i32>} : memref<128x128xf32, #tpu.memory_space<vmem>>, vector<1x16xf32>,
      %mul3A_517 = arith.constant 2 : i32
      %mul3A_518 = arith.muli %scan3A_326, %mul3A_517 : i32
      %add3A_519 = arith.constant 1 : i32
      %add3A_520 = arith.addi %mul3A_518, %add3A_519 : i32
      %get3A_521 = arith.index_cast %add3A_520 : i32 to index
      %get3A_522 = arith.constant 64 : index
      %get3A_523 = tpu.vector_load %arg6[%get3A_521, %get3A_522] {strides = array<i32>} : memref<128x128xf32, #tpu.memory_space<vmem>>, vector<1x16xf32>,
      %get3A_524 = vector.shape_cast %get3A_523 : vector<1x16xf32> to vector<16xf32>
      %mul3A_525 = arith.constant 11.3137083 : f32
      %mul3A_526 = vector.broadcast %mul3A_525 : f32 to vector<16xf32>
      %mul3A_527 = arith.mulf %get3A_524, %mul3A_526 : vector<16xf32>
      %swap3A_528 = arith.index_cast %add3A_520 : i32 to index
      %swap3A_529 = arith.constant 64 : index
      %swap3A_530 = tpu.vector_load %arg6[%swap3A_528, %swap3A_529] {strides = array<i32>} : memref<128x128xf32, #tpu.memory_space<vmem>>, vector<1x16xf32>,
      %swap3A_531 = vector.shape_cast %swap3A_530 : vector<1x16xf32> to vector<16xf32>
      %swap3A_532 = vector.shape_cast %mul3A_527 : vector<16xf32> to vector<1x16xf32>
      tpu.vector_store %arg6[%swap3A_528, %swap3A_529], %swap3A_532 {strides = array<i32>} : memref<128x128xf32, #tpu.memory_space<vmem>>, vector<1x16xf32>,
      %mul3A_533 = arith.constant 2 : i32
      %mul3A_534 = arith.muli %scan3A_326, %mul3A_533 : i32
      %add3A_535 = arith.constant 1 : i32
      %add3A_536 = arith.addi %mul3A_534, %add3A_535 : i32
      %get3A_537 = arith.index_cast %add3A_536 : i32 to index
      %get3A_538 = arith.constant 80 : index
      %get3A_539 = tpu.vector_load %arg6[%get3A_537, %get3A_538] {strides = array<i32>} : memref<128x128xf32, #tpu.memory_space<vmem>>, vector<1x16xf32>,
      %get3A_540 = vector.shape_cast %get3A_539 : vector<1x16xf32> to vector<16xf32>
      %mul3A_541 = arith.constant 11.3137083 : f32
      %mul3A_542 = vector.broadcast %mul3A_541 : f32 to vector<16xf32>
      %mul3A_543 = arith.mulf %get3A_540, %mul3A_542 : vector<16xf32>
      %swap3A_544 = arith.index_cast %add3A_536 : i32 to index
      %swap3A_545 = arith.constant 80 : index
      %swap3A_546 = tpu.vector_load %arg6[%swap3A_544, %swap3A_545] {strides = array<i32>} : memref<128x128xf32, #tpu.memory_space<vmem>>, vector<1x16xf32>,
      %swap3A_547 = vector.shape_cast %swap3A_546 : vector<1x16xf32> to vector<16xf32>
      %swap3A_548 = vector.shape_cast %mul3A_543 : vector<16xf32> to vector<1x16xf32>
      tpu.vector_store %arg6[%swap3A_544, %swap3A_545], %swap3A_548 {strides = array<i32>} : memref<128x128xf32, #tpu.memory_space<vmem>>, vector<1x16xf32>,
      %mul3A_549 = arith.constant 2 : i32
      %mul3A_550 = arith.muli %scan3A_326, %mul3A_549 : i32
      %add3A_551 = arith.constant 1 : i32
      %add3A_552 = arith.addi %mul3A_550, %add3A_551 : i32
      %get3A_553 = arith.index_cast %add3A_552 : i32 to index
      %get3A_554 = arith.constant 96 : index
      %get3A_555 = tpu.vector_load %arg6[%get3A_553, %get3A_554] {strides = array<i32>} : memref<128x128xf32, #tpu.memory_space<vmem>>, vector<1x16xf32>,
      %get3A_556 = vector.shape_cast %get3A_555 : vector<1x16xf32> to vector<16xf32>
      %mul3A_557 = arith.constant 11.3137083 : f32
      %mul3A_558 = vector.broadcast %mul3A_557 : f32 to vector<16xf32>
      %mul3A_559 = arith.mulf %get3A_556, %mul3A_558 : vector<16xf32>
      %swap3A_560 = arith.index_cast %add3A_552 : i32 to index
      %swap3A_561 = arith.constant 96 : index
      %swap3A_562 = tpu.vector_load %arg6[%swap3A_560, %swap3A_561] {strides = array<i32>} : memref<128x128xf32, #tpu.memory_space<vmem>>, vector<1x16xf32>,
      %swap3A_563 = vector.shape_cast %swap3A_562 : vector<1x16xf32> to vector<16xf32>
      %swap3A_564 = vector.shape_cast %mul3A_559 : vector<16xf32> to vector<1x16xf32>
      tpu.vector_store %arg6[%swap3A_560, %swap3A_561], %swap3A_564 {strides = array<i32>} : memref<128x128xf32, #tpu.memory_space<vmem>>, vector<1x16xf32>,
      %mul3A_565 = arith.constant 2 : i32
      %mul3A_566 = arith.muli %scan3A_326, %mul3A_565 : i32
      %add3A_567 = arith.constant 1 : i32
      %add3A_568 = arith.addi %mul3A_566, %add3A_567 : i32
      %get3A_569 = arith.index_cast %add3A_568 : i32 to index
      %get3A_570 = arith.constant 112 : index
      %get3A_571 = tpu.vector_load %arg6[%get3A_569, %get3A_570] {strides = array<i32>} : memref<128x128xf32, #tpu.memory_space<vmem>>, vector<1x16xf32>,
      %get3A_572 = vector.shape_cast %get3A_571 : vector<1x16xf32> to vector<16xf32>
      %mul3A_573 = arith.constant 11.3137083 : f32
      %mul3A_574 = vector.broadcast %mul3A_573 : f32 to vector<16xf32>
      %mul3A_575 = arith.mulf %get3A_572, %mul3A_574 : vector<16xf32>
      %swap3A_576 = arith.index_cast %add3A_568 : i32 to index
      %swap3A_577 = arith.constant 112 : index
      %swap3A_578 = tpu.vector_load %arg6[%swap3A_576, %swap3A_577] {strides = array<i32>} : memref<128x128xf32, #tpu.memory_space<vmem>>, vector<1x16xf32>,
      %swap3A_579 = vector.shape_cast %swap3A_578 : vector<1x16xf32> to vector<16xf32>
      %swap3A_580 = vector.shape_cast %mul3A_575 : vector<16xf32> to vector<1x16xf32>
      tpu.vector_store %arg6[%swap3A_576, %swap3A_577], %swap3A_580 {strides = array<i32>} : memref<128x128xf32, #tpu.memory_space<vmem>>, vector<1x16xf32>,
    }
    %scan3A_33 = arith.constant 64 : i32
    %add3A_34 = arith.constant 0 : i32
    %add3A_35 = arith.addi %mul3A_2, %add3A_34 : i32
    %dma_start3A_36 = arith.constant 0 : i32
    %dma_start3A_37 = tpu.memref_slice %arg4[%add3A_35, %dma_start3A_36] : memref<819200x128xf32, #tpu.memory_space<hbm>> -> memref<128x128xf32, #tpu.memory_space<hbm>>
    %dma_start3A_38 = arith.constant 0 : i32
    %dma_start3A_39 = tpu.memref_slice %arg4[%add3A_35, %dma_start3A_38] : memref<819200x128xf32, #tpu.memory_space<hbm>> -> memref<128x128xf32, #tpu.memory_space<hbm>>
    tpu.enqueue_dma source(%arg6 : memref<128x128xf32, #tpu.memory_space<vmem>>) target(%dma_start3A_39 : memref<128x128xf32, #tpu.memory_space<hbm>>) target_semaphore(%arg16 : memref<!tpu.dma_semaphore, #tpu.memory_space<semaphore_mem>>)
    %dma_start3A_40 = arith.constant 3 : i32
    %dma_start3A_41 = arith.constant 0 : i32
    %dma_start3A_42 = tpu.memref_slice %arg5[%dma_start3A_40, %dma_start3A_41] : memref<200x128xi32, #tpu.memory_space<vmem>> -> memref<1x128xi32, #tpu.memory_space<vmem>>
    %dma_start3A_43 = tpu.memref_squeeze %dma_start3A_42 : memref<1x128xi32, #tpu.memory_space<vmem>> -> memref<128xi32, #tpu.memory_space<vmem>>
    %dma_start3A_44 = arith.constant 0 : i32
    %dma_start3A_45 = arith.constant 0 : i32
    %dma_start3A_46 = tpu.memref_slice %arg3[%dma_start3A_44, %dma_start3A_45] : memref<100000x128xf32, #tpu.memory_space<hbm>> -> memref<100000x128xf32, #tpu.memory_space<hbm>>
    tpu.enqueue_indirect_dma source(%dma_start3A_46 : memref<100000x128xf32, #tpu.memory_space<hbm>>) target(%arg9 : memref<128x128xf32, #tpu.memory_space<vmem>>) offsets(%dma_start3A_43 : memref<128xi32, #tpu.memory_space<vmem>>) semaphore(%arg14 : memref<!tpu.dma_semaphore, #tpu.memory_space<semaphore_mem>>)
    %dma_wait3A_47 = arith.constant 1 : i32
    %dma_wait3A_48 = arith.constant 0 : i32
    %dma_wait3A_49 = tpu.memref_slice %arg5[%dma_wait3A_47, %dma_wait3A_48] : memref<200x128xi32, #tpu.memory_space<vmem>> -> memref<1x128xi32, #tpu.memory_space<vmem>>
    %dma_wait3A_50 = tpu.memref_squeeze %dma_wait3A_49 : memref<1x128xi32, #tpu.memory_space<vmem>> -> memref<128xi32, #tpu.memory_space<vmem>>
    %dma_wait3A_51 = arith.constant 0 : i32
    %dma_wait3A_52 = arith.constant 0 : i32
    %dma_wait3A_53 = tpu.memref_slice %arg3[%dma_wait3A_51, %dma_wait3A_52] : memref<100000x128xf32, #tpu.memory_space<hbm>> -> memref<100000x128xf32, #tpu.memory_space<hbm>>
    tpu.wait_indirect_dma semaphore(%arg12 : memref<!tpu.dma_semaphore, #tpu.memory_space<semaphore_mem>>) src(%dma_wait3A_53 : memref<100000x128xf32, #tpu.memory_space<hbm>>) dst(%arg7 : memref<128x128xf32, #tpu.memory_space<vmem>>)
    %scan3A_54 = arith.constant 0 : i32
    %scan3A_55 = arith.constant 0 : i32
    %scan3A_56 = arith.constant 64 : i32
    %scan3A_57 = arith.addi %scan3A_55, %scan3A_56 : i32
    %scan3A_58 = arith.constant 1 : i32
    scf.for %scan3A_326 = %scan3A_55 to %scan3A_57 step %scan3A_58  : i32 {
      %mul3A_327 = arith.constant 2 : i32
      %mul3A_328 = arith.muli %scan3A_326, %mul3A_327 : i32
      %add3A_329 = arith.constant 0 : i32
      %add3A_330 = arith.addi %mul3A_328, %add3A_329 : i32
      %get3A = arith.index_cast %add3A_330 : i32 to index
      %get3A_331 = arith.constant 0 : index
      %get3A_332 = tpu.vector_load %arg7[%get3A, %get3A_331] {strides = array<i32>} : memref<128x128xf32, #tpu.memory_space<vmem>>, vector<1x16xf32>,
      %get3A_333 = vector.shape_cast %get3A_332 : vector<1x16xf32> to vector<16xf32>
      %mul3A_334 = arith.constant 11.3137083 : f32
      %mul3A_335 = vector.broadcast %mul3A_334 : f32 to vector<16xf32>
      %mul3A_336 = arith.mulf %get3A_333, %mul3A_335 : vector<16xf32>
      %swap3A = arith.index_cast %add3A_330 : i32 to index
      %swap3A_337 = arith.constant 0 : index
      %swap3A_338 = tpu.vector_load %arg7[%swap3A, %swap3A_337] {strides = array<i32>} : memref<128x128xf32, #tpu.memory_space<vmem>>, vector<1x16xf32>,
      %swap3A_339 = vector.shape_cast %swap3A_338 : vector<1x16xf32> to vector<16xf32>
      %swap3A_340 = vector.shape_cast %mul3A_336 : vector<16xf32> to vector<1x16xf32>
      tpu.vector_store %arg7[%swap3A, %swap3A_337], %swap3A_340 {strides = array<i32>} : memref<128x128xf32, #tpu.memory_space<vmem>>, vector<1x16xf32>,
      %mul3A_341 = arith.constant 2 : i32
      %mul3A_342 = arith.muli %scan3A_326, %mul3A_341 : i32
      %add3A_343 = arith.constant 0 : i32
      %add3A_344 = arith.addi %mul3A_342, %add3A_343 : i32
      %get3A_345 = arith.index_cast %add3A_344 : i32 to index
      %get3A_346 = arith.constant 16 : index
      %get3A_347 = tpu.vector_load %arg7[%get3A_345, %get3A_346] {strides = array<i32>} : memref<128x128xf32, #tpu.memory_space<vmem>>, vector<1x16xf32>,
      %get3A_348 = vector.shape_cast %get3A_347 : vector<1x16xf32> to vector<16xf32>
      %mul3A_349 = arith.constant 11.3137083 : f32
      %mul3A_350 = vector.broadcast %mul3A_349 : f32 to vector<16xf32>
      %mul3A_351 = arith.mulf %get3A_348, %mul3A_350 : vector<16xf32>
      %swap3A_352 = arith.index_cast %add3A_344 : i32 to index
      %swap3A_353 = arith.constant 16 : index
      %swap3A_354 = tpu.vector_load %arg7[%swap3A_352, %swap3A_353] {strides = array<i32>} : memref<128x128xf32, #tpu.memory_space<vmem>>, vector<1x16xf32>,
      %swap3A_355 = vector.shape_cast %swap3A_354 : vector<1x16xf32> to vector<16xf32>
      %swap3A_356 = vector.shape_cast %mul3A_351 : vector<16xf32> to vector<1x16xf32>
      tpu.vector_store %arg7[%swap3A_352, %swap3A_353], %swap3A_356 {strides = array<i32>} : memref<128x128xf32, #tpu.memory_space<vmem>>, vector<1x16xf32>,
      %mul3A_357 = arith.constant 2 : i32
      %mul3A_358 = arith.muli %scan3A_326, %mul3A_357 : i32
      %add3A_359 = arith.constant 0 : i32
      %add3A_360 = arith.addi %mul3A_358, %add3A_359 : i32
      %get3A_361 = arith.index_cast %add3A_360 : i32 to index
      %get3A_362 = arith.constant 32 : index
      %get3A_363 = tpu.vector_load %arg7[%get3A_361, %get3A_362] {strides = array<i32>} : memref<128x128xf32, #tpu.memory_space<vmem>>, vector<1x16xf32>,
      %get3A_364 = vector.shape_cast %get3A_363 : vector<1x16xf32> to vector<16xf32>
      %mul3A_365 = arith.constant 11.3137083 : f32
      %mul3A_366 = vector.broadcast %mul3A_365 : f32 to vector<16xf32>
      %mul3A_367 = arith.mulf %get3A_364, %mul3A_366 : vector<16xf32>
      %swap3A_368 = arith.index_cast %add3A_360 : i32 to index
      %swap3A_369 = arith.constant 32 : index
      %swap3A_370 = tpu.vector_load %arg7[%swap3A_368, %swap3A_369] {strides = array<i32>} : memref<128x128xf32, #tpu.memory_space<vmem>>, vector<1x16xf32>,
      %swap3A_371 = vector.shape_cast %swap3A_370 : vector<1x16xf32> to vector<16xf32>
      %swap3A_372 = vector.shape_cast %mul3A_367 : vector<16xf32> to vector<1x16xf32>
      tpu.vector_store %arg7[%swap3A_368, %swap3A_369], %swap3A_372 {strides = array<i32>} : memref<128x128xf32, #tpu.memory_space<vmem>>, vector<1x16xf32>,
      %mul3A_373 = arith.constant 2 : i32
      %mul3A_374 = arith.muli %scan3A_326, %mul3A_373 : i32
      %add3A_375 = arith.constant 0 : i32
      %add3A_376 = arith.addi %mul3A_374, %add3A_375 : i32
      %get3A_377 = arith.index_cast %add3A_376 : i32 to index
      %get3A_378 = arith.constant 48 : index
      %get3A_379 = tpu.vector_load %arg7[%get3A_377, %get3A_378] {strides = array<i32>} : memref<128x128xf32, #tpu.memory_space<vmem>>, vector<1x16xf32>,
      %get3A_380 = vector.shape_cast %get3A_379 : vector<1x16xf32> to vector<16xf32>
      %mul3A_381 = arith.constant 11.3137083 : f32
      %mul3A_382 = vector.broadcast %mul3A_381 : f32 to vector<16xf32>
      %mul3A_383 = arith.mulf %get3A_380, %mul3A_382 : vector<16xf32>
      %swap3A_384 = arith.index_cast %add3A_376 : i32 to index
      %swap3A_385 = arith.constant 48 : index
      %swap3A_386 = tpu.vector_load %arg7[%swap3A_384, %swap3A_385] {strides = array<i32>} : memref<128x128xf32, #tpu.memory_space<vmem>>, vector<1x16xf32>,
      %swap3A_387 = vector.shape_cast %swap3A_386 : vector<1x16xf32> to vector<16xf32>
      %swap3A_388 = vector.shape_cast %mul3A_383 : vector<16xf32> to vector<1x16xf32>
      tpu.vector_store %arg7[%swap3A_384, %swap3A_385], %swap3A_388 {strides = array<i32>} : memref<128x128xf32, #tpu.memory_space<vmem>>, vector<1x16xf32>,
      %mul3A_389 = arith.constant 2 : i32
      %mul3A_390 = arith.muli %scan3A_326, %mul3A_389 : i32
      %add3A_391 = arith.constant 0 : i32
      %add3A_392 = arith.addi %mul3A_390, %add3A_391 : i32
      %get3A_393 = arith.index_cast %add3A_392 : i32 to index
      %get3A_394 = arith.constant 64 : index
      %get3A_395 = tpu.vector_load %arg7[%get3A_393, %get3A_394] {strides = array<i32>} : memref<128x128xf32, #tpu.memory_space<vmem>>, vector<1x16xf32>,
      %get3A_396 = vector.shape_cast %get3A_395 : vector<1x16xf32> to vector<16xf32>
      %mul3A_397 = arith.constant 11.3137083 : f32
      %mul3A_398 = vector.broadcast %mul3A_397 : f32 to vector<16xf32>
      %mul3A_399 = arith.mulf %get3A_396, %mul3A_398 : vector<16xf32>
      %swap3A_400 = arith.index_cast %add3A_392 : i32 to index
      %swap3A_401 = arith.constant 64 : index
      %swap3A_402 = tpu.vector_load %arg7[%swap3A_400, %swap3A_401] {strides = array<i32>} : memref<128x128xf32, #tpu.memory_space<vmem>>, vector<1x16xf32>,
      %swap3A_403 = vector.shape_cast %swap3A_402 : vector<1x16xf32> to vector<16xf32>
      %swap3A_404 = vector.shape_cast %mul3A_399 : vector<16xf32> to vector<1x16xf32>
      tpu.vector_store %arg7[%swap3A_400, %swap3A_401], %swap3A_404 {strides = array<i32>} : memref<128x128xf32, #tpu.memory_space<vmem>>, vector<1x16xf32>,
      %mul3A_405 = arith.constant 2 : i32
      %mul3A_406 = arith.muli %scan3A_326, %mul3A_405 : i32
      %add3A_407 = arith.constant 0 : i32
      %add3A_408 = arith.addi %mul3A_406, %add3A_407 : i32
      %get3A_409 = arith.index_cast %add3A_408 : i32 to index
      %get3A_410 = arith.constant 80 : index
      %get3A_411 = tpu.vector_load %arg7[%get3A_409, %get3A_410] {strides = array<i32>} : memref<128x128xf32, #tpu.memory_space<vmem>>, vector<1x16xf32>,
      %get3A_412 = vector.shape_cast %get3A_411 : vector<1x16xf32> to vector<16xf32>
      %mul3A_413 = arith.constant 11.3137083 : f32
      %mul3A_414 = vector.broadcast %mul3A_413 : f32 to vector<16xf32>
      %mul3A_415 = arith.mulf %get3A_412, %mul3A_414 : vector<16xf32>
      %swap3A_416 = arith.index_cast %add3A_408 : i32 to index
      %swap3A_417 = arith.constant 80 : index
      %swap3A_418 = tpu.vector_load %arg7[%swap3A_416, %swap3A_417] {strides = array<i32>} : memref<128x128xf32, #tpu.memory_space<vmem>>, vector<1x16xf32>,
      %swap3A_419 = vector.shape_cast %swap3A_418 : vector<1x16xf32> to vector<16xf32>
      %swap3A_420 = vector.shape_cast %mul3A_415 : vector<16xf32> to vector<1x16xf32>
      tpu.vector_store %arg7[%swap3A_416, %swap3A_417], %swap3A_420 {strides = array<i32>} : memref<128x128xf32, #tpu.memory_space<vmem>>, vector<1x16xf32>,
      %mul3A_421 = arith.constant 2 : i32
      %mul3A_422 = arith.muli %scan3A_326, %mul3A_421 : i32
      %add3A_423 = arith.constant 0 : i32
      %add3A_424 = arith.addi %mul3A_422, %add3A_423 : i32
      %get3A_425 = arith.index_cast %add3A_424 : i32 to index
      %get3A_426 = arith.constant 96 : index
      %get3A_427 = tpu.vector_load %arg7[%get3A_425, %get3A_426] {strides = array<i32>} : memref<128x128xf32, #tpu.memory_space<vmem>>, vector<1x16xf32>,
      %get3A_428 = vector.shape_cast %get3A_427 : vector<1x16xf32> to vector<16xf32>
      %mul3A_429 = arith.constant 11.3137083 : f32
      %mul3A_430 = vector.broadcast %mul3A_429 : f32 to vector<16xf32>
      %mul3A_431 = arith.mulf %get3A_428, %mul3A_430 : vector<16xf32>
      %swap3A_432 = arith.index_cast %add3A_424 : i32 to index
      %swap3A_433 = arith.constant 96 : index
      %swap3A_434 = tpu.vector_load %arg7[%swap3A_432, %swap3A_433] {strides = array<i32>} : memref<128x128xf32, #tpu.memory_space<vmem>>, vector<1x16xf32>,
      %swap3A_435 = vector.shape_cast %swap3A_434 : vector<1x16xf32> to vector<16xf32>
      %swap3A_436 = vector.shape_cast %mul3A_431 : vector<16xf32> to vector<1x16xf32>
      tpu.vector_store %arg7[%swap3A_432, %swap3A_433], %swap3A_436 {strides = array<i32>} : memref<128x128xf32, #tpu.memory_space<vmem>>, vector<1x16xf32>,
      %mul3A_437 = arith.constant 2 : i32
      %mul3A_438 = arith.muli %scan3A_326, %mul3A_437 : i32
      %add3A_439 = arith.constant 0 : i32
      %add3A_440 = arith.addi %mul3A_438, %add3A_439 : i32
      %get3A_441 = arith.index_cast %add3A_440 : i32 to index
      %get3A_442 = arith.constant 112 : index
      %get3A_443 = tpu.vector_load %arg7[%get3A_441, %get3A_442] {strides = array<i32>} : memref<128x128xf32, #tpu.memory_space<vmem>>, vector<1x16xf32>,
      %get3A_444 = vector.shape_cast %get3A_443 : vector<1x16xf32> to vector<16xf32>
      %mul3A_445 = arith.constant 11.3137083 : f32
      %mul3A_446 = vector.broadcast %mul3A_445 : f32 to vector<16xf32>
      %mul3A_447 = arith.mulf %get3A_444, %mul3A_446 : vector<16xf32>
      %swap3A_448 = arith.index_cast %add3A_440 : i32 to index
      %swap3A_449 = arith.constant 112 : index
      %swap3A_450 = tpu.vector_load %arg7[%swap3A_448, %swap3A_449] {strides = array<i32>} : memref<128x128xf32, #tpu.memory_space<vmem>>, vector<1x16xf32>,
      %swap3A_451 = vector.shape_cast %swap3A_450 : vector<1x16xf32> to vector<16xf32>
      %swap3A_452 = vector.shape_cast %mul3A_447 : vector<16xf32> to vector<1x16xf32>
      tpu.vector_store %arg7[%swap3A_448, %swap3A_449], %swap3A_452 {strides = array<i32>} : memref<128x128xf32, #tpu.memory_space<vmem>>, vector<1x16xf32>,
      %mul3A_453 = arith.constant 2 : i32
      %mul3A_454 = arith.muli %scan3A_326, %mul3A_453 : i32
      %add3A_455 = arith.constant 1 : i32
      %add3A_456 = arith.addi %mul3A_454, %add3A_455 : i32
      %get3A_457 = arith.index_cast %add3A_456 : i32 to index
      %get3A_458 = arith.constant 0 : index
      %get3A_459 = tpu.vector_load %arg7[%get3A_457, %get3A_458] {strides = array<i32>} : memref<128x128xf32, #tpu.memory_space<vmem>>, vector<1x16xf32>,
      %get3A_460 = vector.shape_cast %get3A_459 : vector<1x16xf32> to vector<16xf32>
      %mul3A_461 = arith.constant 11.3137083 : f32
      %mul3A_462 = vector.broadcast %mul3A_461 : f32 to vector<16xf32>
      %mul3A_463 = arith.mulf %get3A_460, %mul3A_462 : vector<16xf32>
      %swap3A_464 = arith.index_cast %add3A_456 : i32 to index
      %swap3A_465 = arith.constant 0 : index
      %swap3A_466 = tpu.vector_load %arg7[%swap3A_464, %swap3A_465] {strides = array<i32>} : memref<128x128xf32, #tpu.memory_space<vmem>>, vector<1x16xf32>,
      %swap3A_467 = vector.shape_cast %swap3A_466 : vector<1x16xf32> to vector<16xf32>
      %swap3A_468 = vector.shape_cast %mul3A_463 : vector<16xf32> to vector<1x16xf32>
      tpu.vector_store %arg7[%swap3A_464, %swap3A_465], %swap3A_468 {strides = array<i32>} : memref<128x128xf32, #tpu.memory_space<vmem>>, vector<1x16xf32>,
      %mul3A_469 = arith.constant 2 : i32
      %mul3A_470 = arith.muli %scan3A_326, %mul3A_469 : i32
      %add3A_471 = arith.constant 1 : i32
      %add3A_472 = arith.addi %mul3A_470, %add3A_471 : i32
      %get3A_473 = arith.index_cast %add3A_472 : i32 to index
      %get3A_474 = arith.constant 16 : index
      %get3A_475 = tpu.vector_load %arg7[%get3A_473, %get3A_474] {strides = array<i32>} : memref<128x128xf32, #tpu.memory_space<vmem>>, vector<1x16xf32>,
      %get3A_476 = vector.shape_cast %get3A_475 : vector<1x16xf32> to vector<16xf32>
      %mul3A_477 = arith.constant 11.3137083 : f32
      %mul3A_478 = vector.broadcast %mul3A_477 : f32 to vector<16xf32>
      %mul3A_479 = arith.mulf %get3A_476, %mul3A_478 : vector<16xf32>
      %swap3A_480 = arith.index_cast %add3A_472 : i32 to index
      %swap3A_481 = arith.constant 16 : index
      %swap3A_482 = tpu.vector_load %arg7[%swap3A_480, %swap3A_481] {strides = array<i32>} : memref<128x128xf32, #tpu.memory_space<vmem>>, vector<1x16xf32>,
      %swap3A_483 = vector.shape_cast %swap3A_482 : vector<1x16xf32> to vector<16xf32>
      %swap3A_484 = vector.shape_cast %mul3A_479 : vector<16xf32> to vector<1x16xf32>
      tpu.vector_store %arg7[%swap3A_480, %swap3A_481], %swap3A_484 {strides = array<i32>} : memref<128x128xf32, #tpu.memory_space<vmem>>, vector<1x16xf32>,
      %mul3A_485 = arith.constant 2 : i32
      %mul3A_486 = arith.muli %scan3A_326, %mul3A_485 : i32
      %add3A_487 = arith.constant 1 : i32
      %add3A_488 = arith.addi %mul3A_486, %add3A_487 : i32
      %get3A_489 = arith.index_cast %add3A_488 : i32 to index
      %get3A_490 = arith.constant 32 : index
      %get3A_491 = tpu.vector_load %arg7[%get3A_489, %get3A_490] {strides = array<i32>} : memref<128x128xf32, #tpu.memory_space<vmem>>, vector<1x16xf32>,
      %get3A_492 = vector.shape_cast %get3A_491 : vector<1x16xf32> to vector<16xf32>
      %mul3A_493 = arith.constant 11.3137083 : f32
      %mul3A_494 = vector.broadcast %mul3A_493 : f32 to vector<16xf32>
      %mul3A_495 = arith.mulf %get3A_492, %mul3A_494 : vector<16xf32>
      %swap3A_496 = arith.index_cast %add3A_488 : i32 to index
      %swap3A_497 = arith.constant 32 : index
      %swap3A_498 = tpu.vector_load %arg7[%swap3A_496, %swap3A_497] {strides = array<i32>} : memref<128x128xf32, #tpu.memory_space<vmem>>, vector<1x16xf32>,
      %swap3A_499 = vector.shape_cast %swap3A_498 : vector<1x16xf32> to vector<16xf32>
      %swap3A_500 = vector.shape_cast %mul3A_495 : vector<16xf32> to vector<1x16xf32>
      tpu.vector_store %arg7[%swap3A_496, %swap3A_497], %swap3A_500 {strides = array<i32>} : memref<128x128xf32, #tpu.memory_space<vmem>>, vector<1x16xf32>,
      %mul3A_501 = arith.constant 2 : i32
      %mul3A_502 = arith.muli %scan3A_326, %mul3A_501 : i32
      %add3A_503 = arith.constant 1 : i32
      %add3A_504 = arith.addi %mul3A_502, %add3A_503 : i32
      %get3A_505 = arith.index_cast %add3A_504 : i32 to index
      %get3A_506 = arith.constant 48 : index
      %get3A_507 = tpu.vector_load %arg7[%get3A_505, %get3A_506] {strides = array<i32>} : memref<128x128xf32, #tpu.memory_space<vmem>>, vector<1x16xf32>,
      %get3A_508 = vector.shape_cast %get3A_507 : vector<1x16xf32> to vector<16xf32>
      %mul3A_509 = arith.constant 11.3137083 : f32
      %mul3A_510 = vector.broadcast %mul3A_509 : f32 to vector<16xf32>
      %mul3A_511 = arith.mulf %get3A_508, %mul3A_510 : vector<16xf32>
      %swap3A_512 = arith.index_cast %add3A_504 : i32 to index
      %swap3A_513 = arith.constant 48 : index
      %swap3A_514 = tpu.vector_load %arg7[%swap3A_512, %swap3A_513] {strides = array<i32>} : memref<128x128xf32, #tpu.memory_space<vmem>>, vector<1x16xf32>,
      %swap3A_515 = vector.shape_cast %swap3A_514 : vector<1x16xf32> to vector<16xf32>
      %swap3A_516 = vector.shape_cast %mul3A_511 : vector<16xf32> to vector<1x16xf32>
      tpu.vector_store %arg7[%swap3A_512, %swap3A_513], %swap3A_516 {strides = array<i32>} : memref<128x128xf32, #tpu.memory_space<vmem>>, vector<1x16xf32>,
      %mul3A_517 = arith.constant 2 : i32
      %mul3A_518 = arith.muli %scan3A_326, %mul3A_517 : i32
      %add3A_519 = arith.constant 1 : i32
      %add3A_520 = arith.addi %mul3A_518, %add3A_519 : i32
      %get3A_521 = arith.index_cast %add3A_520 : i32 to index
      %get3A_522 = arith.constant 64 : index
      %get3A_523 = tpu.vector_load %arg7[%get3A_521, %get3A_522] {strides = array<i32>} : memref<128x128xf32, #tpu.memory_space<vmem>>, vector<1x16xf32>,
      %get3A_524 = vector.shape_cast %get3A_523 : vector<1x16xf32> to vector<16xf32>
      %mul3A_525 = arith.constant 11.3137083 : f32
      %mul3A_526 = vector.broadcast %mul3A_525 : f32 to vector<16xf32>
      %mul3A_527 = arith.mulf %get3A_524, %mul3A_526 : vector<16xf32>
      %swap3A_528 = arith.index_cast %add3A_520 : i32 to index
      %swap3A_529 = arith.constant 64 : index
      %swap3A_530 = tpu.vector_load %arg7[%swap3A_528, %swap3A_529] {strides = array<i32>} : memref<128x128xf32, #tpu.memory_space<vmem>>, vector<1x16xf32>,
      %swap3A_531 = vector.shape_cast %swap3A_530 : vector<1x16xf32> to vector<16xf32>
      %swap3A_532 = vector.shape_cast %mul3A_527 : vector<16xf32> to vector<1x16xf32>
      tpu.vector_store %arg7[%swap3A_528, %swap3A_529], %swap3A_532 {strides = array<i32>} : memref<128x128xf32, #tpu.memory_space<vmem>>, vector<1x16xf32>,
      %mul3A_533 = arith.constant 2 : i32
      %mul3A_534 = arith.muli %scan3A_326, %mul3A_533 : i32
      %add3A_535 = arith.constant 1 : i32
      %add3A_536 = arith.addi %mul3A_534, %add3A_535 : i32
      %get3A_537 = arith.index_cast %add3A_536 : i32 to index
      %get3A_538 = arith.constant 80 : index
      %get3A_539 = tpu.vector_load %arg7[%get3A_537, %get3A_538] {strides = array<i32>} : memref<128x128xf32, #tpu.memory_space<vmem>>, vector<1x16xf32>,
      %get3A_540 = vector.shape_cast %get3A_539 : vector<1x16xf32> to vector<16xf32>
      %mul3A_541 = arith.constant 11.3137083 : f32
      %mul3A_542 = vector.broadcast %mul3A_541 : f32 to vector<16xf32>
      %mul3A_543 = arith.mulf %get3A_540, %mul3A_542 : vector<16xf32>
      %swap3A_544 = arith.index_cast %add3A_536 : i32 to index
      %swap3A_545 = arith.constant 80 : index
      %swap3A_546 = tpu.vector_load %arg7[%swap3A_544, %swap3A_545] {strides = array<i32>} : memref<128x128xf32, #tpu.memory_space<vmem>>, vector<1x16xf32>,
      %swap3A_547 = vector.shape_cast %swap3A_546 : vector<1x16xf32> to vector<16xf32>
      %swap3A_548 = vector.shape_cast %mul3A_543 : vector<16xf32> to vector<1x16xf32>
      tpu.vector_store %arg7[%swap3A_544, %swap3A_545], %swap3A_548 {strides = array<i32>} : memref<128x128xf32, #tpu.memory_space<vmem>>, vector<1x16xf32>,
      %mul3A_549 = arith.constant 2 : i32
      %mul3A_550 = arith.muli %scan3A_326, %mul3A_549 : i32
      %add3A_551 = arith.constant 1 : i32
      %add3A_552 = arith.addi %mul3A_550, %add3A_551 : i32
      %get3A_553 = arith.index_cast %add3A_552 : i32 to index
      %get3A_554 = arith.constant 96 : index
      %get3A_555 = tpu.vector_load %arg7[%get3A_553, %get3A_554] {strides = array<i32>} : memref<128x128xf32, #tpu.memory_space<vmem>>, vector<1x16xf32>,
      %get3A_556 = vector.shape_cast %get3A_555 : vector<1x16xf32> to vector<16xf32>
      %mul3A_557 = arith.constant 11.3137083 : f32
      %mul3A_558 = vector.broadcast %mul3A_557 : f32 to vector<16xf32>
      %mul3A_559 = arith.mulf %get3A_556, %mul3A_558 : vector<16xf32>
      %swap3A_560 = arith.index_cast %add3A_552 : i32 to index
      %swap3A_561 = arith.constant 96 : index
      %swap3A_562 = tpu.vector_load %arg7[%swap3A_560, %swap3A_561] {strides = array<i32>} : memref<128x128xf32, #tpu.memory_space<vmem>>, vector<1x16xf32>,
      %swap3A_563 = vector.shape_cast %swap3A_562 : vector<1x16xf32> to vector<16xf32>
      %swap3A_564 = vector.shape_cast %mul3A_559 : vector<16xf32> to vector<1x16xf32>
      tpu.vector_store %arg7[%swap3A_560, %swap3A_561], %swap3A_564 {strides = array<i32>} : memref<128x128xf32, #tpu.memory_space<vmem>>, vector<1x16xf32>,
      %mul3A_565 = arith.constant 2 : i32
      %mul3A_566 = arith.muli %scan3A_326, %mul3A_565 : i32
      %add3A_567 = arith.constant 1 : i32
      %add3A_568 = arith.addi %mul3A_566, %add3A_567 : i32
      %get3A_569 = arith.index_cast %add3A_568 : i32 to index
      %get3A_570 = arith.constant 112 : index
      %get3A_571 = tpu.vector_load %arg7[%get3A_569, %get3A_570] {strides = array<i32>} : memref<128x128xf32, #tpu.memory_space<vmem>>, vector<1x16xf32>,
      %get3A_572 = vector.shape_cast %get3A_571 : vector<1x16xf32> to vector<16xf32>
      %mul3A_573 = arith.constant 11.3137083 : f32
      %mul3A_574 = vector.broadcast %mul3A_573 : f32 to vector<16xf32>
      %mul3A_575 = arith.mulf %get3A_572, %mul3A_574 : vector<16xf32>
      %swap3A_576 = arith.index_cast %add3A_568 : i32 to index
      %swap3A_577 = arith.constant 112 : index
      %swap3A_578 = tpu.vector_load %arg7[%swap3A_576, %swap3A_577] {strides = array<i32>} : memref<128x128xf32, #tpu.memory_space<vmem>>, vector<1x16xf32>,
      %swap3A_579 = vector.shape_cast %swap3A_578 : vector<1x16xf32> to vector<16xf32>
      %swap3A_580 = vector.shape_cast %mul3A_575 : vector<16xf32> to vector<1x16xf32>
      tpu.vector_store %arg7[%swap3A_576, %swap3A_577], %swap3A_580 {strides = array<i32>} : memref<128x128xf32, #tpu.memory_space<vmem>>, vector<1x16xf32>,
    }
    %scan3A_59 = arith.constant 64 : i32
    %add3A_60 = arith.constant 128 : i32
    %add3A_61 = arith.addi %mul3A_2, %add3A_60 : i32
    %dma_start3A_62 = arith.constant 0 : i32
    %dma_start3A_63 = tpu.memref_slice %arg4[%add3A_61, %dma_start3A_62] : memref<819200x128xf32, #tpu.memory_space<hbm>> -> memref<128x128xf32, #tpu.memory_space<hbm>>
    %dma_start3A_64 = arith.constant 0 : i32
    %dma_start3A_65 = tpu.memref_slice %arg4[%add3A_61, %dma_start3A_64] : memref<819200x128xf32, #tpu.memory_space<hbm>> -> memref<128x128xf32, #tpu.memory_space<hbm>>
    tpu.enqueue_dma source(%arg7 : memref<128x128xf32, #tpu.memory_space<vmem>>) target(%dma_start3A_65 : memref<128x128xf32, #tpu.memory_space<hbm>>) target_semaphore(%arg17 : memref<!tpu.dma_semaphore, #tpu.memory_space<semaphore_mem>>)
    %dma_start3A_66 = arith.constant 4 : i32
    %dma_start3A_67 = arith.constant 0 : i32
    %dma_start3A_68 = tpu.memref_slice %arg5[%dma_start3A_66, %dma_start3A_67] : memref<200x128xi32, #tpu.memory_space<vmem>> -> memref<1x128xi32, #tpu.memory_space<vmem>>
    %dma_start3A_69 = tpu.memref_squeeze %dma_start3A_68 : memref<1x128xi32, #tpu.memory_space<vmem>> -> memref<128xi32, #tpu.memory_space<vmem>>
    %dma_start3A_70 = arith.constant 0 : i32
    %dma_start3A_71 = arith.constant 0 : i32
    %dma_start3A_72 = tpu.memref_slice %arg3[%dma_start3A_70, %dma_start3A_71] : memref<100000x128xf32, #tpu.memory_space<hbm>> -> memref<100000x128xf32, #tpu.memory_space<hbm>>
    tpu.enqueue_indirect_dma source(%dma_start3A_72 : memref<100000x128xf32, #tpu.memory_space<hbm>>) target(%arg10 : memref<128x128xf32, #tpu.memory_space<vmem>>) offsets(%dma_start3A_69 : memref<128xi32, #tpu.memory_space<vmem>>) semaphore(%arg15 : memref<!tpu.dma_semaphore, #tpu.memory_space<semaphore_mem>>)
    %dma_wait3A_73 = arith.constant 2 : i32
    %dma_wait3A_74 = arith.constant 0 : i32
    %dma_wait3A_75 = tpu.memref_slice %arg5[%dma_wait3A_73, %dma_wait3A_74] : memref<200x128xi32, #tpu.memory_space<vmem>> -> memref<1x128xi32, #tpu.memory_space<vmem>>
    %dma_wait3A_76 = tpu.memref_squeeze %dma_wait3A_75 : memref<1x128xi32, #tpu.memory_space<vmem>> -> memref<128xi32, #tpu.memory_space<vmem>>
    %dma_wait3A_77 = arith.constant 0 : i32
    %dma_wait3A_78 = arith.constant 0 : i32
    %dma_wait3A_79 = tpu.memref_slice %arg3[%dma_wait3A_77, %dma_wait3A_78] : memref<100000x128xf32, #tpu.memory_space<hbm>> -> memref<100000x128xf32, #tpu.memory_space<hbm>>
    tpu.wait_indirect_dma semaphore(%arg13 : memref<!tpu.dma_semaphore, #tpu.memory_space<semaphore_mem>>) src(%dma_wait3A_79 : memref<100000x128xf32, #tpu.memory_space<hbm>>) dst(%arg8 : memref<128x128xf32, #tpu.memory_space<vmem>>)
    %scan3A_80 = arith.constant 0 : i32
    %scan3A_81 = arith.constant 0 : i32
    %scan3A_82 = arith.constant 64 : i32
    %scan3A_83 = arith.addi %scan3A_81, %scan3A_82 : i32
    %scan3A_84 = arith.constant 1 : i32
    scf.for %scan3A_326 = %scan3A_81 to %scan3A_83 step %scan3A_84  : i32 {
      %mul3A_327 = arith.constant 2 : i32
      %mul3A_328 = arith.muli %scan3A_326, %mul3A_327 : i32
      %add3A_329 = arith.constant 0 : i32
      %add3A_330 = arith.addi %mul3A_328, %add3A_329 : i32
      %get3A = arith.index_cast %add3A_330 : i32 to index
      %get3A_331 = arith.constant 0 : index
      %get3A_332 = tpu.vector_load %arg8[%get3A, %get3A_331] {strides = array<i32>} : memref<128x128xf32, #tpu.memory_space<vmem>>, vector<1x16xf32>,
      %get3A_333 = vector.shape_cast %get3A_332 : vector<1x16xf32> to vector<16xf32>
      %mul3A_334 = arith.constant 11.3137083 : f32
      %mul3A_335 = vector.broadcast %mul3A_334 : f32 to vector<16xf32>
      %mul3A_336 = arith.mulf %get3A_333, %mul3A_335 : vector<16xf32>
      %swap3A = arith.index_cast %add3A_330 : i32 to index
      %swap3A_337 = arith.constant 0 : index
      %swap3A_338 = tpu.vector_load %arg8[%swap3A, %swap3A_337] {strides = array<i32>} : memref<128x128xf32, #tpu.memory_space<vmem>>, vector<1x16xf32>,
      %swap3A_339 = vector.shape_cast %swap3A_338 : vector<1x16xf32> to vector<16xf32>
      %swap3A_340 = vector.shape_cast %mul3A_336 : vector<16xf32> to vector<1x16xf32>
      tpu.vector_store %arg8[%swap3A, %swap3A_337], %swap3A_340 {strides = array<i32>} : memref<128x128xf32, #tpu.memory_space<vmem>>, vector<1x16xf32>,
      %mul3A_341 = arith.constant 2 : i32
      %mul3A_342 = arith.muli %scan3A_326, %mul3A_341 : i32
      %add3A_343 = arith.constant 0 : i32
      %add3A_344 = arith.addi %mul3A_342, %add3A_343 : i32
      %get3A_345 = arith.index_cast %add3A_344 : i32 to index
      %get3A_346 = arith.constant 16 : index
      %get3A_347 = tpu.vector_load %arg8[%get3A_345, %get3A_346] {strides = array<i32>} : memref<128x128xf32, #tpu.memory_space<vmem>>, vector<1x16xf32>,
      %get3A_348 = vector.shape_cast %get3A_347 : vector<1x16xf32> to vector<16xf32>
      %mul3A_349 = arith.constant 11.3137083 : f32
      %mul3A_350 = vector.broadcast %mul3A_349 : f32 to vector<16xf32>
      %mul3A_351 = arith.mulf %get3A_348, %mul3A_350 : vector<16xf32>
      %swap3A_352 = arith.index_cast %add3A_344 : i32 to index
      %swap3A_353 = arith.constant 16 : index
      %swap3A_354 = tpu.vector_load %arg8[%swap3A_352, %swap3A_353] {strides = array<i32>} : memref<128x128xf32, #tpu.memory_space<vmem>>, vector<1x16xf32>,
      %swap3A_355 = vector.shape_cast %swap3A_354 : vector<1x16xf32> to vector<16xf32>
      %swap3A_356 = vector.shape_cast %mul3A_351 : vector<16xf32> to vector<1x16xf32>
      tpu.vector_store %arg8[%swap3A_352, %swap3A_353], %swap3A_356 {strides = array<i32>} : memref<128x128xf32, #tpu.memory_space<vmem>>, vector<1x16xf32>,
      %mul3A_357 = arith.constant 2 : i32
      %mul3A_358 = arith.muli %scan3A_326, %mul3A_357 : i32
      %add3A_359 = arith.constant 0 : i32
      %add3A_360 = arith.addi %mul3A_358, %add3A_359 : i32
      %get3A_361 = arith.index_cast %add3A_360 : i32 to index
      %get3A_362 = arith.constant 32 : index
      %get3A_363 = tpu.vector_load %arg8[%get3A_361, %get3A_362] {strides = array<i32>} : memref<128x128xf32, #tpu.memory_space<vmem>>, vector<1x16xf32>,
      %get3A_364 = vector.shape_cast %get3A_363 : vector<1x16xf32> to vector<16xf32>
      %mul3A_365 = arith.constant 11.3137083 : f32
      %mul3A_366 = vector.broadcast %mul3A_365 : f32 to vector<16xf32>
      %mul3A_367 = arith.mulf %get3A_364, %mul3A_366 : vector<16xf32>
      %swap3A_368 = arith.index_cast %add3A_360 : i32 to index
      %swap3A_369 = arith.constant 32 : index
      %swap3A_370 = tpu.vector_load %arg8[%swap3A_368, %swap3A_369] {strides = array<i32>} : memref<128x128xf32, #tpu.memory_space<vmem>>, vector<1x16xf32>,
      %swap3A_371 = vector.shape_cast %swap3A_370 : vector<1x16xf32> to vector<16xf32>
      %swap3A_372 = vector.shape_cast %mul3A_367 : vector<16xf32> to vector<1x16xf32>
      tpu.vector_store %arg8[%swap3A_368, %swap3A_369], %swap3A_372 {strides = array<i32>} : memref<128x128xf32, #tpu.memory_space<vmem>>, vector<1x16xf32>,
      %mul3A_373 = arith.constant 2 : i32
      %mul3A_374 = arith.muli %scan3A_326, %mul3A_373 : i32
      %add3A_375 = arith.constant 0 : i32
      %add3A_376 = arith.addi %mul3A_374, %add3A_375 : i32
      %get3A_377 = arith.index_cast %add3A_376 : i32 to index
      %get3A_378 = arith.constant 48 : index
      %get3A_379 = tpu.vector_load %arg8[%get3A_377, %get3A_378] {strides = array<i32>} : memref<128x128xf32, #tpu.memory_space<vmem>>, vector<1x16xf32>,
      %get3A_380 = vector.shape_cast %get3A_379 : vector<1x16xf32> to vector<16xf32>
      %mul3A_381 = arith.constant 11.3137083 : f32
      %mul3A_382 = vector.broadcast %mul3A_381 : f32 to vector<16xf32>
      %mul3A_383 = arith.mulf %get3A_380, %mul3A_382 : vector<16xf32>
      %swap3A_384 = arith.index_cast %add3A_376 : i32 to index
      %swap3A_385 = arith.constant 48 : index
      %swap3A_386 = tpu.vector_load %arg8[%swap3A_384, %swap3A_385] {strides = array<i32>} : memref<128x128xf32, #tpu.memory_space<vmem>>, vector<1x16xf32>,
      %swap3A_387 = vector.shape_cast %swap3A_386 : vector<1x16xf32> to vector<16xf32>
      %swap3A_388 = vector.shape_cast %mul3A_383 : vector<16xf32> to vector<1x16xf32>
      tpu.vector_store %arg8[%swap3A_384, %swap3A_385], %swap3A_388 {strides = array<i32>} : memref<128x128xf32, #tpu.memory_space<vmem>>, vector<1x16xf32>,
      %mul3A_389 = arith.constant 2 : i32
      %mul3A_390 = arith.muli %scan3A_326, %mul3A_389 : i32
      %add3A_391 = arith.constant 0 : i32
      %add3A_392 = arith.addi %mul3A_390, %add3A_391 : i32
      %get3A_393 = arith.index_cast %add3A_392 : i32 to index
      %get3A_394 = arith.constant 64 : index
      %get3A_395 = tpu.vector_load %arg8[%get3A_393, %get3A_394] {strides = array<i32>} : memref<128x128xf32, #tpu.memory_space<vmem>>, vector<1x16xf32>,
      %get3A_396 = vector.shape_cast %get3A_395 : vector<1x16xf32> to vector<16xf32>
      %mul3A_397 = arith.constant 11.3137083 : f32
      %mul3A_398 = vector.broadcast %mul3A_397 : f32 to vector<16xf32>
      %mul3A_399 = arith.mulf %get3A_396, %mul3A_398 : vector<16xf32>
      %swap3A_400 = arith.index_cast %add3A_392 : i32 to index
      %swap3A_401 = arith.constant 64 : index
      %swap3A_402 = tpu.vector_load %arg8[%swap3A_400, %swap3A_401] {strides = array<i32>} : memref<128x128xf32, #tpu.memory_space<vmem>>, vector<1x16xf32>,
      %swap3A_403 = vector.shape_cast %swap3A_402 : vector<1x16xf32> to vector<16xf32>
      %swap3A_404 = vector.shape_cast %mul3A_399 : vector<16xf32> to vector<1x16xf32>
      tpu.vector_store %arg8[%swap3A_400, %swap3A_401], %swap3A_404 {strides = array<i32>} : memref<128x128xf32, #tpu.memory_space<vmem>>, vector<1x16xf32>,
      %mul3A_405 = arith.constant 2 : i32
      %mul3A_406 = arith.muli %scan3A_326, %mul3A_405 : i32
      %add3A_407 = arith.constant 0 : i32
      %add3A_408 = arith.addi %mul3A_406, %add3A_407 : i32
      %get3A_409 = arith.index_cast %add3A_408 : i32 to index
      %get3A_410 = arith.constant 80 : index
      %get3A_411 = tpu.vector_load %arg8[%get3A_409, %get3A_410] {strides = array<i32>} : memref<128x128xf32, #tpu.memory_space<vmem>>, vector<1x16xf32>,
      %get3A_412 = vector.shape_cast %get3A_411 : vector<1x16xf32> to vector<16xf32>
      %mul3A_413 = arith.constant 11.3137083 : f32
      %mul3A_414 = vector.broadcast %mul3A_413 : f32 to vector<16xf32>
      %mul3A_415 = arith.mulf %get3A_412, %mul3A_414 : vector<16xf32>
      %swap3A_416 = arith.index_cast %add3A_408 : i32 to index
      %swap3A_417 = arith.constant 80 : index
      %swap3A_418 = tpu.vector_load %arg8[%swap3A_416, %swap3A_417] {strides = array<i32>} : memref<128x128xf32, #tpu.memory_space<vmem>>, vector<1x16xf32>,
      %swap3A_419 = vector.shape_cast %swap3A_418 : vector<1x16xf32> to vector<16xf32>
      %swap3A_420 = vector.shape_cast %mul3A_415 : vector<16xf32> to vector<1x16xf32>
      tpu.vector_store %arg8[%swap3A_416, %swap3A_417], %swap3A_420 {strides = array<i32>} : memref<128x128xf32, #tpu.memory_space<vmem>>, vector<1x16xf32>,
      %mul3A_421 = arith.constant 2 : i32
      %mul3A_422 = arith.muli %scan3A_326, %mul3A_421 : i32
      %add3A_423 = arith.constant 0 : i32
      %add3A_424 = arith.addi %mul3A_422, %add3A_423 : i32
      %get3A_425 = arith.index_cast %add3A_424 : i32 to index
      %get3A_426 = arith.constant 96 : index
      %get3A_427 = tpu.vector_load %arg8[%get3A_425, %get3A_426] {strides = array<i32>} : memref<128x128xf32, #tpu.memory_space<vmem>>, vector<1x16xf32>,
      %get3A_428 = vector.shape_cast %get3A_427 : vector<1x16xf32> to vector<16xf32>
      %mul3A_429 = arith.constant 11.3137083 : f32
      %mul3A_430 = vector.broadcast %mul3A_429 : f32 to vector<16xf32>
      %mul3A_431 = arith.mulf %get3A_428, %mul3A_430 : vector<16xf32>
      %swap3A_432 = arith.index_cast %add3A_424 : i32 to index
      %swap3A_433 = arith.constant 96 : index
      %swap3A_434 = tpu.vector_load %arg8[%swap3A_432, %swap3A_433] {strides = array<i32>} : memref<128x128xf32, #tpu.memory_space<vmem>>, vector<1x16xf32>,
      %swap3A_435 = vector.shape_cast %swap3A_434 : vector<1x16xf32> to vector<16xf32>
      %swap3A_436 = vector.shape_cast %mul3A_431 : vector<16xf32> to vector<1x16xf32>
      tpu.vector_store %arg8[%swap3A_432, %swap3A_433], %swap3A_436 {strides = array<i32>} : memref<128x128xf32, #tpu.memory_space<vmem>>, vector<1x16xf32>,
      %mul3A_437 = arith.constant 2 : i32
      %mul3A_438 = arith.muli %scan3A_326, %mul3A_437 : i32
      %add3A_439 = arith.constant 0 : i32
      %add3A_440 = arith.addi %mul3A_438, %add3A_439 : i32
      %get3A_441 = arith.index_cast %add3A_440 : i32 to index
      %get3A_442 = arith.constant 112 : index
      %get3A_443 = tpu.vector_load %arg8[%get3A_441, %get3A_442] {strides = array<i32>} : memref<128x128xf32, #tpu.memory_space<vmem>>, vector<1x16xf32>,
      %get3A_444 = vector.shape_cast %get3A_443 : vector<1x16xf32> to vector<16xf32>
      %mul3A_445 = arith.constant 11.3137083 : f32
      %mul3A_446 = vector.broadcast %mul3A_445 : f32 to vector<16xf32>
      %mul3A_447 = arith.mulf %get3A_444, %mul3A_446 : vector<16xf32>
      %swap3A_448 = arith.index_cast %add3A_440 : i32 to index
      %swap3A_449 = arith.constant 112 : index
      %swap3A_450 = tpu.vector_load %arg8[%swap3A_448, %swap3A_449] {strides = array<i32>} : memref<128x128xf32, #tpu.memory_space<vmem>>, vector<1x16xf32>,
      %swap3A_451 = vector.shape_cast %swap3A_450 : vector<1x16xf32> to vector<16xf32>
      %swap3A_452 = vector.shape_cast %mul3A_447 : vector<16xf32> to vector<1x16xf32>
      tpu.vector_store %arg8[%swap3A_448, %swap3A_449], %swap3A_452 {strides = array<i32>} : memref<128x128xf32, #tpu.memory_space<vmem>>, vector<1x16xf32>,
      %mul3A_453 = arith.constant 2 : i32
      %mul3A_454 = arith.muli %scan3A_326, %mul3A_453 : i32
      %add3A_455 = arith.constant 1 : i32
      %add3A_456 = arith.addi %mul3A_454, %add3A_455 : i32
      %get3A_457 = arith.index_cast %add3A_456 : i32 to index
      %get3A_458 = arith.constant 0 : index
      %get3A_459 = tpu.vector_load %arg8[%get3A_457, %get3A_458] {strides = array<i32>} : memref<128x128xf32, #tpu.memory_space<vmem>>, vector<1x16xf32>,
      %get3A_460 = vector.shape_cast %get3A_459 : vector<1x16xf32> to vector<16xf32>
      %mul3A_461 = arith.constant 11.3137083 : f32
      %mul3A_462 = vector.broadcast %mul3A_461 : f32 to vector<16xf32>
      %mul3A_463 = arith.mulf %get3A_460, %mul3A_462 : vector<16xf32>
      %swap3A_464 = arith.index_cast %add3A_456 : i32 to index
      %swap3A_465 = arith.constant 0 : index
      %swap3A_466 = tpu.vector_load %arg8[%swap3A_464, %swap3A_465] {strides = array<i32>} : memref<128x128xf32, #tpu.memory_space<vmem>>, vector<1x16xf32>,
      %swap3A_467 = vector.shape_cast %swap3A_466 : vector<1x16xf32> to vector<16xf32>
      %swap3A_468 = vector.shape_cast %mul3A_463 : vector<16xf32> to vector<1x16xf32>
      tpu.vector_store %arg8[%swap3A_464, %swap3A_465], %swap3A_468 {strides = array<i32>} : memref<128x128xf32, #tpu.memory_space<vmem>>, vector<1x16xf32>,
      %mul3A_469 = arith.constant 2 : i32
      %mul3A_470 = arith.muli %scan3A_326, %mul3A_469 : i32
      %add3A_471 = arith.constant 1 : i32
      %add3A_472 = arith.addi %mul3A_470, %add3A_471 : i32
      %get3A_473 = arith.index_cast %add3A_472 : i32 to index
      %get3A_474 = arith.constant 16 : index
      %get3A_475 = tpu.vector_load %arg8[%get3A_473, %get3A_474] {strides = array<i32>} : memref<128x128xf32, #tpu.memory_space<vmem>>, vector<1x16xf32>,
      %get3A_476 = vector.shape_cast %get3A_475 : vector<1x16xf32> to vector<16xf32>
      %mul3A_477 = arith.constant 11.3137083 : f32
      %mul3A_478 = vector.broadcast %mul3A_477 : f32 to vector<16xf32>
      %mul3A_479 = arith.mulf %get3A_476, %mul3A_478 : vector<16xf32>
      %swap3A_480 = arith.index_cast %add3A_472 : i32 to index
      %swap3A_481 = arith.constant 16 : index
      %swap3A_482 = tpu.vector_load %arg8[%swap3A_480, %swap3A_481] {strides = array<i32>} : memref<128x128xf32, #tpu.memory_space<vmem>>, vector<1x16xf32>,
      %swap3A_483 = vector.shape_cast %swap3A_482 : vector<1x16xf32> to vector<16xf32>
      %swap3A_484 = vector.shape_cast %mul3A_479 : vector<16xf32> to vector<1x16xf32>
      tpu.vector_store %arg8[%swap3A_480, %swap3A_481], %swap3A_484 {strides = array<i32>} : memref<128x128xf32, #tpu.memory_space<vmem>>, vector<1x16xf32>,
      %mul3A_485 = arith.constant 2 : i32
      %mul3A_486 = arith.muli %scan3A_326, %mul3A_485 : i32
      %add3A_487 = arith.constant 1 : i32
      %add3A_488 = arith.addi %mul3A_486, %add3A_487 : i32
      %get3A_489 = arith.index_cast %add3A_488 : i32 to index
      %get3A_490 = arith.constant 32 : index
      %get3A_491 = tpu.vector_load %arg8[%get3A_489, %get3A_490] {strides = array<i32>} : memref<128x128xf32, #tpu.memory_space<vmem>>, vector<1x16xf32>,
      %get3A_492 = vector.shape_cast %get3A_491 : vector<1x16xf32> to vector<16xf32>
      %mul3A_493 = arith.constant 11.3137083 : f32
      %mul3A_494 = vector.broadcast %mul3A_493 : f32 to vector<16xf32>
      %mul3A_495 = arith.mulf %get3A_492, %mul3A_494 : vector<16xf32>
      %swap3A_496 = arith.index_cast %add3A_488 : i32 to index
      %swap3A_497 = arith.constant 32 : index
      %swap3A_498 = tpu.vector_load %arg8[%swap3A_496, %swap3A_497] {strides = array<i32>} : memref<128x128xf32, #tpu.memory_space<vmem>>, vector<1x16xf32>,
      %swap3A_499 = vector.shape_cast %swap3A_498 : vector<1x16xf32> to vector<16xf32>
      %swap3A_500 = vector.shape_cast %mul3A_495 : vector<16xf32> to vector<1x16xf32>
      tpu.vector_store %arg8[%swap3A_496, %swap3A_497], %swap3A_500 {strides = array<i32>} : memref<128x128xf32, #tpu.memory_space<vmem>>, vector<1x16xf32>,
      %mul3A_501 = arith.constant 2 : i32
      %mul3A_502 = arith.muli %scan3A_326, %mul3A_501 : i32
      %add3A_503 = arith.constant 1 : i32
      %add3A_504 = arith.addi %mul3A_502, %add3A_503 : i32
      %get3A_505 = arith.index_cast %add3A_504 : i32 to index
      %get3A_506 = arith.constant 48 : index
      %get3A_507 = tpu.vector_load %arg8[%get3A_505, %get3A_506] {strides = array<i32>} : memref<128x128xf32, #tpu.memory_space<vmem>>, vector<1x16xf32>,
      %get3A_508 = vector.shape_cast %get3A_507 : vector<1x16xf32> to vector<16xf32>
      %mul3A_509 = arith.constant 11.3137083 : f32
      %mul3A_510 = vector.broadcast %mul3A_509 : f32 to vector<16xf32>
      %mul3A_511 = arith.mulf %get3A_508, %mul3A_510 : vector<16xf32>
      %swap3A_512 = arith.index_cast %add3A_504 : i32 to index
      %swap3A_513 = arith.constant 48 : index
      %swap3A_514 = tpu.vector_load %arg8[%swap3A_512, %swap3A_513] {strides = array<i32>} : memref<128x128xf32, #tpu.memory_space<vmem>>, vector<1x16xf32>,
      %swap3A_515 = vector.shape_cast %swap3A_514 : vector<1x16xf32> to vector<16xf32>
      %swap3A_516 = vector.shape_cast %mul3A_511 : vector<16xf32> to vector<1x16xf32>
      tpu.vector_store %arg8[%swap3A_512, %swap3A_513], %swap3A_516 {strides = array<i32>} : memref<128x128xf32, #tpu.memory_space<vmem>>, vector<1x16xf32>,
      %mul3A_517 = arith.constant 2 : i32
      %mul3A_518 = arith.muli %scan3A_326, %mul3A_517 : i32
      %add3A_519 = arith.constant 1 : i32
      %add3A_520 = arith.addi %mul3A_518, %add3A_519 : i32
      %get3A_521 = arith.index_cast %add3A_520 : i32 to index
      %get3A_522 = arith.constant 64 : index
      %get3A_523 = tpu.vector_load %arg8[%get3A_521, %get3A_522] {strides = array<i32>} : memref<128x128xf32, #tpu.memory_space<vmem>>, vector<1x16xf32>,
      %get3A_524 = vector.shape_cast %get3A_523 : vector<1x16xf32> to vector<16xf32>
      %mul3A_525 = arith.constant 11.3137083 : f32
      %mul3A_526 = vector.broadcast %mul3A_525 : f32 to vector<16xf32>
      %mul3A_527 = arith.mulf %get3A_524, %mul3A_526 : vector<16xf32>
      %swap3A_528 = arith.index_cast %add3A_520 : i32 to index
      %swap3A_529 = arith.constant 64 : index
      %swap3A_530 = tpu.vector_load %arg8[%swap3A_528, %swap3A_529] {strides = array<i32>} : memref<128x128xf32, #tpu.memory_space<vmem>>, vector<1x16xf32>,
      %swap3A_531 = vector.shape_cast %swap3A_530 : vector<1x16xf32> to vector<16xf32>
      %swap3A_532 = vector.shape_cast %mul3A_527 : vector<16xf32> to vector<1x16xf32>
      tpu.vector_store %arg8[%swap3A_528, %swap3A_529], %swap3A_532 {strides = array<i32>} : memref<128x128xf32, #tpu.memory_space<vmem>>, vector<1x16xf32>,
      %mul3A_533 = arith.constant 2 : i32
      %mul3A_534 = arith.muli %scan3A_326, %mul3A_533 : i32
      %add3A_535 = arith.constant 1 : i32
      %add3A_536 = arith.addi %mul3A_534, %add3A_535 : i32
      %get3A_537 = arith.index_cast %add3A_536 : i32 to index
      %get3A_538 = arith.constant 80 : index
      %get3A_539 = tpu.vector_load %arg8[%get3A_537, %get3A_538] {strides = array<i32>} : memref<128x128xf32, #tpu.memory_space<vmem>>, vector<1x16xf32>,
      %get3A_540 = vector.shape_cast %get3A_539 : vector<1x16xf32> to vector<16xf32>
      %mul3A_541 = arith.constant 11.3137083 : f32
      %mul3A_542 = vector.broadcast %mul3A_541 : f32 to vector<16xf32>
      %mul3A_543 = arith.mulf %get3A_540, %mul3A_542 : vector<16xf32>
      %swap3A_544 = arith.index_cast %add3A_536 : i32 to index
      %swap3A_545 = arith.constant 80 : index
      %swap3A_546 = tpu.vector_load %arg8[%swap3A_544, %swap3A_545] {strides = array<i32>} : memref<128x128xf32, #tpu.memory_space<vmem>>, vector<1x16xf32>,
      %swap3A_547 = vector.shape_cast %swap3A_546 : vector<1x16xf32> to vector<16xf32>
      %swap3A_548 = vector.shape_cast %mul3A_543 : vector<16xf32> to vector<1x16xf32>
      tpu.vector_store %arg8[%swap3A_544, %swap3A_545], %swap3A_548 {strides = array<i32>} : memref<128x128xf32, #tpu.memory_space<vmem>>, vector<1x16xf32>,
      %mul3A_549 = arith.constant 2 : i32
      %mul3A_550 = arith.muli %scan3A_326, %mul3A_549 : i32
      %add3A_551 = arith.constant 1 : i32
      %add3A_552 = arith.addi %mul3A_550, %add3A_551 : i32
      %get3A_553 = arith.index_cast %add3A_552 : i32 to index
      %get3A_554 = arith.constant 96 : index
      %get3A_555 = tpu.vector_load %arg8[%get3A_553, %get3A_554] {strides = array<i32>} : memref<128x128xf32, #tpu.memory_space<vmem>>, vector<1x16xf32>,
      %get3A_556 = vector.shape_cast %get3A_555 : vector<1x16xf32> to vector<16xf32>
      %mul3A_557 = arith.constant 11.3137083 : f32
      %mul3A_558 = vector.broadcast %mul3A_557 : f32 to vector<16xf32>
      %mul3A_559 = arith.mulf %get3A_556, %mul3A_558 : vector<16xf32>
      %swap3A_560 = arith.index_cast %add3A_552 : i32 to index
      %swap3A_561 = arith.constant 96 : index
      %swap3A_562 = tpu.vector_load %arg8[%swap3A_560, %swap3A_561] {strides = array<i32>} : memref<128x128xf32, #tpu.memory_space<vmem>>, vector<1x16xf32>,
      %swap3A_563 = vector.shape_cast %swap3A_562 : vector<1x16xf32> to vector<16xf32>
      %swap3A_564 = vector.shape_cast %mul3A_559 : vector<16xf32> to vector<1x16xf32>
      tpu.vector_store %arg8[%swap3A_560, %swap3A_561], %swap3A_564 {strides = array<i32>} : memref<128x128xf32, #tpu.memory_space<vmem>>, vector<1x16xf32>,
      %mul3A_565 = arith.constant 2 : i32
      %mul3A_566 = arith.muli %scan3A_326, %mul3A_565 : i32
      %add3A_567 = arith.constant 1 : i32
      %add3A_568 = arith.addi %mul3A_566, %add3A_567 : i32
      %get3A_569 = arith.index_cast %add3A_568 : i32 to index
      %get3A_570 = arith.constant 112 : index
      %get3A_571 = tpu.vector_load %arg8[%get3A_569, %get3A_570] {strides = array<i32>} : memref<128x128xf32, #tpu.memory_space<vmem>>, vector<1x16xf32>,
      %get3A_572 = vector.shape_cast %get3A_571 : vector<1x16xf32> to vector<16xf32>
      %mul3A_573 = arith.constant 11.3137083 : f32
      %mul3A_574 = vector.broadcast %mul3A_573 : f32 to vector<16xf32>
      %mul3A_575 = arith.mulf %get3A_572, %mul3A_574 : vector<16xf32>
      %swap3A_576 = arith.index_cast %add3A_568 : i32 to index
      %swap3A_577 = arith.constant 112 : index
      %swap3A_578 = tpu.vector_load %arg8[%swap3A_576, %swap3A_577] {strides = array<i32>} : memref<128x128xf32, #tpu.memory_space<vmem>>, vector<1x16xf32>,
      %swap3A_579 = vector.shape_cast %swap3A_578 : vector<1x16xf32> to vector<16xf32>
      %swap3A_580 = vector.shape_cast %mul3A_575 : vector<16xf32> to vector<1x16xf32>
      tpu.vector_store %arg8[%swap3A_576, %swap3A_577], %swap3A_580 {strides = array<i32>} : memref<128x128xf32, #tpu.memory_space<vmem>>, vector<1x16xf32>,
    }
    %scan3A_85 = arith.constant 64 : i32
    %add3A_86 = arith.constant 256 : i32
    %add3A_87 = arith.addi %mul3A_2, %add3A_86 : i32
    %dma_start3A_88 = arith.constant 0 : i32
    %dma_start3A_89 = tpu.memref_slice %arg4[%add3A_87, %dma_start3A_88] : memref<819200x128xf32, #tpu.memory_space<hbm>> -> memref<128x128xf32, #tpu.memory_space<hbm>>
    %dma_start3A_90 = arith.constant 0 : i32
    %dma_start3A_91 = tpu.memref_slice %arg4[%add3A_87, %dma_start3A_90] : memref<819200x128xf32, #tpu.memory_space<hbm>> -> memref<128x128xf32, #tpu.memory_space<hbm>>
    tpu.enqueue_dma source(%arg8 : memref<128x128xf32, #tpu.memory_space<vmem>>) target(%dma_start3A_91 : memref<128x128xf32, #tpu.memory_space<hbm>>) target_semaphore(%arg18 : memref<!tpu.dma_semaphore, #tpu.memory_space<semaphore_mem>>)
    %add3A_92 = arith.constant 0 : i32
    %add3A_93 = arith.addi %mul3A_2, %add3A_92 : i32
    %dma_wait3A_94 = arith.constant 0 : i32
    %dma_wait3A_95 = tpu.memref_slice %arg4[%add3A_93, %dma_wait3A_94] : memref<819200x128xf32, #tpu.memory_space<hbm>> -> memref<128x128xf32, #tpu.memory_space<hbm>>
    %dma_wait3A_96 = arith.constant 0 : i32
    %dma_wait3A_97 = tpu.memref_slice %arg4[%add3A_93, %dma_wait3A_96] : memref<819200x128xf32, #tpu.memory_space<hbm>> -> memref<128x128xf32, #tpu.memory_space<hbm>>
    tpu.wait_dma2 semaphore(%arg16 : memref<!tpu.dma_semaphore, #tpu.memory_space<semaphore_mem>>) src(%arg6 : memref<128x128xf32, #tpu.memory_space<vmem>>) dst(%dma_wait3A_97 : memref<128x128xf32, #tpu.memory_space<hbm>>)
    %dma_start3A_98 = arith.constant 5 : i32
    %dma_start3A_99 = arith.constant 0 : i32
    %dma_start3A_100 = tpu.memref_slice %arg5[%dma_start3A_98, %dma_start3A_99] : memref<200x128xi32, #tpu.memory_space<vmem>> -> memref<1x128xi32, #tpu.memory_space<vmem>>
    %dma_start3A_101 = tpu.memref_squeeze %dma_start3A_100 : memref<1x128xi32, #tpu.memory_space<vmem>> -> memref<128xi32, #tpu.memory_space<vmem>>
    %dma_start3A_102 = arith.constant 0 : i32
    %dma_start3A_103 = arith.constant 0 : i32
    %dma_start3A_104 = tpu.memref_slice %arg3[%dma_start3A_102, %dma_start3A_103] : memref<100000x128xf32, #tpu.memory_space<hbm>> -> memref<100000x128xf32, #tpu.memory_space<hbm>>
    tpu.enqueue_indirect_dma source(%dma_start3A_104 : memref<100000x128xf32, #tpu.memory_space<hbm>>) target(%arg6 : memref<128x128xf32, #tpu.memory_space<vmem>>) offsets(%dma_start3A_101 : memref<128xi32, #tpu.memory_space<vmem>>) semaphore(%arg11 : memref<!tpu.dma_semaphore, #tpu.memory_space<semaphore_mem>>)
    %dma_wait3A_105 = arith.constant 3 : i32
    %dma_wait3A_106 = arith.constant 0 : i32
    %dma_wait3A_107 = tpu.memref_slice %arg5[%dma_wait3A_105, %dma_wait3A_106] : memref<200x128xi32, #tpu.memory_space<vmem>> -> memref<1x128xi32, #tpu.memory_space<vmem>>
    %dma_wait3A_108 = tpu.memref_squeeze %dma_wait3A_107 : memref<1x128xi32, #tpu.memory_space<vmem>> -> memref<128xi32, #tpu.memory_space<vmem>>
    %dma_wait3A_109 = arith.constant 0 : i32
    %dma_wait3A_110 = arith.constant 0 : i32
    %dma_wait3A_111 = tpu.memref_slice %arg3[%dma_wait3A_109, %dma_wait3A_110] : memref<100000x128xf32, #tpu.memory_space<hbm>> -> memref<100000x128xf32, #tpu.memory_space<hbm>>
    tpu.wait_indirect_dma semaphore(%arg14 : memref<!tpu.dma_semaphore, #tpu.memory_space<semaphore_mem>>) src(%dma_wait3A_111 : memref<100000x128xf32, #tpu.memory_space<hbm>>) dst(%arg9 : memref<128x128xf32, #tpu.memory_space<vmem>>)
    %scan3A_112 = arith.constant 0 : i32
    %scan3A_113 = arith.constant 0 : i32
    %scan3A_114 = arith.constant 64 : i32
    %scan3A_115 = arith.addi %scan3A_113, %scan3A_114 : i32
    %scan3A_116 = arith.constant 1 : i32
    scf.for %scan3A_326 = %scan3A_113 to %scan3A_115 step %scan3A_116  : i32 {
      %mul3A_327 = arith.constant 2 : i32
      %mul3A_328 = arith.muli %scan3A_326, %mul3A_327 : i32
      %add3A_329 = arith.constant 0 : i32
      %add3A_330 = arith.addi %mul3A_328, %add3A_329 : i32
      %get3A = arith.index_cast %add3A_330 : i32 to index
      %get3A_331 = arith.constant 0 : index
      %get3A_332 = tpu.vector_load %arg9[%get3A, %get3A_331] {strides = array<i32>} : memref<128x128xf32, #tpu.memory_space<vmem>>, vector<1x16xf32>,
      %get3A_333 = vector.shape_cast %get3A_332 : vector<1x16xf32> to vector<16xf32>
      %mul3A_334 = arith.constant 11.3137083 : f32
      %mul3A_335 = vector.broadcast %mul3A_334 : f32 to vector<16xf32>
      %mul3A_336 = arith.mulf %get3A_333, %mul3A_335 : vector<16xf32>
      %swap3A = arith.index_cast %add3A_330 : i32 to index
      %swap3A_337 = arith.constant 0 : index
      %swap3A_338 = tpu.vector_load %arg9[%swap3A, %swap3A_337] {strides = array<i32>} : memref<128x128xf32, #tpu.memory_space<vmem>>, vector<1x16xf32>,
      %swap3A_339 = vector.shape_cast %swap3A_338 : vector<1x16xf32> to vector<16xf32>
      %swap3A_340 = vector.shape_cast %mul3A_336 : vector<16xf32> to vector<1x16xf32>
      tpu.vector_store %arg9[%swap3A, %swap3A_337], %swap3A_340 {strides = array<i32>} : memref<128x128xf32, #tpu.memory_space<vmem>>, vector<1x16xf32>,
      %mul3A_341 = arith.constant 2 : i32
      %mul3A_342 = arith.muli %scan3A_326, %mul3A_341 : i32
      %add3A_343 = arith.constant 0 : i32
      %add3A_344 = arith.addi %mul3A_342, %add3A_343 : i32
      %get3A_345 = arith.index_cast %add3A_344 : i32 to index
      %get3A_346 = arith.constant 16 : index
      %get3A_347 = tpu.vector_load %arg9[%get3A_345, %get3A_346] {strides = array<i32>} : memref<128x128xf32, #tpu.memory_space<vmem>>, vector<1x16xf32>,
      %get3A_348 = vector.shape_cast %get3A_347 : vector<1x16xf32> to vector<16xf32>
      %mul3A_349 = arith.constant 11.3137083 : f32
      %mul3A_350 = vector.broadcast %mul3A_349 : f32 to vector<16xf32>
      %mul3A_351 = arith.mulf %get3A_348, %mul3A_350 : vector<16xf32>
      %swap3A_352 = arith.index_cast %add3A_344 : i32 to index
      %swap3A_353 = arith.constant 16 : index
      %swap3A_354 = tpu.vector_load %arg9[%swap3A_352, %swap3A_353] {strides = array<i32>} : memref<128x128xf32, #tpu.memory_space<vmem>>, vector<1x16xf32>,
      %swap3A_355 = vector.shape_cast %swap3A_354 : vector<1x16xf32> to vector<16xf32>
      %swap3A_356 = vector.shape_cast %mul3A_351 : vector<16xf32> to vector<1x16xf32>
      tpu.vector_store %arg9[%swap3A_352, %swap3A_353], %swap3A_356 {strides = array<i32>} : memref<128x128xf32, #tpu.memory_space<vmem>>, vector<1x16xf32>,
      %mul3A_357 = arith.constant 2 : i32
      %mul3A_358 = arith.muli %scan3A_326, %mul3A_357 : i32
      %add3A_359 = arith.constant 0 : i32
      %add3A_360 = arith.addi %mul3A_358, %add3A_359 : i32
      %get3A_361 = arith.index_cast %add3A_360 : i32 to index
      %get3A_362 = arith.constant 32 : index
      %get3A_363 = tpu.vector_load %arg9[%get3A_361, %get3A_362] {strides = array<i32>} : memref<128x128xf32, #tpu.memory_space<vmem>>, vector<1x16xf32>,
      %get3A_364 = vector.shape_cast %get3A_363 : vector<1x16xf32> to vector<16xf32>
      %mul3A_365 = arith.constant 11.3137083 : f32
      %mul3A_366 = vector.broadcast %mul3A_365 : f32 to vector<16xf32>
      %mul3A_367 = arith.mulf %get3A_364, %mul3A_366 : vector<16xf32>
      %swap3A_368 = arith.index_cast %add3A_360 : i32 to index
      %swap3A_369 = arith.constant 32 : index
      %swap3A_370 = tpu.vector_load %arg9[%swap3A_368, %swap3A_369] {strides = array<i32>} : memref<128x128xf32, #tpu.memory_space<vmem>>, vector<1x16xf32>,
      %swap3A_371 = vector.shape_cast %swap3A_370 : vector<1x16xf32> to vector<16xf32>
      %swap3A_372 = vector.shape_cast %mul3A_367 : vector<16xf32> to vector<1x16xf32>
      tpu.vector_store %arg9[%swap3A_368, %swap3A_369], %swap3A_372 {strides = array<i32>} : memref<128x128xf32, #tpu.memory_space<vmem>>, vector<1x16xf32>,
      %mul3A_373 = arith.constant 2 : i32
      %mul3A_374 = arith.muli %scan3A_326, %mul3A_373 : i32
      %add3A_375 = arith.constant 0 : i32
      %add3A_376 = arith.addi %mul3A_374, %add3A_375 : i32
      %get3A_377 = arith.index_cast %add3A_376 : i32 to index
      %get3A_378 = arith.constant 48 : index
      %get3A_379 = tpu.vector_load %arg9[%get3A_377, %get3A_378] {strides = array<i32>} : memref<128x128xf32, #tpu.memory_space<vmem>>, vector<1x16xf32>,
      %get3A_380 = vector.shape_cast %get3A_379 : vector<1x16xf32> to vector<16xf32>
      %mul3A_381 = arith.constant 11.3137083 : f32
      %mul3A_382 = vector.broadcast %mul3A_381 : f32 to vector<16xf32>
      %mul3A_383 = arith.mulf %get3A_380, %mul3A_382 : vector<16xf32>
      %swap3A_384 = arith.index_cast %add3A_376 : i32 to index
      %swap3A_385 = arith.constant 48 : index
      %swap3A_386 = tpu.vector_load %arg9[%swap3A_384, %swap3A_385] {strides = array<i32>} : memref<128x128xf32, #tpu.memory_space<vmem>>, vector<1x16xf32>,
      %swap3A_387 = vector.shape_cast %swap3A_386 : vector<1x16xf32> to vector<16xf32>
      %swap3A_388 = vector.shape_cast %mul3A_383 : vector<16xf32> to vector<1x16xf32>
      tpu.vector_store %arg9[%swap3A_384, %swap3A_385], %swap3A_388 {strides = array<i32>} : memref<128x128xf32, #tpu.memory_space<vmem>>, vector<1x16xf32>,
      %mul3A_389 = arith.constant 2 : i32
      %mul3A_390 = arith.muli %scan3A_326, %mul3A_389 : i32
      %add3A_391 = arith.constant 0 : i32
      %add3A_392 = arith.addi %mul3A_390, %add3A_391 : i32
      %get3A_393 = arith.index_cast %add3A_392 : i32 to index
      %get3A_394 = arith.constant 64 : index
      %get3A_395 = tpu.vector_load %arg9[%get3A_393, %get3A_394] {strides = array<i32>} : memref<128x128xf32, #tpu.memory_space<vmem>>, vector<1x16xf32>,
      %get3A_396 = vector.shape_cast %get3A_395 : vector<1x16xf32> to vector<16xf32>
      %mul3A_397 = arith.constant 11.3137083 : f32
      %mul3A_398 = vector.broadcast %mul3A_397 : f32 to vector<16xf32>
      %mul3A_399 = arith.mulf %get3A_396, %mul3A_398 : vector<16xf32>
      %swap3A_400 = arith.index_cast %add3A_392 : i32 to index
      %swap3A_401 = arith.constant 64 : index
      %swap3A_402 = tpu.vector_load %arg9[%swap3A_400, %swap3A_401] {strides = array<i32>} : memref<128x128xf32, #tpu.memory_space<vmem>>, vector<1x16xf32>,
      %swap3A_403 = vector.shape_cast %swap3A_402 : vector<1x16xf32> to vector<16xf32>
      %swap3A_404 = vector.shape_cast %mul3A_399 : vector<16xf32> to vector<1x16xf32>
      tpu.vector_store %arg9[%swap3A_400, %swap3A_401], %swap3A_404 {strides = array<i32>} : memref<128x128xf32, #tpu.memory_space<vmem>>, vector<1x16xf32>,
      %mul3A_405 = arith.constant 2 : i32
      %mul3A_406 = arith.muli %scan3A_326, %mul3A_405 : i32
      %add3A_407 = arith.constant 0 : i32
      %add3A_408 = arith.addi %mul3A_406, %add3A_407 : i32
      %get3A_409 = arith.index_cast %add3A_408 : i32 to index
      %get3A_410 = arith.constant 80 : index
      %get3A_411 = tpu.vector_load %arg9[%get3A_409, %get3A_410] {strides = array<i32>} : memref<128x128xf32, #tpu.memory_space<vmem>>, vector<1x16xf32>,
      %get3A_412 = vector.shape_cast %get3A_411 : vector<1x16xf32> to vector<16xf32>
      %mul3A_413 = arith.constant 11.3137083 : f32
      %mul3A_414 = vector.broadcast %mul3A_413 : f32 to vector<16xf32>
      %mul3A_415 = arith.mulf %get3A_412, %mul3A_414 : vector<16xf32>
      %swap3A_416 = arith.index_cast %add3A_408 : i32 to index
      %swap3A_417 = arith.constant 80 : index
      %swap3A_418 = tpu.vector_load %arg9[%swap3A_416, %swap3A_417] {strides = array<i32>} : memref<128x128xf32, #tpu.memory_space<vmem>>, vector<1x16xf32>,
      %swap3A_419 = vector.shape_cast %swap3A_418 : vector<1x16xf32> to vector<16xf32>
      %swap3A_420 = vector.shape_cast %mul3A_415 : vector<16xf32> to vector<1x16xf32>
      tpu.vector_store %arg9[%swap3A_416, %swap3A_417], %swap3A_420 {strides = array<i32>} : memref<128x128xf32, #tpu.memory_space<vmem>>, vector<1x16xf32>,
      %mul3A_421 = arith.constant 2 : i32
      %mul3A_422 = arith.muli %scan3A_326, %mul3A_421 : i32
      %add3A_423 = arith.constant 0 : i32
      %add3A_424 = arith.addi %mul3A_422, %add3A_423 : i32
      %get3A_425 = arith.index_cast %add3A_424 : i32 to index
      %get3A_426 = arith.constant 96 : index
      %get3A_427 = tpu.vector_load %arg9[%get3A_425, %get3A_426] {strides = array<i32>} : memref<128x128xf32, #tpu.memory_space<vmem>>, vector<1x16xf32>,
      %get3A_428 = vector.shape_cast %get3A_427 : vector<1x16xf32> to vector<16xf32>
      %mul3A_429 = arith.constant 11.3137083 : f32
      %mul3A_430 = vector.broadcast %mul3A_429 : f32 to vector<16xf32>
      %mul3A_431 = arith.mulf %get3A_428, %mul3A_430 : vector<16xf32>
      %swap3A_432 = arith.index_cast %add3A_424 : i32 to index
      %swap3A_433 = arith.constant 96 : index
      %swap3A_434 = tpu.vector_load %arg9[%swap3A_432, %swap3A_433] {strides = array<i32>} : memref<128x128xf32, #tpu.memory_space<vmem>>, vector<1x16xf32>,
      %swap3A_435 = vector.shape_cast %swap3A_434 : vector<1x16xf32> to vector<16xf32>
      %swap3A_436 = vector.shape_cast %mul3A_431 : vector<16xf32> to vector<1x16xf32>
      tpu.vector_store %arg9[%swap3A_432, %swap3A_433], %swap3A_436 {strides = array<i32>} : memref<128x128xf32, #tpu.memory_space<vmem>>, vector<1x16xf32>,
      %mul3A_437 = arith.constant 2 : i32
      %mul3A_438 = arith.muli %scan3A_326, %mul3A_437 : i32
      %add3A_439 = arith.constant 0 : i32
      %add3A_440 = arith.addi %mul3A_438, %add3A_439 : i32
      %get3A_441 = arith.index_cast %add3A_440 : i32 to index
      %get3A_442 = arith.constant 112 : index
      %get3A_443 = tpu.vector_load %arg9[%get3A_441, %get3A_442] {strides = array<i32>} : memref<128x128xf32, #tpu.memory_space<vmem>>, vector<1x16xf32>,
      %get3A_444 = vector.shape_cast %get3A_443 : vector<1x16xf32> to vector<16xf32>
      %mul3A_445 = arith.constant 11.3137083 : f32
      %mul3A_446 = vector.broadcast %mul3A_445 : f32 to vector<16xf32>
      %mul3A_447 = arith.mulf %get3A_444, %mul3A_446 : vector<16xf32>
      %swap3A_448 = arith.index_cast %add3A_440 : i32 to index
      %swap3A_449 = arith.constant 112 : index
      %swap3A_450 = tpu.vector_load %arg9[%swap3A_448, %swap3A_449] {strides = array<i32>} : memref<128x128xf32, #tpu.memory_space<vmem>>, vector<1x16xf32>,
      %swap3A_451 = vector.shape_cast %swap3A_450 : vector<1x16xf32> to vector<16xf32>
      %swap3A_452 = vector.shape_cast %mul3A_447 : vector<16xf32> to vector<1x16xf32>
      tpu.vector_store %arg9[%swap3A_448, %swap3A_449], %swap3A_452 {strides = array<i32>} : memref<128x128xf32, #tpu.memory_space<vmem>>, vector<1x16xf32>,
      %mul3A_453 = arith.constant 2 : i32
      %mul3A_454 = arith.muli %scan3A_326, %mul3A_453 : i32
      %add3A_455 = arith.constant 1 : i32
      %add3A_456 = arith.addi %mul3A_454, %add3A_455 : i32
      %get3A_457 = arith.index_cast %add3A_456 : i32 to index
      %get3A_458 = arith.constant 0 : index
      %get3A_459 = tpu.vector_load %arg9[%get3A_457, %get3A_458] {strides = array<i32>} : memref<128x128xf32, #tpu.memory_space<vmem>>, vector<1x16xf32>,
      %get3A_460 = vector.shape_cast %get3A_459 : vector<1x16xf32> to vector<16xf32>
      %mul3A_461 = arith.constant 11.3137083 : f32
      %mul3A_462 = vector.broadcast %mul3A_461 : f32 to vector<16xf32>
      %mul3A_463 = arith.mulf %get3A_460, %mul3A_462 : vector<16xf32>
      %swap3A_464 = arith.index_cast %add3A_456 : i32 to index
      %swap3A_465 = arith.constant 0 : index
      %swap3A_466 = tpu.vector_load %arg9[%swap3A_464, %swap3A_465] {strides = array<i32>} : memref<128x128xf32, #tpu.memory_space<vmem>>, vector<1x16xf32>,
      %swap3A_467 = vector.shape_cast %swap3A_466 : vector<1x16xf32> to vector<16xf32>
      %swap3A_468 = vector.shape_cast %mul3A_463 : vector<16xf32> to vector<1x16xf32>
      tpu.vector_store %arg9[%swap3A_464, %swap3A_465], %swap3A_468 {strides = array<i32>} : memref<128x128xf32, #tpu.memory_space<vmem>>, vector<1x16xf32>,
      %mul3A_469 = arith.constant 2 : i32
      %mul3A_470 = arith.muli %scan3A_326, %mul3A_469 : i32
      %add3A_471 = arith.constant 1 : i32
      %add3A_472 = arith.addi %mul3A_470, %add3A_471 : i32
      %get3A_473 = arith.index_cast %add3A_472 : i32 to index
      %get3A_474 = arith.constant 16 : index
      %get3A_475 = tpu.vector_load %arg9[%get3A_473, %get3A_474] {strides = array<i32>} : memref<128x128xf32, #tpu.memory_space<vmem>>, vector<1x16xf32>,
      %get3A_476 = vector.shape_cast %get3A_475 : vector<1x16xf32> to vector<16xf32>
      %mul3A_477 = arith.constant 11.3137083 : f32
      %mul3A_478 = vector.broadcast %mul3A_477 : f32 to vector<16xf32>
      %mul3A_479 = arith.mulf %get3A_476, %mul3A_478 : vector<16xf32>
      %swap3A_480 = arith.index_cast %add3A_472 : i32 to index
      %swap3A_481 = arith.constant 16 : index
      %swap3A_482 = tpu.vector_load %arg9[%swap3A_480, %swap3A_481] {strides = array<i32>} : memref<128x128xf32, #tpu.memory_space<vmem>>, vector<1x16xf32>,
      %swap3A_483 = vector.shape_cast %swap3A_482 : vector<1x16xf32> to vector<16xf32>
      %swap3A_484 = vector.shape_cast %mul3A_479 : vector<16xf32> to vector<1x16xf32>
      tpu.vector_store %arg9[%swap3A_480, %swap3A_481], %swap3A_484 {strides = array<i32>} : memref<128x128xf32, #tpu.memory_space<vmem>>, vector<1x16xf32>,
      %mul3A_485 = arith.constant 2 : i32
      %mul3A_486 = arith.muli %scan3A_326, %mul3A_485 : i32
      %add3A_487 = arith.constant 1 : i32
      %add3A_488 = arith.addi %mul3A_486, %add3A_487 : i32
      %get3A_489 = arith.index_cast %add3A_488 : i32 to index
      %get3A_490 = arith.constant 32 : index
      %get3A_491 = tpu.vector_load %arg9[%get3A_489, %get3A_490] {strides = array<i32>} : memref<128x128xf32, #tpu.memory_space<vmem>>, vector<1x16xf32>,
      %get3A_492 = vector.shape_cast %get3A_491 : vector<1x16xf32> to vector<16xf32>
      %mul3A_493 = arith.constant 11.3137083 : f32
      %mul3A_494 = vector.broadcast %mul3A_493 : f32 to vector<16xf32>
      %mul3A_495 = arith.mulf %get3A_492, %mul3A_494 : vector<16xf32>
      %swap3A_496 = arith.index_cast %add3A_488 : i32 to index
      %swap3A_497 = arith.constant 32 : index
      %swap3A_498 = tpu.vector_load %arg9[%swap3A_496, %swap3A_497] {strides = array<i32>} : memref<128x128xf32, #tpu.memory_space<vmem>>, vector<1x16xf32>,
      %swap3A_499 = vector.shape_cast %swap3A_498 : vector<1x16xf32> to vector<16xf32>
      %swap3A_500 = vector.shape_cast %mul3A_495 : vector<16xf32> to vector<1x16xf32>
      tpu.vector_store %arg9[%swap3A_496, %swap3A_497], %swap3A_500 {strides = array<i32>} : memref<128x128xf32, #tpu.memory_space<vmem>>, vector<1x16xf32>,
      %mul3A_501 = arith.constant 2 : i32
      %mul3A_502 = arith.muli %scan3A_326, %mul3A_501 : i32
      %add3A_503 = arith.constant 1 : i32
      %add3A_504 = arith.addi %mul3A_502, %add3A_503 : i32
      %get3A_505 = arith.index_cast %add3A_504 : i32 to index
      %get3A_506 = arith.constant 48 : index
      %get3A_507 = tpu.vector_load %arg9[%get3A_505, %get3A_506] {strides = array<i32>} : memref<128x128xf32, #tpu.memory_space<vmem>>, vector<1x16xf32>,
      %get3A_508 = vector.shape_cast %get3A_507 : vector<1x16xf32> to vector<16xf32>
      %mul3A_509 = arith.constant 11.3137083 : f32
      %mul3A_510 = vector.broadcast %mul3A_509 : f32 to vector<16xf32>
      %mul3A_511 = arith.mulf %get3A_508, %mul3A_510 : vector<16xf32>
      %swap3A_512 = arith.index_cast %add3A_504 : i32 to index
      %swap3A_513 = arith.constant 48 : index
      %swap3A_514 = tpu.vector_load %arg9[%swap3A_512, %swap3A_513] {strides = array<i32>} : memref<128x128xf32, #tpu.memory_space<vmem>>, vector<1x16xf32>,
      %swap3A_515 = vector.shape_cast %swap3A_514 : vector<1x16xf32> to vector<16xf32>
      %swap3A_516 = vector.shape_cast %mul3A_511 : vector<16xf32> to vector<1x16xf32>
      tpu.vector_store %arg9[%swap3A_512, %swap3A_513], %swap3A_516 {strides = array<i32>} : memref<128x128xf32, #tpu.memory_space<vmem>>, vector<1x16xf32>,
      %mul3A_517 = arith.constant 2 : i32
      %mul3A_518 = arith.muli %scan3A_326, %mul3A_517 : i32
      %add3A_519 = arith.constant 1 : i32
      %add3A_520 = arith.addi %mul3A_518, %add3A_519 : i32
      %get3A_521 = arith.index_cast %add3A_520 : i32 to index
      %get3A_522 = arith.constant 64 : index
      %get3A_523 = tpu.vector_load %arg9[%get3A_521, %get3A_522] {strides = array<i32>} : memref<128x128xf32, #tpu.memory_space<vmem>>, vector<1x16xf32>,
      %get3A_524 = vector.shape_cast %get3A_523 : vector<1x16xf32> to vector<16xf32>
      %mul3A_525 = arith.constant 11.3137083 : f32
      %mul3A_526 = vector.broadcast %mul3A_525 : f32 to vector<16xf32>
      %mul3A_527 = arith.mulf %get3A_524, %mul3A_526 : vector<16xf32>
      %swap3A_528 = arith.index_cast %add3A_520 : i32 to index
      %swap3A_529 = arith.constant 64 : index
      %swap3A_530 = tpu.vector_load %arg9[%swap3A_528, %swap3A_529] {strides = array<i32>} : memref<128x128xf32, #tpu.memory_space<vmem>>, vector<1x16xf32>,
      %swap3A_531 = vector.shape_cast %swap3A_530 : vector<1x16xf32> to vector<16xf32>
      %swap3A_532 = vector.shape_cast %mul3A_527 : vector<16xf32> to vector<1x16xf32>
      tpu.vector_store %arg9[%swap3A_528, %swap3A_529], %swap3A_532 {strides = array<i32>} : memref<128x128xf32, #tpu.memory_space<vmem>>, vector<1x16xf32>,
      %mul3A_533 = arith.constant 2 : i32
      %mul3A_534 = arith.muli %scan3A_326, %mul3A_533 : i32
      %add3A_535 = arith.constant 1 : i32
      %add3A_536 = arith.addi %mul3A_534, %add3A_535 : i32
      %get3A_537 = arith.index_cast %add3A_536 : i32 to index
      %get3A_538 = arith.constant 80 : index
      %get3A_539 = tpu.vector_load %arg9[%get3A_537, %get3A_538] {strides = array<i32>} : memref<128x128xf32, #tpu.memory_space<vmem>>, vector<1x16xf32>,
      %get3A_540 = vector.shape_cast %get3A_539 : vector<1x16xf32> to vector<16xf32>
      %mul3A_541 = arith.constant 11.3137083 : f32
      %mul3A_542 = vector.broadcast %mul3A_541 : f32 to vector<16xf32>
      %mul3A_543 = arith.mulf %get3A_540, %mul3A_542 : vector<16xf32>
      %swap3A_544 = arith.index_cast %add3A_536 : i32 to index
      %swap3A_545 = arith.constant 80 : index
      %swap3A_546 = tpu.vector_load %arg9[%swap3A_544, %swap3A_545] {strides = array<i32>} : memref<128x128xf32, #tpu.memory_space<vmem>>, vector<1x16xf32>,
      %swap3A_547 = vector.shape_cast %swap3A_546 : vector<1x16xf32> to vector<16xf32>
      %swap3A_548 = vector.shape_cast %mul3A_543 : vector<16xf32> to vector<1x16xf32>
      tpu.vector_store %arg9[%swap3A_544, %swap3A_545], %swap3A_548 {strides = array<i32>} : memref<128x128xf32, #tpu.memory_space<vmem>>, vector<1x16xf32>,
      %mul3A_549 = arith.constant 2 : i32
      %mul3A_550 = arith.muli %scan3A_326, %mul3A_549 : i32
      %add3A_551 = arith.constant 1 : i32
      %add3A_552 = arith.addi %mul3A_550, %add3A_551 : i32
      %get3A_553 = arith.index_cast %add3A_552 : i32 to index
      %get3A_554 = arith.constant 96 : index
      %get3A_555 = tpu.vector_load %arg9[%get3A_553, %get3A_554] {strides = array<i32>} : memref<128x128xf32, #tpu.memory_space<vmem>>, vector<1x16xf32>,
      %get3A_556 = vector.shape_cast %get3A_555 : vector<1x16xf32> to vector<16xf32>
      %mul3A_557 = arith.constant 11.3137083 : f32
      %mul3A_558 = vector.broadcast %mul3A_557 : f32 to vector<16xf32>
      %mul3A_559 = arith.mulf %get3A_556, %mul3A_558 : vector<16xf32>
      %swap3A_560 = arith.index_cast %add3A_552 : i32 to index
      %swap3A_561 = arith.constant 96 : index
      %swap3A_562 = tpu.vector_load %arg9[%swap3A_560, %swap3A_561] {strides = array<i32>} : memref<128x128xf32, #tpu.memory_space<vmem>>, vector<1x16xf32>,
      %swap3A_563 = vector.shape_cast %swap3A_562 : vector<1x16xf32> to vector<16xf32>
      %swap3A_564 = vector.shape_cast %mul3A_559 : vector<16xf32> to vector<1x16xf32>
      tpu.vector_store %arg9[%swap3A_560, %swap3A_561], %swap3A_564 {strides = array<i32>} : memref<128x128xf32, #tpu.memory_space<vmem>>, vector<1x16xf32>,
      %mul3A_565 = arith.constant 2 : i32
      %mul3A_566 = arith.muli %scan3A_326, %mul3A_565 : i32
      %add3A_567 = arith.constant 1 : i32
      %add3A_568 = arith.addi %mul3A_566, %add3A_567 : i32
      %get3A_569 = arith.index_cast %add3A_568 : i32 to index
      %get3A_570 = arith.constant 112 : index
      %get3A_571 = tpu.vector_load %arg9[%get3A_569, %get3A_570] {strides = array<i32>} : memref<128x128xf32, #tpu.memory_space<vmem>>, vector<1x16xf32>,
      %get3A_572 = vector.shape_cast %get3A_571 : vector<1x16xf32> to vector<16xf32>
      %mul3A_573 = arith.constant 11.3137083 : f32
      %mul3A_574 = vector.broadcast %mul3A_573 : f32 to vector<16xf32>
      %mul3A_575 = arith.mulf %get3A_572, %mul3A_574 : vector<16xf32>
      %swap3A_576 = arith.index_cast %add3A_568 : i32 to index
      %swap3A_577 = arith.constant 112 : index
      %swap3A_578 = tpu.vector_load %arg9[%swap3A_576, %swap3A_577] {strides = array<i32>} : memref<128x128xf32, #tpu.memory_space<vmem>>, vector<1x16xf32>,
      %swap3A_579 = vector.shape_cast %swap3A_578 : vector<1x16xf32> to vector<16xf32>
      %swap3A_580 = vector.shape_cast %mul3A_575 : vector<16xf32> to vector<1x16xf32>
      tpu.vector_store %arg9[%swap3A_576, %swap3A_577], %swap3A_580 {strides = array<i32>} : memref<128x128xf32, #tpu.memory_space<vmem>>, vector<1x16xf32>,
    }
    %scan3A_117 = arith.constant 64 : i32
    %add3A_118 = arith.constant 384 : i32
    %add3A_119 = arith.addi %mul3A_2, %add3A_118 : i32
    %dma_start3A_120 = arith.constant 0 : i32
    %dma_start3A_121 = tpu.memref_slice %arg4[%add3A_119, %dma_start3A_120] : memref<819200x128xf32, #tpu.memory_space<hbm>> -> memref<128x128xf32, #tpu.memory_space<hbm>>
    %dma_start3A_122 = arith.constant 0 : i32
    %dma_start3A_123 = tpu.memref_slice %arg4[%add3A_119, %dma_start3A_122] : memref<819200x128xf32, #tpu.memory_space<hbm>> -> memref<128x128xf32, #tpu.memory_space<hbm>>
    tpu.enqueue_dma source(%arg9 : memref<128x128xf32, #tpu.memory_space<vmem>>) target(%dma_start3A_123 : memref<128x128xf32, #tpu.memory_space<hbm>>) target_semaphore(%arg19 : memref<!tpu.dma_semaphore, #tpu.memory_space<semaphore_mem>>)
    %add3A_124 = arith.constant 128 : i32
    %add3A_125 = arith.addi %mul3A_2, %add3A_124 : i32
    %dma_wait3A_126 = arith.constant 0 : i32
    %dma_wait3A_127 = tpu.memref_slice %arg4[%add3A_125, %dma_wait3A_126] : memref<819200x128xf32, #tpu.memory_space<hbm>> -> memref<128x128xf32, #tpu.memory_space<hbm>>
    %dma_wait3A_128 = arith.constant 0 : i32
    %dma_wait3A_129 = tpu.memref_slice %arg4[%add3A_125, %dma_wait3A_128] : memref<819200x128xf32, #tpu.memory_space<hbm>> -> memref<128x128xf32, #tpu.memory_space<hbm>>
    tpu.wait_dma2 semaphore(%arg17 : memref<!tpu.dma_semaphore, #tpu.memory_space<semaphore_mem>>) src(%arg7 : memref<128x128xf32, #tpu.memory_space<vmem>>) dst(%dma_wait3A_129 : memref<128x128xf32, #tpu.memory_space<hbm>>)
    %dma_start3A_130 = arith.constant 6 : i32
    %dma_start3A_131 = arith.constant 0 : i32
    %dma_start3A_132 = tpu.memref_slice %arg5[%dma_start3A_130, %dma_start3A_131] : memref<200x128xi32, #tpu.memory_space<vmem>> -> memref<1x128xi32, #tpu.memory_space<vmem>>
    %dma_start3A_133 = tpu.memref_squeeze %dma_start3A_132 : memref<1x128xi32, #tpu.memory_space<vmem>> -> memref<128xi32, #tpu.memory_space<vmem>>
    %dma_start3A_134 = arith.constant 0 : i32
    %dma_start3A_135 = arith.constant 0 : i32
    %dma_start3A_136 = tpu.memref_slice %arg3[%dma_start3A_134, %dma_start3A_135] : memref<100000x128xf32, #tpu.memory_space<hbm>> -> memref<100000x128xf32, #tpu.memory_space<hbm>>
    tpu.enqueue_indirect_dma source(%dma_start3A_136 : memref<100000x128xf32, #tpu.memory_space<hbm>>) target(%arg7 : memref<128x128xf32, #tpu.memory_space<vmem>>) offsets(%dma_start3A_133 : memref<128xi32, #tpu.memory_space<vmem>>) semaphore(%arg12 : memref<!tpu.dma_semaphore, #tpu.memory_space<semaphore_mem>>)
    %dma_wait3A_137 = arith.constant 4 : i32
    %dma_wait3A_138 = arith.constant 0 : i32
    %dma_wait3A_139 = tpu.memref_slice %arg5[%dma_wait3A_137, %dma_wait3A_138] : memref<200x128xi32, #tpu.memory_space<vmem>> -> memref<1x128xi32, #tpu.memory_space<vmem>>
    %dma_wait3A_140 = tpu.memref_squeeze %dma_wait3A_139 : memref<1x128xi32, #tpu.memory_space<vmem>> -> memref<128xi32, #tpu.memory_space<vmem>>
    %dma_wait3A_141 = arith.constant 0 : i32
    %dma_wait3A_142 = arith.constant 0 : i32
    %dma_wait3A_143 = tpu.memref_slice %arg3[%dma_wait3A_141, %dma_wait3A_142] : memref<100000x128xf32, #tpu.memory_space<hbm>> -> memref<100000x128xf32, #tpu.memory_space<hbm>>
    tpu.wait_indirect_dma semaphore(%arg15 : memref<!tpu.dma_semaphore, #tpu.memory_space<semaphore_mem>>) src(%dma_wait3A_143 : memref<100000x128xf32, #tpu.memory_space<hbm>>) dst(%arg10 : memref<128x128xf32, #tpu.memory_space<vmem>>)
    %scan3A_144 = arith.constant 0 : i32
    %scan3A_145 = arith.constant 0 : i32
    %scan3A_146 = arith.constant 64 : i32
    %scan3A_147 = arith.addi %scan3A_145, %scan3A_146 : i32
    %scan3A_148 = arith.constant 1 : i32
    scf.for %scan3A_326 = %scan3A_145 to %scan3A_147 step %scan3A_148  : i32 {
      %mul3A_327 = arith.constant 2 : i32
      %mul3A_328 = arith.muli %scan3A_326, %mul3A_327 : i32
      %add3A_329 = arith.constant 0 : i32
      %add3A_330 = arith.addi %mul3A_328, %add3A_329 : i32
      %get3A = arith.index_cast %add3A_330 : i32 to index
      %get3A_331 = arith.constant 0 : index
      %get3A_332 = tpu.vector_load %arg10[%get3A, %get3A_331] {strides = array<i32>} : memref<128x128xf32, #tpu.memory_space<vmem>>, vector<1x16xf32>,
      %get3A_333 = vector.shape_cast %get3A_332 : vector<1x16xf32> to vector<16xf32>
      %mul3A_334 = arith.constant 11.3137083 : f32
      %mul3A_335 = vector.broadcast %mul3A_334 : f32 to vector<16xf32>
      %mul3A_336 = arith.mulf %get3A_333, %mul3A_335 : vector<16xf32>
      %swap3A = arith.index_cast %add3A_330 : i32 to index
      %swap3A_337 = arith.constant 0 : index
      %swap3A_338 = tpu.vector_load %arg10[%swap3A, %swap3A_337] {strides = array<i32>} : memref<128x128xf32, #tpu.memory_space<vmem>>, vector<1x16xf32>,
      %swap3A_339 = vector.shape_cast %swap3A_338 : vector<1x16xf32> to vector<16xf32>
      %swap3A_340 = vector.shape_cast %mul3A_336 : vector<16xf32> to vector<1x16xf32>
      tpu.vector_store %arg10[%swap3A, %swap3A_337], %swap3A_340 {strides = array<i32>} : memref<128x128xf32, #tpu.memory_space<vmem>>, vector<1x16xf32>,
      %mul3A_341 = arith.constant 2 : i32
      %mul3A_342 = arith.muli %scan3A_326, %mul3A_341 : i32
      %add3A_343 = arith.constant 0 : i32
      %add3A_344 = arith.addi %mul3A_342, %add3A_343 : i32
      %get3A_345 = arith.index_cast %add3A_344 : i32 to index
      %get3A_346 = arith.constant 16 : index
      %get3A_347 = tpu.vector_load %arg10[%get3A_345, %get3A_346] {strides = array<i32>} : memref<128x128xf32, #tpu.memory_space<vmem>>, vector<1x16xf32>,
      %get3A_348 = vector.shape_cast %get3A_347 : vector<1x16xf32> to vector<16xf32>
      %mul3A_349 = arith.constant 11.3137083 : f32
      %mul3A_350 = vector.broadcast %mul3A_349 : f32 to vector<16xf32>
      %mul3A_351 = arith.mulf %get3A_348, %mul3A_350 : vector<16xf32>
      %swap3A_352 = arith.index_cast %add3A_344 : i32 to index
      %swap3A_353 = arith.constant 16 : index
      %swap3A_354 = tpu.vector_load %arg10[%swap3A_352, %swap3A_353] {strides = array<i32>} : memref<128x128xf32, #tpu.memory_space<vmem>>, vector<1x16xf32>,
      %swap3A_355 = vector.shape_cast %swap3A_354 : vector<1x16xf32> to vector<16xf32>
      %swap3A_356 = vector.shape_cast %mul3A_351 : vector<16xf32> to vector<1x16xf32>
      tpu.vector_store %arg10[%swap3A_352, %swap3A_353], %swap3A_356 {strides = array<i32>} : memref<128x128xf32, #tpu.memory_space<vmem>>, vector<1x16xf32>,
      %mul3A_357 = arith.constant 2 : i32
      %mul3A_358 = arith.muli %scan3A_326, %mul3A_357 : i32
      %add3A_359 = arith.constant 0 : i32
      %add3A_360 = arith.addi %mul3A_358, %add3A_359 : i32
      %get3A_361 = arith.index_cast %add3A_360 : i32 to index
      %get3A_362 = arith.constant 32 : index
      %get3A_363 = tpu.vector_load %arg10[%get3A_361, %get3A_362] {strides = array<i32>} : memref<128x128xf32, #tpu.memory_space<vmem>>, vector<1x16xf32>,
      %get3A_364 = vector.shape_cast %get3A_363 : vector<1x16xf32> to vector<16xf32>
      %mul3A_365 = arith.constant 11.3137083 : f32
      %mul3A_366 = vector.broadcast %mul3A_365 : f32 to vector<16xf32>
      %mul3A_367 = arith.mulf %get3A_364, %mul3A_366 : vector<16xf32>
      %swap3A_368 = arith.index_cast %add3A_360 : i32 to index
      %swap3A_369 = arith.constant 32 : index
      %swap3A_370 = tpu.vector_load %arg10[%swap3A_368, %swap3A_369] {strides = array<i32>} : memref<128x128xf32, #tpu.memory_space<vmem>>, vector<1x16xf32>,
      %swap3A_371 = vector.shape_cast %swap3A_370 : vector<1x16xf32> to vector<16xf32>
      %swap3A_372 = vector.shape_cast %mul3A_367 : vector<16xf32> to vector<1x16xf32>
      tpu.vector_store %arg10[%swap3A_368, %swap3A_369], %swap3A_372 {strides = array<i32>} : memref<128x128xf32, #tpu.memory_space<vmem>>, vector<1x16xf32>,
      %mul3A_373 = arith.constant 2 : i32
      %mul3A_374 = arith.muli %scan3A_326, %mul3A_373 : i32
      %add3A_375 = arith.constant 0 : i32
      %add3A_376 = arith.addi %mul3A_374, %add3A_375 : i32
      %get3A_377 = arith.index_cast %add3A_376 : i32 to index
      %get3A_378 = arith.constant 48 : index
      %get3A_379 = tpu.vector_load %arg10[%get3A_377, %get3A_378] {strides = array<i32>} : memref<128x128xf32, #tpu.memory_space<vmem>>, vector<1x16xf32>,
      %get3A_380 = vector.shape_cast %get3A_379 : vector<1x16xf32> to vector<16xf32>
      %mul3A_381 = arith.constant 11.3137083 : f32
      %mul3A_382 = vector.broadcast %mul3A_381 : f32 to vector<16xf32>
      %mul3A_383 = arith.mulf %get3A_380, %mul3A_382 : vector<16xf32>
      %swap3A_384 = arith.index_cast %add3A_376 : i32 to index
      %swap3A_385 = arith.constant 48 : index
      %swap3A_386 = tpu.vector_load %arg10[%swap3A_384, %swap3A_385] {strides = array<i32>} : memref<128x128xf32, #tpu.memory_space<vmem>>, vector<1x16xf32>,
      %swap3A_387 = vector.shape_cast %swap3A_386 : vector<1x16xf32> to vector<16xf32>
      %swap3A_388 = vector.shape_cast %mul3A_383 : vector<16xf32> to vector<1x16xf32>
      tpu.vector_store %arg10[%swap3A_384, %swap3A_385], %swap3A_388 {strides = array<i32>} : memref<128x128xf32, #tpu.memory_space<vmem>>, vector<1x16xf32>,
      %mul3A_389 = arith.constant 2 : i32
      %mul3A_390 = arith.muli %scan3A_326, %mul3A_389 : i32
      %add3A_391 = arith.constant 0 : i32
      %add3A_392 = arith.addi %mul3A_390, %add3A_391 : i32
      %get3A_393 = arith.index_cast %add3A_392 : i32 to index
      %get3A_394 = arith.constant 64 : index
      %get3A_395 = tpu.vector_load %arg10[%get3A_393, %get3A_394] {strides = array<i32>} : memref<128x128xf32, #tpu.memory_space<vmem>>, vector<1x16xf32>,
      %get3A_396 = vector.shape_cast %get3A_395 : vector<1x16xf32> to vector<16xf32>
      %mul3A_397 = arith.constant 11.3137083 : f32
      %mul3A_398 = vector.broadcast %mul3A_397 : f32 to vector<16xf32>
      %mul3A_399 = arith.mulf %get3A_396, %mul3A_398 : vector<16xf32>
      %swap3A_400 = arith.index_cast %add3A_392 : i32 to index
      %swap3A_401 = arith.constant 64 : index
      %swap3A_402 = tpu.vector_load %arg10[%swap3A_400, %swap3A_401] {strides = array<i32>} : memref<128x128xf32, #tpu.memory_space<vmem>>, vector<1x16xf32>,
      %swap3A_403 = vector.shape_cast %swap3A_402 : vector<1x16xf32> to vector<16xf32>
      %swap3A_404 = vector.shape_cast %mul3A_399 : vector<16xf32> to vector<1x16xf32>
      tpu.vector_store %arg10[%swap3A_400, %swap3A_401], %swap3A_404 {strides = array<i32>} : memref<128x128xf32, #tpu.memory_space<vmem>>, vector<1x16xf32>,
      %mul3A_405 = arith.constant 2 : i32
      %mul3A_406 = arith.muli %scan3A_326, %mul3A_405 : i32
      %add3A_407 = arith.constant 0 : i32
      %add3A_408 = arith.addi %mul3A_406, %add3A_407 : i32
      %get3A_409 = arith.index_cast %add3A_408 : i32 to index
      %get3A_410 = arith.constant 80 : index
      %get3A_411 = tpu.vector_load %arg10[%get3A_409, %get3A_410] {strides = array<i32>} : memref<128x128xf32, #tpu.memory_space<vmem>>, vector<1x16xf32>,
      %get3A_412 = vector.shape_cast %get3A_411 : vector<1x16xf32> to vector<16xf32>
      %mul3A_413 = arith.constant 11.3137083 : f32
      %mul3A_414 = vector.broadcast %mul3A_413 : f32 to vector<16xf32>
      %mul3A_415 = arith.mulf %get3A_412, %mul3A_414 : vector<16xf32>
      %swap3A_416 = arith.index_cast %add3A_408 : i32 to index
      %swap3A_417 = arith.constant 80 : index
      %swap3A_418 = tpu.vector_load %arg10[%swap3A_416, %swap3A_417] {strides = array<i32>} : memref<128x128xf32, #tpu.memory_space<vmem>>, vector<1x16xf32>,
      %swap3A_419 = vector.shape_cast %swap3A_418 : vector<1x16xf32> to vector<16xf32>
      %swap3A_420 = vector.shape_cast %mul3A_415 : vector<16xf32> to vector<1x16xf32>
      tpu.vector_store %arg10[%swap3A_416, %swap3A_417], %swap3A_420 {strides = array<i32>} : memref<128x128xf32, #tpu.memory_space<vmem>>, vector<1x16xf32>,
      %mul3A_421 = arith.constant 2 : i32
      %mul3A_422 = arith.muli %scan3A_326, %mul3A_421 : i32
      %add3A_423 = arith.constant 0 : i32
      %add3A_424 = arith.addi %mul3A_422, %add3A_423 : i32
      %get3A_425 = arith.index_cast %add3A_424 : i32 to index
      %get3A_426 = arith.constant 96 : index
      %get3A_427 = tpu.vector_load %arg10[%get3A_425, %get3A_426] {strides = array<i32>} : memref<128x128xf32, #tpu.memory_space<vmem>>, vector<1x16xf32>,
      %get3A_428 = vector.shape_cast %get3A_427 : vector<1x16xf32> to vector<16xf32>
      %mul3A_429 = arith.constant 11.3137083 : f32
      %mul3A_430 = vector.broadcast %mul3A_429 : f32 to vector<16xf32>
      %mul3A_431 = arith.mulf %get3A_428, %mul3A_430 : vector<16xf32>
      %swap3A_432 = arith.index_cast %add3A_424 : i32 to index
      %swap3A_433 = arith.constant 96 : index
      %swap3A_434 = tpu.vector_load %arg10[%swap3A_432, %swap3A_433] {strides = array<i32>} : memref<128x128xf32, #tpu.memory_space<vmem>>, vector<1x16xf32>,
      %swap3A_435 = vector.shape_cast %swap3A_434 : vector<1x16xf32> to vector<16xf32>
      %swap3A_436 = vector.shape_cast %mul3A_431 : vector<16xf32> to vector<1x16xf32>
      tpu.vector_store %arg10[%swap3A_432, %swap3A_433], %swap3A_436 {strides = array<i32>} : memref<128x128xf32, #tpu.memory_space<vmem>>, vector<1x16xf32>,
      %mul3A_437 = arith.constant 2 : i32
      %mul3A_438 = arith.muli %scan3A_326, %mul3A_437 : i32
      %add3A_439 = arith.constant 0 : i32
      %add3A_440 = arith.addi %mul3A_438, %add3A_439 : i32
      %get3A_441 = arith.index_cast %add3A_440 : i32 to index
      %get3A_442 = arith.constant 112 : index
      %get3A_443 = tpu.vector_load %arg10[%get3A_441, %get3A_442] {strides = array<i32>} : memref<128x128xf32, #tpu.memory_space<vmem>>, vector<1x16xf32>,
      %get3A_444 = vector.shape_cast %get3A_443 : vector<1x16xf32> to vector<16xf32>
      %mul3A_445 = arith.constant 11.3137083 : f32
      %mul3A_446 = vector.broadcast %mul3A_445 : f32 to vector<16xf32>
      %mul3A_447 = arith.mulf %get3A_444, %mul3A_446 : vector<16xf32>
      %swap3A_448 = arith.index_cast %add3A_440 : i32 to index
      %swap3A_449 = arith.constant 112 : index
      %swap3A_450 = tpu.vector_load %arg10[%swap3A_448, %swap3A_449] {strides = array<i32>} : memref<128x128xf32, #tpu.memory_space<vmem>>, vector<1x16xf32>,
      %swap3A_451 = vector.shape_cast %swap3A_450 : vector<1x16xf32> to vector<16xf32>
      %swap3A_452 = vector.shape_cast %mul3A_447 : vector<16xf32> to vector<1x16xf32>
      tpu.vector_store %arg10[%swap3A_448, %swap3A_449], %swap3A_452 {strides = array<i32>} : memref<128x128xf32, #tpu.memory_space<vmem>>, vector<1x16xf32>,
      %mul3A_453 = arith.constant 2 : i32
      %mul3A_454 = arith.muli %scan3A_326, %mul3A_453 : i32
      %add3A_455 = arith.constant 1 : i32
      %add3A_456 = arith.addi %mul3A_454, %add3A_455 : i32
      %get3A_457 = arith.index_cast %add3A_456 : i32 to index
      %get3A_458 = arith.constant 0 : index
      %get3A_459 = tpu.vector_load %arg10[%get3A_457, %get3A_458] {strides = array<i32>} : memref<128x128xf32, #tpu.memory_space<vmem>>, vector<1x16xf32>,
      %get3A_460 = vector.shape_cast %get3A_459 : vector<1x16xf32> to vector<16xf32>
      %mul3A_461 = arith.constant 11.3137083 : f32
      %mul3A_462 = vector.broadcast %mul3A_461 : f32 to vector<16xf32>
      %mul3A_463 = arith.mulf %get3A_460, %mul3A_462 : vector<16xf32>
      %swap3A_464 = arith.index_cast %add3A_456 : i32 to index
      %swap3A_465 = arith.constant 0 : index
      %swap3A_466 = tpu.vector_load %arg10[%swap3A_464, %swap3A_465] {strides = array<i32>} : memref<128x128xf32, #tpu.memory_space<vmem>>, vector<1x16xf32>,
      %swap3A_467 = vector.shape_cast %swap3A_466 : vector<1x16xf32> to vector<16xf32>
      %swap3A_468 = vector.shape_cast %mul3A_463 : vector<16xf32> to vector<1x16xf32>
      tpu.vector_store %arg10[%swap3A_464, %swap3A_465], %swap3A_468 {strides = array<i32>} : memref<128x128xf32, #tpu.memory_space<vmem>>, vector<1x16xf32>,
      %mul3A_469 = arith.constant 2 : i32
      %mul3A_470 = arith.muli %scan3A_326, %mul3A_469 : i32
      %add3A_471 = arith.constant 1 : i32
      %add3A_472 = arith.addi %mul3A_470, %add3A_471 : i32
      %get3A_473 = arith.index_cast %add3A_472 : i32 to index
      %get3A_474 = arith.constant 16 : index
      %get3A_475 = tpu.vector_load %arg10[%get3A_473, %get3A_474] {strides = array<i32>} : memref<128x128xf32, #tpu.memory_space<vmem>>, vector<1x16xf32>,
      %get3A_476 = vector.shape_cast %get3A_475 : vector<1x16xf32> to vector<16xf32>
      %mul3A_477 = arith.constant 11.3137083 : f32
      %mul3A_478 = vector.broadcast %mul3A_477 : f32 to vector<16xf32>
      %mul3A_479 = arith.mulf %get3A_476, %mul3A_478 : vector<16xf32>
      %swap3A_480 = arith.index_cast %add3A_472 : i32 to index
      %swap3A_481 = arith.constant 16 : index
      %swap3A_482 = tpu.vector_load %arg10[%swap3A_480, %swap3A_481] {strides = array<i32>} : memref<128x128xf32, #tpu.memory_space<vmem>>, vector<1x16xf32>,
      %swap3A_483 = vector.shape_cast %swap3A_482 : vector<1x16xf32> to vector<16xf32>
      %swap3A_484 = vector.shape_cast %mul3A_479 : vector<16xf32> to vector<1x16xf32>
      tpu.vector_store %arg10[%swap3A_480, %swap3A_481], %swap3A_484 {strides = array<i32>} : memref<128x128xf32, #tpu.memory_space<vmem>>, vector<1x16xf32>,
      %mul3A_485 = arith.constant 2 : i32
      %mul3A_486 = arith.muli %scan3A_326, %mul3A_485 : i32
      %add3A_487 = arith.constant 1 : i32
      %add3A_488 = arith.addi %mul3A_486, %add3A_487 : i32
      %get3A_489 = arith.index_cast %add3A_488 : i32 to index
      %get3A_490 = arith.constant 32 : index
      %get3A_491 = tpu.vector_load %arg10[%get3A_489, %get3A_490] {strides = array<i32>} : memref<128x128xf32, #tpu.memory_space<vmem>>, vector<1x16xf32>,
      %get3A_492 = vector.shape_cast %get3A_491 : vector<1x16xf32> to vector<16xf32>
      %mul3A_493 = arith.constant 11.3137083 : f32
      %mul3A_494 = vector.broadcast %mul3A_493 : f32 to vector<16xf32>
      %mul3A_495 = arith.mulf %get3A_492, %mul3A_494 : vector<16xf32>
      %swap3A_496 = arith.index_cast %add3A_488 : i32 to index
      %swap3A_497 = arith.constant 32 : index
      %swap3A_498 = tpu.vector_load %arg10[%swap3A_496, %swap3A_497] {strides = array<i32>} : memref<128x128xf32, #tpu.memory_space<vmem>>, vector<1x16xf32>,
      %swap3A_499 = vector.shape_cast %swap3A_498 : vector<1x16xf32> to vector<16xf32>
      %swap3A_500 = vector.shape_cast %mul3A_495 : vector<16xf32> to vector<1x16xf32>
      tpu.vector_store %arg10[%swap3A_496, %swap3A_497], %swap3A_500 {strides = array<i32>} : memref<128x128xf32, #tpu.memory_space<vmem>>, vector<1x16xf32>,
      %mul3A_501 = arith.constant 2 : i32
      %mul3A_502 = arith.muli %scan3A_326, %mul3A_501 : i32
      %add3A_503 = arith.constant 1 : i32
      %add3A_504 = arith.addi %mul3A_502, %add3A_503 : i32
      %get3A_505 = arith.index_cast %add3A_504 : i32 to index
      %get3A_506 = arith.constant 48 : index
      %get3A_507 = tpu.vector_load %arg10[%get3A_505, %get3A_506] {strides = array<i32>} : memref<128x128xf32, #tpu.memory_space<vmem>>, vector<1x16xf32>,
      %get3A_508 = vector.shape_cast %get3A_507 : vector<1x16xf32> to vector<16xf32>
      %mul3A_509 = arith.constant 11.3137083 : f32
      %mul3A_510 = vector.broadcast %mul3A_509 : f32 to vector<16xf32>
      %mul3A_511 = arith.mulf %get3A_508, %mul3A_510 : vector<16xf32>
      %swap3A_512 = arith.index_cast %add3A_504 : i32 to index
      %swap3A_513 = arith.constant 48 : index
      %swap3A_514 = tpu.vector_load %arg10[%swap3A_512, %swap3A_513] {strides = array<i32>} : memref<128x128xf32, #tpu.memory_space<vmem>>, vector<1x16xf32>,
      %swap3A_515 = vector.shape_cast %swap3A_514 : vector<1x16xf32> to vector<16xf32>
      %swap3A_516 = vector.shape_cast %mul3A_511 : vector<16xf32> to vector<1x16xf32>
      tpu.vector_store %arg10[%swap3A_512, %swap3A_513], %swap3A_516 {strides = array<i32>} : memref<128x128xf32, #tpu.memory_space<vmem>>, vector<1x16xf32>,
      %mul3A_517 = arith.constant 2 : i32
      %mul3A_518 = arith.muli %scan3A_326, %mul3A_517 : i32
      %add3A_519 = arith.constant 1 : i32
      %add3A_520 = arith.addi %mul3A_518, %add3A_519 : i32
      %get3A_521 = arith.index_cast %add3A_520 : i32 to index
      %get3A_522 = arith.constant 64 : index
      %get3A_523 = tpu.vector_load %arg10[%get3A_521, %get3A_522] {strides = array<i32>} : memref<128x128xf32, #tpu.memory_space<vmem>>, vector<1x16xf32>,
      %get3A_524 = vector.shape_cast %get3A_523 : vector<1x16xf32> to vector<16xf32>
      %mul3A_525 = arith.constant 11.3137083 : f32
      %mul3A_526 = vector.broadcast %mul3A_525 : f32 to vector<16xf32>
      %mul3A_527 = arith.mulf %get3A_524, %mul3A_526 : vector<16xf32>
      %swap3A_528 = arith.index_cast %add3A_520 : i32 to index
      %swap3A_529 = arith.constant 64 : index
      %swap3A_530 = tpu.vector_load %arg10[%swap3A_528, %swap3A_529] {strides = array<i32>} : memref<128x128xf32, #tpu.memory_space<vmem>>, vector<1x16xf32>,
      %swap3A_531 = vector.shape_cast %swap3A_530 : vector<1x16xf32> to vector<16xf32>
      %swap3A_532 = vector.shape_cast %mul3A_527 : vector<16xf32> to vector<1x16xf32>
      tpu.vector_store %arg10[%swap3A_528, %swap3A_529], %swap3A_532 {strides = array<i32>} : memref<128x128xf32, #tpu.memory_space<vmem>>, vector<1x16xf32>,
      %mul3A_533 = arith.constant 2 : i32
      %mul3A_534 = arith.muli %scan3A_326, %mul3A_533 : i32
      %add3A_535 = arith.constant 1 : i32
      %add3A_536 = arith.addi %mul3A_534, %add3A_535 : i32
      %get3A_537 = arith.index_cast %add3A_536 : i32 to index
      %get3A_538 = arith.constant 80 : index
      %get3A_539 = tpu.vector_load %arg10[%get3A_537, %get3A_538] {strides = array<i32>} : memref<128x128xf32, #tpu.memory_space<vmem>>, vector<1x16xf32>,
      %get3A_540 = vector.shape_cast %get3A_539 : vector<1x16xf32> to vector<16xf32>
      %mul3A_541 = arith.constant 11.3137083 : f32
      %mul3A_542 = vector.broadcast %mul3A_541 : f32 to vector<16xf32>
      %mul3A_543 = arith.mulf %get3A_540, %mul3A_542 : vector<16xf32>
      %swap3A_544 = arith.index_cast %add3A_536 : i32 to index
      %swap3A_545 = arith.constant 80 : index
      %swap3A_546 = tpu.vector_load %arg10[%swap3A_544, %swap3A_545] {strides = array<i32>} : memref<128x128xf32, #tpu.memory_space<vmem>>, vector<1x16xf32>,
      %swap3A_547 = vector.shape_cast %swap3A_546 : vector<1x16xf32> to vector<16xf32>
      %swap3A_548 = vector.shape_cast %mul3A_543 : vector<16xf32> to vector<1x16xf32>
      tpu.vector_store %arg10[%swap3A_544, %swap3A_545], %swap3A_548 {strides = array<i32>} : memref<128x128xf32, #tpu.memory_space<vmem>>, vector<1x16xf32>,
      %mul3A_549 = arith.constant 2 : i32
      %mul3A_550 = arith.muli %scan3A_326, %mul3A_549 : i32
      %add3A_551 = arith.constant 1 : i32
      %add3A_552 = arith.addi %mul3A_550, %add3A_551 : i32
      %get3A_553 = arith.index_cast %add3A_552 : i32 to index
      %get3A_554 = arith.constant 96 : index
      %get3A_555 = tpu.vector_load %arg10[%get3A_553, %get3A_554] {strides = array<i32>} : memref<128x128xf32, #tpu.memory_space<vmem>>, vector<1x16xf32>,
      %get3A_556 = vector.shape_cast %get3A_555 : vector<1x16xf32> to vector<16xf32>
      %mul3A_557 = arith.constant 11.3137083 : f32
      %mul3A_558 = vector.broadcast %mul3A_557 : f32 to vector<16xf32>
      %mul3A_559 = arith.mulf %get3A_556, %mul3A_558 : vector<16xf32>
      %swap3A_560 = arith.index_cast %add3A_552 : i32 to index
      %swap3A_561 = arith.constant 96 : index
      %swap3A_562 = tpu.vector_load %arg10[%swap3A_560, %swap3A_561] {strides = array<i32>} : memref<128x128xf32, #tpu.memory_space<vmem>>, vector<1x16xf32>,
      %swap3A_563 = vector.shape_cast %swap3A_562 : vector<1x16xf32> to vector<16xf32>
      %swap3A_564 = vector.shape_cast %mul3A_559 : vector<16xf32> to vector<1x16xf32>
      tpu.vector_store %arg10[%swap3A_560, %swap3A_561], %swap3A_564 {strides = array<i32>} : memref<128x128xf32, #tpu.memory_space<vmem>>, vector<1x16xf32>,
      %mul3A_565 = arith.constant 2 : i32
      %mul3A_566 = arith.muli %scan3A_326, %mul3A_565 : i32
      %add3A_567 = arith.constant 1 : i32
      %add3A_568 = arith.addi %mul3A_566, %add3A_567 : i32
      %get3A_569 = arith.index_cast %add3A_568 : i32 to index
      %get3A_570 = arith.constant 112 : index
      %get3A_571 = tpu.vector_load %arg10[%get3A_569, %get3A_570] {strides = array<i32>} : memref<128x128xf32, #tpu.memory_space<vmem>>, vector<1x16xf32>,
      %get3A_572 = vector.shape_cast %get3A_571 : vector<1x16xf32> to vector<16xf32>
      %mul3A_573 = arith.constant 11.3137083 : f32
      %mul3A_574 = vector.broadcast %mul3A_573 : f32 to vector<16xf32>
      %mul3A_575 = arith.mulf %get3A_572, %mul3A_574 : vector<16xf32>
      %swap3A_576 = arith.index_cast %add3A_568 : i32 to index
      %swap3A_577 = arith.constant 112 : index
      %swap3A_578 = tpu.vector_load %arg10[%swap3A_576, %swap3A_577] {strides = array<i32>} : memref<128x128xf32, #tpu.memory_space<vmem>>, vector<1x16xf32>,
      %swap3A_579 = vector.shape_cast %swap3A_578 : vector<1x16xf32> to vector<16xf32>
      %swap3A_580 = vector.shape_cast %mul3A_575 : vector<16xf32> to vector<1x16xf32>
      tpu.vector_store %arg10[%swap3A_576, %swap3A_577], %swap3A_580 {strides = array<i32>} : memref<128x128xf32, #tpu.memory_space<vmem>>, vector<1x16xf32>,
    }
    %scan3A_149 = arith.constant 64 : i32
    %add3A_150 = arith.constant 512 : i32
    %add3A_151 = arith.addi %mul3A_2, %add3A_150 : i32
    %dma_start3A_152 = arith.constant 0 : i32
    %dma_start3A_153 = tpu.memref_slice %arg4[%add3A_151, %dma_start3A_152] : memref<819200x128xf32, #tpu.memory_space<hbm>> -> memref<128x128xf32, #tpu.memory_space<hbm>>
    %dma_start3A_154 = arith.constant 0 : i32
    %dma_start3A_155 = tpu.memref_slice %arg4[%add3A_151, %dma_start3A_154] : memref<819200x128xf32, #tpu.memory_space<hbm>> -> memref<128x128xf32, #tpu.memory_space<hbm>>
    tpu.enqueue_dma source(%arg10 : memref<128x128xf32, #tpu.memory_space<vmem>>) target(%dma_start3A_155 : memref<128x128xf32, #tpu.memory_space<hbm>>) target_semaphore(%arg20 : memref<!tpu.dma_semaphore, #tpu.memory_space<semaphore_mem>>)
    %add3A_156 = arith.constant 256 : i32
    %add3A_157 = arith.addi %mul3A_2, %add3A_156 : i32
    %dma_wait3A_158 = arith.constant 0 : i32
    %dma_wait3A_159 = tpu.memref_slice %arg4[%add3A_157, %dma_wait3A_158] : memref<819200x128xf32, #tpu.memory_space<hbm>> -> memref<128x128xf32, #tpu.memory_space<hbm>>
    %dma_wait3A_160 = arith.constant 0 : i32
    %dma_wait3A_161 = tpu.memref_slice %arg4[%add3A_157, %dma_wait3A_160] : memref<819200x128xf32, #tpu.memory_space<hbm>> -> memref<128x128xf32, #tpu.memory_space<hbm>>
    tpu.wait_dma2 semaphore(%arg18 : memref<!tpu.dma_semaphore, #tpu.memory_space<semaphore_mem>>) src(%arg8 : memref<128x128xf32, #tpu.memory_space<vmem>>) dst(%dma_wait3A_161 : memref<128x128xf32, #tpu.memory_space<hbm>>)
    %dma_start3A_162 = arith.constant 7 : i32
    %dma_start3A_163 = arith.constant 0 : i32
    %dma_start3A_164 = tpu.memref_slice %arg5[%dma_start3A_162, %dma_start3A_163] : memref<200x128xi32, #tpu.memory_space<vmem>> -> memref<1x128xi32, #tpu.memory_space<vmem>>
    %dma_start3A_165 = tpu.memref_squeeze %dma_start3A_164 : memref<1x128xi32, #tpu.memory_space<vmem>> -> memref<128xi32, #tpu.memory_space<vmem>>
    %dma_start3A_166 = arith.constant 0 : i32
    %dma_start3A_167 = arith.constant 0 : i32
    %dma_start3A_168 = tpu.memref_slice %arg3[%dma_start3A_166, %dma_start3A_167] : memref<100000x128xf32, #tpu.memory_space<hbm>> -> memref<100000x128xf32, #tpu.memory_space<hbm>>
    tpu.enqueue_indirect_dma source(%dma_start3A_168 : memref<100000x128xf32, #tpu.memory_space<hbm>>) target(%arg8 : memref<128x128xf32, #tpu.memory_space<vmem>>) offsets(%dma_start3A_165 : memref<128xi32, #tpu.memory_space<vmem>>) semaphore(%arg13 : memref<!tpu.dma_semaphore, #tpu.memory_space<semaphore_mem>>)
    %scan3A_169 = arith.constant 0 : i32
    %scan3A_170 = arith.constant 1 : i32
    %scan3A_171 = arith.constant 38 : i32
    %scan3A_172 = arith.addi %scan3A_170, %scan3A_171 : i32
    %scan3A_173 = arith.constant 1 : i32
    scf.for %scan3A_326 = %scan3A_170 to %scan3A_172 step %scan3A_173  : i32 {
      %mul3A_327 = arith.constant 5 : i32
      %mul3A_328 = arith.muli %scan3A_326, %mul3A_327 : i32
      %add3A_329 = arith.constant 0 : i32
      %add3A_330 = arith.addi %mul3A_328, %add3A_329 : i32
      %dma_wait3A_331 = arith.constant 0 : i32
      %dma_wait3A_332 = tpu.memref_slice %arg5[%add3A_330, %dma_wait3A_331] : memref<200x128xi32, #tpu.memory_space<vmem>> -> memref<1x128xi32, #tpu.memory_space<vmem>>
      %dma_wait3A_333 = tpu.memref_squeeze %dma_wait3A_332 : memref<1x128xi32, #tpu.memory_space<vmem>> -> memref<128xi32, #tpu.memory_space<vmem>>
      %dma_wait3A_334 = arith.constant 0 : i32
      %dma_wait3A_335 = arith.constant 0 : i32
      %dma_wait3A_336 = tpu.memref_slice %arg3[%dma_wait3A_334, %dma_wait3A_335] : memref<100000x128xf32, #tpu.memory_space<hbm>> -> memref<100000x128xf32, #tpu.memory_space<hbm>>
      tpu.wait_indirect_dma semaphore(%arg11 : memref<!tpu.dma_semaphore, #tpu.memory_space<semaphore_mem>>) src(%dma_wait3A_336 : memref<100000x128xf32, #tpu.memory_space<hbm>>) dst(%arg6 : memref<128x128xf32, #tpu.memory_space<vmem>>)
      %scan3A_337 = arith.constant 0 : i32
      %scan3A_338 = arith.constant 0 : i32
      %scan3A_339 = arith.constant 64 : i32
      %scan3A_340 = arith.addi %scan3A_338, %scan3A_339 : i32
      %scan3A_341 = arith.constant 1 : i32
      scf.for %scan3A_536 = %scan3A_338 to %scan3A_340 step %scan3A_341  : i32 {
        %mul3A_537 = arith.constant 2 : i32
        %mul3A_538 = arith.muli %scan3A_536, %mul3A_537 : i32
        %add3A_539 = arith.constant 0 : i32
        %add3A_540 = arith.addi %mul3A_538, %add3A_539 : i32
        %get3A = arith.index_cast %add3A_540 : i32 to index
        %get3A_541 = arith.constant 0 : index
        %get3A_542 = tpu.vector_load %arg6[%get3A, %get3A_541] {strides = array<i32>} : memref<128x128xf32, #tpu.memory_space<vmem>>, vector<1x16xf32>,
        %get3A_543 = vector.shape_cast %get3A_542 : vector<1x16xf32> to vector<16xf32>
        %mul3A_544 = arith.constant 11.3137083 : f32
        %mul3A_545 = vector.broadcast %mul3A_544 : f32 to vector<16xf32>
        %mul3A_546 = arith.mulf %get3A_543, %mul3A_545 : vector<16xf32>
        %swap3A = arith.index_cast %add3A_540 : i32 to index
        %swap3A_547 = arith.constant 0 : index
        %swap3A_548 = tpu.vector_load %arg6[%swap3A, %swap3A_547] {strides = array<i32>} : memref<128x128xf32, #tpu.memory_space<vmem>>, vector<1x16xf32>,
        %swap3A_549 = vector.shape_cast %swap3A_548 : vector<1x16xf32> to vector<16xf32>
        %swap3A_550 = vector.shape_cast %mul3A_546 : vector<16xf32> to vector<1x16xf32>
        tpu.vector_store %arg6[%swap3A, %swap3A_547], %swap3A_550 {strides = array<i32>} : memref<128x128xf32, #tpu.memory_space<vmem>>, vector<1x16xf32>,
        %mul3A_551 = arith.constant 2 : i32
        %mul3A_552 = arith.muli %scan3A_536, %mul3A_551 : i32
        %add3A_553 = arith.constant 0 : i32
        %add3A_554 = arith.addi %mul3A_552, %add3A_553 : i32
        %get3A_555 = arith.index_cast %add3A_554 : i32 to index
        %get3A_556 = arith.constant 16 : index
        %get3A_557 = tpu.vector_load %arg6[%get3A_555, %get3A_556] {strides = array<i32>} : memref<128x128xf32, #tpu.memory_space<vmem>>, vector<1x16xf32>,
        %get3A_558 = vector.shape_cast %get3A_557 : vector<1x16xf32> to vector<16xf32>
        %mul3A_559 = arith.constant 11.3137083 : f32
        %mul3A_560 = vector.broadcast %mul3A_559 : f32 to vector<16xf32>
        %mul3A_561 = arith.mulf %get3A_558, %mul3A_560 : vector<16xf32>
        %swap3A_562 = arith.index_cast %add3A_554 : i32 to index
        %swap3A_563 = arith.constant 16 : index
        %swap3A_564 = tpu.vector_load %arg6[%swap3A_562, %swap3A_563] {strides = array<i32>} : memref<128x128xf32, #tpu.memory_space<vmem>>, vector<1x16xf32>,
        %swap3A_565 = vector.shape_cast %swap3A_564 : vector<1x16xf32> to vector<16xf32>
        %swap3A_566 = vector.shape_cast %mul3A_561 : vector<16xf32> to vector<1x16xf32>
        tpu.vector_store %arg6[%swap3A_562, %swap3A_563], %swap3A_566 {strides = array<i32>} : memref<128x128xf32, #tpu.memory_space<vmem>>, vector<1x16xf32>,
        %mul3A_567 = arith.constant 2 : i32
        %mul3A_568 = arith.muli %scan3A_536, %mul3A_567 : i32
        %add3A_569 = arith.constant 0 : i32
        %add3A_570 = arith.addi %mul3A_568, %add3A_569 : i32
        %get3A_571 = arith.index_cast %add3A_570 : i32 to index
        %get3A_572 = arith.constant 32 : index
        %get3A_573 = tpu.vector_load %arg6[%get3A_571, %get3A_572] {strides = array<i32>} : memref<128x128xf32, #tpu.memory_space<vmem>>, vector<1x16xf32>,
        %get3A_574 = vector.shape_cast %get3A_573 : vector<1x16xf32> to vector<16xf32>
        %mul3A_575 = arith.constant 11.3137083 : f32
        %mul3A_576 = vector.broadcast %mul3A_575 : f32 to vector<16xf32>
        %mul3A_577 = arith.mulf %get3A_574, %mul3A_576 : vector<16xf32>
        %swap3A_578 = arith.index_cast %add3A_570 : i32 to index
        %swap3A_579 = arith.constant 32 : index
        %swap3A_580 = tpu.vector_load %arg6[%swap3A_578, %swap3A_579] {strides = array<i32>} : memref<128x128xf32, #tpu.memory_space<vmem>>, vector<1x16xf32>,
        %swap3A_581 = vector.shape_cast %swap3A_580 : vector<1x16xf32> to vector<16xf32>
        %swap3A_582 = vector.shape_cast %mul3A_577 : vector<16xf32> to vector<1x16xf32>
        tpu.vector_store %arg6[%swap3A_578, %swap3A_579], %swap3A_582 {strides = array<i32>} : memref<128x128xf32, #tpu.memory_space<vmem>>, vector<1x16xf32>,
        %mul3A_583 = arith.constant 2 : i32
        %mul3A_584 = arith.muli %scan3A_536, %mul3A_583 : i32
        %add3A_585 = arith.constant 0 : i32
        %add3A_586 = arith.addi %mul3A_584, %add3A_585 : i32
        %get3A_587 = arith.index_cast %add3A_586 : i32 to index
        %get3A_588 = arith.constant 48 : index
        %get3A_589 = tpu.vector_load %arg6[%get3A_587, %get3A_588] {strides = array<i32>} : memref<128x128xf32, #tpu.memory_space<vmem>>, vector<1x16xf32>,
        %get3A_590 = vector.shape_cast %get3A_589 : vector<1x16xf32> to vector<16xf32>
        %mul3A_591 = arith.constant 11.3137083 : f32
        %mul3A_592 = vector.broadcast %mul3A_591 : f32 to vector<16xf32>
        %mul3A_593 = arith.mulf %get3A_590, %mul3A_592 : vector<16xf32>
        %swap3A_594 = arith.index_cast %add3A_586 : i32 to index
        %swap3A_595 = arith.constant 48 : index
        %swap3A_596 = tpu.vector_load %arg6[%swap3A_594, %swap3A_595] {strides = array<i32>} : memref<128x128xf32, #tpu.memory_space<vmem>>, vector<1x16xf32>,
        %swap3A_597 = vector.shape_cast %swap3A_596 : vector<1x16xf32> to vector<16xf32>
        %swap3A_598 = vector.shape_cast %mul3A_593 : vector<16xf32> to vector<1x16xf32>
        tpu.vector_store %arg6[%swap3A_594, %swap3A_595], %swap3A_598 {strides = array<i32>} : memref<128x128xf32, #tpu.memory_space<vmem>>, vector<1x16xf32>,
        %mul3A_599 = arith.constant 2 : i32
        %mul3A_600 = arith.muli %scan3A_536, %mul3A_599 : i32
        %add3A_601 = arith.constant 0 : i32
        %add3A_602 = arith.addi %mul3A_600, %add3A_601 : i32
        %get3A_603 = arith.index_cast %add3A_602 : i32 to index
        %get3A_604 = arith.constant 64 : index
        %get3A_605 = tpu.vector_load %arg6[%get3A_603, %get3A_604] {strides = array<i32>} : memref<128x128xf32, #tpu.memory_space<vmem>>, vector<1x16xf32>,
        %get3A_606 = vector.shape_cast %get3A_605 : vector<1x16xf32> to vector<16xf32>
        %mul3A_607 = arith.constant 11.3137083 : f32
        %mul3A_608 = vector.broadcast %mul3A_607 : f32 to vector<16xf32>
        %mul3A_609 = arith.mulf %get3A_606, %mul3A_608 : vector<16xf32>
        %swap3A_610 = arith.index_cast %add3A_602 : i32 to index
        %swap3A_611 = arith.constant 64 : index
        %swap3A_612 = tpu.vector_load %arg6[%swap3A_610, %swap3A_611] {strides = array<i32>} : memref<128x128xf32, #tpu.memory_space<vmem>>, vector<1x16xf32>,
        %swap3A_613 = vector.shape_cast %swap3A_612 : vector<1x16xf32> to vector<16xf32>
        %swap3A_614 = vector.shape_cast %mul3A_609 : vector<16xf32> to vector<1x16xf32>
        tpu.vector_store %arg6[%swap3A_610, %swap3A_611], %swap3A_614 {strides = array<i32>} : memref<128x128xf32, #tpu.memory_space<vmem>>, vector<1x16xf32>,
        %mul3A_615 = arith.constant 2 : i32
        %mul3A_616 = arith.muli %scan3A_536, %mul3A_615 : i32
        %add3A_617 = arith.constant 0 : i32
        %add3A_618 = arith.addi %mul3A_616, %add3A_617 : i32
        %get3A_619 = arith.index_cast %add3A_618 : i32 to index
        %get3A_620 = arith.constant 80 : index
        %get3A_621 = tpu.vector_load %arg6[%get3A_619, %get3A_620] {strides = array<i32>} : memref<128x128xf32, #tpu.memory_space<vmem>>, vector<1x16xf32>,
        %get3A_622 = vector.shape_cast %get3A_621 : vector<1x16xf32> to vector<16xf32>
        %mul3A_623 = arith.constant 11.3137083 : f32
        %mul3A_624 = vector.broadcast %mul3A_623 : f32 to vector<16xf32>
        %mul3A_625 = arith.mulf %get3A_622, %mul3A_624 : vector<16xf32>
        %swap3A_626 = arith.index_cast %add3A_618 : i32 to index
        %swap3A_627 = arith.constant 80 : index
        %swap3A_628 = tpu.vector_load %arg6[%swap3A_626, %swap3A_627] {strides = array<i32>} : memref<128x128xf32, #tpu.memory_space<vmem>>, vector<1x16xf32>,
        %swap3A_629 = vector.shape_cast %swap3A_628 : vector<1x16xf32> to vector<16xf32>
        %swap3A_630 = vector.shape_cast %mul3A_625 : vector<16xf32> to vector<1x16xf32>
        tpu.vector_store %arg6[%swap3A_626, %swap3A_627], %swap3A_630 {strides = array<i32>} : memref<128x128xf32, #tpu.memory_space<vmem>>, vector<1x16xf32>,
        %mul3A_631 = arith.constant 2 : i32
        %mul3A_632 = arith.muli %scan3A_536, %mul3A_631 : i32
        %add3A_633 = arith.constant 0 : i32
        %add3A_634 = arith.addi %mul3A_632, %add3A_633 : i32
        %get3A_635 = arith.index_cast %add3A_634 : i32 to index
        %get3A_636 = arith.constant 96 : index
        %get3A_637 = tpu.vector_load %arg6[%get3A_635, %get3A_636] {strides = array<i32>} : memref<128x128xf32, #tpu.memory_space<vmem>>, vector<1x16xf32>,
        %get3A_638 = vector.shape_cast %get3A_637 : vector<1x16xf32> to vector<16xf32>
        %mul3A_639 = arith.constant 11.3137083 : f32
        %mul3A_640 = vector.broadcast %mul3A_639 : f32 to vector<16xf32>
        %mul3A_641 = arith.mulf %get3A_638, %mul3A_640 : vector<16xf32>
        %swap3A_642 = arith.index_cast %add3A_634 : i32 to index
        %swap3A_643 = arith.constant 96 : index
        %swap3A_644 = tpu.vector_load %arg6[%swap3A_642, %swap3A_643] {strides = array<i32>} : memref<128x128xf32, #tpu.memory_space<vmem>>, vector<1x16xf32>,
        %swap3A_645 = vector.shape_cast %swap3A_644 : vector<1x16xf32> to vector<16xf32>
        %swap3A_646 = vector.shape_cast %mul3A_641 : vector<16xf32> to vector<1x16xf32>
        tpu.vector_store %arg6[%swap3A_642, %swap3A_643], %swap3A_646 {strides = array<i32>} : memref<128x128xf32, #tpu.memory_space<vmem>>, vector<1x16xf32>,
        %mul3A_647 = arith.constant 2 : i32
        %mul3A_648 = arith.muli %scan3A_536, %mul3A_647 : i32
        %add3A_649 = arith.constant 0 : i32
        %add3A_650 = arith.addi %mul3A_648, %add3A_649 : i32
        %get3A_651 = arith.index_cast %add3A_650 : i32 to index
        %get3A_652 = arith.constant 112 : index
        %get3A_653 = tpu.vector_load %arg6[%get3A_651, %get3A_652] {strides = array<i32>} : memref<128x128xf32, #tpu.memory_space<vmem>>, vector<1x16xf32>,
        %get3A_654 = vector.shape_cast %get3A_653 : vector<1x16xf32> to vector<16xf32>
        %mul3A_655 = arith.constant 11.3137083 : f32
        %mul3A_656 = vector.broadcast %mul3A_655 : f32 to vector<16xf32>
        %mul3A_657 = arith.mulf %get3A_654, %mul3A_656 : vector<16xf32>
        %swap3A_658 = arith.index_cast %add3A_650 : i32 to index
        %swap3A_659 = arith.constant 112 : index
        %swap3A_660 = tpu.vector_load %arg6[%swap3A_658, %swap3A_659] {strides = array<i32>} : memref<128x128xf32, #tpu.memory_space<vmem>>, vector<1x16xf32>,
        %swap3A_661 = vector.shape_cast %swap3A_660 : vector<1x16xf32> to vector<16xf32>
        %swap3A_662 = vector.shape_cast %mul3A_657 : vector<16xf32> to vector<1x16xf32>
        tpu.vector_store %arg6[%swap3A_658, %swap3A_659], %swap3A_662 {strides = array<i32>} : memref<128x128xf32, #tpu.memory_space<vmem>>, vector<1x16xf32>,
        %mul3A_663 = arith.constant 2 : i32
        %mul3A_664 = arith.muli %scan3A_536, %mul3A_663 : i32
        %add3A_665 = arith.constant 1 : i32
        %add3A_666 = arith.addi %mul3A_664, %add3A_665 : i32
        %get3A_667 = arith.index_cast %add3A_666 : i32 to index
        %get3A_668 = arith.constant 0 : index
        %get3A_669 = tpu.vector_load %arg6[%get3A_667, %get3A_668] {strides = array<i32>} : memref<128x128xf32, #tpu.memory_space<vmem>>, vector<1x16xf32>,
        %get3A_670 = vector.shape_cast %get3A_669 : vector<1x16xf32> to vector<16xf32>
        %mul3A_671 = arith.constant 11.3137083 : f32
        %mul3A_672 = vector.broadcast %mul3A_671 : f32 to vector<16xf32>
        %mul3A_673 = arith.mulf %get3A_670, %mul3A_672 : vector<16xf32>
        %swap3A_674 = arith.index_cast %add3A_666 : i32 to index
        %swap3A_675 = arith.constant 0 : index
        %swap3A_676 = tpu.vector_load %arg6[%swap3A_674, %swap3A_675] {strides = array<i32>} : memref<128x128xf32, #tpu.memory_space<vmem>>, vector<1x16xf32>,
        %swap3A_677 = vector.shape_cast %swap3A_676 : vector<1x16xf32> to vector<16xf32>
        %swap3A_678 = vector.shape_cast %mul3A_673 : vector<16xf32> to vector<1x16xf32>
        tpu.vector_store %arg6[%swap3A_674, %swap3A_675], %swap3A_678 {strides = array<i32>} : memref<128x128xf32, #tpu.memory_space<vmem>>, vector<1x16xf32>,
        %mul3A_679 = arith.constant 2 : i32
        %mul3A_680 = arith.muli %scan3A_536, %mul3A_679 : i32
        %add3A_681 = arith.constant 1 : i32
        %add3A_682 = arith.addi %mul3A_680, %add3A_681 : i32
        %get3A_683 = arith.index_cast %add3A_682 : i32 to index
        %get3A_684 = arith.constant 16 : index
        %get3A_685 = tpu.vector_load %arg6[%get3A_683, %get3A_684] {strides = array<i32>} : memref<128x128xf32, #tpu.memory_space<vmem>>, vector<1x16xf32>,
        %get3A_686 = vector.shape_cast %get3A_685 : vector<1x16xf32> to vector<16xf32>
        %mul3A_687 = arith.constant 11.3137083 : f32
        %mul3A_688 = vector.broadcast %mul3A_687 : f32 to vector<16xf32>
        %mul3A_689 = arith.mulf %get3A_686, %mul3A_688 : vector<16xf32>
        %swap3A_690 = arith.index_cast %add3A_682 : i32 to index
        %swap3A_691 = arith.constant 16 : index
        %swap3A_692 = tpu.vector_load %arg6[%swap3A_690, %swap3A_691] {strides = array<i32>} : memref<128x128xf32, #tpu.memory_space<vmem>>, vector<1x16xf32>,
        %swap3A_693 = vector.shape_cast %swap3A_692 : vector<1x16xf32> to vector<16xf32>
        %swap3A_694 = vector.shape_cast %mul3A_689 : vector<16xf32> to vector<1x16xf32>
        tpu.vector_store %arg6[%swap3A_690, %swap3A_691], %swap3A_694 {strides = array<i32>} : memref<128x128xf32, #tpu.memory_space<vmem>>, vector<1x16xf32>,
        %mul3A_695 = arith.constant 2 : i32
        %mul3A_696 = arith.muli %scan3A_536, %mul3A_695 : i32
        %add3A_697 = arith.constant 1 : i32
        %add3A_698 = arith.addi %mul3A_696, %add3A_697 : i32
        %get3A_699 = arith.index_cast %add3A_698 : i32 to index
        %get3A_700 = arith.constant 32 : index
        %get3A_701 = tpu.vector_load %arg6[%get3A_699, %get3A_700] {strides = array<i32>} : memref<128x128xf32, #tpu.memory_space<vmem>>, vector<1x16xf32>,
        %get3A_702 = vector.shape_cast %get3A_701 : vector<1x16xf32> to vector<16xf32>
        %mul3A_703 = arith.constant 11.3137083 : f32
        %mul3A_704 = vector.broadcast %mul3A_703 : f32 to vector<16xf32>
        %mul3A_705 = arith.mulf %get3A_702, %mul3A_704 : vector<16xf32>
        %swap3A_706 = arith.index_cast %add3A_698 : i32 to index
        %swap3A_707 = arith.constant 32 : index
        %swap3A_708 = tpu.vector_load %arg6[%swap3A_706, %swap3A_707] {strides = array<i32>} : memref<128x128xf32, #tpu.memory_space<vmem>>, vector<1x16xf32>,
        %swap3A_709 = vector.shape_cast %swap3A_708 : vector<1x16xf32> to vector<16xf32>
        %swap3A_710 = vector.shape_cast %mul3A_705 : vector<16xf32> to vector<1x16xf32>
        tpu.vector_store %arg6[%swap3A_706, %swap3A_707], %swap3A_710 {strides = array<i32>} : memref<128x128xf32, #tpu.memory_space<vmem>>, vector<1x16xf32>,
        %mul3A_711 = arith.constant 2 : i32
        %mul3A_712 = arith.muli %scan3A_536, %mul3A_711 : i32
        %add3A_713 = arith.constant 1 : i32
        %add3A_714 = arith.addi %mul3A_712, %add3A_713 : i32
        %get3A_715 = arith.index_cast %add3A_714 : i32 to index
        %get3A_716 = arith.constant 48 : index
        %get3A_717 = tpu.vector_load %arg6[%get3A_715, %get3A_716] {strides = array<i32>} : memref<128x128xf32, #tpu.memory_space<vmem>>, vector<1x16xf32>,
        %get3A_718 = vector.shape_cast %get3A_717 : vector<1x16xf32> to vector<16xf32>
        %mul3A_719 = arith.constant 11.3137083 : f32
        %mul3A_720 = vector.broadcast %mul3A_719 : f32 to vector<16xf32>
        %mul3A_721 = arith.mulf %get3A_718, %mul3A_720 : vector<16xf32>
        %swap3A_722 = arith.index_cast %add3A_714 : i32 to index
        %swap3A_723 = arith.constant 48 : index
        %swap3A_724 = tpu.vector_load %arg6[%swap3A_722, %swap3A_723] {strides = array<i32>} : memref<128x128xf32, #tpu.memory_space<vmem>>, vector<1x16xf32>,
        %swap3A_725 = vector.shape_cast %swap3A_724 : vector<1x16xf32> to vector<16xf32>
        %swap3A_726 = vector.shape_cast %mul3A_721 : vector<16xf32> to vector<1x16xf32>
        tpu.vector_store %arg6[%swap3A_722, %swap3A_723], %swap3A_726 {strides = array<i32>} : memref<128x128xf32, #tpu.memory_space<vmem>>, vector<1x16xf32>,
        %mul3A_727 = arith.constant 2 : i32
        %mul3A_728 = arith.muli %scan3A_536, %mul3A_727 : i32
        %add3A_729 = arith.constant 1 : i32
        %add3A_730 = arith.addi %mul3A_728, %add3A_729 : i32
        %get3A_731 = arith.index_cast %add3A_730 : i32 to index
        %get3A_732 = arith.constant 64 : index
        %get3A_733 = tpu.vector_load %arg6[%get3A_731, %get3A_732] {strides = array<i32>} : memref<128x128xf32, #tpu.memory_space<vmem>>, vector<1x16xf32>,
        %get3A_734 = vector.shape_cast %get3A_733 : vector<1x16xf32> to vector<16xf32>
        %mul3A_735 = arith.constant 11.3137083 : f32
        %mul3A_736 = vector.broadcast %mul3A_735 : f32 to vector<16xf32>
        %mul3A_737 = arith.mulf %get3A_734, %mul3A_736 : vector<16xf32>
        %swap3A_738 = arith.index_cast %add3A_730 : i32 to index
        %swap3A_739 = arith.constant 64 : index
        %swap3A_740 = tpu.vector_load %arg6[%swap3A_738, %swap3A_739] {strides = array<i32>} : memref<128x128xf32, #tpu.memory_space<vmem>>, vector<1x16xf32>,
        %swap3A_741 = vector.shape_cast %swap3A_740 : vector<1x16xf32> to vector<16xf32>
        %swap3A_742 = vector.shape_cast %mul3A_737 : vector<16xf32> to vector<1x16xf32>
        tpu.vector_store %arg6[%swap3A_738, %swap3A_739], %swap3A_742 {strides = array<i32>} : memref<128x128xf32, #tpu.memory_space<vmem>>, vector<1x16xf32>,
        %mul3A_743 = arith.constant 2 : i32
        %mul3A_744 = arith.muli %scan3A_536, %mul3A_743 : i32
        %add3A_745 = arith.constant 1 : i32
        %add3A_746 = arith.addi %mul3A_744, %add3A_745 : i32
        %get3A_747 = arith.index_cast %add3A_746 : i32 to index
        %get3A_748 = arith.constant 80 : index
        %get3A_749 = tpu.vector_load %arg6[%get3A_747, %get3A_748] {strides = array<i32>} : memref<128x128xf32, #tpu.memory_space<vmem>>, vector<1x16xf32>,
        %get3A_750 = vector.shape_cast %get3A_749 : vector<1x16xf32> to vector<16xf32>
        %mul3A_751 = arith.constant 11.3137083 : f32
        %mul3A_752 = vector.broadcast %mul3A_751 : f32 to vector<16xf32>
        %mul3A_753 = arith.mulf %get3A_750, %mul3A_752 : vector<16xf32>
        %swap3A_754 = arith.index_cast %add3A_746 : i32 to index
        %swap3A_755 = arith.constant 80 : index
        %swap3A_756 = tpu.vector_load %arg6[%swap3A_754, %swap3A_755] {strides = array<i32>} : memref<128x128xf32, #tpu.memory_space<vmem>>, vector<1x16xf32>,
        %swap3A_757 = vector.shape_cast %swap3A_756 : vector<1x16xf32> to vector<16xf32>
        %swap3A_758 = vector.shape_cast %mul3A_753 : vector<16xf32> to vector<1x16xf32>
        tpu.vector_store %arg6[%swap3A_754, %swap3A_755], %swap3A_758 {strides = array<i32>} : memref<128x128xf32, #tpu.memory_space<vmem>>, vector<1x16xf32>,
        %mul3A_759 = arith.constant 2 : i32
        %mul3A_760 = arith.muli %scan3A_536, %mul3A_759 : i32
        %add3A_761 = arith.constant 1 : i32
        %add3A_762 = arith.addi %mul3A_760, %add3A_761 : i32
        %get3A_763 = arith.index_cast %add3A_762 : i32 to index
        %get3A_764 = arith.constant 96 : index
        %get3A_765 = tpu.vector_load %arg6[%get3A_763, %get3A_764] {strides = array<i32>} : memref<128x128xf32, #tpu.memory_space<vmem>>, vector<1x16xf32>,
        %get3A_766 = vector.shape_cast %get3A_765 : vector<1x16xf32> to vector<16xf32>
        %mul3A_767 = arith.constant 11.3137083 : f32
        %mul3A_768 = vector.broadcast %mul3A_767 : f32 to vector<16xf32>
        %mul3A_769 = arith.mulf %get3A_766, %mul3A_768 : vector<16xf32>
        %swap3A_770 = arith.index_cast %add3A_762 : i32 to index
        %swap3A_771 = arith.constant 96 : index
        %swap3A_772 = tpu.vector_load %arg6[%swap3A_770, %swap3A_771] {strides = array<i32>} : memref<128x128xf32, #tpu.memory_space<vmem>>, vector<1x16xf32>,
        %swap3A_773 = vector.shape_cast %swap3A_772 : vector<1x16xf32> to vector<16xf32>
        %swap3A_774 = vector.shape_cast %mul3A_769 : vector<16xf32> to vector<1x16xf32>
        tpu.vector_store %arg6[%swap3A_770, %swap3A_771], %swap3A_774 {strides = array<i32>} : memref<128x128xf32, #tpu.memory_space<vmem>>, vector<1x16xf32>,
        %mul3A_775 = arith.constant 2 : i32
        %mul3A_776 = arith.muli %scan3A_536, %mul3A_775 : i32
        %add3A_777 = arith.constant 1 : i32
        %add3A_778 = arith.addi %mul3A_776, %add3A_777 : i32
        %get3A_779 = arith.index_cast %add3A_778 : i32 to index
        %get3A_780 = arith.constant 112 : index
        %get3A_781 = tpu.vector_load %arg6[%get3A_779, %get3A_780] {strides = array<i32>} : memref<128x128xf32, #tpu.memory_space<vmem>>, vector<1x16xf32>,
        %get3A_782 = vector.shape_cast %get3A_781 : vector<1x16xf32> to vector<16xf32>
        %mul3A_783 = arith.constant 11.3137083 : f32
        %mul3A_784 = vector.broadcast %mul3A_783 : f32 to vector<16xf32>
        %mul3A_785 = arith.mulf %get3A_782, %mul3A_784 : vector<16xf32>
        %swap3A_786 = arith.index_cast %add3A_778 : i32 to index
        %swap3A_787 = arith.constant 112 : index
        %swap3A_788 = tpu.vector_load %arg6[%swap3A_786, %swap3A_787] {strides = array<i32>} : memref<128x128xf32, #tpu.memory_space<vmem>>, vector<1x16xf32>,
        %swap3A_789 = vector.shape_cast %swap3A_788 : vector<1x16xf32> to vector<16xf32>
        %swap3A_790 = vector.shape_cast %mul3A_785 : vector<16xf32> to vector<1x16xf32>
        tpu.vector_store %arg6[%swap3A_786, %swap3A_787], %swap3A_790 {strides = array<i32>} : memref<128x128xf32, #tpu.memory_space<vmem>>, vector<1x16xf32>,
      }
      %scan3A_342 = arith.constant 64 : i32
      %mul3A_343 = arith.constant 128 : i32
      %mul3A_344 = arith.muli %add3A_330, %mul3A_343 : i32
      %add3A_345 = arith.addi %mul3A_2, %mul3A_344 : i32
      %dma_start3A_346 = arith.constant 0 : i32
      %dma_start3A_347 = tpu.memref_slice %arg4[%add3A_345, %dma_start3A_346] : memref<819200x128xf32, #tpu.memory_space<hbm>> -> memref<128x128xf32, #tpu.memory_space<hbm>>
      %dma_start3A_348 = arith.constant 0 : i32
      %dma_start3A_349 = tpu.memref_slice %arg4[%add3A_345, %dma_start3A_348] : memref<819200x128xf32, #tpu.memory_space<hbm>> -> memref<128x128xf32, #tpu.memory_space<hbm>>
      tpu.enqueue_dma source(%arg6 : memref<128x128xf32, #tpu.memory_space<vmem>>) target(%dma_start3A_349 : memref<128x128xf32, #tpu.memory_space<hbm>>) target_semaphore(%arg16 : memref<!tpu.dma_semaphore, #tpu.memory_space<semaphore_mem>>)
      %add3A_350 = arith.constant 3 : i32
      %add3A_351 = arith.addi %add3A_330, %add3A_350 : i32
      %sub3A = arith.constant 5 : i32
      %sub3A_352 = arith.subi %add3A_351, %sub3A : i32
      %mul3A_353 = arith.constant 128 : i32
      %mul3A_354 = arith.muli %sub3A_352, %mul3A_353 : i32
      %add3A_355 = arith.addi %mul3A_2, %mul3A_354 : i32
      %dma_wait3A_356 = arith.constant 0 : i32
      %dma_wait3A_357 = tpu.memref_slice %arg4[%add3A_355, %dma_wait3A_356] : memref<819200x128xf32, #tpu.memory_space<hbm>> -> memref<128x128xf32, #tpu.memory_space<hbm>>
      %dma_wait3A_358 = arith.constant 0 : i32
      %dma_wait3A_359 = tpu.memref_slice %arg4[%add3A_355, %dma_wait3A_358] : memref<819200x128xf32, #tpu.memory_space<hbm>> -> memref<128x128xf32, #tpu.memory_space<hbm>>
      tpu.wait_dma2 semaphore(%arg19 : memref<!tpu.dma_semaphore, #tpu.memory_space<semaphore_mem>>) src(%arg9 : memref<128x128xf32, #tpu.memory_space<vmem>>) dst(%dma_wait3A_359 : memref<128x128xf32, #tpu.memory_space<hbm>>)
      %add3A_360 = arith.constant 3 : i32
      %add3A_361 = arith.addi %add3A_330, %add3A_360 : i32
      %dma_start3A_362 = arith.constant 0 : i32
      %dma_start3A_363 = tpu.memref_slice %arg5[%add3A_361, %dma_start3A_362] : memref<200x128xi32, #tpu.memory_space<vmem>> -> memref<1x128xi32, #tpu.memory_space<vmem>>
      %dma_start3A_364 = tpu.memref_squeeze %dma_start3A_363 : memref<1x128xi32, #tpu.memory_space<vmem>> -> memref<128xi32, #tpu.memory_space<vmem>>
      %dma_start3A_365 = arith.constant 0 : i32
      %dma_start3A_366 = arith.constant 0 : i32
      %dma_start3A_367 = tpu.memref_slice %arg3[%dma_start3A_365, %dma_start3A_366] : memref<100000x128xf32, #tpu.memory_space<hbm>> -> memref<100000x128xf32, #tpu.memory_space<hbm>>
      tpu.enqueue_indirect_dma source(%dma_start3A_367 : memref<100000x128xf32, #tpu.memory_space<hbm>>) target(%arg9 : memref<128x128xf32, #tpu.memory_space<vmem>>) offsets(%dma_start3A_364 : memref<128xi32, #tpu.memory_space<vmem>>) semaphore(%arg14 : memref<!tpu.dma_semaphore, #tpu.memory_space<semaphore_mem>>)
      %mul3A_368 = arith.constant 5 : i32
      %mul3A_369 = arith.muli %scan3A_326, %mul3A_368 : i32
      %add3A_370 = arith.constant 1 : i32
      %add3A_371 = arith.addi %mul3A_369, %add3A_370 : i32
      %dma_wait3A_372 = arith.constant 0 : i32
      %dma_wait3A_373 = tpu.memref_slice %arg5[%add3A_371, %dma_wait3A_372] : memref<200x128xi32, #tpu.memory_space<vmem>> -> memref<1x128xi32, #tpu.memory_space<vmem>>
      %dma_wait3A_374 = tpu.memref_squeeze %dma_wait3A_373 : memref<1x128xi32, #tpu.memory_space<vmem>> -> memref<128xi32, #tpu.memory_space<vmem>>
      %dma_wait3A_375 = arith.constant 0 : i32
      %dma_wait3A_376 = arith.constant 0 : i32
      %dma_wait3A_377 = tpu.memref_slice %arg3[%dma_wait3A_375, %dma_wait3A_376] : memref<100000x128xf32, #tpu.memory_space<hbm>> -> memref<100000x128xf32, #tpu.memory_space<hbm>>
      tpu.wait_indirect_dma semaphore(%arg12 : memref<!tpu.dma_semaphore, #tpu.memory_space<semaphore_mem>>) src(%dma_wait3A_377 : memref<100000x128xf32, #tpu.memory_space<hbm>>) dst(%arg7 : memref<128x128xf32, #tpu.memory_space<vmem>>)
      %scan3A_378 = arith.constant 0 : i32
      %scan3A_379 = arith.constant 0 : i32
      %scan3A_380 = arith.constant 64 : i32
      %scan3A_381 = arith.addi %scan3A_379, %scan3A_380 : i32
      %scan3A_382 = arith.constant 1 : i32
      scf.for %scan3A_536 = %scan3A_379 to %scan3A_381 step %scan3A_382  : i32 {
        %mul3A_537 = arith.constant 2 : i32
        %mul3A_538 = arith.muli %scan3A_536, %mul3A_537 : i32
        %add3A_539 = arith.constant 0 : i32
        %add3A_540 = arith.addi %mul3A_538, %add3A_539 : i32
        %get3A = arith.index_cast %add3A_540 : i32 to index
        %get3A_541 = arith.constant 0 : index
        %get3A_542 = tpu.vector_load %arg7[%get3A, %get3A_541] {strides = array<i32>} : memref<128x128xf32, #tpu.memory_space<vmem>>, vector<1x16xf32>,
        %get3A_543 = vector.shape_cast %get3A_542 : vector<1x16xf32> to vector<16xf32>
        %mul3A_544 = arith.constant 11.3137083 : f32
        %mul3A_545 = vector.broadcast %mul3A_544 : f32 to vector<16xf32>
        %mul3A_546 = arith.mulf %get3A_543, %mul3A_545 : vector<16xf32>
        %swap3A = arith.index_cast %add3A_540 : i32 to index
        %swap3A_547 = arith.constant 0 : index
        %swap3A_548 = tpu.vector_load %arg7[%swap3A, %swap3A_547] {strides = array<i32>} : memref<128x128xf32, #tpu.memory_space<vmem>>, vector<1x16xf32>,
        %swap3A_549 = vector.shape_cast %swap3A_548 : vector<1x16xf32> to vector<16xf32>
        %swap3A_550 = vector.shape_cast %mul3A_546 : vector<16xf32> to vector<1x16xf32>
        tpu.vector_store %arg7[%swap3A, %swap3A_547], %swap3A_550 {strides = array<i32>} : memref<128x128xf32, #tpu.memory_space<vmem>>, vector<1x16xf32>,
        %mul3A_551 = arith.constant 2 : i32
        %mul3A_552 = arith.muli %scan3A_536, %mul3A_551 : i32
        %add3A_553 = arith.constant 0 : i32
        %add3A_554 = arith.addi %mul3A_552, %add3A_553 : i32
        %get3A_555 = arith.index_cast %add3A_554 : i32 to index
        %get3A_556 = arith.constant 16 : index
        %get3A_557 = tpu.vector_load %arg7[%get3A_555, %get3A_556] {strides = array<i32>} : memref<128x128xf32, #tpu.memory_space<vmem>>, vector<1x16xf32>,
        %get3A_558 = vector.shape_cast %get3A_557 : vector<1x16xf32> to vector<16xf32>
        %mul3A_559 = arith.constant 11.3137083 : f32
        %mul3A_560 = vector.broadcast %mul3A_559 : f32 to vector<16xf32>
        %mul3A_561 = arith.mulf %get3A_558, %mul3A_560 : vector<16xf32>
        %swap3A_562 = arith.index_cast %add3A_554 : i32 to index
        %swap3A_563 = arith.constant 16 : index
        %swap3A_564 = tpu.vector_load %arg7[%swap3A_562, %swap3A_563] {strides = array<i32>} : memref<128x128xf32, #tpu.memory_space<vmem>>, vector<1x16xf32>,
        %swap3A_565 = vector.shape_cast %swap3A_564 : vector<1x16xf32> to vector<16xf32>
        %swap3A_566 = vector.shape_cast %mul3A_561 : vector<16xf32> to vector<1x16xf32>
        tpu.vector_store %arg7[%swap3A_562, %swap3A_563], %swap3A_566 {strides = array<i32>} : memref<128x128xf32, #tpu.memory_space<vmem>>, vector<1x16xf32>,
        %mul3A_567 = arith.constant 2 : i32
        %mul3A_568 = arith.muli %scan3A_536, %mul3A_567 : i32
        %add3A_569 = arith.constant 0 : i32
        %add3A_570 = arith.addi %mul3A_568, %add3A_569 : i32
        %get3A_571 = arith.index_cast %add3A_570 : i32 to index
        %get3A_572 = arith.constant 32 : index
        %get3A_573 = tpu.vector_load %arg7[%get3A_571, %get3A_572] {strides = array<i32>} : memref<128x128xf32, #tpu.memory_space<vmem>>, vector<1x16xf32>,
        %get3A_574 = vector.shape_cast %get3A_573 : vector<1x16xf32> to vector<16xf32>
        %mul3A_575 = arith.constant 11.3137083 : f32
        %mul3A_576 = vector.broadcast %mul3A_575 : f32 to vector<16xf32>
        %mul3A_577 = arith.mulf %get3A_574, %mul3A_576 : vector<16xf32>
        %swap3A_578 = arith.index_cast %add3A_570 : i32 to index
        %swap3A_579 = arith.constant 32 : index
        %swap3A_580 = tpu.vector_load %arg7[%swap3A_578, %swap3A_579] {strides = array<i32>} : memref<128x128xf32, #tpu.memory_space<vmem>>, vector<1x16xf32>,
        %swap3A_581 = vector.shape_cast %swap3A_580 : vector<1x16xf32> to vector<16xf32>
        %swap3A_582 = vector.shape_cast %mul3A_577 : vector<16xf32> to vector<1x16xf32>
        tpu.vector_store %arg7[%swap3A_578, %swap3A_579], %swap3A_582 {strides = array<i32>} : memref<128x128xf32, #tpu.memory_space<vmem>>, vector<1x16xf32>,
        %mul3A_583 = arith.constant 2 : i32
        %mul3A_584 = arith.muli %scan3A_536, %mul3A_583 : i32
        %add3A_585 = arith.constant 0 : i32
        %add3A_586 = arith.addi %mul3A_584, %add3A_585 : i32
        %get3A_587 = arith.index_cast %add3A_586 : i32 to index
        %get3A_588 = arith.constant 48 : index
        %get3A_589 = tpu.vector_load %arg7[%get3A_587, %get3A_588] {strides = array<i32>} : memref<128x128xf32, #tpu.memory_space<vmem>>, vector<1x16xf32>,
        %get3A_590 = vector.shape_cast %get3A_589 : vector<1x16xf32> to vector<16xf32>
        %mul3A_591 = arith.constant 11.3137083 : f32
        %mul3A_592 = vector.broadcast %mul3A_591 : f32 to vector<16xf32>
        %mul3A_593 = arith.mulf %get3A_590, %mul3A_592 : vector<16xf32>
        %swap3A_594 = arith.index_cast %add3A_586 : i32 to index
        %swap3A_595 = arith.constant 48 : index
        %swap3A_596 = tpu.vector_load %arg7[%swap3A_594, %swap3A_595] {strides = array<i32>} : memref<128x128xf32, #tpu.memory_space<vmem>>, vector<1x16xf32>,
        %swap3A_597 = vector.shape_cast %swap3A_596 : vector<1x16xf32> to vector<16xf32>
        %swap3A_598 = vector.shape_cast %mul3A_593 : vector<16xf32> to vector<1x16xf32>
        tpu.vector_store %arg7[%swap3A_594, %swap3A_595], %swap3A_598 {strides = array<i32>} : memref<128x128xf32, #tpu.memory_space<vmem>>, vector<1x16xf32>,
        %mul3A_599 = arith.constant 2 : i32
        %mul3A_600 = arith.muli %scan3A_536, %mul3A_599 : i32
        %add3A_601 = arith.constant 0 : i32
        %add3A_602 = arith.addi %mul3A_600, %add3A_601 : i32
        %get3A_603 = arith.index_cast %add3A_602 : i32 to index
        %get3A_604 = arith.constant 64 : index
        %get3A_605 = tpu.vector_load %arg7[%get3A_603, %get3A_604] {strides = array<i32>} : memref<128x128xf32, #tpu.memory_space<vmem>>, vector<1x16xf32>,
        %get3A_606 = vector.shape_cast %get3A_605 : vector<1x16xf32> to vector<16xf32>
        %mul3A_607 = arith.constant 11.3137083 : f32
        %mul3A_608 = vector.broadcast %mul3A_607 : f32 to vector<16xf32>
        %mul3A_609 = arith.mulf %get3A_606, %mul3A_608 : vector<16xf32>
        %swap3A_610 = arith.index_cast %add3A_602 : i32 to index
        %swap3A_611 = arith.constant 64 : index
        %swap3A_612 = tpu.vector_load %arg7[%swap3A_610, %swap3A_611] {strides = array<i32>} : memref<128x128xf32, #tpu.memory_space<vmem>>, vector<1x16xf32>,
        %swap3A_613 = vector.shape_cast %swap3A_612 : vector<1x16xf32> to vector<16xf32>
        %swap3A_614 = vector.shape_cast %mul3A_609 : vector<16xf32> to vector<1x16xf32>
        tpu.vector_store %arg7[%swap3A_610, %swap3A_611], %swap3A_614 {strides = array<i32>} : memref<128x128xf32, #tpu.memory_space<vmem>>, vector<1x16xf32>,
        %mul3A_615 = arith.constant 2 : i32
        %mul3A_616 = arith.muli %scan3A_536, %mul3A_615 : i32
        %add3A_617 = arith.constant 0 : i32
        %add3A_618 = arith.addi %mul3A_616, %add3A_617 : i32
        %get3A_619 = arith.index_cast %add3A_618 : i32 to index
        %get3A_620 = arith.constant 80 : index
        %get3A_621 = tpu.vector_load %arg7[%get3A_619, %get3A_620] {strides = array<i32>} : memref<128x128xf32, #tpu.memory_space<vmem>>, vector<1x16xf32>,
        %get3A_622 = vector.shape_cast %get3A_621 : vector<1x16xf32> to vector<16xf32>
        %mul3A_623 = arith.constant 11.3137083 : f32
        %mul3A_624 = vector.broadcast %mul3A_623 : f32 to vector<16xf32>
        %mul3A_625 = arith.mulf %get3A_622, %mul3A_624 : vector<16xf32>
        %swap3A_626 = arith.index_cast %add3A_618 : i32 to index
        %swap3A_627 = arith.constant 80 : index
        %swap3A_628 = tpu.vector_load %arg7[%swap3A_626, %swap3A_627] {strides = array<i32>} : memref<128x128xf32, #tpu.memory_space<vmem>>, vector<1x16xf32>,
        %swap3A_629 = vector.shape_cast %swap3A_628 : vector<1x16xf32> to vector<16xf32>
        %swap3A_630 = vector.shape_cast %mul3A_625 : vector<16xf32> to vector<1x16xf32>
        tpu.vector_store %arg7[%swap3A_626, %swap3A_627], %swap3A_630 {strides = array<i32>} : memref<128x128xf32, #tpu.memory_space<vmem>>, vector<1x16xf32>,
        %mul3A_631 = arith.constant 2 : i32
        %mul3A_632 = arith.muli %scan3A_536, %mul3A_631 : i32
        %add3A_633 = arith.constant 0 : i32
        %add3A_634 = arith.addi %mul3A_632, %add3A_633 : i32
        %get3A_635 = arith.index_cast %add3A_634 : i32 to index
        %get3A_636 = arith.constant 96 : index
        %get3A_637 = tpu.vector_load %arg7[%get3A_635, %get3A_636] {strides = array<i32>} : memref<128x128xf32, #tpu.memory_space<vmem>>, vector<1x16xf32>,
        %get3A_638 = vector.shape_cast %get3A_637 : vector<1x16xf32> to vector<16xf32>
        %mul3A_639 = arith.constant 11.3137083 : f32
        %mul3A_640 = vector.broadcast %mul3A_639 : f32 to vector<16xf32>
        %mul3A_641 = arith.mulf %get3A_638, %mul3A_640 : vector<16xf32>
        %swap3A_642 = arith.index_cast %add3A_634 : i32 to index
        %swap3A_643 = arith.constant 96 : index
        %swap3A_644 = tpu.vector_load %arg7[%swap3A_642, %swap3A_643] {strides = array<i32>} : memref<128x128xf32, #tpu.memory_space<vmem>>, vector<1x16xf32>,
        %swap3A_645 = vector.shape_cast %swap3A_644 : vector<1x16xf32> to vector<16xf32>
        %swap3A_646 = vector.shape_cast %mul3A_641 : vector<16xf32> to vector<1x16xf32>
        tpu.vector_store %arg7[%swap3A_642, %swap3A_643], %swap3A_646 {strides = array<i32>} : memref<128x128xf32, #tpu.memory_space<vmem>>, vector<1x16xf32>,
        %mul3A_647 = arith.constant 2 : i32
        %mul3A_648 = arith.muli %scan3A_536, %mul3A_647 : i32
        %add3A_649 = arith.constant 0 : i32
        %add3A_650 = arith.addi %mul3A_648, %add3A_649 : i32
        %get3A_651 = arith.index_cast %add3A_650 : i32 to index
        %get3A_652 = arith.constant 112 : index
        %get3A_653 = tpu.vector_load %arg7[%get3A_651, %get3A_652] {strides = array<i32>} : memref<128x128xf32, #tpu.memory_space<vmem>>, vector<1x16xf32>,
        %get3A_654 = vector.shape_cast %get3A_653 : vector<1x16xf32> to vector<16xf32>
        %mul3A_655 = arith.constant 11.3137083 : f32
        %mul3A_656 = vector.broadcast %mul3A_655 : f32 to vector<16xf32>
        %mul3A_657 = arith.mulf %get3A_654, %mul3A_656 : vector<16xf32>
        %swap3A_658 = arith.index_cast %add3A_650 : i32 to index
        %swap3A_659 = arith.constant 112 : index
        %swap3A_660 = tpu.vector_load %arg7[%swap3A_658, %swap3A_659] {strides = array<i32>} : memref<128x128xf32, #tpu.memory_space<vmem>>, vector<1x16xf32>,
        %swap3A_661 = vector.shape_cast %swap3A_660 : vector<1x16xf32> to vector<16xf32>
        %swap3A_662 = vector.shape_cast %mul3A_657 : vector<16xf32> to vector<1x16xf32>
        tpu.vector_store %arg7[%swap3A_658, %swap3A_659], %swap3A_662 {strides = array<i32>} : memref<128x128xf32, #tpu.memory_space<vmem>>, vector<1x16xf32>,
        %mul3A_663 = arith.constant 2 : i32
        %mul3A_664 = arith.muli %scan3A_536, %mul3A_663 : i32
        %add3A_665 = arith.constant 1 : i32
        %add3A_666 = arith.addi %mul3A_664, %add3A_665 : i32
        %get3A_667 = arith.index_cast %add3A_666 : i32 to index
        %get3A_668 = arith.constant 0 : index
        %get3A_669 = tpu.vector_load %arg7[%get3A_667, %get3A_668] {strides = array<i32>} : memref<128x128xf32, #tpu.memory_space<vmem>>, vector<1x16xf32>,
        %get3A_670 = vector.shape_cast %get3A_669 : vector<1x16xf32> to vector<16xf32>
        %mul3A_671 = arith.constant 11.3137083 : f32
        %mul3A_672 = vector.broadcast %mul3A_671 : f32 to vector<16xf32>
        %mul3A_673 = arith.mulf %get3A_670, %mul3A_672 : vector<16xf32>
        %swap3A_674 = arith.index_cast %add3A_666 : i32 to index
        %swap3A_675 = arith.constant 0 : index
        %swap3A_676 = tpu.vector_load %arg7[%swap3A_674, %swap3A_675] {strides = array<i32>} : memref<128x128xf32, #tpu.memory_space<vmem>>, vector<1x16xf32>,
        %swap3A_677 = vector.shape_cast %swap3A_676 : vector<1x16xf32> to vector<16xf32>
        %swap3A_678 = vector.shape_cast %mul3A_673 : vector<16xf32> to vector<1x16xf32>
        tpu.vector_store %arg7[%swap3A_674, %swap3A_675], %swap3A_678 {strides = array<i32>} : memref<128x128xf32, #tpu.memory_space<vmem>>, vector<1x16xf32>,
        %mul3A_679 = arith.constant 2 : i32
        %mul3A_680 = arith.muli %scan3A_536, %mul3A_679 : i32
        %add3A_681 = arith.constant 1 : i32
        %add3A_682 = arith.addi %mul3A_680, %add3A_681 : i32
        %get3A_683 = arith.index_cast %add3A_682 : i32 to index
        %get3A_684 = arith.constant 16 : index
        %get3A_685 = tpu.vector_load %arg7[%get3A_683, %get3A_684] {strides = array<i32>} : memref<128x128xf32, #tpu.memory_space<vmem>>, vector<1x16xf32>,
        %get3A_686 = vector.shape_cast %get3A_685 : vector<1x16xf32> to vector<16xf32>
        %mul3A_687 = arith.constant 11.3137083 : f32
        %mul3A_688 = vector.broadcast %mul3A_687 : f32 to vector<16xf32>
        %mul3A_689 = arith.mulf %get3A_686, %mul3A_688 : vector<16xf32>
        %swap3A_690 = arith.index_cast %add3A_682 : i32 to index
        %swap3A_691 = arith.constant 16 : index
        %swap3A_692 = tpu.vector_load %arg7[%swap3A_690, %swap3A_691] {strides = array<i32>} : memref<128x128xf32, #tpu.memory_space<vmem>>, vector<1x16xf32>,
        %swap3A_693 = vector.shape_cast %swap3A_692 : vector<1x16xf32> to vector<16xf32>
        %swap3A_694 = vector.shape_cast %mul3A_689 : vector<16xf32> to vector<1x16xf32>
        tpu.vector_store %arg7[%swap3A_690, %swap3A_691], %swap3A_694 {strides = array<i32>} : memref<128x128xf32, #tpu.memory_space<vmem>>, vector<1x16xf32>,
        %mul3A_695 = arith.constant 2 : i32
        %mul3A_696 = arith.muli %scan3A_536, %mul3A_695 : i32
        %add3A_697 = arith.constant 1 : i32
        %add3A_698 = arith.addi %mul3A_696, %add3A_697 : i32
        %get3A_699 = arith.index_cast %add3A_698 : i32 to index
        %get3A_700 = arith.constant 32 : index
        %get3A_701 = tpu.vector_load %arg7[%get3A_699, %get3A_700] {strides = array<i32>} : memref<128x128xf32, #tpu.memory_space<vmem>>, vector<1x16xf32>,
        %get3A_702 = vector.shape_cast %get3A_701 : vector<1x16xf32> to vector<16xf32>
        %mul3A_703 = arith.constant 11.3137083 : f32
        %mul3A_704 = vector.broadcast %mul3A_703 : f32 to vector<16xf32>
        %mul3A_705 = arith.mulf %get3A_702, %mul3A_704 : vector<16xf32>
        %swap3A_706 = arith.index_cast %add3A_698 : i32 to index
        %swap3A_707 = arith.constant 32 : index
        %swap3A_708 = tpu.vector_load %arg7[%swap3A_706, %swap3A_707] {strides = array<i32>} : memref<128x128xf32, #tpu.memory_space<vmem>>, vector<1x16xf32>,
        %swap3A_709 = vector.shape_cast %swap3A_708 : vector<1x16xf32> to vector<16xf32>
        %swap3A_710 = vector.shape_cast %mul3A_705 : vector<16xf32> to vector<1x16xf32>
        tpu.vector_store %arg7[%swap3A_706, %swap3A_707], %swap3A_710 {strides = array<i32>} : memref<128x128xf32, #tpu.memory_space<vmem>>, vector<1x16xf32>,
        %mul3A_711 = arith.constant 2 : i32
        %mul3A_712 = arith.muli %scan3A_536, %mul3A_711 : i32
        %add3A_713 = arith.constant 1 : i32
        %add3A_714 = arith.addi %mul3A_712, %add3A_713 : i32
        %get3A_715 = arith.index_cast %add3A_714 : i32 to index
        %get3A_716 = arith.constant 48 : index
        %get3A_717 = tpu.vector_load %arg7[%get3A_715, %get3A_716] {strides = array<i32>} : memref<128x128xf32, #tpu.memory_space<vmem>>, vector<1x16xf32>,
        %get3A_718 = vector.shape_cast %get3A_717 : vector<1x16xf32> to vector<16xf32>
        %mul3A_719 = arith.constant 11.3137083 : f32
        %mul3A_720 = vector.broadcast %mul3A_719 : f32 to vector<16xf32>
        %mul3A_721 = arith.mulf %get3A_718, %mul3A_720 : vector<16xf32>
        %swap3A_722 = arith.index_cast %add3A_714 : i32 to index
        %swap3A_723 = arith.constant 48 : index
        %swap3A_724 = tpu.vector_load %arg7[%swap3A_722, %swap3A_723] {strides = array<i32>} : memref<128x128xf32, #tpu.memory_space<vmem>>, vector<1x16xf32>,
        %swap3A_725 = vector.shape_cast %swap3A_724 : vector<1x16xf32> to vector<16xf32>
        %swap3A_726 = vector.shape_cast %mul3A_721 : vector<16xf32> to vector<1x16xf32>
        tpu.vector_store %arg7[%swap3A_722, %swap3A_723], %swap3A_726 {strides = array<i32>} : memref<128x128xf32, #tpu.memory_space<vmem>>, vector<1x16xf32>,
        %mul3A_727 = arith.constant 2 : i32
        %mul3A_728 = arith.muli %scan3A_536, %mul3A_727 : i32
        %add3A_729 = arith.constant 1 : i32
        %add3A_730 = arith.addi %mul3A_728, %add3A_729 : i32
        %get3A_731 = arith.index_cast %add3A_730 : i32 to index
        %get3A_732 = arith.constant 64 : index
        %get3A_733 = tpu.vector_load %arg7[%get3A_731, %get3A_732] {strides = array<i32>} : memref<128x128xf32, #tpu.memory_space<vmem>>, vector<1x16xf32>,
        %get3A_734 = vector.shape_cast %get3A_733 : vector<1x16xf32> to vector<16xf32>
        %mul3A_735 = arith.constant 11.3137083 : f32
        %mul3A_736 = vector.broadcast %mul3A_735 : f32 to vector<16xf32>
        %mul3A_737 = arith.mulf %get3A_734, %mul3A_736 : vector<16xf32>
        %swap3A_738 = arith.index_cast %add3A_730 : i32 to index
        %swap3A_739 = arith.constant 64 : index
        %swap3A_740 = tpu.vector_load %arg7[%swap3A_738, %swap3A_739] {strides = array<i32>} : memref<128x128xf32, #tpu.memory_space<vmem>>, vector<1x16xf32>,
        %swap3A_741 = vector.shape_cast %swap3A_740 : vector<1x16xf32> to vector<16xf32>
        %swap3A_742 = vector.shape_cast %mul3A_737 : vector<16xf32> to vector<1x16xf32>
        tpu.vector_store %arg7[%swap3A_738, %swap3A_739], %swap3A_742 {strides = array<i32>} : memref<128x128xf32, #tpu.memory_space<vmem>>, vector<1x16xf32>,
        %mul3A_743 = arith.constant 2 : i32
        %mul3A_744 = arith.muli %scan3A_536, %mul3A_743 : i32
        %add3A_745 = arith.constant 1 : i32
        %add3A_746 = arith.addi %mul3A_744, %add3A_745 : i32
        %get3A_747 = arith.index_cast %add3A_746 : i32 to index
        %get3A_748 = arith.constant 80 : index
        %get3A_749 = tpu.vector_load %arg7[%get3A_747, %get3A_748] {strides = array<i32>} : memref<128x128xf32, #tpu.memory_space<vmem>>, vector<1x16xf32>,
        %get3A_750 = vector.shape_cast %get3A_749 : vector<1x16xf32> to vector<16xf32>
        %mul3A_751 = arith.constant 11.3137083 : f32
        %mul3A_752 = vector.broadcast %mul3A_751 : f32 to vector<16xf32>
        %mul3A_753 = arith.mulf %get3A_750, %mul3A_752 : vector<16xf32>
        %swap3A_754 = arith.index_cast %add3A_746 : i32 to index
        %swap3A_755 = arith.constant 80 : index
        %swap3A_756 = tpu.vector_load %arg7[%swap3A_754, %swap3A_755] {strides = array<i32>} : memref<128x128xf32, #tpu.memory_space<vmem>>, vector<1x16xf32>,
        %swap3A_757 = vector.shape_cast %swap3A_756 : vector<1x16xf32> to vector<16xf32>
        %swap3A_758 = vector.shape_cast %mul3A_753 : vector<16xf32> to vector<1x16xf32>
        tpu.vector_store %arg7[%swap3A_754, %swap3A_755], %swap3A_758 {strides = array<i32>} : memref<128x128xf32, #tpu.memory_space<vmem>>, vector<1x16xf32>,
        %mul3A_759 = arith.constant 2 : i32
        %mul3A_760 = arith.muli %scan3A_536, %mul3A_759 : i32
        %add3A_761 = arith.constant 1 : i32
        %add3A_762 = arith.addi %mul3A_760, %add3A_761 : i32
        %get3A_763 = arith.index_cast %add3A_762 : i32 to index
        %get3A_764 = arith.constant 96 : index
        %get3A_765 = tpu.vector_load %arg7[%get3A_763, %get3A_764] {strides = array<i32>} : memref<128x128xf32, #tpu.memory_space<vmem>>, vector<1x16xf32>,
        %get3A_766 = vector.shape_cast %get3A_765 : vector<1x16xf32> to vector<16xf32>
        %mul3A_767 = arith.constant 11.3137083 : f32
        %mul3A_768 = vector.broadcast %mul3A_767 : f32 to vector<16xf32>
        %mul3A_769 = arith.mulf %get3A_766, %mul3A_768 : vector<16xf32>
        %swap3A_770 = arith.index_cast %add3A_762 : i32 to index
        %swap3A_771 = arith.constant 96 : index
        %swap3A_772 = tpu.vector_load %arg7[%swap3A_770, %swap3A_771] {strides = array<i32>} : memref<128x128xf32, #tpu.memory_space<vmem>>, vector<1x16xf32>,
        %swap3A_773 = vector.shape_cast %swap3A_772 : vector<1x16xf32> to vector<16xf32>
        %swap3A_774 = vector.shape_cast %mul3A_769 : vector<16xf32> to vector<1x16xf32>
        tpu.vector_store %arg7[%swap3A_770, %swap3A_771], %swap3A_774 {strides = array<i32>} : memref<128x128xf32, #tpu.memory_space<vmem>>, vector<1x16xf32>,
        %mul3A_775 = arith.constant 2 : i32
        %mul3A_776 = arith.muli %scan3A_536, %mul3A_775 : i32
        %add3A_777 = arith.constant 1 : i32
        %add3A_778 = arith.addi %mul3A_776, %add3A_777 : i32
        %get3A_779 = arith.index_cast %add3A_778 : i32 to index
        %get3A_780 = arith.constant 112 : index
        %get3A_781 = tpu.vector_load %arg7[%get3A_779, %get3A_780] {strides = array<i32>} : memref<128x128xf32, #tpu.memory_space<vmem>>, vector<1x16xf32>,
        %get3A_782 = vector.shape_cast %get3A_781 : vector<1x16xf32> to vector<16xf32>
        %mul3A_783 = arith.constant 11.3137083 : f32
        %mul3A_784 = vector.broadcast %mul3A_783 : f32 to vector<16xf32>
        %mul3A_785 = arith.mulf %get3A_782, %mul3A_784 : vector<16xf32>
        %swap3A_786 = arith.index_cast %add3A_778 : i32 to index
        %swap3A_787 = arith.constant 112 : index
        %swap3A_788 = tpu.vector_load %arg7[%swap3A_786, %swap3A_787] {strides = array<i32>} : memref<128x128xf32, #tpu.memory_space<vmem>>, vector<1x16xf32>,
        %swap3A_789 = vector.shape_cast %swap3A_788 : vector<1x16xf32> to vector<16xf32>
        %swap3A_790 = vector.shape_cast %mul3A_785 : vector<16xf32> to vector<1x16xf32>
        tpu.vector_store %arg7[%swap3A_786, %swap3A_787], %swap3A_790 {strides = array<i32>} : memref<128x128xf32, #tpu.memory_space<vmem>>, vector<1x16xf32>,
      }
      %scan3A_383 = arith.constant 64 : i32
      %mul3A_384 = arith.constant 128 : i32
      %mul3A_385 = arith.muli %add3A_371, %mul3A_384 : i32
      %add3A_386 = arith.addi %mul3A_2, %mul3A_385 : i32
      %dma_start3A_387 = arith.constant 0 : i32
      %dma_start3A_388 = tpu.memref_slice %arg4[%add3A_386, %dma_start3A_387] : memref<819200x128xf32, #tpu.memory_space<hbm>> -> memref<128x128xf32, #tpu.memory_space<hbm>>
      %dma_start3A_389 = arith.constant 0 : i32
      %dma_start3A_390 = tpu.memref_slice %arg4[%add3A_386, %dma_start3A_389] : memref<819200x128xf32, #tpu.memory_space<hbm>> -> memref<128x128xf32, #tpu.memory_space<hbm>>
      tpu.enqueue_dma source(%arg7 : memref<128x128xf32, #tpu.memory_space<vmem>>) target(%dma_start3A_390 : memref<128x128xf32, #tpu.memory_space<hbm>>) target_semaphore(%arg17 : memref<!tpu.dma_semaphore, #tpu.memory_space<semaphore_mem>>)
      %add3A_391 = arith.constant 3 : i32
      %add3A_392 = arith.addi %add3A_371, %add3A_391 : i32
      %sub3A_393 = arith.constant 5 : i32
      %sub3A_394 = arith.subi %add3A_392, %sub3A_393 : i32
      %mul3A_395 = arith.constant 128 : i32
      %mul3A_396 = arith.muli %sub3A_394, %mul3A_395 : i32
      %add3A_397 = arith.addi %mul3A_2, %mul3A_396 : i32
      %dma_wait3A_398 = arith.constant 0 : i32
      %dma_wait3A_399 = tpu.memref_slice %arg4[%add3A_397, %dma_wait3A_398] : memref<819200x128xf32, #tpu.memory_space<hbm>> -> memref<128x128xf32, #tpu.memory_space<hbm>>
      %dma_wait3A_400 = arith.constant 0 : i32
      %dma_wait3A_401 = tpu.memref_slice %arg4[%add3A_397, %dma_wait3A_400] : memref<819200x128xf32, #tpu.memory_space<hbm>> -> memref<128x128xf32, #tpu.memory_space<hbm>>
      tpu.wait_dma2 semaphore(%arg20 : memref<!tpu.dma_semaphore, #tpu.memory_space<semaphore_mem>>) src(%arg10 : memref<128x128xf32, #tpu.memory_space<vmem>>) dst(%dma_wait3A_401 : memref<128x128xf32, #tpu.memory_space<hbm>>)
      %add3A_402 = arith.constant 3 : i32
      %add3A_403 = arith.addi %add3A_371, %add3A_402 : i32
      %dma_start3A_404 = arith.constant 0 : i32
      %dma_start3A_405 = tpu.memref_slice %arg5[%add3A_403, %dma_start3A_404] : memref<200x128xi32, #tpu.memory_space<vmem>> -> memref<1x128xi32, #tpu.memory_space<vmem>>
      %dma_start3A_406 = tpu.memref_squeeze %dma_start3A_405 : memref<1x128xi32, #tpu.memory_space<vmem>> -> memref<128xi32, #tpu.memory_space<vmem>>
      %dma_start3A_407 = arith.constant 0 : i32
      %dma_start3A_408 = arith.constant 0 : i32
      %dma_start3A_409 = tpu.memref_slice %arg3[%dma_start3A_407, %dma_start3A_408] : memref<100000x128xf32, #tpu.memory_space<hbm>> -> memref<100000x128xf32, #tpu.memory_space<hbm>>
      tpu.enqueue_indirect_dma source(%dma_start3A_409 : memref<100000x128xf32, #tpu.memory_space<hbm>>) target(%arg10 : memref<128x128xf32, #tpu.memory_space<vmem>>) offsets(%dma_start3A_406 : memref<128xi32, #tpu.memory_space<vmem>>) semaphore(%arg15 : memref<!tpu.dma_semaphore, #tpu.memory_space<semaphore_mem>>)
      %mul3A_410 = arith.constant 5 : i32
      %mul3A_411 = arith.muli %scan3A_326, %mul3A_410 : i32
      %add3A_412 = arith.constant 2 : i32
      %add3A_413 = arith.addi %mul3A_411, %add3A_412 : i32
      %dma_wait3A_414 = arith.constant 0 : i32
      %dma_wait3A_415 = tpu.memref_slice %arg5[%add3A_413, %dma_wait3A_414] : memref<200x128xi32, #tpu.memory_space<vmem>> -> memref<1x128xi32, #tpu.memory_space<vmem>>
      %dma_wait3A_416 = tpu.memref_squeeze %dma_wait3A_415 : memref<1x128xi32, #tpu.memory_space<vmem>> -> memref<128xi32, #tpu.memory_space<vmem>>
      %dma_wait3A_417 = arith.constant 0 : i32
      %dma_wait3A_418 = arith.constant 0 : i32
      %dma_wait3A_419 = tpu.memref_slice %arg3[%dma_wait3A_417, %dma_wait3A_418] : memref<100000x128xf32, #tpu.memory_space<hbm>> -> memref<100000x128xf32, #tpu.memory_space<hbm>>
      tpu.wait_indirect_dma semaphore(%arg13 : memref<!tpu.dma_semaphore, #tpu.memory_space<semaphore_mem>>) src(%dma_wait3A_419 : memref<100000x128xf32, #tpu.memory_space<hbm>>) dst(%arg8 : memref<128x128xf32, #tpu.memory_space<vmem>>)
      %scan3A_420 = arith.constant 0 : i32
      %scan3A_421 = arith.constant 0 : i32
      %scan3A_422 = arith.constant 64 : i32
      %scan3A_423 = arith.addi %scan3A_421, %scan3A_422 : i32
      %scan3A_424 = arith.constant 1 : i32
      scf.for %scan3A_536 = %scan3A_421 to %scan3A_423 step %scan3A_424  : i32 {
        %mul3A_537 = arith.constant 2 : i32
        %mul3A_538 = arith.muli %scan3A_536, %mul3A_537 : i32
        %add3A_539 = arith.constant 0 : i32
        %add3A_540 = arith.addi %mul3A_538, %add3A_539 : i32
        %get3A = arith.index_cast %add3A_540 : i32 to index
        %get3A_541 = arith.constant 0 : index
        %get3A_542 = tpu.vector_load %arg8[%get3A, %get3A_541] {strides = array<i32>} : memref<128x128xf32, #tpu.memory_space<vmem>>, vector<1x16xf32>,
        %get3A_543 = vector.shape_cast %get3A_542 : vector<1x16xf32> to vector<16xf32>
        %mul3A_544 = arith.constant 11.3137083 : f32
        %mul3A_545 = vector.broadcast %mul3A_544 : f32 to vector<16xf32>
        %mul3A_546 = arith.mulf %get3A_543, %mul3A_545 : vector<16xf32>
        %swap3A = arith.index_cast %add3A_540 : i32 to index
        %swap3A_547 = arith.constant 0 : index
        %swap3A_548 = tpu.vector_load %arg8[%swap3A, %swap3A_547] {strides = array<i32>} : memref<128x128xf32, #tpu.memory_space<vmem>>, vector<1x16xf32>,
        %swap3A_549 = vector.shape_cast %swap3A_548 : vector<1x16xf32> to vector<16xf32>
        %swap3A_550 = vector.shape_cast %mul3A_546 : vector<16xf32> to vector<1x16xf32>
        tpu.vector_store %arg8[%swap3A, %swap3A_547], %swap3A_550 {strides = array<i32>} : memref<128x128xf32, #tpu.memory_space<vmem>>, vector<1x16xf32>,
        %mul3A_551 = arith.constant 2 : i32
        %mul3A_552 = arith.muli %scan3A_536, %mul3A_551 : i32
        %add3A_553 = arith.constant 0 : i32
        %add3A_554 = arith.addi %mul3A_552, %add3A_553 : i32
        %get3A_555 = arith.index_cast %add3A_554 : i32 to index
        %get3A_556 = arith.constant 16 : index
        %get3A_557 = tpu.vector_load %arg8[%get3A_555, %get3A_556] {strides = array<i32>} : memref<128x128xf32, #tpu.memory_space<vmem>>, vector<1x16xf32>,
        %get3A_558 = vector.shape_cast %get3A_557 : vector<1x16xf32> to vector<16xf32>
        %mul3A_559 = arith.constant 11.3137083 : f32
        %mul3A_560 = vector.broadcast %mul3A_559 : f32 to vector<16xf32>
        %mul3A_561 = arith.mulf %get3A_558, %mul3A_560 : vector<16xf32>
        %swap3A_562 = arith.index_cast %add3A_554 : i32 to index
        %swap3A_563 = arith.constant 16 : index
        %swap3A_564 = tpu.vector_load %arg8[%swap3A_562, %swap3A_563] {strides = array<i32>} : memref<128x128xf32, #tpu.memory_space<vmem>>, vector<1x16xf32>,
        %swap3A_565 = vector.shape_cast %swap3A_564 : vector<1x16xf32> to vector<16xf32>
        %swap3A_566 = vector.shape_cast %mul3A_561 : vector<16xf32> to vector<1x16xf32>
        tpu.vector_store %arg8[%swap3A_562, %swap3A_563], %swap3A_566 {strides = array<i32>} : memref<128x128xf32, #tpu.memory_space<vmem>>, vector<1x16xf32>,
        %mul3A_567 = arith.constant 2 : i32
        %mul3A_568 = arith.muli %scan3A_536, %mul3A_567 : i32
        %add3A_569 = arith.constant 0 : i32
        %add3A_570 = arith.addi %mul3A_568, %add3A_569 : i32
        %get3A_571 = arith.index_cast %add3A_570 : i32 to index
        %get3A_572 = arith.constant 32 : index
        %get3A_573 = tpu.vector_load %arg8[%get3A_571, %get3A_572] {strides = array<i32>} : memref<128x128xf32, #tpu.memory_space<vmem>>, vector<1x16xf32>,
        %get3A_574 = vector.shape_cast %get3A_573 : vector<1x16xf32> to vector<16xf32>
        %mul3A_575 = arith.constant 11.3137083 : f32
        %mul3A_576 = vector.broadcast %mul3A_575 : f32 to vector<16xf32>
        %mul3A_577 = arith.mulf %get3A_574, %mul3A_576 : vector<16xf32>
        %swap3A_578 = arith.index_cast %add3A_570 : i32 to index
        %swap3A_579 = arith.constant 32 : index
        %swap3A_580 = tpu.vector_load %arg8[%swap3A_578, %swap3A_579] {strides = array<i32>} : memref<128x128xf32, #tpu.memory_space<vmem>>, vector<1x16xf32>,
        %swap3A_581 = vector.shape_cast %swap3A_580 : vector<1x16xf32> to vector<16xf32>
        %swap3A_582 = vector.shape_cast %mul3A_577 : vector<16xf32> to vector<1x16xf32>
        tpu.vector_store %arg8[%swap3A_578, %swap3A_579], %swap3A_582 {strides = array<i32>} : memref<128x128xf32, #tpu.memory_space<vmem>>, vector<1x16xf32>,
        %mul3A_583 = arith.constant 2 : i32
        %mul3A_584 = arith.muli %scan3A_536, %mul3A_583 : i32
        %add3A_585 = arith.constant 0 : i32
        %add3A_586 = arith.addi %mul3A_584, %add3A_585 : i32
        %get3A_587 = arith.index_cast %add3A_586 : i32 to index
        %get3A_588 = arith.constant 48 : index
        %get3A_589 = tpu.vector_load %arg8[%get3A_587, %get3A_588] {strides = array<i32>} : memref<128x128xf32, #tpu.memory_space<vmem>>, vector<1x16xf32>,
        %get3A_590 = vector.shape_cast %get3A_589 : vector<1x16xf32> to vector<16xf32>
        %mul3A_591 = arith.constant 11.3137083 : f32
        %mul3A_592 = vector.broadcast %mul3A_591 : f32 to vector<16xf32>
        %mul3A_593 = arith.mulf %get3A_590, %mul3A_592 : vector<16xf32>
        %swap3A_594 = arith.index_cast %add3A_586 : i32 to index
        %swap3A_595 = arith.constant 48 : index
        %swap3A_596 = tpu.vector_load %arg8[%swap3A_594, %swap3A_595] {strides = array<i32>} : memref<128x128xf32, #tpu.memory_space<vmem>>, vector<1x16xf32>,
        %swap3A_597 = vector.shape_cast %swap3A_596 : vector<1x16xf32> to vector<16xf32>
        %swap3A_598 = vector.shape_cast %mul3A_593 : vector<16xf32> to vector<1x16xf32>
        tpu.vector_store %arg8[%swap3A_594, %swap3A_595], %swap3A_598 {strides = array<i32>} : memref<128x128xf32, #tpu.memory_space<vmem>>, vector<1x16xf32>,
        %mul3A_599 = arith.constant 2 : i32
        %mul3A_600 = arith.muli %scan3A_536, %mul3A_599 : i32
        %add3A_601 = arith.constant 0 : i32
        %add3A_602 = arith.addi %mul3A_600, %add3A_601 : i32
        %get3A_603 = arith.index_cast %add3A_602 : i32 to index
        %get3A_604 = arith.constant 64 : index
        %get3A_605 = tpu.vector_load %arg8[%get3A_603, %get3A_604] {strides = array<i32>} : memref<128x128xf32, #tpu.memory_space<vmem>>, vector<1x16xf32>,
        %get3A_606 = vector.shape_cast %get3A_605 : vector<1x16xf32> to vector<16xf32>
        %mul3A_607 = arith.constant 11.3137083 : f32
        %mul3A_608 = vector.broadcast %mul3A_607 : f32 to vector<16xf32>
        %mul3A_609 = arith.mulf %get3A_606, %mul3A_608 : vector<16xf32>
        %swap3A_610 = arith.index_cast %add3A_602 : i32 to index
        %swap3A_611 = arith.constant 64 : index
        %swap3A_612 = tpu.vector_load %arg8[%swap3A_610, %swap3A_611] {strides = array<i32>} : memref<128x128xf32, #tpu.memory_space<vmem>>, vector<1x16xf32>,
        %swap3A_613 = vector.shape_cast %swap3A_612 : vector<1x16xf32> to vector<16xf32>
        %swap3A_614 = vector.shape_cast %mul3A_609 : vector<16xf32> to vector<1x16xf32>
        tpu.vector_store %arg8[%swap3A_610, %swap3A_611], %swap3A_614 {strides = array<i32>} : memref<128x128xf32, #tpu.memory_space<vmem>>, vector<1x16xf32>,
        %mul3A_615 = arith.constant 2 : i32
        %mul3A_616 = arith.muli %scan3A_536, %mul3A_615 : i32
        %add3A_617 = arith.constant 0 : i32
        %add3A_618 = arith.addi %mul3A_616, %add3A_617 : i32
        %get3A_619 = arith.index_cast %add3A_618 : i32 to index
        %get3A_620 = arith.constant 80 : index
        %get3A_621 = tpu.vector_load %arg8[%get3A_619, %get3A_620] {strides = array<i32>} : memref<128x128xf32, #tpu.memory_space<vmem>>, vector<1x16xf32>,
        %get3A_622 = vector.shape_cast %get3A_621 : vector<1x16xf32> to vector<16xf32>
        %mul3A_623 = arith.constant 11.3137083 : f32
        %mul3A_624 = vector.broadcast %mul3A_623 : f32 to vector<16xf32>
        %mul3A_625 = arith.mulf %get3A_622, %mul3A_624 : vector<16xf32>
        %swap3A_626 = arith.index_cast %add3A_618 : i32 to index
        %swap3A_627 = arith.constant 80 : index
        %swap3A_628 = tpu.vector_load %arg8[%swap3A_626, %swap3A_627] {strides = array<i32>} : memref<128x128xf32, #tpu.memory_space<vmem>>, vector<1x16xf32>,
        %swap3A_629 = vector.shape_cast %swap3A_628 : vector<1x16xf32> to vector<16xf32>
        %swap3A_630 = vector.shape_cast %mul3A_625 : vector<16xf32> to vector<1x16xf32>
        tpu.vector_store %arg8[%swap3A_626, %swap3A_627], %swap3A_630 {strides = array<i32>} : memref<128x128xf32, #tpu.memory_space<vmem>>, vector<1x16xf32>,
        %mul3A_631 = arith.constant 2 : i32
        %mul3A_632 = arith.muli %scan3A_536, %mul3A_631 : i32
        %add3A_633 = arith.constant 0 : i32
        %add3A_634 = arith.addi %mul3A_632, %add3A_633 : i32
        %get3A_635 = arith.index_cast %add3A_634 : i32 to index
        %get3A_636 = arith.constant 96 : index
        %get3A_637 = tpu.vector_load %arg8[%get3A_635, %get3A_636] {strides = array<i32>} : memref<128x128xf32, #tpu.memory_space<vmem>>, vector<1x16xf32>,
        %get3A_638 = vector.shape_cast %get3A_637 : vector<1x16xf32> to vector<16xf32>
        %mul3A_639 = arith.constant 11.3137083 : f32
        %mul3A_640 = vector.broadcast %mul3A_639 : f32 to vector<16xf32>
        %mul3A_641 = arith.mulf %get3A_638, %mul3A_640 : vector<16xf32>
        %swap3A_642 = arith.index_cast %add3A_634 : i32 to index
        %swap3A_643 = arith.constant 96 : index
        %swap3A_644 = tpu.vector_load %arg8[%swap3A_642, %swap3A_643] {strides = array<i32>} : memref<128x128xf32, #tpu.memory_space<vmem>>, vector<1x16xf32>,
        %swap3A_645 = vector.shape_cast %swap3A_644 : vector<1x16xf32> to vector<16xf32>
        %swap3A_646 = vector.shape_cast %mul3A_641 : vector<16xf32> to vector<1x16xf32>
        tpu.vector_store %arg8[%swap3A_642, %swap3A_643], %swap3A_646 {strides = array<i32>} : memref<128x128xf32, #tpu.memory_space<vmem>>, vector<1x16xf32>,
        %mul3A_647 = arith.constant 2 : i32
        %mul3A_648 = arith.muli %scan3A_536, %mul3A_647 : i32
        %add3A_649 = arith.constant 0 : i32
        %add3A_650 = arith.addi %mul3A_648, %add3A_649 : i32
        %get3A_651 = arith.index_cast %add3A_650 : i32 to index
        %get3A_652 = arith.constant 112 : index
        %get3A_653 = tpu.vector_load %arg8[%get3A_651, %get3A_652] {strides = array<i32>} : memref<128x128xf32, #tpu.memory_space<vmem>>, vector<1x16xf32>,
        %get3A_654 = vector.shape_cast %get3A_653 : vector<1x16xf32> to vector<16xf32>
        %mul3A_655 = arith.constant 11.3137083 : f32
        %mul3A_656 = vector.broadcast %mul3A_655 : f32 to vector<16xf32>
        %mul3A_657 = arith.mulf %get3A_654, %mul3A_656 : vector<16xf32>
        %swap3A_658 = arith.index_cast %add3A_650 : i32 to index
        %swap3A_659 = arith.constant 112 : index
        %swap3A_660 = tpu.vector_load %arg8[%swap3A_658, %swap3A_659] {strides = array<i32>} : memref<128x128xf32, #tpu.memory_space<vmem>>, vector<1x16xf32>,
        %swap3A_661 = vector.shape_cast %swap3A_660 : vector<1x16xf32> to vector<16xf32>
        %swap3A_662 = vector.shape_cast %mul3A_657 : vector<16xf32> to vector<1x16xf32>
        tpu.vector_store %arg8[%swap3A_658, %swap3A_659], %swap3A_662 {strides = array<i32>} : memref<128x128xf32, #tpu.memory_space<vmem>>, vector<1x16xf32>,
        %mul3A_663 = arith.constant 2 : i32
        %mul3A_664 = arith.muli %scan3A_536, %mul3A_663 : i32
        %add3A_665 = arith.constant 1 : i32
        %add3A_666 = arith.addi %mul3A_664, %add3A_665 : i32
        %get3A_667 = arith.index_cast %add3A_666 : i32 to index
        %get3A_668 = arith.constant 0 : index
        %get3A_669 = tpu.vector_load %arg8[%get3A_667, %get3A_668] {strides = array<i32>} : memref<128x128xf32, #tpu.memory_space<vmem>>, vector<1x16xf32>,
        %get3A_670 = vector.shape_cast %get3A_669 : vector<1x16xf32> to vector<16xf32>
        %mul3A_671 = arith.constant 11.3137083 : f32
        %mul3A_672 = vector.broadcast %mul3A_671 : f32 to vector<16xf32>
        %mul3A_673 = arith.mulf %get3A_670, %mul3A_672 : vector<16xf32>
        %swap3A_674 = arith.index_cast %add3A_666 : i32 to index
        %swap3A_675 = arith.constant 0 : index
        %swap3A_676 = tpu.vector_load %arg8[%swap3A_674, %swap3A_675] {strides = array<i32>} : memref<128x128xf32, #tpu.memory_space<vmem>>, vector<1x16xf32>,
        %swap3A_677 = vector.shape_cast %swap3A_676 : vector<1x16xf32> to vector<16xf32>
        %swap3A_678 = vector.shape_cast %mul3A_673 : vector<16xf32> to vector<1x16xf32>
        tpu.vector_store %arg8[%swap3A_674, %swap3A_675], %swap3A_678 {strides = array<i32>} : memref<128x128xf32, #tpu.memory_space<vmem>>, vector<1x16xf32>,
        %mul3A_679 = arith.constant 2 : i32
        %mul3A_680 = arith.muli %scan3A_536, %mul3A_679 : i32
        %add3A_681 = arith.constant 1 : i32
        %add3A_682 = arith.addi %mul3A_680, %add3A_681 : i32
        %get3A_683 = arith.index_cast %add3A_682 : i32 to index
        %get3A_684 = arith.constant 16 : index
        %get3A_685 = tpu.vector_load %arg8[%get3A_683, %get3A_684] {strides = array<i32>} : memref<128x128xf32, #tpu.memory_space<vmem>>, vector<1x16xf32>,
        %get3A_686 = vector.shape_cast %get3A_685 : vector<1x16xf32> to vector<16xf32>
        %mul3A_687 = arith.constant 11.3137083 : f32
        %mul3A_688 = vector.broadcast %mul3A_687 : f32 to vector<16xf32>
        %mul3A_689 = arith.mulf %get3A_686, %mul3A_688 : vector<16xf32>
        %swap3A_690 = arith.index_cast %add3A_682 : i32 to index
        %swap3A_691 = arith.constant 16 : index
        %swap3A_692 = tpu.vector_load %arg8[%swap3A_690, %swap3A_691] {strides = array<i32>} : memref<128x128xf32, #tpu.memory_space<vmem>>, vector<1x16xf32>,
        %swap3A_693 = vector.shape_cast %swap3A_692 : vector<1x16xf32> to vector<16xf32>
        %swap3A_694 = vector.shape_cast %mul3A_689 : vector<16xf32> to vector<1x16xf32>
        tpu.vector_store %arg8[%swap3A_690, %swap3A_691], %swap3A_694 {strides = array<i32>} : memref<128x128xf32, #tpu.memory_space<vmem>>, vector<1x16xf32>,
        %mul3A_695 = arith.constant 2 : i32
        %mul3A_696 = arith.muli %scan3A_536, %mul3A_695 : i32
        %add3A_697 = arith.constant 1 : i32
        %add3A_698 = arith.addi %mul3A_696, %add3A_697 : i32
        %get3A_699 = arith.index_cast %add3A_698 : i32 to index
        %get3A_700 = arith.constant 32 : index
        %get3A_701 = tpu.vector_load %arg8[%get3A_699, %get3A_700] {strides = array<i32>} : memref<128x128xf32, #tpu.memory_space<vmem>>, vector<1x16xf32>,
        %get3A_702 = vector.shape_cast %get3A_701 : vector<1x16xf32> to vector<16xf32>
        %mul3A_703 = arith.constant 11.3137083 : f32
        %mul3A_704 = vector.broadcast %mul3A_703 : f32 to vector<16xf32>
        %mul3A_705 = arith.mulf %get3A_702, %mul3A_704 : vector<16xf32>
        %swap3A_706 = arith.index_cast %add3A_698 : i32 to index
        %swap3A_707 = arith.constant 32 : index
        %swap3A_708 = tpu.vector_load %arg8[%swap3A_706, %swap3A_707] {strides = array<i32>} : memref<128x128xf32, #tpu.memory_space<vmem>>, vector<1x16xf32>,
        %swap3A_709 = vector.shape_cast %swap3A_708 : vector<1x16xf32> to vector<16xf32>
        %swap3A_710 = vector.shape_cast %mul3A_705 : vector<16xf32> to vector<1x16xf32>
        tpu.vector_store %arg8[%swap3A_706, %swap3A_707], %swap3A_710 {strides = array<i32>} : memref<128x128xf32, #tpu.memory_space<vmem>>, vector<1x16xf32>,
        %mul3A_711 = arith.constant 2 : i32
        %mul3A_712 = arith.muli %scan3A_536, %mul3A_711 : i32
        %add3A_713 = arith.constant 1 : i32
        %add3A_714 = arith.addi %mul3A_712, %add3A_713 : i32
        %get3A_715 = arith.index_cast %add3A_714 : i32 to index
        %get3A_716 = arith.constant 48 : index
        %get3A_717 = tpu.vector_load %arg8[%get3A_715, %get3A_716] {strides = array<i32>} : memref<128x128xf32, #tpu.memory_space<vmem>>, vector<1x16xf32>,
        %get3A_718 = vector.shape_cast %get3A_717 : vector<1x16xf32> to vector<16xf32>
        %mul3A_719 = arith.constant 11.3137083 : f32
        %mul3A_720 = vector.broadcast %mul3A_719 : f32 to vector<16xf32>
        %mul3A_721 = arith.mulf %get3A_718, %mul3A_720 : vector<16xf32>
        %swap3A_722 = arith.index_cast %add3A_714 : i32 to index
        %swap3A_723 = arith.constant 48 : index
        %swap3A_724 = tpu.vector_load %arg8[%swap3A_722, %swap3A_723] {strides = array<i32>} : memref<128x128xf32, #tpu.memory_space<vmem>>, vector<1x16xf32>,
        %swap3A_725 = vector.shape_cast %swap3A_724 : vector<1x16xf32> to vector<16xf32>
        %swap3A_726 = vector.shape_cast %mul3A_721 : vector<16xf32> to vector<1x16xf32>
        tpu.vector_store %arg8[%swap3A_722, %swap3A_723], %swap3A_726 {strides = array<i32>} : memref<128x128xf32, #tpu.memory_space<vmem>>, vector<1x16xf32>,
        %mul3A_727 = arith.constant 2 : i32
        %mul3A_728 = arith.muli %scan3A_536, %mul3A_727 : i32
        %add3A_729 = arith.constant 1 : i32
        %add3A_730 = arith.addi %mul3A_728, %add3A_729 : i32
        %get3A_731 = arith.index_cast %add3A_730 : i32 to index
        %get3A_732 = arith.constant 64 : index
        %get3A_733 = tpu.vector_load %arg8[%get3A_731, %get3A_732] {strides = array<i32>} : memref<128x128xf32, #tpu.memory_space<vmem>>, vector<1x16xf32>,
        %get3A_734 = vector.shape_cast %get3A_733 : vector<1x16xf32> to vector<16xf32>
        %mul3A_735 = arith.constant 11.3137083 : f32
        %mul3A_736 = vector.broadcast %mul3A_735 : f32 to vector<16xf32>
        %mul3A_737 = arith.mulf %get3A_734, %mul3A_736 : vector<16xf32>
        %swap3A_738 = arith.index_cast %add3A_730 : i32 to index
        %swap3A_739 = arith.constant 64 : index
        %swap3A_740 = tpu.vector_load %arg8[%swap3A_738, %swap3A_739] {strides = array<i32>} : memref<128x128xf32, #tpu.memory_space<vmem>>, vector<1x16xf32>,
        %swap3A_741 = vector.shape_cast %swap3A_740 : vector<1x16xf32> to vector<16xf32>
        %swap3A_742 = vector.shape_cast %mul3A_737 : vector<16xf32> to vector<1x16xf32>
        tpu.vector_store %arg8[%swap3A_738, %swap3A_739], %swap3A_742 {strides = array<i32>} : memref<128x128xf32, #tpu.memory_space<vmem>>, vector<1x16xf32>,
        %mul3A_743 = arith.constant 2 : i32
        %mul3A_744 = arith.muli %scan3A_536, %mul3A_743 : i32
        %add3A_745 = arith.constant 1 : i32
        %add3A_746 = arith.addi %mul3A_744, %add3A_745 : i32
        %get3A_747 = arith.index_cast %add3A_746 : i32 to index
        %get3A_748 = arith.constant 80 : index
        %get3A_749 = tpu.vector_load %arg8[%get3A_747, %get3A_748] {strides = array<i32>} : memref<128x128xf32, #tpu.memory_space<vmem>>, vector<1x16xf32>,
        %get3A_750 = vector.shape_cast %get3A_749 : vector<1x16xf32> to vector<16xf32>
        %mul3A_751 = arith.constant 11.3137083 : f32
        %mul3A_752 = vector.broadcast %mul3A_751 : f32 to vector<16xf32>
        %mul3A_753 = arith.mulf %get3A_750, %mul3A_752 : vector<16xf32>
        %swap3A_754 = arith.index_cast %add3A_746 : i32 to index
        %swap3A_755 = arith.constant 80 : index
        %swap3A_756 = tpu.vector_load %arg8[%swap3A_754, %swap3A_755] {strides = array<i32>} : memref<128x128xf32, #tpu.memory_space<vmem>>, vector<1x16xf32>,
        %swap3A_757 = vector.shape_cast %swap3A_756 : vector<1x16xf32> to vector<16xf32>
        %swap3A_758 = vector.shape_cast %mul3A_753 : vector<16xf32> to vector<1x16xf32>
        tpu.vector_store %arg8[%swap3A_754, %swap3A_755], %swap3A_758 {strides = array<i32>} : memref<128x128xf32, #tpu.memory_space<vmem>>, vector<1x16xf32>,
        %mul3A_759 = arith.constant 2 : i32
        %mul3A_760 = arith.muli %scan3A_536, %mul3A_759 : i32
        %add3A_761 = arith.constant 1 : i32
        %add3A_762 = arith.addi %mul3A_760, %add3A_761 : i32
        %get3A_763 = arith.index_cast %add3A_762 : i32 to index
        %get3A_764 = arith.constant 96 : index
        %get3A_765 = tpu.vector_load %arg8[%get3A_763, %get3A_764] {strides = array<i32>} : memref<128x128xf32, #tpu.memory_space<vmem>>, vector<1x16xf32>,
        %get3A_766 = vector.shape_cast %get3A_765 : vector<1x16xf32> to vector<16xf32>
        %mul3A_767 = arith.constant 11.3137083 : f32
        %mul3A_768 = vector.broadcast %mul3A_767 : f32 to vector<16xf32>
        %mul3A_769 = arith.mulf %get3A_766, %mul3A_768 : vector<16xf32>
        %swap3A_770 = arith.index_cast %add3A_762 : i32 to index
        %swap3A_771 = arith.constant 96 : index
        %swap3A_772 = tpu.vector_load %arg8[%swap3A_770, %swap3A_771] {strides = array<i32>} : memref<128x128xf32, #tpu.memory_space<vmem>>, vector<1x16xf32>,
        %swap3A_773 = vector.shape_cast %swap3A_772 : vector<1x16xf32> to vector<16xf32>
        %swap3A_774 = vector.shape_cast %mul3A_769 : vector<16xf32> to vector<1x16xf32>
        tpu.vector_store %arg8[%swap3A_770, %swap3A_771], %swap3A_774 {strides = array<i32>} : memref<128x128xf32, #tpu.memory_space<vmem>>, vector<1x16xf32>,
        %mul3A_775 = arith.constant 2 : i32
        %mul3A_776 = arith.muli %scan3A_536, %mul3A_775 : i32
        %add3A_777 = arith.constant 1 : i32
        %add3A_778 = arith.addi %mul3A_776, %add3A_777 : i32
        %get3A_779 = arith.index_cast %add3A_778 : i32 to index
        %get3A_780 = arith.constant 112 : index
        %get3A_781 = tpu.vector_load %arg8[%get3A_779, %get3A_780] {strides = array<i32>} : memref<128x128xf32, #tpu.memory_space<vmem>>, vector<1x16xf32>,
        %get3A_782 = vector.shape_cast %get3A_781 : vector<1x16xf32> to vector<16xf32>
        %mul3A_783 = arith.constant 11.3137083 : f32
        %mul3A_784 = vector.broadcast %mul3A_783 : f32 to vector<16xf32>
        %mul3A_785 = arith.mulf %get3A_782, %mul3A_784 : vector<16xf32>
        %swap3A_786 = arith.index_cast %add3A_778 : i32 to index
        %swap3A_787 = arith.constant 112 : index
        %swap3A_788 = tpu.vector_load %arg8[%swap3A_786, %swap3A_787] {strides = array<i32>} : memref<128x128xf32, #tpu.memory_space<vmem>>, vector<1x16xf32>,
        %swap3A_789 = vector.shape_cast %swap3A_788 : vector<1x16xf32> to vector<16xf32>
        %swap3A_790 = vector.shape_cast %mul3A_785 : vector<16xf32> to vector<1x16xf32>
        tpu.vector_store %arg8[%swap3A_786, %swap3A_787], %swap3A_790 {strides = array<i32>} : memref<128x128xf32, #tpu.memory_space<vmem>>, vector<1x16xf32>,
      }
      %scan3A_425 = arith.constant 64 : i32
      %mul3A_426 = arith.constant 128 : i32
      %mul3A_427 = arith.muli %add3A_413, %mul3A_426 : i32
      %add3A_428 = arith.addi %mul3A_2, %mul3A_427 : i32
      %dma_start3A_429 = arith.constant 0 : i32
      %dma_start3A_430 = tpu.memref_slice %arg4[%add3A_428, %dma_start3A_429] : memref<819200x128xf32, #tpu.memory_space<hbm>> -> memref<128x128xf32, #tpu.memory_space<hbm>>
      %dma_start3A_431 = arith.constant 0 : i32
      %dma_start3A_432 = tpu.memref_slice %arg4[%add3A_428, %dma_start3A_431] : memref<819200x128xf32, #tpu.memory_space<hbm>> -> memref<128x128xf32, #tpu.memory_space<hbm>>
      tpu.enqueue_dma source(%arg8 : memref<128x128xf32, #tpu.memory_space<vmem>>) target(%dma_start3A_432 : memref<128x128xf32, #tpu.memory_space<hbm>>) target_semaphore(%arg18 : memref<!tpu.dma_semaphore, #tpu.memory_space<semaphore_mem>>)
      %add3A_433 = arith.constant 3 : i32
      %add3A_434 = arith.addi %add3A_413, %add3A_433 : i32
      %sub3A_435 = arith.constant 5 : i32
      %sub3A_436 = arith.subi %add3A_434, %sub3A_435 : i32
      %mul3A_437 = arith.constant 128 : i32
      %mul3A_438 = arith.muli %sub3A_436, %mul3A_437 : i32
      %add3A_439 = arith.addi %mul3A_2, %mul3A_438 : i32
      %dma_wait3A_440 = arith.constant 0 : i32
      %dma_wait3A_441 = tpu.memref_slice %arg4[%add3A_439, %dma_wait3A_440] : memref<819200x128xf32, #tpu.memory_space<hbm>> -> memref<128x128xf32, #tpu.memory_space<hbm>>
      %dma_wait3A_442 = arith.constant 0 : i32
      %dma_wait3A_443 = tpu.memref_slice %arg4[%add3A_439, %dma_wait3A_442] : memref<819200x128xf32, #tpu.memory_space<hbm>> -> memref<128x128xf32, #tpu.memory_space<hbm>>
      tpu.wait_dma2 semaphore(%arg16 : memref<!tpu.dma_semaphore, #tpu.memory_space<semaphore_mem>>) src(%arg6 : memref<128x128xf32, #tpu.memory_space<vmem>>) dst(%dma_wait3A_443 : memref<128x128xf32, #tpu.memory_space<hbm>>)
      %add3A_444 = arith.constant 3 : i32
      %add3A_445 = arith.addi %add3A_413, %add3A_444 : i32
      %dma_start3A_446 = arith.constant 0 : i32
      %dma_start3A_447 = tpu.memref_slice %arg5[%add3A_445, %dma_start3A_446] : memref<200x128xi32, #tpu.memory_space<vmem>> -> memref<1x128xi32, #tpu.memory_space<vmem>>
      %dma_start3A_448 = tpu.memref_squeeze %dma_start3A_447 : memref<1x128xi32, #tpu.memory_space<vmem>> -> memref<128xi32, #tpu.memory_space<vmem>>
      %dma_start3A_449 = arith.constant 0 : i32
      %dma_start3A_450 = arith.constant 0 : i32
      %dma_start3A_451 = tpu.memref_slice %arg3[%dma_start3A_449, %dma_start3A_450] : memref<100000x128xf32, #tpu.memory_space<hbm>> -> memref<100000x128xf32, #tpu.memory_space<hbm>>
      tpu.enqueue_indirect_dma source(%dma_start3A_451 : memref<100000x128xf32, #tpu.memory_space<hbm>>) target(%arg6 : memref<128x128xf32, #tpu.memory_space<vmem>>) offsets(%dma_start3A_448 : memref<128xi32, #tpu.memory_space<vmem>>) semaphore(%arg11 : memref<!tpu.dma_semaphore, #tpu.memory_space<semaphore_mem>>)
      %mul3A_452 = arith.constant 5 : i32
      %mul3A_453 = arith.muli %scan3A_326, %mul3A_452 : i32
      %add3A_454 = arith.constant 3 : i32
      %add3A_455 = arith.addi %mul3A_453, %add3A_454 : i32
      %dma_wait3A_456 = arith.constant 0 : i32
      %dma_wait3A_457 = tpu.memref_slice %arg5[%add3A_455, %dma_wait3A_456] : memref<200x128xi32, #tpu.memory_space<vmem>> -> memref<1x128xi32, #tpu.memory_space<vmem>>
      %dma_wait3A_458 = tpu.memref_squeeze %dma_wait3A_457 : memref<1x128xi32, #tpu.memory_space<vmem>> -> memref<128xi32, #tpu.memory_space<vmem>>
      %dma_wait3A_459 = arith.constant 0 : i32
      %dma_wait3A_460 = arith.constant 0 : i32
      %dma_wait3A_461 = tpu.memref_slice %arg3[%dma_wait3A_459, %dma_wait3A_460] : memref<100000x128xf32, #tpu.memory_space<hbm>> -> memref<100000x128xf32, #tpu.memory_space<hbm>>
      tpu.wait_indirect_dma semaphore(%arg14 : memref<!tpu.dma_semaphore, #tpu.memory_space<semaphore_mem>>) src(%dma_wait3A_461 : memref<100000x128xf32, #tpu.memory_space<hbm>>) dst(%arg9 : memref<128x128xf32, #tpu.memory_space<vmem>>)
      %scan3A_462 = arith.constant 0 : i32
      %scan3A_463 = arith.constant 0 : i32
      %scan3A_464 = arith.constant 64 : i32
      %scan3A_465 = arith.addi %scan3A_463, %scan3A_464 : i32
      %scan3A_466 = arith.constant 1 : i32
      scf.for %scan3A_536 = %scan3A_463 to %scan3A_465 step %scan3A_466  : i32 {
        %mul3A_537 = arith.constant 2 : i32
        %mul3A_538 = arith.muli %scan3A_536, %mul3A_537 : i32
        %add3A_539 = arith.constant 0 : i32
        %add3A_540 = arith.addi %mul3A_538, %add3A_539 : i32
        %get3A = arith.index_cast %add3A_540 : i32 to index
        %get3A_541 = arith.constant 0 : index
        %get3A_542 = tpu.vector_load %arg9[%get3A, %get3A_541] {strides = array<i32>} : memref<128x128xf32, #tpu.memory_space<vmem>>, vector<1x16xf32>,
        %get3A_543 = vector.shape_cast %get3A_542 : vector<1x16xf32> to vector<16xf32>
        %mul3A_544 = arith.constant 11.3137083 : f32
        %mul3A_545 = vector.broadcast %mul3A_544 : f32 to vector<16xf32>
        %mul3A_546 = arith.mulf %get3A_543, %mul3A_545 : vector<16xf32>
        %swap3A = arith.index_cast %add3A_540 : i32 to index
        %swap3A_547 = arith.constant 0 : index
        %swap3A_548 = tpu.vector_load %arg9[%swap3A, %swap3A_547] {strides = array<i32>} : memref<128x128xf32, #tpu.memory_space<vmem>>, vector<1x16xf32>,
        %swap3A_549 = vector.shape_cast %swap3A_548 : vector<1x16xf32> to vector<16xf32>
        %swap3A_550 = vector.shape_cast %mul3A_546 : vector<16xf32> to vector<1x16xf32>
        tpu.vector_store %arg9[%swap3A, %swap3A_547], %swap3A_550 {strides = array<i32>} : memref<128x128xf32, #tpu.memory_space<vmem>>, vector<1x16xf32>,
        %mul3A_551 = arith.constant 2 : i32
        %mul3A_552 = arith.muli %scan3A_536, %mul3A_551 : i32
        %add3A_553 = arith.constant 0 : i32
        %add3A_554 = arith.addi %mul3A_552, %add3A_553 : i32
        %get3A_555 = arith.index_cast %add3A_554 : i32 to index
        %get3A_556 = arith.constant 16 : index
        %get3A_557 = tpu.vector_load %arg9[%get3A_555, %get3A_556] {strides = array<i32>} : memref<128x128xf32, #tpu.memory_space<vmem>>, vector<1x16xf32>,
        %get3A_558 = vector.shape_cast %get3A_557 : vector<1x16xf32> to vector<16xf32>
        %mul3A_559 = arith.constant 11.3137083 : f32
        %mul3A_560 = vector.broadcast %mul3A_559 : f32 to vector<16xf32>
        %mul3A_561 = arith.mulf %get3A_558, %mul3A_560 : vector<16xf32>
        %swap3A_562 = arith.index_cast %add3A_554 : i32 to index
        %swap3A_563 = arith.constant 16 : index
        %swap3A_564 = tpu.vector_load %arg9[%swap3A_562, %swap3A_563] {strides = array<i32>} : memref<128x128xf32, #tpu.memory_space<vmem>>, vector<1x16xf32>,
        %swap3A_565 = vector.shape_cast %swap3A_564 : vector<1x16xf32> to vector<16xf32>
        %swap3A_566 = vector.shape_cast %mul3A_561 : vector<16xf32> to vector<1x16xf32>
        tpu.vector_store %arg9[%swap3A_562, %swap3A_563], %swap3A_566 {strides = array<i32>} : memref<128x128xf32, #tpu.memory_space<vmem>>, vector<1x16xf32>,
        %mul3A_567 = arith.constant 2 : i32
        %mul3A_568 = arith.muli %scan3A_536, %mul3A_567 : i32
        %add3A_569 = arith.constant 0 : i32
        %add3A_570 = arith.addi %mul3A_568, %add3A_569 : i32
        %get3A_571 = arith.index_cast %add3A_570 : i32 to index
        %get3A_572 = arith.constant 32 : index
        %get3A_573 = tpu.vector_load %arg9[%get3A_571, %get3A_572] {strides = array<i32>} : memref<128x128xf32, #tpu.memory_space<vmem>>, vector<1x16xf32>,
        %get3A_574 = vector.shape_cast %get3A_573 : vector<1x16xf32> to vector<16xf32>
        %mul3A_575 = arith.constant 11.3137083 : f32
        %mul3A_576 = vector.broadcast %mul3A_575 : f32 to vector<16xf32>
        %mul3A_577 = arith.mulf %get3A_574, %mul3A_576 : vector<16xf32>
        %swap3A_578 = arith.index_cast %add3A_570 : i32 to index
        %swap3A_579 = arith.constant 32 : index
        %swap3A_580 = tpu.vector_load %arg9[%swap3A_578, %swap3A_579] {strides = array<i32>} : memref<128x128xf32, #tpu.memory_space<vmem>>, vector<1x16xf32>,
        %swap3A_581 = vector.shape_cast %swap3A_580 : vector<1x16xf32> to vector<16xf32>
        %swap3A_582 = vector.shape_cast %mul3A_577 : vector<16xf32> to vector<1x16xf32>
        tpu.vector_store %arg9[%swap3A_578, %swap3A_579], %swap3A_582 {strides = array<i32>} : memref<128x128xf32, #tpu.memory_space<vmem>>, vector<1x16xf32>,
        %mul3A_583 = arith.constant 2 : i32
        %mul3A_584 = arith.muli %scan3A_536, %mul3A_583 : i32
        %add3A_585 = arith.constant 0 : i32
        %add3A_586 = arith.addi %mul3A_584, %add3A_585 : i32
        %get3A_587 = arith.index_cast %add3A_586 : i32 to index
        %get3A_588 = arith.constant 48 : index
        %get3A_589 = tpu.vector_load %arg9[%get3A_587, %get3A_588] {strides = array<i32>} : memref<128x128xf32, #tpu.memory_space<vmem>>, vector<1x16xf32>,
        %get3A_590 = vector.shape_cast %get3A_589 : vector<1x16xf32> to vector<16xf32>
        %mul3A_591 = arith.constant 11.3137083 : f32
        %mul3A_592 = vector.broadcast %mul3A_591 : f32 to vector<16xf32>
        %mul3A_593 = arith.mulf %get3A_590, %mul3A_592 : vector<16xf32>
        %swap3A_594 = arith.index_cast %add3A_586 : i32 to index
        %swap3A_595 = arith.constant 48 : index
        %swap3A_596 = tpu.vector_load %arg9[%swap3A_594, %swap3A_595] {strides = array<i32>} : memref<128x128xf32, #tpu.memory_space<vmem>>, vector<1x16xf32>,
        %swap3A_597 = vector.shape_cast %swap3A_596 : vector<1x16xf32> to vector<16xf32>
        %swap3A_598 = vector.shape_cast %mul3A_593 : vector<16xf32> to vector<1x16xf32>
        tpu.vector_store %arg9[%swap3A_594, %swap3A_595], %swap3A_598 {strides = array<i32>} : memref<128x128xf32, #tpu.memory_space<vmem>>, vector<1x16xf32>,
        %mul3A_599 = arith.constant 2 : i32
        %mul3A_600 = arith.muli %scan3A_536, %mul3A_599 : i32
        %add3A_601 = arith.constant 0 : i32
        %add3A_602 = arith.addi %mul3A_600, %add3A_601 : i32
        %get3A_603 = arith.index_cast %add3A_602 : i32 to index
        %get3A_604 = arith.constant 64 : index
        %get3A_605 = tpu.vector_load %arg9[%get3A_603, %get3A_604] {strides = array<i32>} : memref<128x128xf32, #tpu.memory_space<vmem>>, vector<1x16xf32>,
        %get3A_606 = vector.shape_cast %get3A_605 : vector<1x16xf32> to vector<16xf32>
        %mul3A_607 = arith.constant 11.3137083 : f32
        %mul3A_608 = vector.broadcast %mul3A_607 : f32 to vector<16xf32>
        %mul3A_609 = arith.mulf %get3A_606, %mul3A_608 : vector<16xf32>
        %swap3A_610 = arith.index_cast %add3A_602 : i32 to index
        %swap3A_611 = arith.constant 64 : index
        %swap3A_612 = tpu.vector_load %arg9[%swap3A_610, %swap3A_611] {strides = array<i32>} : memref<128x128xf32, #tpu.memory_space<vmem>>, vector<1x16xf32>,
        %swap3A_613 = vector.shape_cast %swap3A_612 : vector<1x16xf32> to vector<16xf32>
        %swap3A_614 = vector.shape_cast %mul3A_609 : vector<16xf32> to vector<1x16xf32>
        tpu.vector_store %arg9[%swap3A_610, %swap3A_611], %swap3A_614 {strides = array<i32>} : memref<128x128xf32, #tpu.memory_space<vmem>>, vector<1x16xf32>,
        %mul3A_615 = arith.constant 2 : i32
        %mul3A_616 = arith.muli %scan3A_536, %mul3A_615 : i32
        %add3A_617 = arith.constant 0 : i32
        %add3A_618 = arith.addi %mul3A_616, %add3A_617 : i32
        %get3A_619 = arith.index_cast %add3A_618 : i32 to index
        %get3A_620 = arith.constant 80 : index
        %get3A_621 = tpu.vector_load %arg9[%get3A_619, %get3A_620] {strides = array<i32>} : memref<128x128xf32, #tpu.memory_space<vmem>>, vector<1x16xf32>,
        %get3A_622 = vector.shape_cast %get3A_621 : vector<1x16xf32> to vector<16xf32>
        %mul3A_623 = arith.constant 11.3137083 : f32
        %mul3A_624 = vector.broadcast %mul3A_623 : f32 to vector<16xf32>
        %mul3A_625 = arith.mulf %get3A_622, %mul3A_624 : vector<16xf32>
        %swap3A_626 = arith.index_cast %add3A_618 : i32 to index
        %swap3A_627 = arith.constant 80 : index
        %swap3A_628 = tpu.vector_load %arg9[%swap3A_626, %swap3A_627] {strides = array<i32>} : memref<128x128xf32, #tpu.memory_space<vmem>>, vector<1x16xf32>,
        %swap3A_629 = vector.shape_cast %swap3A_628 : vector<1x16xf32> to vector<16xf32>
        %swap3A_630 = vector.shape_cast %mul3A_625 : vector<16xf32> to vector<1x16xf32>
        tpu.vector_store %arg9[%swap3A_626, %swap3A_627], %swap3A_630 {strides = array<i32>} : memref<128x128xf32, #tpu.memory_space<vmem>>, vector<1x16xf32>,
        %mul3A_631 = arith.constant 2 : i32
        %mul3A_632 = arith.muli %scan3A_536, %mul3A_631 : i32
        %add3A_633 = arith.constant 0 : i32
        %add3A_634 = arith.addi %mul3A_632, %add3A_633 : i32
        %get3A_635 = arith.index_cast %add3A_634 : i32 to index
        %get3A_636 = arith.constant 96 : index
        %get3A_637 = tpu.vector_load %arg9[%get3A_635, %get3A_636] {strides = array<i32>} : memref<128x128xf32, #tpu.memory_space<vmem>>, vector<1x16xf32>,
        %get3A_638 = vector.shape_cast %get3A_637 : vector<1x16xf32> to vector<16xf32>
        %mul3A_639 = arith.constant 11.3137083 : f32
        %mul3A_640 = vector.broadcast %mul3A_639 : f32 to vector<16xf32>
        %mul3A_641 = arith.mulf %get3A_638, %mul3A_640 : vector<16xf32>
        %swap3A_642 = arith.index_cast %add3A_634 : i32 to index
        %swap3A_643 = arith.constant 96 : index
        %swap3A_644 = tpu.vector_load %arg9[%swap3A_642, %swap3A_643] {strides = array<i32>} : memref<128x128xf32, #tpu.memory_space<vmem>>, vector<1x16xf32>,
        %swap3A_645 = vector.shape_cast %swap3A_644 : vector<1x16xf32> to vector<16xf32>
        %swap3A_646 = vector.shape_cast %mul3A_641 : vector<16xf32> to vector<1x16xf32>
        tpu.vector_store %arg9[%swap3A_642, %swap3A_643], %swap3A_646 {strides = array<i32>} : memref<128x128xf32, #tpu.memory_space<vmem>>, vector<1x16xf32>,
        %mul3A_647 = arith.constant 2 : i32
        %mul3A_648 = arith.muli %scan3A_536, %mul3A_647 : i32
        %add3A_649 = arith.constant 0 : i32
        %add3A_650 = arith.addi %mul3A_648, %add3A_649 : i32
        %get3A_651 = arith.index_cast %add3A_650 : i32 to index
        %get3A_652 = arith.constant 112 : index
        %get3A_653 = tpu.vector_load %arg9[%get3A_651, %get3A_652] {strides = array<i32>} : memref<128x128xf32, #tpu.memory_space<vmem>>, vector<1x16xf32>,
        %get3A_654 = vector.shape_cast %get3A_653 : vector<1x16xf32> to vector<16xf32>
        %mul3A_655 = arith.constant 11.3137083 : f32
        %mul3A_656 = vector.broadcast %mul3A_655 : f32 to vector<16xf32>
        %mul3A_657 = arith.mulf %get3A_654, %mul3A_656 : vector<16xf32>
        %swap3A_658 = arith.index_cast %add3A_650 : i32 to index
        %swap3A_659 = arith.constant 112 : index
        %swap3A_660 = tpu.vector_load %arg9[%swap3A_658, %swap3A_659] {strides = array<i32>} : memref<128x128xf32, #tpu.memory_space<vmem>>, vector<1x16xf32>,
        %swap3A_661 = vector.shape_cast %swap3A_660 : vector<1x16xf32> to vector<16xf32>
        %swap3A_662 = vector.shape_cast %mul3A_657 : vector<16xf32> to vector<1x16xf32>
        tpu.vector_store %arg9[%swap3A_658, %swap3A_659], %swap3A_662 {strides = array<i32>} : memref<128x128xf32, #tpu.memory_space<vmem>>, vector<1x16xf32>,
        %mul3A_663 = arith.constant 2 : i32
        %mul3A_664 = arith.muli %scan3A_536, %mul3A_663 : i32
        %add3A_665 = arith.constant 1 : i32
        %add3A_666 = arith.addi %mul3A_664, %add3A_665 : i32
        %get3A_667 = arith.index_cast %add3A_666 : i32 to index
        %get3A_668 = arith.constant 0 : index
        %get3A_669 = tpu.vector_load %arg9[%get3A_667, %get3A_668] {strides = array<i32>} : memref<128x128xf32, #tpu.memory_space<vmem>>, vector<1x16xf32>,
        %get3A_670 = vector.shape_cast %get3A_669 : vector<1x16xf32> to vector<16xf32>
        %mul3A_671 = arith.constant 11.3137083 : f32
        %mul3A_672 = vector.broadcast %mul3A_671 : f32 to vector<16xf32>
        %mul3A_673 = arith.mulf %get3A_670, %mul3A_672 : vector<16xf32>
        %swap3A_674 = arith.index_cast %add3A_666 : i32 to index
        %swap3A_675 = arith.constant 0 : index
        %swap3A_676 = tpu.vector_load %arg9[%swap3A_674, %swap3A_675] {strides = array<i32>} : memref<128x128xf32, #tpu.memory_space<vmem>>, vector<1x16xf32>,
        %swap3A_677 = vector.shape_cast %swap3A_676 : vector<1x16xf32> to vector<16xf32>
        %swap3A_678 = vector.shape_cast %mul3A_673 : vector<16xf32> to vector<1x16xf32>
        tpu.vector_store %arg9[%swap3A_674, %swap3A_675], %swap3A_678 {strides = array<i32>} : memref<128x128xf32, #tpu.memory_space<vmem>>, vector<1x16xf32>,
        %mul3A_679 = arith.constant 2 : i32
        %mul3A_680 = arith.muli %scan3A_536, %mul3A_679 : i32
        %add3A_681 = arith.constant 1 : i32
        %add3A_682 = arith.addi %mul3A_680, %add3A_681 : i32
        %get3A_683 = arith.index_cast %add3A_682 : i32 to index
        %get3A_684 = arith.constant 16 : index
        %get3A_685 = tpu.vector_load %arg9[%get3A_683, %get3A_684] {strides = array<i32>} : memref<128x128xf32, #tpu.memory_space<vmem>>, vector<1x16xf32>,
        %get3A_686 = vector.shape_cast %get3A_685 : vector<1x16xf32> to vector<16xf32>
        %mul3A_687 = arith.constant 11.3137083 : f32
        %mul3A_688 = vector.broadcast %mul3A_687 : f32 to vector<16xf32>
        %mul3A_689 = arith.mulf %get3A_686, %mul3A_688 : vector<16xf32>
        %swap3A_690 = arith.index_cast %add3A_682 : i32 to index
        %swap3A_691 = arith.constant 16 : index
        %swap3A_692 = tpu.vector_load %arg9[%swap3A_690, %swap3A_691] {strides = array<i32>} : memref<128x128xf32, #tpu.memory_space<vmem>>, vector<1x16xf32>,
        %swap3A_693 = vector.shape_cast %swap3A_692 : vector<1x16xf32> to vector<16xf32>
        %swap3A_694 = vector.shape_cast %mul3A_689 : vector<16xf32> to vector<1x16xf32>
        tpu.vector_store %arg9[%swap3A_690, %swap3A_691], %swap3A_694 {strides = array<i32>} : memref<128x128xf32, #tpu.memory_space<vmem>>, vector<1x16xf32>,
        %mul3A_695 = arith.constant 2 : i32
        %mul3A_696 = arith.muli %scan3A_536, %mul3A_695 : i32
        %add3A_697 = arith.constant 1 : i32
        %add3A_698 = arith.addi %mul3A_696, %add3A_697 : i32
        %get3A_699 = arith.index_cast %add3A_698 : i32 to index
        %get3A_700 = arith.constant 32 : index
        %get3A_701 = tpu.vector_load %arg9[%get3A_699, %get3A_700] {strides = array<i32>} : memref<128x128xf32, #tpu.memory_space<vmem>>, vector<1x16xf32>,
        %get3A_702 = vector.shape_cast %get3A_701 : vector<1x16xf32> to vector<16xf32>
        %mul3A_703 = arith.constant 11.3137083 : f32
        %mul3A_704 = vector.broadcast %mul3A_703 : f32 to vector<16xf32>
        %mul3A_705 = arith.mulf %get3A_702, %mul3A_704 : vector<16xf32>
        %swap3A_706 = arith.index_cast %add3A_698 : i32 to index
        %swap3A_707 = arith.constant 32 : index
        %swap3A_708 = tpu.vector_load %arg9[%swap3A_706, %swap3A_707] {strides = array<i32>} : memref<128x128xf32, #tpu.memory_space<vmem>>, vector<1x16xf32>,
        %swap3A_709 = vector.shape_cast %swap3A_708 : vector<1x16xf32> to vector<16xf32>
        %swap3A_710 = vector.shape_cast %mul3A_705 : vector<16xf32> to vector<1x16xf32>
        tpu.vector_store %arg9[%swap3A_706, %swap3A_707], %swap3A_710 {strides = array<i32>} : memref<128x128xf32, #tpu.memory_space<vmem>>, vector<1x16xf32>,
        %mul3A_711 = arith.constant 2 : i32
        %mul3A_712 = arith.muli %scan3A_536, %mul3A_711 : i32
        %add3A_713 = arith.constant 1 : i32
        %add3A_714 = arith.addi %mul3A_712, %add3A_713 : i32
        %get3A_715 = arith.index_cast %add3A_714 : i32 to index
        %get3A_716 = arith.constant 48 : index
        %get3A_717 = tpu.vector_load %arg9[%get3A_715, %get3A_716] {strides = array<i32>} : memref<128x128xf32, #tpu.memory_space<vmem>>, vector<1x16xf32>,
        %get3A_718 = vector.shape_cast %get3A_717 : vector<1x16xf32> to vector<16xf32>
        %mul3A_719 = arith.constant 11.3137083 : f32
        %mul3A_720 = vector.broadcast %mul3A_719 : f32 to vector<16xf32>
        %mul3A_721 = arith.mulf %get3A_718, %mul3A_720 : vector<16xf32>
        %swap3A_722 = arith.index_cast %add3A_714 : i32 to index
        %swap3A_723 = arith.constant 48 : index
        %swap3A_724 = tpu.vector_load %arg9[%swap3A_722, %swap3A_723] {strides = array<i32>} : memref<128x128xf32, #tpu.memory_space<vmem>>, vector<1x16xf32>,
        %swap3A_725 = vector.shape_cast %swap3A_724 : vector<1x16xf32> to vector<16xf32>
        %swap3A_726 = vector.shape_cast %mul3A_721 : vector<16xf32> to vector<1x16xf32>
        tpu.vector_store %arg9[%swap3A_722, %swap3A_723], %swap3A_726 {strides = array<i32>} : memref<128x128xf32, #tpu.memory_space<vmem>>, vector<1x16xf32>,
        %mul3A_727 = arith.constant 2 : i32
        %mul3A_728 = arith.muli %scan3A_536, %mul3A_727 : i32
        %add3A_729 = arith.constant 1 : i32
        %add3A_730 = arith.addi %mul3A_728, %add3A_729 : i32
        %get3A_731 = arith.index_cast %add3A_730 : i32 to index
        %get3A_732 = arith.constant 64 : index
        %get3A_733 = tpu.vector_load %arg9[%get3A_731, %get3A_732] {strides = array<i32>} : memref<128x128xf32, #tpu.memory_space<vmem>>, vector<1x16xf32>,
        %get3A_734 = vector.shape_cast %get3A_733 : vector<1x16xf32> to vector<16xf32>
        %mul3A_735 = arith.constant 11.3137083 : f32
        %mul3A_736 = vector.broadcast %mul3A_735 : f32 to vector<16xf32>
        %mul3A_737 = arith.mulf %get3A_734, %mul3A_736 : vector<16xf32>
        %swap3A_738 = arith.index_cast %add3A_730 : i32 to index
        %swap3A_739 = arith.constant 64 : index
        %swap3A_740 = tpu.vector_load %arg9[%swap3A_738, %swap3A_739] {strides = array<i32>} : memref<128x128xf32, #tpu.memory_space<vmem>>, vector<1x16xf32>,
        %swap3A_741 = vector.shape_cast %swap3A_740 : vector<1x16xf32> to vector<16xf32>
        %swap3A_742 = vector.shape_cast %mul3A_737 : vector<16xf32> to vector<1x16xf32>
        tpu.vector_store %arg9[%swap3A_738, %swap3A_739], %swap3A_742 {strides = array<i32>} : memref<128x128xf32, #tpu.memory_space<vmem>>, vector<1x16xf32>,
        %mul3A_743 = arith.constant 2 : i32
        %mul3A_744 = arith.muli %scan3A_536, %mul3A_743 : i32
        %add3A_745 = arith.constant 1 : i32
        %add3A_746 = arith.addi %mul3A_744, %add3A_745 : i32
        %get3A_747 = arith.index_cast %add3A_746 : i32 to index
        %get3A_748 = arith.constant 80 : index
        %get3A_749 = tpu.vector_load %arg9[%get3A_747, %get3A_748] {strides = array<i32>} : memref<128x128xf32, #tpu.memory_space<vmem>>, vector<1x16xf32>,
        %get3A_750 = vector.shape_cast %get3A_749 : vector<1x16xf32> to vector<16xf32>
        %mul3A_751 = arith.constant 11.3137083 : f32
        %mul3A_752 = vector.broadcast %mul3A_751 : f32 to vector<16xf32>
        %mul3A_753 = arith.mulf %get3A_750, %mul3A_752 : vector<16xf32>
        %swap3A_754 = arith.index_cast %add3A_746 : i32 to index
        %swap3A_755 = arith.constant 80 : index
        %swap3A_756 = tpu.vector_load %arg9[%swap3A_754, %swap3A_755] {strides = array<i32>} : memref<128x128xf32, #tpu.memory_space<vmem>>, vector<1x16xf32>,
        %swap3A_757 = vector.shape_cast %swap3A_756 : vector<1x16xf32> to vector<16xf32>
        %swap3A_758 = vector.shape_cast %mul3A_753 : vector<16xf32> to vector<1x16xf32>
        tpu.vector_store %arg9[%swap3A_754, %swap3A_755], %swap3A_758 {strides = array<i32>} : memref<128x128xf32, #tpu.memory_space<vmem>>, vector<1x16xf32>,
        %mul3A_759 = arith.constant 2 : i32
        %mul3A_760 = arith.muli %scan3A_536, %mul3A_759 : i32
        %add3A_761 = arith.constant 1 : i32
        %add3A_762 = arith.addi %mul3A_760, %add3A_761 : i32
        %get3A_763 = arith.index_cast %add3A_762 : i32 to index
        %get3A_764 = arith.constant 96 : index
        %get3A_765 = tpu.vector_load %arg9[%get3A_763, %get3A_764] {strides = array<i32>} : memref<128x128xf32, #tpu.memory_space<vmem>>, vector<1x16xf32>,
        %get3A_766 = vector.shape_cast %get3A_765 : vector<1x16xf32> to vector<16xf32>
        %mul3A_767 = arith.constant 11.3137083 : f32
        %mul3A_768 = vector.broadcast %mul3A_767 : f32 to vector<16xf32>
        %mul3A_769 = arith.mulf %get3A_766, %mul3A_768 : vector<16xf32>
        %swap3A_770 = arith.index_cast %add3A_762 : i32 to index
        %swap3A_771 = arith.constant 96 : index
        %swap3A_772 = tpu.vector_load %arg9[%swap3A_770, %swap3A_771] {strides = array<i32>} : memref<128x128xf32, #tpu.memory_space<vmem>>, vector<1x16xf32>,
        %swap3A_773 = vector.shape_cast %swap3A_772 : vector<1x16xf32> to vector<16xf32>
        %swap3A_774 = vector.shape_cast %mul3A_769 : vector<16xf32> to vector<1x16xf32>
        tpu.vector_store %arg9[%swap3A_770, %swap3A_771], %swap3A_774 {strides = array<i32>} : memref<128x128xf32, #tpu.memory_space<vmem>>, vector<1x16xf32>,
        %mul3A_775 = arith.constant 2 : i32
        %mul3A_776 = arith.muli %scan3A_536, %mul3A_775 : i32
        %add3A_777 = arith.constant 1 : i32
        %add3A_778 = arith.addi %mul3A_776, %add3A_777 : i32
        %get3A_779 = arith.index_cast %add3A_778 : i32 to index
        %get3A_780 = arith.constant 112 : index
        %get3A_781 = tpu.vector_load %arg9[%get3A_779, %get3A_780] {strides = array<i32>} : memref<128x128xf32, #tpu.memory_space<vmem>>, vector<1x16xf32>,
        %get3A_782 = vector.shape_cast %get3A_781 : vector<1x16xf32> to vector<16xf32>
        %mul3A_783 = arith.constant 11.3137083 : f32
        %mul3A_784 = vector.broadcast %mul3A_783 : f32 to vector<16xf32>
        %mul3A_785 = arith.mulf %get3A_782, %mul3A_784 : vector<16xf32>
        %swap3A_786 = arith.index_cast %add3A_778 : i32 to index
        %swap3A_787 = arith.constant 112 : index
        %swap3A_788 = tpu.vector_load %arg9[%swap3A_786, %swap3A_787] {strides = array<i32>} : memref<128x128xf32, #tpu.memory_space<vmem>>, vector<1x16xf32>,
        %swap3A_789 = vector.shape_cast %swap3A_788 : vector<1x16xf32> to vector<16xf32>
        %swap3A_790 = vector.shape_cast %mul3A_785 : vector<16xf32> to vector<1x16xf32>
        tpu.vector_store %arg9[%swap3A_786, %swap3A_787], %swap3A_790 {strides = array<i32>} : memref<128x128xf32, #tpu.memory_space<vmem>>, vector<1x16xf32>,
      }
      %scan3A_467 = arith.constant 64 : i32
      %mul3A_468 = arith.constant 128 : i32
      %mul3A_469 = arith.muli %add3A_455, %mul3A_468 : i32
      %add3A_470 = arith.addi %mul3A_2, %mul3A_469 : i32
      %dma_start3A_471 = arith.constant 0 : i32
      %dma_start3A_472 = tpu.memref_slice %arg4[%add3A_470, %dma_start3A_471] : memref<819200x128xf32, #tpu.memory_space<hbm>> -> memref<128x128xf32, #tpu.memory_space<hbm>>
      %dma_start3A_473 = arith.constant 0 : i32
      %dma_start3A_474 = tpu.memref_slice %arg4[%add3A_470, %dma_start3A_473] : memref<819200x128xf32, #tpu.memory_space<hbm>> -> memref<128x128xf32, #tpu.memory_space<hbm>>
      tpu.enqueue_dma source(%arg9 : memref<128x128xf32, #tpu.memory_space<vmem>>) target(%dma_start3A_474 : memref<128x128xf32, #tpu.memory_space<hbm>>) target_semaphore(%arg19 : memref<!tpu.dma_semaphore, #tpu.memory_space<semaphore_mem>>)
      %add3A_475 = arith.constant 3 : i32
      %add3A_476 = arith.addi %add3A_455, %add3A_475 : i32
      %sub3A_477 = arith.constant 5 : i32
      %sub3A_478 = arith.subi %add3A_476, %sub3A_477 : i32
      %mul3A_479 = arith.constant 128 : i32
      %mul3A_480 = arith.muli %sub3A_478, %mul3A_479 : i32
      %add3A_481 = arith.addi %mul3A_2, %mul3A_480 : i32
      %dma_wait3A_482 = arith.constant 0 : i32
      %dma_wait3A_483 = tpu.memref_slice %arg4[%add3A_481, %dma_wait3A_482] : memref<819200x128xf32, #tpu.memory_space<hbm>> -> memref<128x128xf32, #tpu.memory_space<hbm>>
      %dma_wait3A_484 = arith.constant 0 : i32
      %dma_wait3A_485 = tpu.memref_slice %arg4[%add3A_481, %dma_wait3A_484] : memref<819200x128xf32, #tpu.memory_space<hbm>> -> memref<128x128xf32, #tpu.memory_space<hbm>>
      tpu.wait_dma2 semaphore(%arg17 : memref<!tpu.dma_semaphore, #tpu.memory_space<semaphore_mem>>) src(%arg7 : memref<128x128xf32, #tpu.memory_space<vmem>>) dst(%dma_wait3A_485 : memref<128x128xf32, #tpu.memory_space<hbm>>)
      %add3A_486 = arith.constant 3 : i32
      %add3A_487 = arith.addi %add3A_455, %add3A_486 : i32
      %dma_start3A_488 = arith.constant 0 : i32
      %dma_start3A_489 = tpu.memref_slice %arg5[%add3A_487, %dma_start3A_488] : memref<200x128xi32, #tpu.memory_space<vmem>> -> memref<1x128xi32, #tpu.memory_space<vmem>>
      %dma_start3A_490 = tpu.memref_squeeze %dma_start3A_489 : memref<1x128xi32, #tpu.memory_space<vmem>> -> memref<128xi32, #tpu.memory_space<vmem>>
      %dma_start3A_491 = arith.constant 0 : i32
      %dma_start3A_492 = arith.constant 0 : i32
      %dma_start3A_493 = tpu.memref_slice %arg3[%dma_start3A_491, %dma_start3A_492] : memref<100000x128xf32, #tpu.memory_space<hbm>> -> memref<100000x128xf32, #tpu.memory_space<hbm>>
      tpu.enqueue_indirect_dma source(%dma_start3A_493 : memref<100000x128xf32, #tpu.memory_space<hbm>>) target(%arg7 : memref<128x128xf32, #tpu.memory_space<vmem>>) offsets(%dma_start3A_490 : memref<128xi32, #tpu.memory_space<vmem>>) semaphore(%arg12 : memref<!tpu.dma_semaphore, #tpu.memory_space<semaphore_mem>>)
      %mul3A_494 = arith.constant 5 : i32
      %mul3A_495 = arith.muli %scan3A_326, %mul3A_494 : i32
      %add3A_496 = arith.constant 4 : i32
      %add3A_497 = arith.addi %mul3A_495, %add3A_496 : i32
      %dma_wait3A_498 = arith.constant 0 : i32
      %dma_wait3A_499 = tpu.memref_slice %arg5[%add3A_497, %dma_wait3A_498] : memref<200x128xi32, #tpu.memory_space<vmem>> -> memref<1x128xi32, #tpu.memory_space<vmem>>
      %dma_wait3A_500 = tpu.memref_squeeze %dma_wait3A_499 : memref<1x128xi32, #tpu.memory_space<vmem>> -> memref<128xi32, #tpu.memory_space<vmem>>
      %dma_wait3A_501 = arith.constant 0 : i32
      %dma_wait3A_502 = arith.constant 0 : i32
      %dma_wait3A_503 = tpu.memref_slice %arg3[%dma_wait3A_501, %dma_wait3A_502] : memref<100000x128xf32, #tpu.memory_space<hbm>> -> memref<100000x128xf32, #tpu.memory_space<hbm>>
      tpu.wait_indirect_dma semaphore(%arg15 : memref<!tpu.dma_semaphore, #tpu.memory_space<semaphore_mem>>) src(%dma_wait3A_503 : memref<100000x128xf32, #tpu.memory_space<hbm>>) dst(%arg10 : memref<128x128xf32, #tpu.memory_space<vmem>>)
      %scan3A_504 = arith.constant 0 : i32
      %scan3A_505 = arith.constant 0 : i32
      %scan3A_506 = arith.constant 64 : i32
      %scan3A_507 = arith.addi %scan3A_505, %scan3A_506 : i32
      %scan3A_508 = arith.constant 1 : i32
      scf.for %scan3A_536 = %scan3A_505 to %scan3A_507 step %scan3A_508  : i32 {
        %mul3A_537 = arith.constant 2 : i32
        %mul3A_538 = arith.muli %scan3A_536, %mul3A_537 : i32
        %add3A_539 = arith.constant 0 : i32
        %add3A_540 = arith.addi %mul3A_538, %add3A_539 : i32
        %get3A = arith.index_cast %add3A_540 : i32 to index
        %get3A_541 = arith.constant 0 : index
        %get3A_542 = tpu.vector_load %arg10[%get3A, %get3A_541] {strides = array<i32>} : memref<128x128xf32, #tpu.memory_space<vmem>>, vector<1x16xf32>,
        %get3A_543 = vector.shape_cast %get3A_542 : vector<1x16xf32> to vector<16xf32>
        %mul3A_544 = arith.constant 11.3137083 : f32
        %mul3A_545 = vector.broadcast %mul3A_544 : f32 to vector<16xf32>
        %mul3A_546 = arith.mulf %get3A_543, %mul3A_545 : vector<16xf32>
        %swap3A = arith.index_cast %add3A_540 : i32 to index
        %swap3A_547 = arith.constant 0 : index
        %swap3A_548 = tpu.vector_load %arg10[%swap3A, %swap3A_547] {strides = array<i32>} : memref<128x128xf32, #tpu.memory_space<vmem>>, vector<1x16xf32>,
        %swap3A_549 = vector.shape_cast %swap3A_548 : vector<1x16xf32> to vector<16xf32>
        %swap3A_550 = vector.shape_cast %mul3A_546 : vector<16xf32> to vector<1x16xf32>
        tpu.vector_store %arg10[%swap3A, %swap3A_547], %swap3A_550 {strides = array<i32>} : memref<128x128xf32, #tpu.memory_space<vmem>>, vector<1x16xf32>,
        %mul3A_551 = arith.constant 2 : i32
        %mul3A_552 = arith.muli %scan3A_536, %mul3A_551 : i32
        %add3A_553 = arith.constant 0 : i32
        %add3A_554 = arith.addi %mul3A_552, %add3A_553 : i32
        %get3A_555 = arith.index_cast %add3A_554 : i32 to index
        %get3A_556 = arith.constant 16 : index
        %get3A_557 = tpu.vector_load %arg10[%get3A_555, %get3A_556] {strides = array<i32>} : memref<128x128xf32, #tpu.memory_space<vmem>>, vector<1x16xf32>,
        %get3A_558 = vector.shape_cast %get3A_557 : vector<1x16xf32> to vector<16xf32>
        %mul3A_559 = arith.constant 11.3137083 : f32
        %mul3A_560 = vector.broadcast %mul3A_559 : f32 to vector<16xf32>
        %mul3A_561 = arith.mulf %get3A_558, %mul3A_560 : vector<16xf32>
        %swap3A_562 = arith.index_cast %add3A_554 : i32 to index
        %swap3A_563 = arith.constant 16 : index
        %swap3A_564 = tpu.vector_load %arg10[%swap3A_562, %swap3A_563] {strides = array<i32>} : memref<128x128xf32, #tpu.memory_space<vmem>>, vector<1x16xf32>,
        %swap3A_565 = vector.shape_cast %swap3A_564 : vector<1x16xf32> to vector<16xf32>
        %swap3A_566 = vector.shape_cast %mul3A_561 : vector<16xf32> to vector<1x16xf32>
        tpu.vector_store %arg10[%swap3A_562, %swap3A_563], %swap3A_566 {strides = array<i32>} : memref<128x128xf32, #tpu.memory_space<vmem>>, vector<1x16xf32>,
        %mul3A_567 = arith.constant 2 : i32
        %mul3A_568 = arith.muli %scan3A_536, %mul3A_567 : i32
        %add3A_569 = arith.constant 0 : i32
        %add3A_570 = arith.addi %mul3A_568, %add3A_569 : i32
        %get3A_571 = arith.index_cast %add3A_570 : i32 to index
        %get3A_572 = arith.constant 32 : index
        %get3A_573 = tpu.vector_load %arg10[%get3A_571, %get3A_572] {strides = array<i32>} : memref<128x128xf32, #tpu.memory_space<vmem>>, vector<1x16xf32>,
        %get3A_574 = vector.shape_cast %get3A_573 : vector<1x16xf32> to vector<16xf32>
        %mul3A_575 = arith.constant 11.3137083 : f32
        %mul3A_576 = vector.broadcast %mul3A_575 : f32 to vector<16xf32>
        %mul3A_577 = arith.mulf %get3A_574, %mul3A_576 : vector<16xf32>
        %swap3A_578 = arith.index_cast %add3A_570 : i32 to index
        %swap3A_579 = arith.constant 32 : index
        %swap3A_580 = tpu.vector_load %arg10[%swap3A_578, %swap3A_579] {strides = array<i32>} : memref<128x128xf32, #tpu.memory_space<vmem>>, vector<1x16xf32>,
        %swap3A_581 = vector.shape_cast %swap3A_580 : vector<1x16xf32> to vector<16xf32>
        %swap3A_582 = vector.shape_cast %mul3A_577 : vector<16xf32> to vector<1x16xf32>
        tpu.vector_store %arg10[%swap3A_578, %swap3A_579], %swap3A_582 {strides = array<i32>} : memref<128x128xf32, #tpu.memory_space<vmem>>, vector<1x16xf32>,
        %mul3A_583 = arith.constant 2 : i32
        %mul3A_584 = arith.muli %scan3A_536, %mul3A_583 : i32
        %add3A_585 = arith.constant 0 : i32
        %add3A_586 = arith.addi %mul3A_584, %add3A_585 : i32
        %get3A_587 = arith.index_cast %add3A_586 : i32 to index
        %get3A_588 = arith.constant 48 : index
        %get3A_589 = tpu.vector_load %arg10[%get3A_587, %get3A_588] {strides = array<i32>} : memref<128x128xf32, #tpu.memory_space<vmem>>, vector<1x16xf32>,
        %get3A_590 = vector.shape_cast %get3A_589 : vector<1x16xf32> to vector<16xf32>
        %mul3A_591 = arith.constant 11.3137083 : f32
        %mul3A_592 = vector.broadcast %mul3A_591 : f32 to vector<16xf32>
        %mul3A_593 = arith.mulf %get3A_590, %mul3A_592 : vector<16xf32>
        %swap3A_594 = arith.index_cast %add3A_586 : i32 to index
        %swap3A_595 = arith.constant 48 : index
        %swap3A_596 = tpu.vector_load %arg10[%swap3A_594, %swap3A_595] {strides = array<i32>} : memref<128x128xf32, #tpu.memory_space<vmem>>, vector<1x16xf32>,
        %swap3A_597 = vector.shape_cast %swap3A_596 : vector<1x16xf32> to vector<16xf32>
        %swap3A_598 = vector.shape_cast %mul3A_593 : vector<16xf32> to vector<1x16xf32>
        tpu.vector_store %arg10[%swap3A_594, %swap3A_595], %swap3A_598 {strides = array<i32>} : memref<128x128xf32, #tpu.memory_space<vmem>>, vector<1x16xf32>,
        %mul3A_599 = arith.constant 2 : i32
        %mul3A_600 = arith.muli %scan3A_536, %mul3A_599 : i32
        %add3A_601 = arith.constant 0 : i32
        %add3A_602 = arith.addi %mul3A_600, %add3A_601 : i32
        %get3A_603 = arith.index_cast %add3A_602 : i32 to index
        %get3A_604 = arith.constant 64 : index
        %get3A_605 = tpu.vector_load %arg10[%get3A_603, %get3A_604] {strides = array<i32>} : memref<128x128xf32, #tpu.memory_space<vmem>>, vector<1x16xf32>,
        %get3A_606 = vector.shape_cast %get3A_605 : vector<1x16xf32> to vector<16xf32>
        %mul3A_607 = arith.constant 11.3137083 : f32
        %mul3A_608 = vector.broadcast %mul3A_607 : f32 to vector<16xf32>
        %mul3A_609 = arith.mulf %get3A_606, %mul3A_608 : vector<16xf32>
        %swap3A_610 = arith.index_cast %add3A_602 : i32 to index
        %swap3A_611 = arith.constant 64 : index
        %swap3A_612 = tpu.vector_load %arg10[%swap3A_610, %swap3A_611] {strides = array<i32>} : memref<128x128xf32, #tpu.memory_space<vmem>>, vector<1x16xf32>,
        %swap3A_613 = vector.shape_cast %swap3A_612 : vector<1x16xf32> to vector<16xf32>
        %swap3A_614 = vector.shape_cast %mul3A_609 : vector<16xf32> to vector<1x16xf32>
        tpu.vector_store %arg10[%swap3A_610, %swap3A_611], %swap3A_614 {strides = array<i32>} : memref<128x128xf32, #tpu.memory_space<vmem>>, vector<1x16xf32>,
        %mul3A_615 = arith.constant 2 : i32
        %mul3A_616 = arith.muli %scan3A_536, %mul3A_615 : i32
        %add3A_617 = arith.constant 0 : i32
        %add3A_618 = arith.addi %mul3A_616, %add3A_617 : i32
        %get3A_619 = arith.index_cast %add3A_618 : i32 to index
        %get3A_620 = arith.constant 80 : index
        %get3A_621 = tpu.vector_load %arg10[%get3A_619, %get3A_620] {strides = array<i32>} : memref<128x128xf32, #tpu.memory_space<vmem>>, vector<1x16xf32>,
        %get3A_622 = vector.shape_cast %get3A_621 : vector<1x16xf32> to vector<16xf32>
        %mul3A_623 = arith.constant 11.3137083 : f32
        %mul3A_624 = vector.broadcast %mul3A_623 : f32 to vector<16xf32>
        %mul3A_625 = arith.mulf %get3A_622, %mul3A_624 : vector<16xf32>
        %swap3A_626 = arith.index_cast %add3A_618 : i32 to index
        %swap3A_627 = arith.constant 80 : index
        %swap3A_628 = tpu.vector_load %arg10[%swap3A_626, %swap3A_627] {strides = array<i32>} : memref<128x128xf32, #tpu.memory_space<vmem>>, vector<1x16xf32>,
        %swap3A_629 = vector.shape_cast %swap3A_628 : vector<1x16xf32> to vector<16xf32>
        %swap3A_630 = vector.shape_cast %mul3A_625 : vector<16xf32> to vector<1x16xf32>
        tpu.vector_store %arg10[%swap3A_626, %swap3A_627], %swap3A_630 {strides = array<i32>} : memref<128x128xf32, #tpu.memory_space<vmem>>, vector<1x16xf32>,
        %mul3A_631 = arith.constant 2 : i32
        %mul3A_632 = arith.muli %scan3A_536, %mul3A_631 : i32
        %add3A_633 = arith.constant 0 : i32
        %add3A_634 = arith.addi %mul3A_632, %add3A_633 : i32
        %get3A_635 = arith.index_cast %add3A_634 : i32 to index
        %get3A_636 = arith.constant 96 : index
        %get3A_637 = tpu.vector_load %arg10[%get3A_635, %get3A_636] {strides = array<i32>} : memref<128x128xf32, #tpu.memory_space<vmem>>, vector<1x16xf32>,
        %get3A_638 = vector.shape_cast %get3A_637 : vector<1x16xf32> to vector<16xf32>
        %mul3A_639 = arith.constant 11.3137083 : f32
        %mul3A_640 = vector.broadcast %mul3A_639 : f32 to vector<16xf32>
        %mul3A_641 = arith.mulf %get3A_638, %mul3A_640 : vector<16xf32>
        %swap3A_642 = arith.index_cast %add3A_634 : i32 to index
        %swap3A_643 = arith.constant 96 : index
        %swap3A_644 = tpu.vector_load %arg10[%swap3A_642, %swap3A_643] {strides = array<i32>} : memref<128x128xf32, #tpu.memory_space<vmem>>, vector<1x16xf32>,
        %swap3A_645 = vector.shape_cast %swap3A_644 : vector<1x16xf32> to vector<16xf32>
        %swap3A_646 = vector.shape_cast %mul3A_641 : vector<16xf32> to vector<1x16xf32>
        tpu.vector_store %arg10[%swap3A_642, %swap3A_643], %swap3A_646 {strides = array<i32>} : memref<128x128xf32, #tpu.memory_space<vmem>>, vector<1x16xf32>,
        %mul3A_647 = arith.constant 2 : i32
        %mul3A_648 = arith.muli %scan3A_536, %mul3A_647 : i32
        %add3A_649 = arith.constant 0 : i32
        %add3A_650 = arith.addi %mul3A_648, %add3A_649 : i32
        %get3A_651 = arith.index_cast %add3A_650 : i32 to index
        %get3A_652 = arith.constant 112 : index
        %get3A_653 = tpu.vector_load %arg10[%get3A_651, %get3A_652] {strides = array<i32>} : memref<128x128xf32, #tpu.memory_space<vmem>>, vector<1x16xf32>,
        %get3A_654 = vector.shape_cast %get3A_653 : vector<1x16xf32> to vector<16xf32>
        %mul3A_655 = arith.constant 11.3137083 : f32
        %mul3A_656 = vector.broadcast %mul3A_655 : f32 to vector<16xf32>
        %mul3A_657 = arith.mulf %get3A_654, %mul3A_656 : vector<16xf32>
        %swap3A_658 = arith.index_cast %add3A_650 : i32 to index
        %swap3A_659 = arith.constant 112 : index
        %swap3A_660 = tpu.vector_load %arg10[%swap3A_658, %swap3A_659] {strides = array<i32>} : memref<128x128xf32, #tpu.memory_space<vmem>>, vector<1x16xf32>,
        %swap3A_661 = vector.shape_cast %swap3A_660 : vector<1x16xf32> to vector<16xf32>
        %swap3A_662 = vector.shape_cast %mul3A_657 : vector<16xf32> to vector<1x16xf32>
        tpu.vector_store %arg10[%swap3A_658, %swap3A_659], %swap3A_662 {strides = array<i32>} : memref<128x128xf32, #tpu.memory_space<vmem>>, vector<1x16xf32>,
        %mul3A_663 = arith.constant 2 : i32
        %mul3A_664 = arith.muli %scan3A_536, %mul3A_663 : i32
        %add3A_665 = arith.constant 1 : i32
        %add3A_666 = arith.addi %mul3A_664, %add3A_665 : i32
        %get3A_667 = arith.index_cast %add3A_666 : i32 to index
        %get3A_668 = arith.constant 0 : index
        %get3A_669 = tpu.vector_load %arg10[%get3A_667, %get3A_668] {strides = array<i32>} : memref<128x128xf32, #tpu.memory_space<vmem>>, vector<1x16xf32>,
        %get3A_670 = vector.shape_cast %get3A_669 : vector<1x16xf32> to vector<16xf32>
        %mul3A_671 = arith.constant 11.3137083 : f32
        %mul3A_672 = vector.broadcast %mul3A_671 : f32 to vector<16xf32>
        %mul3A_673 = arith.mulf %get3A_670, %mul3A_672 : vector<16xf32>
        %swap3A_674 = arith.index_cast %add3A_666 : i32 to index
        %swap3A_675 = arith.constant 0 : index
        %swap3A_676 = tpu.vector_load %arg10[%swap3A_674, %swap3A_675] {strides = array<i32>} : memref<128x128xf32, #tpu.memory_space<vmem>>, vector<1x16xf32>,
        %swap3A_677 = vector.shape_cast %swap3A_676 : vector<1x16xf32> to vector<16xf32>
        %swap3A_678 = vector.shape_cast %mul3A_673 : vector<16xf32> to vector<1x16xf32>
        tpu.vector_store %arg10[%swap3A_674, %swap3A_675], %swap3A_678 {strides = array<i32>} : memref<128x128xf32, #tpu.memory_space<vmem>>, vector<1x16xf32>,
        %mul3A_679 = arith.constant 2 : i32
        %mul3A_680 = arith.muli %scan3A_536, %mul3A_679 : i32
        %add3A_681 = arith.constant 1 : i32
        %add3A_682 = arith.addi %mul3A_680, %add3A_681 : i32
        %get3A_683 = arith.index_cast %add3A_682 : i32 to index
        %get3A_684 = arith.constant 16 : index
        %get3A_685 = tpu.vector_load %arg10[%get3A_683, %get3A_684] {strides = array<i32>} : memref<128x128xf32, #tpu.memory_space<vmem>>, vector<1x16xf32>,
        %get3A_686 = vector.shape_cast %get3A_685 : vector<1x16xf32> to vector<16xf32>
        %mul3A_687 = arith.constant 11.3137083 : f32
        %mul3A_688 = vector.broadcast %mul3A_687 : f32 to vector<16xf32>
        %mul3A_689 = arith.mulf %get3A_686, %mul3A_688 : vector<16xf32>
        %swap3A_690 = arith.index_cast %add3A_682 : i32 to index
        %swap3A_691 = arith.constant 16 : index
        %swap3A_692 = tpu.vector_load %arg10[%swap3A_690, %swap3A_691] {strides = array<i32>} : memref<128x128xf32, #tpu.memory_space<vmem>>, vector<1x16xf32>,
        %swap3A_693 = vector.shape_cast %swap3A_692 : vector<1x16xf32> to vector<16xf32>
        %swap3A_694 = vector.shape_cast %mul3A_689 : vector<16xf32> to vector<1x16xf32>
        tpu.vector_store %arg10[%swap3A_690, %swap3A_691], %swap3A_694 {strides = array<i32>} : memref<128x128xf32, #tpu.memory_space<vmem>>, vector<1x16xf32>,
        %mul3A_695 = arith.constant 2 : i32
        %mul3A_696 = arith.muli %scan3A_536, %mul3A_695 : i32
        %add3A_697 = arith.constant 1 : i32
        %add3A_698 = arith.addi %mul3A_696, %add3A_697 : i32
        %get3A_699 = arith.index_cast %add3A_698 : i32 to index
        %get3A_700 = arith.constant 32 : index
        %get3A_701 = tpu.vector_load %arg10[%get3A_699, %get3A_700] {strides = array<i32>} : memref<128x128xf32, #tpu.memory_space<vmem>>, vector<1x16xf32>,
        %get3A_702 = vector.shape_cast %get3A_701 : vector<1x16xf32> to vector<16xf32>
        %mul3A_703 = arith.constant 11.3137083 : f32
        %mul3A_704 = vector.broadcast %mul3A_703 : f32 to vector<16xf32>
        %mul3A_705 = arith.mulf %get3A_702, %mul3A_704 : vector<16xf32>
        %swap3A_706 = arith.index_cast %add3A_698 : i32 to index
        %swap3A_707 = arith.constant 32 : index
        %swap3A_708 = tpu.vector_load %arg10[%swap3A_706, %swap3A_707] {strides = array<i32>} : memref<128x128xf32, #tpu.memory_space<vmem>>, vector<1x16xf32>,
        %swap3A_709 = vector.shape_cast %swap3A_708 : vector<1x16xf32> to vector<16xf32>
        %swap3A_710 = vector.shape_cast %mul3A_705 : vector<16xf32> to vector<1x16xf32>
        tpu.vector_store %arg10[%swap3A_706, %swap3A_707], %swap3A_710 {strides = array<i32>} : memref<128x128xf32, #tpu.memory_space<vmem>>, vector<1x16xf32>,
        %mul3A_711 = arith.constant 2 : i32
        %mul3A_712 = arith.muli %scan3A_536, %mul3A_711 : i32
        %add3A_713 = arith.constant 1 : i32
        %add3A_714 = arith.addi %mul3A_712, %add3A_713 : i32
        %get3A_715 = arith.index_cast %add3A_714 : i32 to index
        %get3A_716 = arith.constant 48 : index
        %get3A_717 = tpu.vector_load %arg10[%get3A_715, %get3A_716] {strides = array<i32>} : memref<128x128xf32, #tpu.memory_space<vmem>>, vector<1x16xf32>,
        %get3A_718 = vector.shape_cast %get3A_717 : vector<1x16xf32> to vector<16xf32>
        %mul3A_719 = arith.constant 11.3137083 : f32
        %mul3A_720 = vector.broadcast %mul3A_719 : f32 to vector<16xf32>
        %mul3A_721 = arith.mulf %get3A_718, %mul3A_720 : vector<16xf32>
        %swap3A_722 = arith.index_cast %add3A_714 : i32 to index
        %swap3A_723 = arith.constant 48 : index
        %swap3A_724 = tpu.vector_load %arg10[%swap3A_722, %swap3A_723] {strides = array<i32>} : memref<128x128xf32, #tpu.memory_space<vmem>>, vector<1x16xf32>,
        %swap3A_725 = vector.shape_cast %swap3A_724 : vector<1x16xf32> to vector<16xf32>
        %swap3A_726 = vector.shape_cast %mul3A_721 : vector<16xf32> to vector<1x16xf32>
        tpu.vector_store %arg10[%swap3A_722, %swap3A_723], %swap3A_726 {strides = array<i32>} : memref<128x128xf32, #tpu.memory_space<vmem>>, vector<1x16xf32>,
        %mul3A_727 = arith.constant 2 : i32
        %mul3A_728 = arith.muli %scan3A_536, %mul3A_727 : i32
        %add3A_729 = arith.constant 1 : i32
        %add3A_730 = arith.addi %mul3A_728, %add3A_729 : i32
        %get3A_731 = arith.index_cast %add3A_730 : i32 to index
        %get3A_732 = arith.constant 64 : index
        %get3A_733 = tpu.vector_load %arg10[%get3A_731, %get3A_732] {strides = array<i32>} : memref<128x128xf32, #tpu.memory_space<vmem>>, vector<1x16xf32>,
        %get3A_734 = vector.shape_cast %get3A_733 : vector<1x16xf32> to vector<16xf32>
        %mul3A_735 = arith.constant 11.3137083 : f32
        %mul3A_736 = vector.broadcast %mul3A_735 : f32 to vector<16xf32>
        %mul3A_737 = arith.mulf %get3A_734, %mul3A_736 : vector<16xf32>
        %swap3A_738 = arith.index_cast %add3A_730 : i32 to index
        %swap3A_739 = arith.constant 64 : index
        %swap3A_740 = tpu.vector_load %arg10[%swap3A_738, %swap3A_739] {strides = array<i32>} : memref<128x128xf32, #tpu.memory_space<vmem>>, vector<1x16xf32>,
        %swap3A_741 = vector.shape_cast %swap3A_740 : vector<1x16xf32> to vector<16xf32>
        %swap3A_742 = vector.shape_cast %mul3A_737 : vector<16xf32> to vector<1x16xf32>
        tpu.vector_store %arg10[%swap3A_738, %swap3A_739], %swap3A_742 {strides = array<i32>} : memref<128x128xf32, #tpu.memory_space<vmem>>, vector<1x16xf32>,
        %mul3A_743 = arith.constant 2 : i32
        %mul3A_744 = arith.muli %scan3A_536, %mul3A_743 : i32
        %add3A_745 = arith.constant 1 : i32
        %add3A_746 = arith.addi %mul3A_744, %add3A_745 : i32
        %get3A_747 = arith.index_cast %add3A_746 : i32 to index
        %get3A_748 = arith.constant 80 : index
        %get3A_749 = tpu.vector_load %arg10[%get3A_747, %get3A_748] {strides = array<i32>} : memref<128x128xf32, #tpu.memory_space<vmem>>, vector<1x16xf32>,
        %get3A_750 = vector.shape_cast %get3A_749 : vector<1x16xf32> to vector<16xf32>
        %mul3A_751 = arith.constant 11.3137083 : f32
        %mul3A_752 = vector.broadcast %mul3A_751 : f32 to vector<16xf32>
        %mul3A_753 = arith.mulf %get3A_750, %mul3A_752 : vector<16xf32>
        %swap3A_754 = arith.index_cast %add3A_746 : i32 to index
        %swap3A_755 = arith.constant 80 : index
        %swap3A_756 = tpu.vector_load %arg10[%swap3A_754, %swap3A_755] {strides = array<i32>} : memref<128x128xf32, #tpu.memory_space<vmem>>, vector<1x16xf32>,
        %swap3A_757 = vector.shape_cast %swap3A_756 : vector<1x16xf32> to vector<16xf32>
        %swap3A_758 = vector.shape_cast %mul3A_753 : vector<16xf32> to vector<1x16xf32>
        tpu.vector_store %arg10[%swap3A_754, %swap3A_755], %swap3A_758 {strides = array<i32>} : memref<128x128xf32, #tpu.memory_space<vmem>>, vector<1x16xf32>,
        %mul3A_759 = arith.constant 2 : i32
        %mul3A_760 = arith.muli %scan3A_536, %mul3A_759 : i32
        %add3A_761 = arith.constant 1 : i32
        %add3A_762 = arith.addi %mul3A_760, %add3A_761 : i32
        %get3A_763 = arith.index_cast %add3A_762 : i32 to index
        %get3A_764 = arith.constant 96 : index
        %get3A_765 = tpu.vector_load %arg10[%get3A_763, %get3A_764] {strides = array<i32>} : memref<128x128xf32, #tpu.memory_space<vmem>>, vector<1x16xf32>,
        %get3A_766 = vector.shape_cast %get3A_765 : vector<1x16xf32> to vector<16xf32>
        %mul3A_767 = arith.constant 11.3137083 : f32
        %mul3A_768 = vector.broadcast %mul3A_767 : f32 to vector<16xf32>
        %mul3A_769 = arith.mulf %get3A_766, %mul3A_768 : vector<16xf32>
        %swap3A_770 = arith.index_cast %add3A_762 : i32 to index
        %swap3A_771 = arith.constant 96 : index
        %swap3A_772 = tpu.vector_load %arg10[%swap3A_770, %swap3A_771] {strides = array<i32>} : memref<128x128xf32, #tpu.memory_space<vmem>>, vector<1x16xf32>,
        %swap3A_773 = vector.shape_cast %swap3A_772 : vector<1x16xf32> to vector<16xf32>
        %swap3A_774 = vector.shape_cast %mul3A_769 : vector<16xf32> to vector<1x16xf32>
        tpu.vector_store %arg10[%swap3A_770, %swap3A_771], %swap3A_774 {strides = array<i32>} : memref<128x128xf32, #tpu.memory_space<vmem>>, vector<1x16xf32>,
        %mul3A_775 = arith.constant 2 : i32
        %mul3A_776 = arith.muli %scan3A_536, %mul3A_775 : i32
        %add3A_777 = arith.constant 1 : i32
        %add3A_778 = arith.addi %mul3A_776, %add3A_777 : i32
        %get3A_779 = arith.index_cast %add3A_778 : i32 to index
        %get3A_780 = arith.constant 112 : index
        %get3A_781 = tpu.vector_load %arg10[%get3A_779, %get3A_780] {strides = array<i32>} : memref<128x128xf32, #tpu.memory_space<vmem>>, vector<1x16xf32>,
        %get3A_782 = vector.shape_cast %get3A_781 : vector<1x16xf32> to vector<16xf32>
        %mul3A_783 = arith.constant 11.3137083 : f32
        %mul3A_784 = vector.broadcast %mul3A_783 : f32 to vector<16xf32>
        %mul3A_785 = arith.mulf %get3A_782, %mul3A_784 : vector<16xf32>
        %swap3A_786 = arith.index_cast %add3A_778 : i32 to index
        %swap3A_787 = arith.constant 112 : index
        %swap3A_788 = tpu.vector_load %arg10[%swap3A_786, %swap3A_787] {strides = array<i32>} : memref<128x128xf32, #tpu.memory_space<vmem>>, vector<1x16xf32>,
        %swap3A_789 = vector.shape_cast %swap3A_788 : vector<1x16xf32> to vector<16xf32>
        %swap3A_790 = vector.shape_cast %mul3A_785 : vector<16xf32> to vector<1x16xf32>
        tpu.vector_store %arg10[%swap3A_786, %swap3A_787], %swap3A_790 {strides = array<i32>} : memref<128x128xf32, #tpu.memory_space<vmem>>, vector<1x16xf32>,
      }
      %scan3A_509 = arith.constant 64 : i32
      %mul3A_510 = arith.constant 128 : i32
      %mul3A_511 = arith.muli %add3A_497, %mul3A_510 : i32
      %add3A_512 = arith.addi %mul3A_2, %mul3A_511 : i32
      %dma_start3A_513 = arith.constant 0 : i32
      %dma_start3A_514 = tpu.memref_slice %arg4[%add3A_512, %dma_start3A_513] : memref<819200x128xf32, #tpu.memory_space<hbm>> -> memref<128x128xf32, #tpu.memory_space<hbm>>
      %dma_start3A_515 = arith.constant 0 : i32
      %dma_start3A_516 = tpu.memref_slice %arg4[%add3A_512, %dma_start3A_515] : memref<819200x128xf32, #tpu.memory_space<hbm>> -> memref<128x128xf32, #tpu.memory_space<hbm>>
      tpu.enqueue_dma source(%arg10 : memref<128x128xf32, #tpu.memory_space<vmem>>) target(%dma_start3A_516 : memref<128x128xf32, #tpu.memory_space<hbm>>) target_semaphore(%arg20 : memref<!tpu.dma_semaphore, #tpu.memory_space<semaphore_mem>>)
      %add3A_517 = arith.constant 3 : i32
      %add3A_518 = arith.addi %add3A_497, %add3A_517 : i32
      %sub3A_519 = arith.constant 5 : i32
      %sub3A_520 = arith.subi %add3A_518, %sub3A_519 : i32
      %mul3A_521 = arith.constant 128 : i32
      %mul3A_522 = arith.muli %sub3A_520, %mul3A_521 : i32
      %add3A_523 = arith.addi %mul3A_2, %mul3A_522 : i32
      %dma_wait3A_524 = arith.constant 0 : i32
      %dma_wait3A_525 = tpu.memref_slice %arg4[%add3A_523, %dma_wait3A_524] : memref<819200x128xf32, #tpu.memory_space<hbm>> -> memref<128x128xf32, #tpu.memory_space<hbm>>
      %dma_wait3A_526 = arith.constant 0 : i32
      %dma_wait3A_527 = tpu.memref_slice %arg4[%add3A_523, %dma_wait3A_526] : memref<819200x128xf32, #tpu.memory_space<hbm>> -> memref<128x128xf32, #tpu.memory_space<hbm>>
      tpu.wait_dma2 semaphore(%arg18 : memref<!tpu.dma_semaphore, #tpu.memory_space<semaphore_mem>>) src(%arg8 : memref<128x128xf32, #tpu.memory_space<vmem>>) dst(%dma_wait3A_527 : memref<128x128xf32, #tpu.memory_space<hbm>>)
      %add3A_528 = arith.constant 3 : i32
      %add3A_529 = arith.addi %add3A_497, %add3A_528 : i32
      %dma_start3A_530 = arith.constant 0 : i32
      %dma_start3A_531 = tpu.memref_slice %arg5[%add3A_529, %dma_start3A_530] : memref<200x128xi32, #tpu.memory_space<vmem>> -> memref<1x128xi32, #tpu.memory_space<vmem>>
      %dma_start3A_532 = tpu.memref_squeeze %dma_start3A_531 : memref<1x128xi32, #tpu.memory_space<vmem>> -> memref<128xi32, #tpu.memory_space<vmem>>
      %dma_start3A_533 = arith.constant 0 : i32
      %dma_start3A_534 = arith.constant 0 : i32
      %dma_start3A_535 = tpu.memref_slice %arg3[%dma_start3A_533, %dma_start3A_534] : memref<100000x128xf32, #tpu.memory_space<hbm>> -> memref<100000x128xf32, #tpu.memory_space<hbm>>
      tpu.enqueue_indirect_dma source(%dma_start3A_535 : memref<100000x128xf32, #tpu.memory_space<hbm>>) target(%arg8 : memref<128x128xf32, #tpu.memory_space<vmem>>) offsets(%dma_start3A_532 : memref<128xi32, #tpu.memory_space<vmem>>) semaphore(%arg13 : memref<!tpu.dma_semaphore, #tpu.memory_space<semaphore_mem>>)
    }
    %scan3A_174 = arith.constant 38 : i32
    %dma_wait3A_175 = arith.constant 195 : i32
    %dma_wait3A_176 = arith.constant 0 : i32
    %dma_wait3A_177 = tpu.memref_slice %arg5[%dma_wait3A_175, %dma_wait3A_176] : memref<200x128xi32, #tpu.memory_space<vmem>> -> memref<1x128xi32, #tpu.memory_space<vmem>>
    %dma_wait3A_178 = tpu.memref_squeeze %dma_wait3A_177 : memref<1x128xi32, #tpu.memory_space<vmem>> -> memref<128xi32, #tpu.memory_space<vmem>>
    %dma_wait3A_179 = arith.constant 0 : i32
    %dma_wait3A_180 = arith.constant 0 : i32
    %dma_wait3A_181 = tpu.memref_slice %arg3[%dma_wait3A_179, %dma_wait3A_180] : memref<100000x128xf32, #tpu.memory_space<hbm>> -> memref<100000x128xf32, #tpu.memory_space<hbm>>
    tpu.wait_indirect_dma semaphore(%arg11 : memref<!tpu.dma_semaphore, #tpu.memory_space<semaphore_mem>>) src(%dma_wait3A_181 : memref<100000x128xf32, #tpu.memory_space<hbm>>) dst(%arg6 : memref<128x128xf32, #tpu.memory_space<vmem>>)
    %scan3A_182 = arith.constant 0 : i32
    %scan3A_183 = arith.constant 0 : i32
    %scan3A_184 = arith.constant 64 : i32
    %scan3A_185 = arith.addi %scan3A_183, %scan3A_184 : i32
    %scan3A_186 = arith.constant 1 : i32
    scf.for %scan3A_326 = %scan3A_183 to %scan3A_185 step %scan3A_186  : i32 {
      %mul3A_327 = arith.constant 2 : i32
      %mul3A_328 = arith.muli %scan3A_326, %mul3A_327 : i32
      %add3A_329 = arith.constant 0 : i32
      %add3A_330 = arith.addi %mul3A_328, %add3A_329 : i32
      %get3A = arith.index_cast %add3A_330 : i32 to index
      %get3A_331 = arith.constant 0 : index
      %get3A_332 = tpu.vector_load %arg6[%get3A, %get3A_331] {strides = array<i32>} : memref<128x128xf32, #tpu.memory_space<vmem>>, vector<1x16xf32>,
      %get3A_333 = vector.shape_cast %get3A_332 : vector<1x16xf32> to vector<16xf32>
      %mul3A_334 = arith.constant 11.3137083 : f32
      %mul3A_335 = vector.broadcast %mul3A_334 : f32 to vector<16xf32>
      %mul3A_336 = arith.mulf %get3A_333, %mul3A_335 : vector<16xf32>
      %swap3A = arith.index_cast %add3A_330 : i32 to index
      %swap3A_337 = arith.constant 0 : index
      %swap3A_338 = tpu.vector_load %arg6[%swap3A, %swap3A_337] {strides = array<i32>} : memref<128x128xf32, #tpu.memory_space<vmem>>, vector<1x16xf32>,
      %swap3A_339 = vector.shape_cast %swap3A_338 : vector<1x16xf32> to vector<16xf32>
      %swap3A_340 = vector.shape_cast %mul3A_336 : vector<16xf32> to vector<1x16xf32>
      tpu.vector_store %arg6[%swap3A, %swap3A_337], %swap3A_340 {strides = array<i32>} : memref<128x128xf32, #tpu.memory_space<vmem>>, vector<1x16xf32>,
      %mul3A_341 = arith.constant 2 : i32
      %mul3A_342 = arith.muli %scan3A_326, %mul3A_341 : i32
      %add3A_343 = arith.constant 0 : i32
      %add3A_344 = arith.addi %mul3A_342, %add3A_343 : i32
      %get3A_345 = arith.index_cast %add3A_344 : i32 to index
      %get3A_346 = arith.constant 16 : index
      %get3A_347 = tpu.vector_load %arg6[%get3A_345, %get3A_346] {strides = array<i32>} : memref<128x128xf32, #tpu.memory_space<vmem>>, vector<1x16xf32>,
      %get3A_348 = vector.shape_cast %get3A_347 : vector<1x16xf32> to vector<16xf32>
      %mul3A_349 = arith.constant 11.3137083 : f32
      %mul3A_350 = vector.broadcast %mul3A_349 : f32 to vector<16xf32>
      %mul3A_351 = arith.mulf %get3A_348, %mul3A_350 : vector<16xf32>
      %swap3A_352 = arith.index_cast %add3A_344 : i32 to index
      %swap3A_353 = arith.constant 16 : index
      %swap3A_354 = tpu.vector_load %arg6[%swap3A_352, %swap3A_353] {strides = array<i32>} : memref<128x128xf32, #tpu.memory_space<vmem>>, vector<1x16xf32>,
      %swap3A_355 = vector.shape_cast %swap3A_354 : vector<1x16xf32> to vector<16xf32>
      %swap3A_356 = vector.shape_cast %mul3A_351 : vector<16xf32> to vector<1x16xf32>
      tpu.vector_store %arg6[%swap3A_352, %swap3A_353], %swap3A_356 {strides = array<i32>} : memref<128x128xf32, #tpu.memory_space<vmem>>, vector<1x16xf32>,
      %mul3A_357 = arith.constant 2 : i32
      %mul3A_358 = arith.muli %scan3A_326, %mul3A_357 : i32
      %add3A_359 = arith.constant 0 : i32
      %add3A_360 = arith.addi %mul3A_358, %add3A_359 : i32
      %get3A_361 = arith.index_cast %add3A_360 : i32 to index
      %get3A_362 = arith.constant 32 : index
      %get3A_363 = tpu.vector_load %arg6[%get3A_361, %get3A_362] {strides = array<i32>} : memref<128x128xf32, #tpu.memory_space<vmem>>, vector<1x16xf32>,
      %get3A_364 = vector.shape_cast %get3A_363 : vector<1x16xf32> to vector<16xf32>
      %mul3A_365 = arith.constant 11.3137083 : f32
      %mul3A_366 = vector.broadcast %mul3A_365 : f32 to vector<16xf32>
      %mul3A_367 = arith.mulf %get3A_364, %mul3A_366 : vector<16xf32>
      %swap3A_368 = arith.index_cast %add3A_360 : i32 to index
      %swap3A_369 = arith.constant 32 : index
      %swap3A_370 = tpu.vector_load %arg6[%swap3A_368, %swap3A_369] {strides = array<i32>} : memref<128x128xf32, #tpu.memory_space<vmem>>, vector<1x16xf32>,
      %swap3A_371 = vector.shape_cast %swap3A_370 : vector<1x16xf32> to vector<16xf32>
      %swap3A_372 = vector.shape_cast %mul3A_367 : vector<16xf32> to vector<1x16xf32>
      tpu.vector_store %arg6[%swap3A_368, %swap3A_369], %swap3A_372 {strides = array<i32>} : memref<128x128xf32, #tpu.memory_space<vmem>>, vector<1x16xf32>,
      %mul3A_373 = arith.constant 2 : i32
      %mul3A_374 = arith.muli %scan3A_326, %mul3A_373 : i32
      %add3A_375 = arith.constant 0 : i32
      %add3A_376 = arith.addi %mul3A_374, %add3A_375 : i32
      %get3A_377 = arith.index_cast %add3A_376 : i32 to index
      %get3A_378 = arith.constant 48 : index
      %get3A_379 = tpu.vector_load %arg6[%get3A_377, %get3A_378] {strides = array<i32>} : memref<128x128xf32, #tpu.memory_space<vmem>>, vector<1x16xf32>,
      %get3A_380 = vector.shape_cast %get3A_379 : vector<1x16xf32> to vector<16xf32>
      %mul3A_381 = arith.constant 11.3137083 : f32
      %mul3A_382 = vector.broadcast %mul3A_381 : f32 to vector<16xf32>
      %mul3A_383 = arith.mulf %get3A_380, %mul3A_382 : vector<16xf32>
      %swap3A_384 = arith.index_cast %add3A_376 : i32 to index
      %swap3A_385 = arith.constant 48 : index
      %swap3A_386 = tpu.vector_load %arg6[%swap3A_384, %swap3A_385] {strides = array<i32>} : memref<128x128xf32, #tpu.memory_space<vmem>>, vector<1x16xf32>,
      %swap3A_387 = vector.shape_cast %swap3A_386 : vector<1x16xf32> to vector<16xf32>
      %swap3A_388 = vector.shape_cast %mul3A_383 : vector<16xf32> to vector<1x16xf32>
      tpu.vector_store %arg6[%swap3A_384, %swap3A_385], %swap3A_388 {strides = array<i32>} : memref<128x128xf32, #tpu.memory_space<vmem>>, vector<1x16xf32>,
      %mul3A_389 = arith.constant 2 : i32
      %mul3A_390 = arith.muli %scan3A_326, %mul3A_389 : i32
      %add3A_391 = arith.constant 0 : i32
      %add3A_392 = arith.addi %mul3A_390, %add3A_391 : i32
      %get3A_393 = arith.index_cast %add3A_392 : i32 to index
      %get3A_394 = arith.constant 64 : index
      %get3A_395 = tpu.vector_load %arg6[%get3A_393, %get3A_394] {strides = array<i32>} : memref<128x128xf32, #tpu.memory_space<vmem>>, vector<1x16xf32>,
      %get3A_396 = vector.shape_cast %get3A_395 : vector<1x16xf32> to vector<16xf32>
      %mul3A_397 = arith.constant 11.3137083 : f32
      %mul3A_398 = vector.broadcast %mul3A_397 : f32 to vector<16xf32>
      %mul3A_399 = arith.mulf %get3A_396, %mul3A_398 : vector<16xf32>
      %swap3A_400 = arith.index_cast %add3A_392 : i32 to index
      %swap3A_401 = arith.constant 64 : index
      %swap3A_402 = tpu.vector_load %arg6[%swap3A_400, %swap3A_401] {strides = array<i32>} : memref<128x128xf32, #tpu.memory_space<vmem>>, vector<1x16xf32>,
      %swap3A_403 = vector.shape_cast %swap3A_402 : vector<1x16xf32> to vector<16xf32>
      %swap3A_404 = vector.shape_cast %mul3A_399 : vector<16xf32> to vector<1x16xf32>
      tpu.vector_store %arg6[%swap3A_400, %swap3A_401], %swap3A_404 {strides = array<i32>} : memref<128x128xf32, #tpu.memory_space<vmem>>, vector<1x16xf32>,
      %mul3A_405 = arith.constant 2 : i32
      %mul3A_406 = arith.muli %scan3A_326, %mul3A_405 : i32
      %add3A_407 = arith.constant 0 : i32
      %add3A_408 = arith.addi %mul3A_406, %add3A_407 : i32
      %get3A_409 = arith.index_cast %add3A_408 : i32 to index
      %get3A_410 = arith.constant 80 : index
      %get3A_411 = tpu.vector_load %arg6[%get3A_409, %get3A_410] {strides = array<i32>} : memref<128x128xf32, #tpu.memory_space<vmem>>, vector<1x16xf32>,
      %get3A_412 = vector.shape_cast %get3A_411 : vector<1x16xf32> to vector<16xf32>
      %mul3A_413 = arith.constant 11.3137083 : f32
      %mul3A_414 = vector.broadcast %mul3A_413 : f32 to vector<16xf32>
      %mul3A_415 = arith.mulf %get3A_412, %mul3A_414 : vector<16xf32>
      %swap3A_416 = arith.index_cast %add3A_408 : i32 to index
      %swap3A_417 = arith.constant 80 : index
      %swap3A_418 = tpu.vector_load %arg6[%swap3A_416, %swap3A_417] {strides = array<i32>} : memref<128x128xf32, #tpu.memory_space<vmem>>, vector<1x16xf32>,
      %swap3A_419 = vector.shape_cast %swap3A_418 : vector<1x16xf32> to vector<16xf32>
      %swap3A_420 = vector.shape_cast %mul3A_415 : vector<16xf32> to vector<1x16xf32>
      tpu.vector_store %arg6[%swap3A_416, %swap3A_417], %swap3A_420 {strides = array<i32>} : memref<128x128xf32, #tpu.memory_space<vmem>>, vector<1x16xf32>,
      %mul3A_421 = arith.constant 2 : i32
      %mul3A_422 = arith.muli %scan3A_326, %mul3A_421 : i32
      %add3A_423 = arith.constant 0 : i32
      %add3A_424 = arith.addi %mul3A_422, %add3A_423 : i32
      %get3A_425 = arith.index_cast %add3A_424 : i32 to index
      %get3A_426 = arith.constant 96 : index
      %get3A_427 = tpu.vector_load %arg6[%get3A_425, %get3A_426] {strides = array<i32>} : memref<128x128xf32, #tpu.memory_space<vmem>>, vector<1x16xf32>,
      %get3A_428 = vector.shape_cast %get3A_427 : vector<1x16xf32> to vector<16xf32>
      %mul3A_429 = arith.constant 11.3137083 : f32
      %mul3A_430 = vector.broadcast %mul3A_429 : f32 to vector<16xf32>
      %mul3A_431 = arith.mulf %get3A_428, %mul3A_430 : vector<16xf32>
      %swap3A_432 = arith.index_cast %add3A_424 : i32 to index
      %swap3A_433 = arith.constant 96 : index
      %swap3A_434 = tpu.vector_load %arg6[%swap3A_432, %swap3A_433] {strides = array<i32>} : memref<128x128xf32, #tpu.memory_space<vmem>>, vector<1x16xf32>,
      %swap3A_435 = vector.shape_cast %swap3A_434 : vector<1x16xf32> to vector<16xf32>
      %swap3A_436 = vector.shape_cast %mul3A_431 : vector<16xf32> to vector<1x16xf32>
      tpu.vector_store %arg6[%swap3A_432, %swap3A_433], %swap3A_436 {strides = array<i32>} : memref<128x128xf32, #tpu.memory_space<vmem>>, vector<1x16xf32>,
      %mul3A_437 = arith.constant 2 : i32
      %mul3A_438 = arith.muli %scan3A_326, %mul3A_437 : i32
      %add3A_439 = arith.constant 0 : i32
      %add3A_440 = arith.addi %mul3A_438, %add3A_439 : i32
      %get3A_441 = arith.index_cast %add3A_440 : i32 to index
      %get3A_442 = arith.constant 112 : index
      %get3A_443 = tpu.vector_load %arg6[%get3A_441, %get3A_442] {strides = array<i32>} : memref<128x128xf32, #tpu.memory_space<vmem>>, vector<1x16xf32>,
      %get3A_444 = vector.shape_cast %get3A_443 : vector<1x16xf32> to vector<16xf32>
      %mul3A_445 = arith.constant 11.3137083 : f32
      %mul3A_446 = vector.broadcast %mul3A_445 : f32 to vector<16xf32>
      %mul3A_447 = arith.mulf %get3A_444, %mul3A_446 : vector<16xf32>
      %swap3A_448 = arith.index_cast %add3A_440 : i32 to index
      %swap3A_449 = arith.constant 112 : index
      %swap3A_450 = tpu.vector_load %arg6[%swap3A_448, %swap3A_449] {strides = array<i32>} : memref<128x128xf32, #tpu.memory_space<vmem>>, vector<1x16xf32>,
      %swap3A_451 = vector.shape_cast %swap3A_450 : vector<1x16xf32> to vector<16xf32>
      %swap3A_452 = vector.shape_cast %mul3A_447 : vector<16xf32> to vector<1x16xf32>
      tpu.vector_store %arg6[%swap3A_448, %swap3A_449], %swap3A_452 {strides = array<i32>} : memref<128x128xf32, #tpu.memory_space<vmem>>, vector<1x16xf32>,
      %mul3A_453 = arith.constant 2 : i32
      %mul3A_454 = arith.muli %scan3A_326, %mul3A_453 : i32
      %add3A_455 = arith.constant 1 : i32
      %add3A_456 = arith.addi %mul3A_454, %add3A_455 : i32
      %get3A_457 = arith.index_cast %add3A_456 : i32 to index
      %get3A_458 = arith.constant 0 : index
      %get3A_459 = tpu.vector_load %arg6[%get3A_457, %get3A_458] {strides = array<i32>} : memref<128x128xf32, #tpu.memory_space<vmem>>, vector<1x16xf32>,
      %get3A_460 = vector.shape_cast %get3A_459 : vector<1x16xf32> to vector<16xf32>
      %mul3A_461 = arith.constant 11.3137083 : f32
      %mul3A_462 = vector.broadcast %mul3A_461 : f32 to vector<16xf32>
      %mul3A_463 = arith.mulf %get3A_460, %mul3A_462 : vector<16xf32>
      %swap3A_464 = arith.index_cast %add3A_456 : i32 to index
      %swap3A_465 = arith.constant 0 : index
      %swap3A_466 = tpu.vector_load %arg6[%swap3A_464, %swap3A_465] {strides = array<i32>} : memref<128x128xf32, #tpu.memory_space<vmem>>, vector<1x16xf32>,
      %swap3A_467 = vector.shape_cast %swap3A_466 : vector<1x16xf32> to vector<16xf32>
      %swap3A_468 = vector.shape_cast %mul3A_463 : vector<16xf32> to vector<1x16xf32>
      tpu.vector_store %arg6[%swap3A_464, %swap3A_465], %swap3A_468 {strides = array<i32>} : memref<128x128xf32, #tpu.memory_space<vmem>>, vector<1x16xf32>,
      %mul3A_469 = arith.constant 2 : i32
      %mul3A_470 = arith.muli %scan3A_326, %mul3A_469 : i32
      %add3A_471 = arith.constant 1 : i32
      %add3A_472 = arith.addi %mul3A_470, %add3A_471 : i32
      %get3A_473 = arith.index_cast %add3A_472 : i32 to index
      %get3A_474 = arith.constant 16 : index
      %get3A_475 = tpu.vector_load %arg6[%get3A_473, %get3A_474] {strides = array<i32>} : memref<128x128xf32, #tpu.memory_space<vmem>>, vector<1x16xf32>,
      %get3A_476 = vector.shape_cast %get3A_475 : vector<1x16xf32> to vector<16xf32>
      %mul3A_477 = arith.constant 11.3137083 : f32
      %mul3A_478 = vector.broadcast %mul3A_477 : f32 to vector<16xf32>
      %mul3A_479 = arith.mulf %get3A_476, %mul3A_478 : vector<16xf32>
      %swap3A_480 = arith.index_cast %add3A_472 : i32 to index
      %swap3A_481 = arith.constant 16 : index
      %swap3A_482 = tpu.vector_load %arg6[%swap3A_480, %swap3A_481] {strides = array<i32>} : memref<128x128xf32, #tpu.memory_space<vmem>>, vector<1x16xf32>,
      %swap3A_483 = vector.shape_cast %swap3A_482 : vector<1x16xf32> to vector<16xf32>
      %swap3A_484 = vector.shape_cast %mul3A_479 : vector<16xf32> to vector<1x16xf32>
      tpu.vector_store %arg6[%swap3A_480, %swap3A_481], %swap3A_484 {strides = array<i32>} : memref<128x128xf32, #tpu.memory_space<vmem>>, vector<1x16xf32>,
      %mul3A_485 = arith.constant 2 : i32
      %mul3A_486 = arith.muli %scan3A_326, %mul3A_485 : i32
      %add3A_487 = arith.constant 1 : i32
      %add3A_488 = arith.addi %mul3A_486, %add3A_487 : i32
      %get3A_489 = arith.index_cast %add3A_488 : i32 to index
      %get3A_490 = arith.constant 32 : index
      %get3A_491 = tpu.vector_load %arg6[%get3A_489, %get3A_490] {strides = array<i32>} : memref<128x128xf32, #tpu.memory_space<vmem>>, vector<1x16xf32>,
      %get3A_492 = vector.shape_cast %get3A_491 : vector<1x16xf32> to vector<16xf32>
      %mul3A_493 = arith.constant 11.3137083 : f32
      %mul3A_494 = vector.broadcast %mul3A_493 : f32 to vector<16xf32>
      %mul3A_495 = arith.mulf %get3A_492, %mul3A_494 : vector<16xf32>
      %swap3A_496 = arith.index_cast %add3A_488 : i32 to index
      %swap3A_497 = arith.constant 32 : index
      %swap3A_498 = tpu.vector_load %arg6[%swap3A_496, %swap3A_497] {strides = array<i32>} : memref<128x128xf32, #tpu.memory_space<vmem>>, vector<1x16xf32>,
      %swap3A_499 = vector.shape_cast %swap3A_498 : vector<1x16xf32> to vector<16xf32>
      %swap3A_500 = vector.shape_cast %mul3A_495 : vector<16xf32> to vector<1x16xf32>
      tpu.vector_store %arg6[%swap3A_496, %swap3A_497], %swap3A_500 {strides = array<i32>} : memref<128x128xf32, #tpu.memory_space<vmem>>, vector<1x16xf32>,
      %mul3A_501 = arith.constant 2 : i32
      %mul3A_502 = arith.muli %scan3A_326, %mul3A_501 : i32
      %add3A_503 = arith.constant 1 : i32
      %add3A_504 = arith.addi %mul3A_502, %add3A_503 : i32
      %get3A_505 = arith.index_cast %add3A_504 : i32 to index
      %get3A_506 = arith.constant 48 : index
      %get3A_507 = tpu.vector_load %arg6[%get3A_505, %get3A_506] {strides = array<i32>} : memref<128x128xf32, #tpu.memory_space<vmem>>, vector<1x16xf32>,
      %get3A_508 = vector.shape_cast %get3A_507 : vector<1x16xf32> to vector<16xf32>
      %mul3A_509 = arith.constant 11.3137083 : f32
      %mul3A_510 = vector.broadcast %mul3A_509 : f32 to vector<16xf32>
      %mul3A_511 = arith.mulf %get3A_508, %mul3A_510 : vector<16xf32>
      %swap3A_512 = arith.index_cast %add3A_504 : i32 to index
      %swap3A_513 = arith.constant 48 : index
      %swap3A_514 = tpu.vector_load %arg6[%swap3A_512, %swap3A_513] {strides = array<i32>} : memref<128x128xf32, #tpu.memory_space<vmem>>, vector<1x16xf32>,
      %swap3A_515 = vector.shape_cast %swap3A_514 : vector<1x16xf32> to vector<16xf32>
      %swap3A_516 = vector.shape_cast %mul3A_511 : vector<16xf32> to vector<1x16xf32>
      tpu.vector_store %arg6[%swap3A_512, %swap3A_513], %swap3A_516 {strides = array<i32>} : memref<128x128xf32, #tpu.memory_space<vmem>>, vector<1x16xf32>,
      %mul3A_517 = arith.constant 2 : i32
      %mul3A_518 = arith.muli %scan3A_326, %mul3A_517 : i32
      %add3A_519 = arith.constant 1 : i32
      %add3A_520 = arith.addi %mul3A_518, %add3A_519 : i32
      %get3A_521 = arith.index_cast %add3A_520 : i32 to index
      %get3A_522 = arith.constant 64 : index
      %get3A_523 = tpu.vector_load %arg6[%get3A_521, %get3A_522] {strides = array<i32>} : memref<128x128xf32, #tpu.memory_space<vmem>>, vector<1x16xf32>,
      %get3A_524 = vector.shape_cast %get3A_523 : vector<1x16xf32> to vector<16xf32>
      %mul3A_525 = arith.constant 11.3137083 : f32
      %mul3A_526 = vector.broadcast %mul3A_525 : f32 to vector<16xf32>
      %mul3A_527 = arith.mulf %get3A_524, %mul3A_526 : vector<16xf32>
      %swap3A_528 = arith.index_cast %add3A_520 : i32 to index
      %swap3A_529 = arith.constant 64 : index
      %swap3A_530 = tpu.vector_load %arg6[%swap3A_528, %swap3A_529] {strides = array<i32>} : memref<128x128xf32, #tpu.memory_space<vmem>>, vector<1x16xf32>,
      %swap3A_531 = vector.shape_cast %swap3A_530 : vector<1x16xf32> to vector<16xf32>
      %swap3A_532 = vector.shape_cast %mul3A_527 : vector<16xf32> to vector<1x16xf32>
      tpu.vector_store %arg6[%swap3A_528, %swap3A_529], %swap3A_532 {strides = array<i32>} : memref<128x128xf32, #tpu.memory_space<vmem>>, vector<1x16xf32>,
      %mul3A_533 = arith.constant 2 : i32
      %mul3A_534 = arith.muli %scan3A_326, %mul3A_533 : i32
      %add3A_535 = arith.constant 1 : i32
      %add3A_536 = arith.addi %mul3A_534, %add3A_535 : i32
      %get3A_537 = arith.index_cast %add3A_536 : i32 to index
      %get3A_538 = arith.constant 80 : index
      %get3A_539 = tpu.vector_load %arg6[%get3A_537, %get3A_538] {strides = array<i32>} : memref<128x128xf32, #tpu.memory_space<vmem>>, vector<1x16xf32>,
      %get3A_540 = vector.shape_cast %get3A_539 : vector<1x16xf32> to vector<16xf32>
      %mul3A_541 = arith.constant 11.3137083 : f32
      %mul3A_542 = vector.broadcast %mul3A_541 : f32 to vector<16xf32>
      %mul3A_543 = arith.mulf %get3A_540, %mul3A_542 : vector<16xf32>
      %swap3A_544 = arith.index_cast %add3A_536 : i32 to index
      %swap3A_545 = arith.constant 80 : index
      %swap3A_546 = tpu.vector_load %arg6[%swap3A_544, %swap3A_545] {strides = array<i32>} : memref<128x128xf32, #tpu.memory_space<vmem>>, vector<1x16xf32>,
      %swap3A_547 = vector.shape_cast %swap3A_546 : vector<1x16xf32> to vector<16xf32>
      %swap3A_548 = vector.shape_cast %mul3A_543 : vector<16xf32> to vector<1x16xf32>
      tpu.vector_store %arg6[%swap3A_544, %swap3A_545], %swap3A_548 {strides = array<i32>} : memref<128x128xf32, #tpu.memory_space<vmem>>, vector<1x16xf32>,
      %mul3A_549 = arith.constant 2 : i32
      %mul3A_550 = arith.muli %scan3A_326, %mul3A_549 : i32
      %add3A_551 = arith.constant 1 : i32
      %add3A_552 = arith.addi %mul3A_550, %add3A_551 : i32
      %get3A_553 = arith.index_cast %add3A_552 : i32 to index
      %get3A_554 = arith.constant 96 : index
      %get3A_555 = tpu.vector_load %arg6[%get3A_553, %get3A_554] {strides = array<i32>} : memref<128x128xf32, #tpu.memory_space<vmem>>, vector<1x16xf32>,
      %get3A_556 = vector.shape_cast %get3A_555 : vector<1x16xf32> to vector<16xf32>
      %mul3A_557 = arith.constant 11.3137083 : f32
      %mul3A_558 = vector.broadcast %mul3A_557 : f32 to vector<16xf32>
      %mul3A_559 = arith.mulf %get3A_556, %mul3A_558 : vector<16xf32>
      %swap3A_560 = arith.index_cast %add3A_552 : i32 to index
      %swap3A_561 = arith.constant 96 : index
      %swap3A_562 = tpu.vector_load %arg6[%swap3A_560, %swap3A_561] {strides = array<i32>} : memref<128x128xf32, #tpu.memory_space<vmem>>, vector<1x16xf32>,
      %swap3A_563 = vector.shape_cast %swap3A_562 : vector<1x16xf32> to vector<16xf32>
      %swap3A_564 = vector.shape_cast %mul3A_559 : vector<16xf32> to vector<1x16xf32>
      tpu.vector_store %arg6[%swap3A_560, %swap3A_561], %swap3A_564 {strides = array<i32>} : memref<128x128xf32, #tpu.memory_space<vmem>>, vector<1x16xf32>,
      %mul3A_565 = arith.constant 2 : i32
      %mul3A_566 = arith.muli %scan3A_326, %mul3A_565 : i32
      %add3A_567 = arith.constant 1 : i32
      %add3A_568 = arith.addi %mul3A_566, %add3A_567 : i32
      %get3A_569 = arith.index_cast %add3A_568 : i32 to index
      %get3A_570 = arith.constant 112 : index
      %get3A_571 = tpu.vector_load %arg6[%get3A_569, %get3A_570] {strides = array<i32>} : memref<128x128xf32, #tpu.memory_space<vmem>>, vector<1x16xf32>,
      %get3A_572 = vector.shape_cast %get3A_571 : vector<1x16xf32> to vector<16xf32>
      %mul3A_573 = arith.constant 11.3137083 : f32
      %mul3A_574 = vector.broadcast %mul3A_573 : f32 to vector<16xf32>
      %mul3A_575 = arith.mulf %get3A_572, %mul3A_574 : vector<16xf32>
      %swap3A_576 = arith.index_cast %add3A_568 : i32 to index
      %swap3A_577 = arith.constant 112 : index
      %swap3A_578 = tpu.vector_load %arg6[%swap3A_576, %swap3A_577] {strides = array<i32>} : memref<128x128xf32, #tpu.memory_space<vmem>>, vector<1x16xf32>,
      %swap3A_579 = vector.shape_cast %swap3A_578 : vector<1x16xf32> to vector<16xf32>
      %swap3A_580 = vector.shape_cast %mul3A_575 : vector<16xf32> to vector<1x16xf32>
      tpu.vector_store %arg6[%swap3A_576, %swap3A_577], %swap3A_580 {strides = array<i32>} : memref<128x128xf32, #tpu.memory_space<vmem>>, vector<1x16xf32>,
    }
    %scan3A_187 = arith.constant 64 : i32
    %add3A_188 = arith.constant 24960 : i32
    %add3A_189 = arith.addi %mul3A_2, %add3A_188 : i32
    %dma_start3A_190 = arith.constant 0 : i32
    %dma_start3A_191 = tpu.memref_slice %arg4[%add3A_189, %dma_start3A_190] : memref<819200x128xf32, #tpu.memory_space<hbm>> -> memref<128x128xf32, #tpu.memory_space<hbm>>
    %dma_start3A_192 = arith.constant 0 : i32
    %dma_start3A_193 = tpu.memref_slice %arg4[%add3A_189, %dma_start3A_192] : memref<819200x128xf32, #tpu.memory_space<hbm>> -> memref<128x128xf32, #tpu.memory_space<hbm>>
    tpu.enqueue_dma source(%arg6 : memref<128x128xf32, #tpu.memory_space<vmem>>) target(%dma_start3A_193 : memref<128x128xf32, #tpu.memory_space<hbm>>) target_semaphore(%arg16 : memref<!tpu.dma_semaphore, #tpu.memory_space<semaphore_mem>>)
    %add3A_194 = arith.constant 24704 : i32
    %add3A_195 = arith.addi %mul3A_2, %add3A_194 : i32
    %dma_wait3A_196 = arith.constant 0 : i32
    %dma_wait3A_197 = tpu.memref_slice %arg4[%add3A_195, %dma_wait3A_196] : memref<819200x128xf32, #tpu.memory_space<hbm>> -> memref<128x128xf32, #tpu.memory_space<hbm>>
    %dma_wait3A_198 = arith.constant 0 : i32
    %dma_wait3A_199 = tpu.memref_slice %arg4[%add3A_195, %dma_wait3A_198] : memref<819200x128xf32, #tpu.memory_space<hbm>> -> memref<128x128xf32, #tpu.memory_space<hbm>>
    tpu.wait_dma2 semaphore(%arg19 : memref<!tpu.dma_semaphore, #tpu.memory_space<semaphore_mem>>) src(%arg9 : memref<128x128xf32, #tpu.memory_space<vmem>>) dst(%dma_wait3A_199 : memref<128x128xf32, #tpu.memory_space<hbm>>)
    %dma_start3A_200 = arith.constant 198 : i32
    %dma_start3A_201 = arith.constant 0 : i32
    %dma_start3A_202 = tpu.memref_slice %arg5[%dma_start3A_200, %dma_start3A_201] : memref<200x128xi32, #tpu.memory_space<vmem>> -> memref<1x128xi32, #tpu.memory_space<vmem>>
    %dma_start3A_203 = tpu.memref_squeeze %dma_start3A_202 : memref<1x128xi32, #tpu.memory_space<vmem>> -> memref<128xi32, #tpu.memory_space<vmem>>
    %dma_start3A_204 = arith.constant 0 : i32
    %dma_start3A_205 = arith.constant 0 : i32
    %dma_start3A_206 = tpu.memref_slice %arg3[%dma_start3A_204, %dma_start3A_205] : memref<100000x128xf32, #tpu.memory_space<hbm>> -> memref<100000x128xf32, #tpu.memory_space<hbm>>
    tpu.enqueue_indirect_dma source(%dma_start3A_206 : memref<100000x128xf32, #tpu.memory_space<hbm>>) target(%arg9 : memref<128x128xf32, #tpu.memory_space<vmem>>) offsets(%dma_start3A_203 : memref<128xi32, #tpu.memory_space<vmem>>) semaphore(%arg14 : memref<!tpu.dma_semaphore, #tpu.memory_space<semaphore_mem>>)
    %dma_wait3A_207 = arith.constant 196 : i32
    %dma_wait3A_208 = arith.constant 0 : i32
    %dma_wait3A_209 = tpu.memref_slice %arg5[%dma_wait3A_207, %dma_wait3A_208] : memref<200x128xi32, #tpu.memory_space<vmem>> -> memref<1x128xi32, #tpu.memory_space<vmem>>
    %dma_wait3A_210 = tpu.memref_squeeze %dma_wait3A_209 : memref<1x128xi32, #tpu.memory_space<vmem>> -> memref<128xi32, #tpu.memory_space<vmem>>
    %dma_wait3A_211 = arith.constant 0 : i32
    %dma_wait3A_212 = arith.constant 0 : i32
    %dma_wait3A_213 = tpu.memref_slice %arg3[%dma_wait3A_211, %dma_wait3A_212] : memref<100000x128xf32, #tpu.memory_space<hbm>> -> memref<100000x128xf32, #tpu.memory_space<hbm>>
    tpu.wait_indirect_dma semaphore(%arg12 : memref<!tpu.dma_semaphore, #tpu.memory_space<semaphore_mem>>) src(%dma_wait3A_213 : memref<100000x128xf32, #tpu.memory_space<hbm>>) dst(%arg7 : memref<128x128xf32, #tpu.memory_space<vmem>>)
    %scan3A_214 = arith.constant 0 : i32
    %scan3A_215 = arith.constant 0 : i32
    %scan3A_216 = arith.constant 64 : i32
    %scan3A_217 = arith.addi %scan3A_215, %scan3A_216 : i32
    %scan3A_218 = arith.constant 1 : i32
    scf.for %scan3A_326 = %scan3A_215 to %scan3A_217 step %scan3A_218  : i32 {
      %mul3A_327 = arith.constant 2 : i32
      %mul3A_328 = arith.muli %scan3A_326, %mul3A_327 : i32
      %add3A_329 = arith.constant 0 : i32
      %add3A_330 = arith.addi %mul3A_328, %add3A_329 : i32
      %get3A = arith.index_cast %add3A_330 : i32 to index
      %get3A_331 = arith.constant 0 : index
      %get3A_332 = tpu.vector_load %arg7[%get3A, %get3A_331] {strides = array<i32>} : memref<128x128xf32, #tpu.memory_space<vmem>>, vector<1x16xf32>,
      %get3A_333 = vector.shape_cast %get3A_332 : vector<1x16xf32> to vector<16xf32>
      %mul3A_334 = arith.constant 11.3137083 : f32
      %mul3A_335 = vector.broadcast %mul3A_334 : f32 to vector<16xf32>
      %mul3A_336 = arith.mulf %get3A_333, %mul3A_335 : vector<16xf32>
      %swap3A = arith.index_cast %add3A_330 : i32 to index
      %swap3A_337 = arith.constant 0 : index
      %swap3A_338 = tpu.vector_load %arg7[%swap3A, %swap3A_337] {strides = array<i32>} : memref<128x128xf32, #tpu.memory_space<vmem>>, vector<1x16xf32>,
      %swap3A_339 = vector.shape_cast %swap3A_338 : vector<1x16xf32> to vector<16xf32>
      %swap3A_340 = vector.shape_cast %mul3A_336 : vector<16xf32> to vector<1x16xf32>
      tpu.vector_store %arg7[%swap3A, %swap3A_337], %swap3A_340 {strides = array<i32>} : memref<128x128xf32, #tpu.memory_space<vmem>>, vector<1x16xf32>,
      %mul3A_341 = arith.constant 2 : i32
      %mul3A_342 = arith.muli %scan3A_326, %mul3A_341 : i32
      %add3A_343 = arith.constant 0 : i32
      %add3A_344 = arith.addi %mul3A_342, %add3A_343 : i32
      %get3A_345 = arith.index_cast %add3A_344 : i32 to index
      %get3A_346 = arith.constant 16 : index
      %get3A_347 = tpu.vector_load %arg7[%get3A_345, %get3A_346] {strides = array<i32>} : memref<128x128xf32, #tpu.memory_space<vmem>>, vector<1x16xf32>,
      %get3A_348 = vector.shape_cast %get3A_347 : vector<1x16xf32> to vector<16xf32>
      %mul3A_349 = arith.constant 11.3137083 : f32
      %mul3A_350 = vector.broadcast %mul3A_349 : f32 to vector<16xf32>
      %mul3A_351 = arith.mulf %get3A_348, %mul3A_350 : vector<16xf32>
      %swap3A_352 = arith.index_cast %add3A_344 : i32 to index
      %swap3A_353 = arith.constant 16 : index
      %swap3A_354 = tpu.vector_load %arg7[%swap3A_352, %swap3A_353] {strides = array<i32>} : memref<128x128xf32, #tpu.memory_space<vmem>>, vector<1x16xf32>,
      %swap3A_355 = vector.shape_cast %swap3A_354 : vector<1x16xf32> to vector<16xf32>
      %swap3A_356 = vector.shape_cast %mul3A_351 : vector<16xf32> to vector<1x16xf32>
      tpu.vector_store %arg7[%swap3A_352, %swap3A_353], %swap3A_356 {strides = array<i32>} : memref<128x128xf32, #tpu.memory_space<vmem>>, vector<1x16xf32>,
      %mul3A_357 = arith.constant 2 : i32
      %mul3A_358 = arith.muli %scan3A_326, %mul3A_357 : i32
      %add3A_359 = arith.constant 0 : i32
      %add3A_360 = arith.addi %mul3A_358, %add3A_359 : i32
      %get3A_361 = arith.index_cast %add3A_360 : i32 to index
      %get3A_362 = arith.constant 32 : index
      %get3A_363 = tpu.vector_load %arg7[%get3A_361, %get3A_362] {strides = array<i32>} : memref<128x128xf32, #tpu.memory_space<vmem>>, vector<1x16xf32>,
      %get3A_364 = vector.shape_cast %get3A_363 : vector<1x16xf32> to vector<16xf32>
      %mul3A_365 = arith.constant 11.3137083 : f32
      %mul3A_366 = vector.broadcast %mul3A_365 : f32 to vector<16xf32>
      %mul3A_367 = arith.mulf %get3A_364, %mul3A_366 : vector<16xf32>
      %swap3A_368 = arith.index_cast %add3A_360 : i32 to index
      %swap3A_369 = arith.constant 32 : index
      %swap3A_370 = tpu.vector_load %arg7[%swap3A_368, %swap3A_369] {strides = array<i32>} : memref<128x128xf32, #tpu.memory_space<vmem>>, vector<1x16xf32>,
      %swap3A_371 = vector.shape_cast %swap3A_370 : vector<1x16xf32> to vector<16xf32>
      %swap3A_372 = vector.shape_cast %mul3A_367 : vector<16xf32> to vector<1x16xf32>
      tpu.vector_store %arg7[%swap3A_368, %swap3A_369], %swap3A_372 {strides = array<i32>} : memref<128x128xf32, #tpu.memory_space<vmem>>, vector<1x16xf32>,
      %mul3A_373 = arith.constant 2 : i32
      %mul3A_374 = arith.muli %scan3A_326, %mul3A_373 : i32
      %add3A_375 = arith.constant 0 : i32
      %add3A_376 = arith.addi %mul3A_374, %add3A_375 : i32
      %get3A_377 = arith.index_cast %add3A_376 : i32 to index
      %get3A_378 = arith.constant 48 : index
      %get3A_379 = tpu.vector_load %arg7[%get3A_377, %get3A_378] {strides = array<i32>} : memref<128x128xf32, #tpu.memory_space<vmem>>, vector<1x16xf32>,
      %get3A_380 = vector.shape_cast %get3A_379 : vector<1x16xf32> to vector<16xf32>
      %mul3A_381 = arith.constant 11.3137083 : f32
      %mul3A_382 = vector.broadcast %mul3A_381 : f32 to vector<16xf32>
      %mul3A_383 = arith.mulf %get3A_380, %mul3A_382 : vector<16xf32>
      %swap3A_384 = arith.index_cast %add3A_376 : i32 to index
      %swap3A_385 = arith.constant 48 : index
      %swap3A_386 = tpu.vector_load %arg7[%swap3A_384, %swap3A_385] {strides = array<i32>} : memref<128x128xf32, #tpu.memory_space<vmem>>, vector<1x16xf32>,
      %swap3A_387 = vector.shape_cast %swap3A_386 : vector<1x16xf32> to vector<16xf32>
      %swap3A_388 = vector.shape_cast %mul3A_383 : vector<16xf32> to vector<1x16xf32>
      tpu.vector_store %arg7[%swap3A_384, %swap3A_385], %swap3A_388 {strides = array<i32>} : memref<128x128xf32, #tpu.memory_space<vmem>>, vector<1x16xf32>,
      %mul3A_389 = arith.constant 2 : i32
      %mul3A_390 = arith.muli %scan3A_326, %mul3A_389 : i32
      %add3A_391 = arith.constant 0 : i32
      %add3A_392 = arith.addi %mul3A_390, %add3A_391 : i32
      %get3A_393 = arith.index_cast %add3A_392 : i32 to index
      %get3A_394 = arith.constant 64 : index
      %get3A_395 = tpu.vector_load %arg7[%get3A_393, %get3A_394] {strides = array<i32>} : memref<128x128xf32, #tpu.memory_space<vmem>>, vector<1x16xf32>,
      %get3A_396 = vector.shape_cast %get3A_395 : vector<1x16xf32> to vector<16xf32>
      %mul3A_397 = arith.constant 11.3137083 : f32
      %mul3A_398 = vector.broadcast %mul3A_397 : f32 to vector<16xf32>
      %mul3A_399 = arith.mulf %get3A_396, %mul3A_398 : vector<16xf32>
      %swap3A_400 = arith.index_cast %add3A_392 : i32 to index
      %swap3A_401 = arith.constant 64 : index
      %swap3A_402 = tpu.vector_load %arg7[%swap3A_400, %swap3A_401] {strides = array<i32>} : memref<128x128xf32, #tpu.memory_space<vmem>>, vector<1x16xf32>,
      %swap3A_403 = vector.shape_cast %swap3A_402 : vector<1x16xf32> to vector<16xf32>
      %swap3A_404 = vector.shape_cast %mul3A_399 : vector<16xf32> to vector<1x16xf32>
      tpu.vector_store %arg7[%swap3A_400, %swap3A_401], %swap3A_404 {strides = array<i32>} : memref<128x128xf32, #tpu.memory_space<vmem>>, vector<1x16xf32>,
      %mul3A_405 = arith.constant 2 : i32
      %mul3A_406 = arith.muli %scan3A_326, %mul3A_405 : i32
      %add3A_407 = arith.constant 0 : i32
      %add3A_408 = arith.addi %mul3A_406, %add3A_407 : i32
      %get3A_409 = arith.index_cast %add3A_408 : i32 to index
      %get3A_410 = arith.constant 80 : index
      %get3A_411 = tpu.vector_load %arg7[%get3A_409, %get3A_410] {strides = array<i32>} : memref<128x128xf32, #tpu.memory_space<vmem>>, vector<1x16xf32>,
      %get3A_412 = vector.shape_cast %get3A_411 : vector<1x16xf32> to vector<16xf32>
      %mul3A_413 = arith.constant 11.3137083 : f32
      %mul3A_414 = vector.broadcast %mul3A_413 : f32 to vector<16xf32>
      %mul3A_415 = arith.mulf %get3A_412, %mul3A_414 : vector<16xf32>
      %swap3A_416 = arith.index_cast %add3A_408 : i32 to index
      %swap3A_417 = arith.constant 80 : index
      %swap3A_418 = tpu.vector_load %arg7[%swap3A_416, %swap3A_417] {strides = array<i32>} : memref<128x128xf32, #tpu.memory_space<vmem>>, vector<1x16xf32>,
      %swap3A_419 = vector.shape_cast %swap3A_418 : vector<1x16xf32> to vector<16xf32>
      %swap3A_420 = vector.shape_cast %mul3A_415 : vector<16xf32> to vector<1x16xf32>
      tpu.vector_store %arg7[%swap3A_416, %swap3A_417], %swap3A_420 {strides = array<i32>} : memref<128x128xf32, #tpu.memory_space<vmem>>, vector<1x16xf32>,
      %mul3A_421 = arith.constant 2 : i32
      %mul3A_422 = arith.muli %scan3A_326, %mul3A_421 : i32
      %add3A_423 = arith.constant 0 : i32
      %add3A_424 = arith.addi %mul3A_422, %add3A_423 : i32
      %get3A_425 = arith.index_cast %add3A_424 : i32 to index
      %get3A_426 = arith.constant 96 : index
      %get3A_427 = tpu.vector_load %arg7[%get3A_425, %get3A_426] {strides = array<i32>} : memref<128x128xf32, #tpu.memory_space<vmem>>, vector<1x16xf32>,
      %get3A_428 = vector.shape_cast %get3A_427 : vector<1x16xf32> to vector<16xf32>
      %mul3A_429 = arith.constant 11.3137083 : f32
      %mul3A_430 = vector.broadcast %mul3A_429 : f32 to vector<16xf32>
      %mul3A_431 = arith.mulf %get3A_428, %mul3A_430 : vector<16xf32>
      %swap3A_432 = arith.index_cast %add3A_424 : i32 to index
      %swap3A_433 = arith.constant 96 : index
      %swap3A_434 = tpu.vector_load %arg7[%swap3A_432, %swap3A_433] {strides = array<i32>} : memref<128x128xf32, #tpu.memory_space<vmem>>, vector<1x16xf32>,
      %swap3A_435 = vector.shape_cast %swap3A_434 : vector<1x16xf32> to vector<16xf32>
      %swap3A_436 = vector.shape_cast %mul3A_431 : vector<16xf32> to vector<1x16xf32>
      tpu.vector_store %arg7[%swap3A_432, %swap3A_433], %swap3A_436 {strides = array<i32>} : memref<128x128xf32, #tpu.memory_space<vmem>>, vector<1x16xf32>,
      %mul3A_437 = arith.constant 2 : i32
      %mul3A_438 = arith.muli %scan3A_326, %mul3A_437 : i32
      %add3A_439 = arith.constant 0 : i32
      %add3A_440 = arith.addi %mul3A_438, %add3A_439 : i32
      %get3A_441 = arith.index_cast %add3A_440 : i32 to index
      %get3A_442 = arith.constant 112 : index
      %get3A_443 = tpu.vector_load %arg7[%get3A_441, %get3A_442] {strides = array<i32>} : memref<128x128xf32, #tpu.memory_space<vmem>>, vector<1x16xf32>,
      %get3A_444 = vector.shape_cast %get3A_443 : vector<1x16xf32> to vector<16xf32>
      %mul3A_445 = arith.constant 11.3137083 : f32
      %mul3A_446 = vector.broadcast %mul3A_445 : f32 to vector<16xf32>
      %mul3A_447 = arith.mulf %get3A_444, %mul3A_446 : vector<16xf32>
      %swap3A_448 = arith.index_cast %add3A_440 : i32 to index
      %swap3A_449 = arith.constant 112 : index
      %swap3A_450 = tpu.vector_load %arg7[%swap3A_448, %swap3A_449] {strides = array<i32>} : memref<128x128xf32, #tpu.memory_space<vmem>>, vector<1x16xf32>,
      %swap3A_451 = vector.shape_cast %swap3A_450 : vector<1x16xf32> to vector<16xf32>
      %swap3A_452 = vector.shape_cast %mul3A_447 : vector<16xf32> to vector<1x16xf32>
      tpu.vector_store %arg7[%swap3A_448, %swap3A_449], %swap3A_452 {strides = array<i32>} : memref<128x128xf32, #tpu.memory_space<vmem>>, vector<1x16xf32>,
      %mul3A_453 = arith.constant 2 : i32
      %mul3A_454 = arith.muli %scan3A_326, %mul3A_453 : i32
      %add3A_455 = arith.constant 1 : i32
      %add3A_456 = arith.addi %mul3A_454, %add3A_455 : i32
      %get3A_457 = arith.index_cast %add3A_456 : i32 to index
      %get3A_458 = arith.constant 0 : index
      %get3A_459 = tpu.vector_load %arg7[%get3A_457, %get3A_458] {strides = array<i32>} : memref<128x128xf32, #tpu.memory_space<vmem>>, vector<1x16xf32>,
      %get3A_460 = vector.shape_cast %get3A_459 : vector<1x16xf32> to vector<16xf32>
      %mul3A_461 = arith.constant 11.3137083 : f32
      %mul3A_462 = vector.broadcast %mul3A_461 : f32 to vector<16xf32>
      %mul3A_463 = arith.mulf %get3A_460, %mul3A_462 : vector<16xf32>
      %swap3A_464 = arith.index_cast %add3A_456 : i32 to index
      %swap3A_465 = arith.constant 0 : index
      %swap3A_466 = tpu.vector_load %arg7[%swap3A_464, %swap3A_465] {strides = array<i32>} : memref<128x128xf32, #tpu.memory_space<vmem>>, vector<1x16xf32>,
      %swap3A_467 = vector.shape_cast %swap3A_466 : vector<1x16xf32> to vector<16xf32>
      %swap3A_468 = vector.shape_cast %mul3A_463 : vector<16xf32> to vector<1x16xf32>
      tpu.vector_store %arg7[%swap3A_464, %swap3A_465], %swap3A_468 {strides = array<i32>} : memref<128x128xf32, #tpu.memory_space<vmem>>, vector<1x16xf32>,
      %mul3A_469 = arith.constant 2 : i32
      %mul3A_470 = arith.muli %scan3A_326, %mul3A_469 : i32
      %add3A_471 = arith.constant 1 : i32
      %add3A_472 = arith.addi %mul3A_470, %add3A_471 : i32
      %get3A_473 = arith.index_cast %add3A_472 : i32 to index
      %get3A_474 = arith.constant 16 : index
      %get3A_475 = tpu.vector_load %arg7[%get3A_473, %get3A_474] {strides = array<i32>} : memref<128x128xf32, #tpu.memory_space<vmem>>, vector<1x16xf32>,
      %get3A_476 = vector.shape_cast %get3A_475 : vector<1x16xf32> to vector<16xf32>
      %mul3A_477 = arith.constant 11.3137083 : f32
      %mul3A_478 = vector.broadcast %mul3A_477 : f32 to vector<16xf32>
      %mul3A_479 = arith.mulf %get3A_476, %mul3A_478 : vector<16xf32>
      %swap3A_480 = arith.index_cast %add3A_472 : i32 to index
      %swap3A_481 = arith.constant 16 : index
      %swap3A_482 = tpu.vector_load %arg7[%swap3A_480, %swap3A_481] {strides = array<i32>} : memref<128x128xf32, #tpu.memory_space<vmem>>, vector<1x16xf32>,
      %swap3A_483 = vector.shape_cast %swap3A_482 : vector<1x16xf32> to vector<16xf32>
      %swap3A_484 = vector.shape_cast %mul3A_479 : vector<16xf32> to vector<1x16xf32>
      tpu.vector_store %arg7[%swap3A_480, %swap3A_481], %swap3A_484 {strides = array<i32>} : memref<128x128xf32, #tpu.memory_space<vmem>>, vector<1x16xf32>,
      %mul3A_485 = arith.constant 2 : i32
      %mul3A_486 = arith.muli %scan3A_326, %mul3A_485 : i32
      %add3A_487 = arith.constant 1 : i32
      %add3A_488 = arith.addi %mul3A_486, %add3A_487 : i32
      %get3A_489 = arith.index_cast %add3A_488 : i32 to index
      %get3A_490 = arith.constant 32 : index
      %get3A_491 = tpu.vector_load %arg7[%get3A_489, %get3A_490] {strides = array<i32>} : memref<128x128xf32, #tpu.memory_space<vmem>>, vector<1x16xf32>,
      %get3A_492 = vector.shape_cast %get3A_491 : vector<1x16xf32> to vector<16xf32>
      %mul3A_493 = arith.constant 11.3137083 : f32
      %mul3A_494 = vector.broadcast %mul3A_493 : f32 to vector<16xf32>
      %mul3A_495 = arith.mulf %get3A_492, %mul3A_494 : vector<16xf32>
      %swap3A_496 = arith.index_cast %add3A_488 : i32 to index
      %swap3A_497 = arith.constant 32 : index
      %swap3A_498 = tpu.vector_load %arg7[%swap3A_496, %swap3A_497] {strides = array<i32>} : memref<128x128xf32, #tpu.memory_space<vmem>>, vector<1x16xf32>,
      %swap3A_499 = vector.shape_cast %swap3A_498 : vector<1x16xf32> to vector<16xf32>
      %swap3A_500 = vector.shape_cast %mul3A_495 : vector<16xf32> to vector<1x16xf32>
      tpu.vector_store %arg7[%swap3A_496, %swap3A_497], %swap3A_500 {strides = array<i32>} : memref<128x128xf32, #tpu.memory_space<vmem>>, vector<1x16xf32>,
      %mul3A_501 = arith.constant 2 : i32
      %mul3A_502 = arith.muli %scan3A_326, %mul3A_501 : i32
      %add3A_503 = arith.constant 1 : i32
      %add3A_504 = arith.addi %mul3A_502, %add3A_503 : i32
      %get3A_505 = arith.index_cast %add3A_504 : i32 to index
      %get3A_506 = arith.constant 48 : index
      %get3A_507 = tpu.vector_load %arg7[%get3A_505, %get3A_506] {strides = array<i32>} : memref<128x128xf32, #tpu.memory_space<vmem>>, vector<1x16xf32>,
      %get3A_508 = vector.shape_cast %get3A_507 : vector<1x16xf32> to vector<16xf32>
      %mul3A_509 = arith.constant 11.3137083 : f32
      %mul3A_510 = vector.broadcast %mul3A_509 : f32 to vector<16xf32>
      %mul3A_511 = arith.mulf %get3A_508, %mul3A_510 : vector<16xf32>
      %swap3A_512 = arith.index_cast %add3A_504 : i32 to index
      %swap3A_513 = arith.constant 48 : index
      %swap3A_514 = tpu.vector_load %arg7[%swap3A_512, %swap3A_513] {strides = array<i32>} : memref<128x128xf32, #tpu.memory_space<vmem>>, vector<1x16xf32>,
      %swap3A_515 = vector.shape_cast %swap3A_514 : vector<1x16xf32> to vector<16xf32>
      %swap3A_516 = vector.shape_cast %mul3A_511 : vector<16xf32> to vector<1x16xf32>
      tpu.vector_store %arg7[%swap3A_512, %swap3A_513], %swap3A_516 {strides = array<i32>} : memref<128x128xf32, #tpu.memory_space<vmem>>, vector<1x16xf32>,
      %mul3A_517 = arith.constant 2 : i32
      %mul3A_518 = arith.muli %scan3A_326, %mul3A_517 : i32
      %add3A_519 = arith.constant 1 : i32
      %add3A_520 = arith.addi %mul3A_518, %add3A_519 : i32
      %get3A_521 = arith.index_cast %add3A_520 : i32 to index
      %get3A_522 = arith.constant 64 : index
      %get3A_523 = tpu.vector_load %arg7[%get3A_521, %get3A_522] {strides = array<i32>} : memref<128x128xf32, #tpu.memory_space<vmem>>, vector<1x16xf32>,
      %get3A_524 = vector.shape_cast %get3A_523 : vector<1x16xf32> to vector<16xf32>
      %mul3A_525 = arith.constant 11.3137083 : f32
      %mul3A_526 = vector.broadcast %mul3A_525 : f32 to vector<16xf32>
      %mul3A_527 = arith.mulf %get3A_524, %mul3A_526 : vector<16xf32>
      %swap3A_528 = arith.index_cast %add3A_520 : i32 to index
      %swap3A_529 = arith.constant 64 : index
      %swap3A_530 = tpu.vector_load %arg7[%swap3A_528, %swap3A_529] {strides = array<i32>} : memref<128x128xf32, #tpu.memory_space<vmem>>, vector<1x16xf32>,
      %swap3A_531 = vector.shape_cast %swap3A_530 : vector<1x16xf32> to vector<16xf32>
      %swap3A_532 = vector.shape_cast %mul3A_527 : vector<16xf32> to vector<1x16xf32>
      tpu.vector_store %arg7[%swap3A_528, %swap3A_529], %swap3A_532 {strides = array<i32>} : memref<128x128xf32, #tpu.memory_space<vmem>>, vector<1x16xf32>,
      %mul3A_533 = arith.constant 2 : i32
      %mul3A_534 = arith.muli %scan3A_326, %mul3A_533 : i32
      %add3A_535 = arith.constant 1 : i32
      %add3A_536 = arith.addi %mul3A_534, %add3A_535 : i32
      %get3A_537 = arith.index_cast %add3A_536 : i32 to index
      %get3A_538 = arith.constant 80 : index
      %get3A_539 = tpu.vector_load %arg7[%get3A_537, %get3A_538] {strides = array<i32>} : memref<128x128xf32, #tpu.memory_space<vmem>>, vector<1x16xf32>,
      %get3A_540 = vector.shape_cast %get3A_539 : vector<1x16xf32> to vector<16xf32>
      %mul3A_541 = arith.constant 11.3137083 : f32
      %mul3A_542 = vector.broadcast %mul3A_541 : f32 to vector<16xf32>
      %mul3A_543 = arith.mulf %get3A_540, %mul3A_542 : vector<16xf32>
      %swap3A_544 = arith.index_cast %add3A_536 : i32 to index
      %swap3A_545 = arith.constant 80 : index
      %swap3A_546 = tpu.vector_load %arg7[%swap3A_544, %swap3A_545] {strides = array<i32>} : memref<128x128xf32, #tpu.memory_space<vmem>>, vector<1x16xf32>,
      %swap3A_547 = vector.shape_cast %swap3A_546 : vector<1x16xf32> to vector<16xf32>
      %swap3A_548 = vector.shape_cast %mul3A_543 : vector<16xf32> to vector<1x16xf32>
      tpu.vector_store %arg7[%swap3A_544, %swap3A_545], %swap3A_548 {strides = array<i32>} : memref<128x128xf32, #tpu.memory_space<vmem>>, vector<1x16xf32>,
      %mul3A_549 = arith.constant 2 : i32
      %mul3A_550 = arith.muli %scan3A_326, %mul3A_549 : i32
      %add3A_551 = arith.constant 1 : i32
      %add3A_552 = arith.addi %mul3A_550, %add3A_551 : i32
      %get3A_553 = arith.index_cast %add3A_552 : i32 to index
      %get3A_554 = arith.constant 96 : index
      %get3A_555 = tpu.vector_load %arg7[%get3A_553, %get3A_554] {strides = array<i32>} : memref<128x128xf32, #tpu.memory_space<vmem>>, vector<1x16xf32>,
      %get3A_556 = vector.shape_cast %get3A_555 : vector<1x16xf32> to vector<16xf32>
      %mul3A_557 = arith.constant 11.3137083 : f32
      %mul3A_558 = vector.broadcast %mul3A_557 : f32 to vector<16xf32>
      %mul3A_559 = arith.mulf %get3A_556, %mul3A_558 : vector<16xf32>
      %swap3A_560 = arith.index_cast %add3A_552 : i32 to index
      %swap3A_561 = arith.constant 96 : index
      %swap3A_562 = tpu.vector_load %arg7[%swap3A_560, %swap3A_561] {strides = array<i32>} : memref<128x128xf32, #tpu.memory_space<vmem>>, vector<1x16xf32>,
      %swap3A_563 = vector.shape_cast %swap3A_562 : vector<1x16xf32> to vector<16xf32>
      %swap3A_564 = vector.shape_cast %mul3A_559 : vector<16xf32> to vector<1x16xf32>
      tpu.vector_store %arg7[%swap3A_560, %swap3A_561], %swap3A_564 {strides = array<i32>} : memref<128x128xf32, #tpu.memory_space<vmem>>, vector<1x16xf32>,
      %mul3A_565 = arith.constant 2 : i32
      %mul3A_566 = arith.muli %scan3A_326, %mul3A_565 : i32
      %add3A_567 = arith.constant 1 : i32
      %add3A_568 = arith.addi %mul3A_566, %add3A_567 : i32
      %get3A_569 = arith.index_cast %add3A_568 : i32 to index
      %get3A_570 = arith.constant 112 : index
      %get3A_571 = tpu.vector_load %arg7[%get3A_569, %get3A_570] {strides = array<i32>} : memref<128x128xf32, #tpu.memory_space<vmem>>, vector<1x16xf32>,
      %get3A_572 = vector.shape_cast %get3A_571 : vector<1x16xf32> to vector<16xf32>
      %mul3A_573 = arith.constant 11.3137083 : f32
      %mul3A_574 = vector.broadcast %mul3A_573 : f32 to vector<16xf32>
      %mul3A_575 = arith.mulf %get3A_572, %mul3A_574 : vector<16xf32>
      %swap3A_576 = arith.index_cast %add3A_568 : i32 to index
      %swap3A_577 = arith.constant 112 : index
      %swap3A_578 = tpu.vector_load %arg7[%swap3A_576, %swap3A_577] {strides = array<i32>} : memref<128x128xf32, #tpu.memory_space<vmem>>, vector<1x16xf32>,
      %swap3A_579 = vector.shape_cast %swap3A_578 : vector<1x16xf32> to vector<16xf32>
      %swap3A_580 = vector.shape_cast %mul3A_575 : vector<16xf32> to vector<1x16xf32>
      tpu.vector_store %arg7[%swap3A_576, %swap3A_577], %swap3A_580 {strides = array<i32>} : memref<128x128xf32, #tpu.memory_space<vmem>>, vector<1x16xf32>,
    }
    %scan3A_219 = arith.constant 64 : i32
    %add3A_220 = arith.constant 25088 : i32
    %add3A_221 = arith.addi %mul3A_2, %add3A_220 : i32
    %dma_start3A_222 = arith.constant 0 : i32
    %dma_start3A_223 = tpu.memref_slice %arg4[%add3A_221, %dma_start3A_222] : memref<819200x128xf32, #tpu.memory_space<hbm>> -> memref<128x128xf32, #tpu.memory_space<hbm>>
    %dma_start3A_224 = arith.constant 0 : i32
    %dma_start3A_225 = tpu.memref_slice %arg4[%add3A_221, %dma_start3A_224] : memref<819200x128xf32, #tpu.memory_space<hbm>> -> memref<128x128xf32, #tpu.memory_space<hbm>>
    tpu.enqueue_dma source(%arg7 : memref<128x128xf32, #tpu.memory_space<vmem>>) target(%dma_start3A_225 : memref<128x128xf32, #tpu.memory_space<hbm>>) target_semaphore(%arg17 : memref<!tpu.dma_semaphore, #tpu.memory_space<semaphore_mem>>)
    %add3A_226 = arith.constant 24832 : i32
    %add3A_227 = arith.addi %mul3A_2, %add3A_226 : i32
    %dma_wait3A_228 = arith.constant 0 : i32
    %dma_wait3A_229 = tpu.memref_slice %arg4[%add3A_227, %dma_wait3A_228] : memref<819200x128xf32, #tpu.memory_space<hbm>> -> memref<128x128xf32, #tpu.memory_space<hbm>>
    %dma_wait3A_230 = arith.constant 0 : i32
    %dma_wait3A_231 = tpu.memref_slice %arg4[%add3A_227, %dma_wait3A_230] : memref<819200x128xf32, #tpu.memory_space<hbm>> -> memref<128x128xf32, #tpu.memory_space<hbm>>
    tpu.wait_dma2 semaphore(%arg20 : memref<!tpu.dma_semaphore, #tpu.memory_space<semaphore_mem>>) src(%arg10 : memref<128x128xf32, #tpu.memory_space<vmem>>) dst(%dma_wait3A_231 : memref<128x128xf32, #tpu.memory_space<hbm>>)
    %dma_start3A_232 = arith.constant 199 : i32
    %dma_start3A_233 = arith.constant 0 : i32
    %dma_start3A_234 = tpu.memref_slice %arg5[%dma_start3A_232, %dma_start3A_233] : memref<200x128xi32, #tpu.memory_space<vmem>> -> memref<1x128xi32, #tpu.memory_space<vmem>>
    %dma_start3A_235 = tpu.memref_squeeze %dma_start3A_234 : memref<1x128xi32, #tpu.memory_space<vmem>> -> memref<128xi32, #tpu.memory_space<vmem>>
    %dma_start3A_236 = arith.constant 0 : i32
    %dma_start3A_237 = arith.constant 0 : i32
    %dma_start3A_238 = tpu.memref_slice %arg3[%dma_start3A_236, %dma_start3A_237] : memref<100000x128xf32, #tpu.memory_space<hbm>> -> memref<100000x128xf32, #tpu.memory_space<hbm>>
    tpu.enqueue_indirect_dma source(%dma_start3A_238 : memref<100000x128xf32, #tpu.memory_space<hbm>>) target(%arg10 : memref<128x128xf32, #tpu.memory_space<vmem>>) offsets(%dma_start3A_235 : memref<128xi32, #tpu.memory_space<vmem>>) semaphore(%arg15 : memref<!tpu.dma_semaphore, #tpu.memory_space<semaphore_mem>>)
    %dma_wait3A_239 = arith.constant 197 : i32
    %dma_wait3A_240 = arith.constant 0 : i32
    %dma_wait3A_241 = tpu.memref_slice %arg5[%dma_wait3A_239, %dma_wait3A_240] : memref<200x128xi32, #tpu.memory_space<vmem>> -> memref<1x128xi32, #tpu.memory_space<vmem>>
    %dma_wait3A_242 = tpu.memref_squeeze %dma_wait3A_241 : memref<1x128xi32, #tpu.memory_space<vmem>> -> memref<128xi32, #tpu.memory_space<vmem>>
    %dma_wait3A_243 = arith.constant 0 : i32
    %dma_wait3A_244 = arith.constant 0 : i32
    %dma_wait3A_245 = tpu.memref_slice %arg3[%dma_wait3A_243, %dma_wait3A_244] : memref<100000x128xf32, #tpu.memory_space<hbm>> -> memref<100000x128xf32, #tpu.memory_space<hbm>>
    tpu.wait_indirect_dma semaphore(%arg13 : memref<!tpu.dma_semaphore, #tpu.memory_space<semaphore_mem>>) src(%dma_wait3A_245 : memref<100000x128xf32, #tpu.memory_space<hbm>>) dst(%arg8 : memref<128x128xf32, #tpu.memory_space<vmem>>)
    %scan3A_246 = arith.constant 0 : i32
    %scan3A_247 = arith.constant 0 : i32
    %scan3A_248 = arith.constant 64 : i32
    %scan3A_249 = arith.addi %scan3A_247, %scan3A_248 : i32
    %scan3A_250 = arith.constant 1 : i32
    scf.for %scan3A_326 = %scan3A_247 to %scan3A_249 step %scan3A_250  : i32 {
      %mul3A_327 = arith.constant 2 : i32
      %mul3A_328 = arith.muli %scan3A_326, %mul3A_327 : i32
      %add3A_329 = arith.constant 0 : i32
      %add3A_330 = arith.addi %mul3A_328, %add3A_329 : i32
      %get3A = arith.index_cast %add3A_330 : i32 to index
      %get3A_331 = arith.constant 0 : index
      %get3A_332 = tpu.vector_load %arg8[%get3A, %get3A_331] {strides = array<i32>} : memref<128x128xf32, #tpu.memory_space<vmem>>, vector<1x16xf32>,
      %get3A_333 = vector.shape_cast %get3A_332 : vector<1x16xf32> to vector<16xf32>
      %mul3A_334 = arith.constant 11.3137083 : f32
      %mul3A_335 = vector.broadcast %mul3A_334 : f32 to vector<16xf32>
      %mul3A_336 = arith.mulf %get3A_333, %mul3A_335 : vector<16xf32>
      %swap3A = arith.index_cast %add3A_330 : i32 to index
      %swap3A_337 = arith.constant 0 : index
      %swap3A_338 = tpu.vector_load %arg8[%swap3A, %swap3A_337] {strides = array<i32>} : memref<128x128xf32, #tpu.memory_space<vmem>>, vector<1x16xf32>,
      %swap3A_339 = vector.shape_cast %swap3A_338 : vector<1x16xf32> to vector<16xf32>
      %swap3A_340 = vector.shape_cast %mul3A_336 : vector<16xf32> to vector<1x16xf32>
      tpu.vector_store %arg8[%swap3A, %swap3A_337], %swap3A_340 {strides = array<i32>} : memref<128x128xf32, #tpu.memory_space<vmem>>, vector<1x16xf32>,
      %mul3A_341 = arith.constant 2 : i32
      %mul3A_342 = arith.muli %scan3A_326, %mul3A_341 : i32
      %add3A_343 = arith.constant 0 : i32
      %add3A_344 = arith.addi %mul3A_342, %add3A_343 : i32
      %get3A_345 = arith.index_cast %add3A_344 : i32 to index
      %get3A_346 = arith.constant 16 : index
      %get3A_347 = tpu.vector_load %arg8[%get3A_345, %get3A_346] {strides = array<i32>} : memref<128x128xf32, #tpu.memory_space<vmem>>, vector<1x16xf32>,
      %get3A_348 = vector.shape_cast %get3A_347 : vector<1x16xf32> to vector<16xf32>
      %mul3A_349 = arith.constant 11.3137083 : f32
      %mul3A_350 = vector.broadcast %mul3A_349 : f32 to vector<16xf32>
      %mul3A_351 = arith.mulf %get3A_348, %mul3A_350 : vector<16xf32>
      %swap3A_352 = arith.index_cast %add3A_344 : i32 to index
      %swap3A_353 = arith.constant 16 : index
      %swap3A_354 = tpu.vector_load %arg8[%swap3A_352, %swap3A_353] {strides = array<i32>} : memref<128x128xf32, #tpu.memory_space<vmem>>, vector<1x16xf32>,
      %swap3A_355 = vector.shape_cast %swap3A_354 : vector<1x16xf32> to vector<16xf32>
      %swap3A_356 = vector.shape_cast %mul3A_351 : vector<16xf32> to vector<1x16xf32>
      tpu.vector_store %arg8[%swap3A_352, %swap3A_353], %swap3A_356 {strides = array<i32>} : memref<128x128xf32, #tpu.memory_space<vmem>>, vector<1x16xf32>,
      %mul3A_357 = arith.constant 2 : i32
      %mul3A_358 = arith.muli %scan3A_326, %mul3A_357 : i32
      %add3A_359 = arith.constant 0 : i32
      %add3A_360 = arith.addi %mul3A_358, %add3A_359 : i32
      %get3A_361 = arith.index_cast %add3A_360 : i32 to index
      %get3A_362 = arith.constant 32 : index
      %get3A_363 = tpu.vector_load %arg8[%get3A_361, %get3A_362] {strides = array<i32>} : memref<128x128xf32, #tpu.memory_space<vmem>>, vector<1x16xf32>,
      %get3A_364 = vector.shape_cast %get3A_363 : vector<1x16xf32> to vector<16xf32>
      %mul3A_365 = arith.constant 11.3137083 : f32
      %mul3A_366 = vector.broadcast %mul3A_365 : f32 to vector<16xf32>
      %mul3A_367 = arith.mulf %get3A_364, %mul3A_366 : vector<16xf32>
      %swap3A_368 = arith.index_cast %add3A_360 : i32 to index
      %swap3A_369 = arith.constant 32 : index
      %swap3A_370 = tpu.vector_load %arg8[%swap3A_368, %swap3A_369] {strides = array<i32>} : memref<128x128xf32, #tpu.memory_space<vmem>>, vector<1x16xf32>,
      %swap3A_371 = vector.shape_cast %swap3A_370 : vector<1x16xf32> to vector<16xf32>
      %swap3A_372 = vector.shape_cast %mul3A_367 : vector<16xf32> to vector<1x16xf32>
      tpu.vector_store %arg8[%swap3A_368, %swap3A_369], %swap3A_372 {strides = array<i32>} : memref<128x128xf32, #tpu.memory_space<vmem>>, vector<1x16xf32>,
      %mul3A_373 = arith.constant 2 : i32
      %mul3A_374 = arith.muli %scan3A_326, %mul3A_373 : i32
      %add3A_375 = arith.constant 0 : i32
      %add3A_376 = arith.addi %mul3A_374, %add3A_375 : i32
      %get3A_377 = arith.index_cast %add3A_376 : i32 to index
      %get3A_378 = arith.constant 48 : index
      %get3A_379 = tpu.vector_load %arg8[%get3A_377, %get3A_378] {strides = array<i32>} : memref<128x128xf32, #tpu.memory_space<vmem>>, vector<1x16xf32>,
      %get3A_380 = vector.shape_cast %get3A_379 : vector<1x16xf32> to vector<16xf32>
      %mul3A_381 = arith.constant 11.3137083 : f32
      %mul3A_382 = vector.broadcast %mul3A_381 : f32 to vector<16xf32>
      %mul3A_383 = arith.mulf %get3A_380, %mul3A_382 : vector<16xf32>
      %swap3A_384 = arith.index_cast %add3A_376 : i32 to index
      %swap3A_385 = arith.constant 48 : index
      %swap3A_386 = tpu.vector_load %arg8[%swap3A_384, %swap3A_385] {strides = array<i32>} : memref<128x128xf32, #tpu.memory_space<vmem>>, vector<1x16xf32>,
      %swap3A_387 = vector.shape_cast %swap3A_386 : vector<1x16xf32> to vector<16xf32>
      %swap3A_388 = vector.shape_cast %mul3A_383 : vector<16xf32> to vector<1x16xf32>
      tpu.vector_store %arg8[%swap3A_384, %swap3A_385], %swap3A_388 {strides = array<i32>} : memref<128x128xf32, #tpu.memory_space<vmem>>, vector<1x16xf32>,
      %mul3A_389 = arith.constant 2 : i32
      %mul3A_390 = arith.muli %scan3A_326, %mul3A_389 : i32
      %add3A_391 = arith.constant 0 : i32
      %add3A_392 = arith.addi %mul3A_390, %add3A_391 : i32
      %get3A_393 = arith.index_cast %add3A_392 : i32 to index
      %get3A_394 = arith.constant 64 : index
      %get3A_395 = tpu.vector_load %arg8[%get3A_393, %get3A_394] {strides = array<i32>} : memref<128x128xf32, #tpu.memory_space<vmem>>, vector<1x16xf32>,
      %get3A_396 = vector.shape_cast %get3A_395 : vector<1x16xf32> to vector<16xf32>
      %mul3A_397 = arith.constant 11.3137083 : f32
      %mul3A_398 = vector.broadcast %mul3A_397 : f32 to vector<16xf32>
      %mul3A_399 = arith.mulf %get3A_396, %mul3A_398 : vector<16xf32>
      %swap3A_400 = arith.index_cast %add3A_392 : i32 to index
      %swap3A_401 = arith.constant 64 : index
      %swap3A_402 = tpu.vector_load %arg8[%swap3A_400, %swap3A_401] {strides = array<i32>} : memref<128x128xf32, #tpu.memory_space<vmem>>, vector<1x16xf32>,
      %swap3A_403 = vector.shape_cast %swap3A_402 : vector<1x16xf32> to vector<16xf32>
      %swap3A_404 = vector.shape_cast %mul3A_399 : vector<16xf32> to vector<1x16xf32>
      tpu.vector_store %arg8[%swap3A_400, %swap3A_401], %swap3A_404 {strides = array<i32>} : memref<128x128xf32, #tpu.memory_space<vmem>>, vector<1x16xf32>,
      %mul3A_405 = arith.constant 2 : i32
      %mul3A_406 = arith.muli %scan3A_326, %mul3A_405 : i32
      %add3A_407 = arith.constant 0 : i32
      %add3A_408 = arith.addi %mul3A_406, %add3A_407 : i32
      %get3A_409 = arith.index_cast %add3A_408 : i32 to index
      %get3A_410 = arith.constant 80 : index
      %get3A_411 = tpu.vector_load %arg8[%get3A_409, %get3A_410] {strides = array<i32>} : memref<128x128xf32, #tpu.memory_space<vmem>>, vector<1x16xf32>,
      %get3A_412 = vector.shape_cast %get3A_411 : vector<1x16xf32> to vector<16xf32>
      %mul3A_413 = arith.constant 11.3137083 : f32
      %mul3A_414 = vector.broadcast %mul3A_413 : f32 to vector<16xf32>
      %mul3A_415 = arith.mulf %get3A_412, %mul3A_414 : vector<16xf32>
      %swap3A_416 = arith.index_cast %add3A_408 : i32 to index
      %swap3A_417 = arith.constant 80 : index
      %swap3A_418 = tpu.vector_load %arg8[%swap3A_416, %swap3A_417] {strides = array<i32>} : memref<128x128xf32, #tpu.memory_space<vmem>>, vector<1x16xf32>,
      %swap3A_419 = vector.shape_cast %swap3A_418 : vector<1x16xf32> to vector<16xf32>
      %swap3A_420 = vector.shape_cast %mul3A_415 : vector<16xf32> to vector<1x16xf32>
      tpu.vector_store %arg8[%swap3A_416, %swap3A_417], %swap3A_420 {strides = array<i32>} : memref<128x128xf32, #tpu.memory_space<vmem>>, vector<1x16xf32>,
      %mul3A_421 = arith.constant 2 : i32
      %mul3A_422 = arith.muli %scan3A_326, %mul3A_421 : i32
      %add3A_423 = arith.constant 0 : i32
      %add3A_424 = arith.addi %mul3A_422, %add3A_423 : i32
      %get3A_425 = arith.index_cast %add3A_424 : i32 to index
      %get3A_426 = arith.constant 96 : index
      %get3A_427 = tpu.vector_load %arg8[%get3A_425, %get3A_426] {strides = array<i32>} : memref<128x128xf32, #tpu.memory_space<vmem>>, vector<1x16xf32>,
      %get3A_428 = vector.shape_cast %get3A_427 : vector<1x16xf32> to vector<16xf32>
      %mul3A_429 = arith.constant 11.3137083 : f32
      %mul3A_430 = vector.broadcast %mul3A_429 : f32 to vector<16xf32>
      %mul3A_431 = arith.mulf %get3A_428, %mul3A_430 : vector<16xf32>
      %swap3A_432 = arith.index_cast %add3A_424 : i32 to index
      %swap3A_433 = arith.constant 96 : index
      %swap3A_434 = tpu.vector_load %arg8[%swap3A_432, %swap3A_433] {strides = array<i32>} : memref<128x128xf32, #tpu.memory_space<vmem>>, vector<1x16xf32>,
      %swap3A_435 = vector.shape_cast %swap3A_434 : vector<1x16xf32> to vector<16xf32>
      %swap3A_436 = vector.shape_cast %mul3A_431 : vector<16xf32> to vector<1x16xf32>
      tpu.vector_store %arg8[%swap3A_432, %swap3A_433], %swap3A_436 {strides = array<i32>} : memref<128x128xf32, #tpu.memory_space<vmem>>, vector<1x16xf32>,
      %mul3A_437 = arith.constant 2 : i32
      %mul3A_438 = arith.muli %scan3A_326, %mul3A_437 : i32
      %add3A_439 = arith.constant 0 : i32
      %add3A_440 = arith.addi %mul3A_438, %add3A_439 : i32
      %get3A_441 = arith.index_cast %add3A_440 : i32 to index
      %get3A_442 = arith.constant 112 : index
      %get3A_443 = tpu.vector_load %arg8[%get3A_441, %get3A_442] {strides = array<i32>} : memref<128x128xf32, #tpu.memory_space<vmem>>, vector<1x16xf32>,
      %get3A_444 = vector.shape_cast %get3A_443 : vector<1x16xf32> to vector<16xf32>
      %mul3A_445 = arith.constant 11.3137083 : f32
      %mul3A_446 = vector.broadcast %mul3A_445 : f32 to vector<16xf32>
      %mul3A_447 = arith.mulf %get3A_444, %mul3A_446 : vector<16xf32>
      %swap3A_448 = arith.index_cast %add3A_440 : i32 to index
      %swap3A_449 = arith.constant 112 : index
      %swap3A_450 = tpu.vector_load %arg8[%swap3A_448, %swap3A_449] {strides = array<i32>} : memref<128x128xf32, #tpu.memory_space<vmem>>, vector<1x16xf32>,
      %swap3A_451 = vector.shape_cast %swap3A_450 : vector<1x16xf32> to vector<16xf32>
      %swap3A_452 = vector.shape_cast %mul3A_447 : vector<16xf32> to vector<1x16xf32>
      tpu.vector_store %arg8[%swap3A_448, %swap3A_449], %swap3A_452 {strides = array<i32>} : memref<128x128xf32, #tpu.memory_space<vmem>>, vector<1x16xf32>,
      %mul3A_453 = arith.constant 2 : i32
      %mul3A_454 = arith.muli %scan3A_326, %mul3A_453 : i32
      %add3A_455 = arith.constant 1 : i32
      %add3A_456 = arith.addi %mul3A_454, %add3A_455 : i32
      %get3A_457 = arith.index_cast %add3A_456 : i32 to index
      %get3A_458 = arith.constant 0 : index
      %get3A_459 = tpu.vector_load %arg8[%get3A_457, %get3A_458] {strides = array<i32>} : memref<128x128xf32, #tpu.memory_space<vmem>>, vector<1x16xf32>,
      %get3A_460 = vector.shape_cast %get3A_459 : vector<1x16xf32> to vector<16xf32>
      %mul3A_461 = arith.constant 11.3137083 : f32
      %mul3A_462 = vector.broadcast %mul3A_461 : f32 to vector<16xf32>
      %mul3A_463 = arith.mulf %get3A_460, %mul3A_462 : vector<16xf32>
      %swap3A_464 = arith.index_cast %add3A_456 : i32 to index
      %swap3A_465 = arith.constant 0 : index
      %swap3A_466 = tpu.vector_load %arg8[%swap3A_464, %swap3A_465] {strides = array<i32>} : memref<128x128xf32, #tpu.memory_space<vmem>>, vector<1x16xf32>,
      %swap3A_467 = vector.shape_cast %swap3A_466 : vector<1x16xf32> to vector<16xf32>
      %swap3A_468 = vector.shape_cast %mul3A_463 : vector<16xf32> to vector<1x16xf32>
      tpu.vector_store %arg8[%swap3A_464, %swap3A_465], %swap3A_468 {strides = array<i32>} : memref<128x128xf32, #tpu.memory_space<vmem>>, vector<1x16xf32>,
      %mul3A_469 = arith.constant 2 : i32
      %mul3A_470 = arith.muli %scan3A_326, %mul3A_469 : i32
      %add3A_471 = arith.constant 1 : i32
      %add3A_472 = arith.addi %mul3A_470, %add3A_471 : i32
      %get3A_473 = arith.index_cast %add3A_472 : i32 to index
      %get3A_474 = arith.constant 16 : index
      %get3A_475 = tpu.vector_load %arg8[%get3A_473, %get3A_474] {strides = array<i32>} : memref<128x128xf32, #tpu.memory_space<vmem>>, vector<1x16xf32>,
      %get3A_476 = vector.shape_cast %get3A_475 : vector<1x16xf32> to vector<16xf32>
      %mul3A_477 = arith.constant 11.3137083 : f32
      %mul3A_478 = vector.broadcast %mul3A_477 : f32 to vector<16xf32>
      %mul3A_479 = arith.mulf %get3A_476, %mul3A_478 : vector<16xf32>
      %swap3A_480 = arith.index_cast %add3A_472 : i32 to index
      %swap3A_481 = arith.constant 16 : index
      %swap3A_482 = tpu.vector_load %arg8[%swap3A_480, %swap3A_481] {strides = array<i32>} : memref<128x128xf32, #tpu.memory_space<vmem>>, vector<1x16xf32>,
      %swap3A_483 = vector.shape_cast %swap3A_482 : vector<1x16xf32> to vector<16xf32>
      %swap3A_484 = vector.shape_cast %mul3A_479 : vector<16xf32> to vector<1x16xf32>
      tpu.vector_store %arg8[%swap3A_480, %swap3A_481], %swap3A_484 {strides = array<i32>} : memref<128x128xf32, #tpu.memory_space<vmem>>, vector<1x16xf32>,
      %mul3A_485 = arith.constant 2 : i32
      %mul3A_486 = arith.muli %scan3A_326, %mul3A_485 : i32
      %add3A_487 = arith.constant 1 : i32
      %add3A_488 = arith.addi %mul3A_486, %add3A_487 : i32
      %get3A_489 = arith.index_cast %add3A_488 : i32 to index
      %get3A_490 = arith.constant 32 : index
      %get3A_491 = tpu.vector_load %arg8[%get3A_489, %get3A_490] {strides = array<i32>} : memref<128x128xf32, #tpu.memory_space<vmem>>, vector<1x16xf32>,
      %get3A_492 = vector.shape_cast %get3A_491 : vector<1x16xf32> to vector<16xf32>
      %mul3A_493 = arith.constant 11.3137083 : f32
      %mul3A_494 = vector.broadcast %mul3A_493 : f32 to vector<16xf32>
      %mul3A_495 = arith.mulf %get3A_492, %mul3A_494 : vector<16xf32>
      %swap3A_496 = arith.index_cast %add3A_488 : i32 to index
      %swap3A_497 = arith.constant 32 : index
      %swap3A_498 = tpu.vector_load %arg8[%swap3A_496, %swap3A_497] {strides = array<i32>} : memref<128x128xf32, #tpu.memory_space<vmem>>, vector<1x16xf32>,
      %swap3A_499 = vector.shape_cast %swap3A_498 : vector<1x16xf32> to vector<16xf32>
      %swap3A_500 = vector.shape_cast %mul3A_495 : vector<16xf32> to vector<1x16xf32>
      tpu.vector_store %arg8[%swap3A_496, %swap3A_497], %swap3A_500 {strides = array<i32>} : memref<128x128xf32, #tpu.memory_space<vmem>>, vector<1x16xf32>,
      %mul3A_501 = arith.constant 2 : i32
      %mul3A_502 = arith.muli %scan3A_326, %mul3A_501 : i32
      %add3A_503 = arith.constant 1 : i32
      %add3A_504 = arith.addi %mul3A_502, %add3A_503 : i32
      %get3A_505 = arith.index_cast %add3A_504 : i32 to index
      %get3A_506 = arith.constant 48 : index
      %get3A_507 = tpu.vector_load %arg8[%get3A_505, %get3A_506] {strides = array<i32>} : memref<128x128xf32, #tpu.memory_space<vmem>>, vector<1x16xf32>,
      %get3A_508 = vector.shape_cast %get3A_507 : vector<1x16xf32> to vector<16xf32>
      %mul3A_509 = arith.constant 11.3137083 : f32
      %mul3A_510 = vector.broadcast %mul3A_509 : f32 to vector<16xf32>
      %mul3A_511 = arith.mulf %get3A_508, %mul3A_510 : vector<16xf32>
      %swap3A_512 = arith.index_cast %add3A_504 : i32 to index
      %swap3A_513 = arith.constant 48 : index
      %swap3A_514 = tpu.vector_load %arg8[%swap3A_512, %swap3A_513] {strides = array<i32>} : memref<128x128xf32, #tpu.memory_space<vmem>>, vector<1x16xf32>,
      %swap3A_515 = vector.shape_cast %swap3A_514 : vector<1x16xf32> to vector<16xf32>
      %swap3A_516 = vector.shape_cast %mul3A_511 : vector<16xf32> to vector<1x16xf32>
      tpu.vector_store %arg8[%swap3A_512, %swap3A_513], %swap3A_516 {strides = array<i32>} : memref<128x128xf32, #tpu.memory_space<vmem>>, vector<1x16xf32>,
      %mul3A_517 = arith.constant 2 : i32
      %mul3A_518 = arith.muli %scan3A_326, %mul3A_517 : i32
      %add3A_519 = arith.constant 1 : i32
      %add3A_520 = arith.addi %mul3A_518, %add3A_519 : i32
      %get3A_521 = arith.index_cast %add3A_520 : i32 to index
      %get3A_522 = arith.constant 64 : index
      %get3A_523 = tpu.vector_load %arg8[%get3A_521, %get3A_522] {strides = array<i32>} : memref<128x128xf32, #tpu.memory_space<vmem>>, vector<1x16xf32>,
      %get3A_524 = vector.shape_cast %get3A_523 : vector<1x16xf32> to vector<16xf32>
      %mul3A_525 = arith.constant 11.3137083 : f32
      %mul3A_526 = vector.broadcast %mul3A_525 : f32 to vector<16xf32>
      %mul3A_527 = arith.mulf %get3A_524, %mul3A_526 : vector<16xf32>
      %swap3A_528 = arith.index_cast %add3A_520 : i32 to index
      %swap3A_529 = arith.constant 64 : index
      %swap3A_530 = tpu.vector_load %arg8[%swap3A_528, %swap3A_529] {strides = array<i32>} : memref<128x128xf32, #tpu.memory_space<vmem>>, vector<1x16xf32>,
      %swap3A_531 = vector.shape_cast %swap3A_530 : vector<1x16xf32> to vector<16xf32>
      %swap3A_532 = vector.shape_cast %mul3A_527 : vector<16xf32> to vector<1x16xf32>
      tpu.vector_store %arg8[%swap3A_528, %swap3A_529], %swap3A_532 {strides = array<i32>} : memref<128x128xf32, #tpu.memory_space<vmem>>, vector<1x16xf32>,
      %mul3A_533 = arith.constant 2 : i32
      %mul3A_534 = arith.muli %scan3A_326, %mul3A_533 : i32
      %add3A_535 = arith.constant 1 : i32
      %add3A_536 = arith.addi %mul3A_534, %add3A_535 : i32
      %get3A_537 = arith.index_cast %add3A_536 : i32 to index
      %get3A_538 = arith.constant 80 : index
      %get3A_539 = tpu.vector_load %arg8[%get3A_537, %get3A_538] {strides = array<i32>} : memref<128x128xf32, #tpu.memory_space<vmem>>, vector<1x16xf32>,
      %get3A_540 = vector.shape_cast %get3A_539 : vector<1x16xf32> to vector<16xf32>
      %mul3A_541 = arith.constant 11.3137083 : f32
      %mul3A_542 = vector.broadcast %mul3A_541 : f32 to vector<16xf32>
      %mul3A_543 = arith.mulf %get3A_540, %mul3A_542 : vector<16xf32>
      %swap3A_544 = arith.index_cast %add3A_536 : i32 to index
      %swap3A_545 = arith.constant 80 : index
      %swap3A_546 = tpu.vector_load %arg8[%swap3A_544, %swap3A_545] {strides = array<i32>} : memref<128x128xf32, #tpu.memory_space<vmem>>, vector<1x16xf32>,
      %swap3A_547 = vector.shape_cast %swap3A_546 : vector<1x16xf32> to vector<16xf32>
      %swap3A_548 = vector.shape_cast %mul3A_543 : vector<16xf32> to vector<1x16xf32>
      tpu.vector_store %arg8[%swap3A_544, %swap3A_545], %swap3A_548 {strides = array<i32>} : memref<128x128xf32, #tpu.memory_space<vmem>>, vector<1x16xf32>,
      %mul3A_549 = arith.constant 2 : i32
      %mul3A_550 = arith.muli %scan3A_326, %mul3A_549 : i32
      %add3A_551 = arith.constant 1 : i32
      %add3A_552 = arith.addi %mul3A_550, %add3A_551 : i32
      %get3A_553 = arith.index_cast %add3A_552 : i32 to index
      %get3A_554 = arith.constant 96 : index
      %get3A_555 = tpu.vector_load %arg8[%get3A_553, %get3A_554] {strides = array<i32>} : memref<128x128xf32, #tpu.memory_space<vmem>>, vector<1x16xf32>,
      %get3A_556 = vector.shape_cast %get3A_555 : vector<1x16xf32> to vector<16xf32>
      %mul3A_557 = arith.constant 11.3137083 : f32
      %mul3A_558 = vector.broadcast %mul3A_557 : f32 to vector<16xf32>
      %mul3A_559 = arith.mulf %get3A_556, %mul3A_558 : vector<16xf32>
      %swap3A_560 = arith.index_cast %add3A_552 : i32 to index
      %swap3A_561 = arith.constant 96 : index
      %swap3A_562 = tpu.vector_load %arg8[%swap3A_560, %swap3A_561] {strides = array<i32>} : memref<128x128xf32, #tpu.memory_space<vmem>>, vector<1x16xf32>,
      %swap3A_563 = vector.shape_cast %swap3A_562 : vector<1x16xf32> to vector<16xf32>
      %swap3A_564 = vector.shape_cast %mul3A_559 : vector<16xf32> to vector<1x16xf32>
      tpu.vector_store %arg8[%swap3A_560, %swap3A_561], %swap3A_564 {strides = array<i32>} : memref<128x128xf32, #tpu.memory_space<vmem>>, vector<1x16xf32>,
      %mul3A_565 = arith.constant 2 : i32
      %mul3A_566 = arith.muli %scan3A_326, %mul3A_565 : i32
      %add3A_567 = arith.constant 1 : i32
      %add3A_568 = arith.addi %mul3A_566, %add3A_567 : i32
      %get3A_569 = arith.index_cast %add3A_568 : i32 to index
      %get3A_570 = arith.constant 112 : index
      %get3A_571 = tpu.vector_load %arg8[%get3A_569, %get3A_570] {strides = array<i32>} : memref<128x128xf32, #tpu.memory_space<vmem>>, vector<1x16xf32>,
      %get3A_572 = vector.shape_cast %get3A_571 : vector<1x16xf32> to vector<16xf32>
      %mul3A_573 = arith.constant 11.3137083 : f32
      %mul3A_574 = vector.broadcast %mul3A_573 : f32 to vector<16xf32>
      %mul3A_575 = arith.mulf %get3A_572, %mul3A_574 : vector<16xf32>
      %swap3A_576 = arith.index_cast %add3A_568 : i32 to index
      %swap3A_577 = arith.constant 112 : index
      %swap3A_578 = tpu.vector_load %arg8[%swap3A_576, %swap3A_577] {strides = array<i32>} : memref<128x128xf32, #tpu.memory_space<vmem>>, vector<1x16xf32>,
      %swap3A_579 = vector.shape_cast %swap3A_578 : vector<1x16xf32> to vector<16xf32>
      %swap3A_580 = vector.shape_cast %mul3A_575 : vector<16xf32> to vector<1x16xf32>
      tpu.vector_store %arg8[%swap3A_576, %swap3A_577], %swap3A_580 {strides = array<i32>} : memref<128x128xf32, #tpu.memory_space<vmem>>, vector<1x16xf32>,
    }
    %scan3A_251 = arith.constant 64 : i32
    %add3A_252 = arith.constant 25216 : i32
    %add3A_253 = arith.addi %mul3A_2, %add3A_252 : i32
    %dma_start3A_254 = arith.constant 0 : i32
    %dma_start3A_255 = tpu.memref_slice %arg4[%add3A_253, %dma_start3A_254] : memref<819200x128xf32, #tpu.memory_space<hbm>> -> memref<128x128xf32, #tpu.memory_space<hbm>>
    %dma_start3A_256 = arith.constant 0 : i32
    %dma_start3A_257 = tpu.memref_slice %arg4[%add3A_253, %dma_start3A_256] : memref<819200x128xf32, #tpu.memory_space<hbm>> -> memref<128x128xf32, #tpu.memory_space<hbm>>
    tpu.enqueue_dma source(%arg8 : memref<128x128xf32, #tpu.memory_space<vmem>>) target(%dma_start3A_257 : memref<128x128xf32, #tpu.memory_space<hbm>>) target_semaphore(%arg18 : memref<!tpu.dma_semaphore, #tpu.memory_space<semaphore_mem>>)
    %dma_wait3A_258 = arith.constant 198 : i32
    %dma_wait3A_259 = arith.constant 0 : i32
    %dma_wait3A_260 = tpu.memref_slice %arg5[%dma_wait3A_258, %dma_wait3A_259] : memref<200x128xi32, #tpu.memory_space<vmem>> -> memref<1x128xi32, #tpu.memory_space<vmem>>
    %dma_wait3A_261 = tpu.memref_squeeze %dma_wait3A_260 : memref<1x128xi32, #tpu.memory_space<vmem>> -> memref<128xi32, #tpu.memory_space<vmem>>
    %dma_wait3A_262 = arith.constant 0 : i32
    %dma_wait3A_263 = arith.constant 0 : i32
    %dma_wait3A_264 = tpu.memref_slice %arg3[%dma_wait3A_262, %dma_wait3A_263] : memref<100000x128xf32, #tpu.memory_space<hbm>> -> memref<100000x128xf32, #tpu.memory_space<hbm>>
    tpu.wait_indirect_dma semaphore(%arg14 : memref<!tpu.dma_semaphore, #tpu.memory_space<semaphore_mem>>) src(%dma_wait3A_264 : memref<100000x128xf32, #tpu.memory_space<hbm>>) dst(%arg9 : memref<128x128xf32, #tpu.memory_space<vmem>>)
    %scan3A_265 = arith.constant 0 : i32
    %scan3A_266 = arith.constant 0 : i32
    %scan3A_267 = arith.constant 64 : i32
    %scan3A_268 = arith.addi %scan3A_266, %scan3A_267 : i32
    %scan3A_269 = arith.constant 1 : i32
    scf.for %scan3A_326 = %scan3A_266 to %scan3A_268 step %scan3A_269  : i32 {
      %mul3A_327 = arith.constant 2 : i32
      %mul3A_328 = arith.muli %scan3A_326, %mul3A_327 : i32
      %add3A_329 = arith.constant 0 : i32
      %add3A_330 = arith.addi %mul3A_328, %add3A_329 : i32
      %get3A = arith.index_cast %add3A_330 : i32 to index
      %get3A_331 = arith.constant 0 : index
      %get3A_332 = tpu.vector_load %arg9[%get3A, %get3A_331] {strides = array<i32>} : memref<128x128xf32, #tpu.memory_space<vmem>>, vector<1x16xf32>,
      %get3A_333 = vector.shape_cast %get3A_332 : vector<1x16xf32> to vector<16xf32>
      %mul3A_334 = arith.constant 11.3137083 : f32
      %mul3A_335 = vector.broadcast %mul3A_334 : f32 to vector<16xf32>
      %mul3A_336 = arith.mulf %get3A_333, %mul3A_335 : vector<16xf32>
      %swap3A = arith.index_cast %add3A_330 : i32 to index
      %swap3A_337 = arith.constant 0 : index
      %swap3A_338 = tpu.vector_load %arg9[%swap3A, %swap3A_337] {strides = array<i32>} : memref<128x128xf32, #tpu.memory_space<vmem>>, vector<1x16xf32>,
      %swap3A_339 = vector.shape_cast %swap3A_338 : vector<1x16xf32> to vector<16xf32>
      %swap3A_340 = vector.shape_cast %mul3A_336 : vector<16xf32> to vector<1x16xf32>
      tpu.vector_store %arg9[%swap3A, %swap3A_337], %swap3A_340 {strides = array<i32>} : memref<128x128xf32, #tpu.memory_space<vmem>>, vector<1x16xf32>,
      %mul3A_341 = arith.constant 2 : i32
      %mul3A_342 = arith.muli %scan3A_326, %mul3A_341 : i32
      %add3A_343 = arith.constant 0 : i32
      %add3A_344 = arith.addi %mul3A_342, %add3A_343 : i32
      %get3A_345 = arith.index_cast %add3A_344 : i32 to index
      %get3A_346 = arith.constant 16 : index
      %get3A_347 = tpu.vector_load %arg9[%get3A_345, %get3A_346] {strides = array<i32>} : memref<128x128xf32, #tpu.memory_space<vmem>>, vector<1x16xf32>,
      %get3A_348 = vector.shape_cast %get3A_347 : vector<1x16xf32> to vector<16xf32>
      %mul3A_349 = arith.constant 11.3137083 : f32
      %mul3A_350 = vector.broadcast %mul3A_349 : f32 to vector<16xf32>
      %mul3A_351 = arith.mulf %get3A_348, %mul3A_350 : vector<16xf32>
      %swap3A_352 = arith.index_cast %add3A_344 : i32 to index
      %swap3A_353 = arith.constant 16 : index
      %swap3A_354 = tpu.vector_load %arg9[%swap3A_352, %swap3A_353] {strides = array<i32>} : memref<128x128xf32, #tpu.memory_space<vmem>>, vector<1x16xf32>,
      %swap3A_355 = vector.shape_cast %swap3A_354 : vector<1x16xf32> to vector<16xf32>
      %swap3A_356 = vector.shape_cast %mul3A_351 : vector<16xf32> to vector<1x16xf32>
      tpu.vector_store %arg9[%swap3A_352, %swap3A_353], %swap3A_356 {strides = array<i32>} : memref<128x128xf32, #tpu.memory_space<vmem>>, vector<1x16xf32>,
      %mul3A_357 = arith.constant 2 : i32
      %mul3A_358 = arith.muli %scan3A_326, %mul3A_357 : i32
      %add3A_359 = arith.constant 0 : i32
      %add3A_360 = arith.addi %mul3A_358, %add3A_359 : i32
      %get3A_361 = arith.index_cast %add3A_360 : i32 to index
      %get3A_362 = arith.constant 32 : index
      %get3A_363 = tpu.vector_load %arg9[%get3A_361, %get3A_362] {strides = array<i32>} : memref<128x128xf32, #tpu.memory_space<vmem>>, vector<1x16xf32>,
      %get3A_364 = vector.shape_cast %get3A_363 : vector<1x16xf32> to vector<16xf32>
      %mul3A_365 = arith.constant 11.3137083 : f32
      %mul3A_366 = vector.broadcast %mul3A_365 : f32 to vector<16xf32>
      %mul3A_367 = arith.mulf %get3A_364, %mul3A_366 : vector<16xf32>
      %swap3A_368 = arith.index_cast %add3A_360 : i32 to index
      %swap3A_369 = arith.constant 32 : index
      %swap3A_370 = tpu.vector_load %arg9[%swap3A_368, %swap3A_369] {strides = array<i32>} : memref<128x128xf32, #tpu.memory_space<vmem>>, vector<1x16xf32>,
      %swap3A_371 = vector.shape_cast %swap3A_370 : vector<1x16xf32> to vector<16xf32>
      %swap3A_372 = vector.shape_cast %mul3A_367 : vector<16xf32> to vector<1x16xf32>
      tpu.vector_store %arg9[%swap3A_368, %swap3A_369], %swap3A_372 {strides = array<i32>} : memref<128x128xf32, #tpu.memory_space<vmem>>, vector<1x16xf32>,
      %mul3A_373 = arith.constant 2 : i32
      %mul3A_374 = arith.muli %scan3A_326, %mul3A_373 : i32
      %add3A_375 = arith.constant 0 : i32
      %add3A_376 = arith.addi %mul3A_374, %add3A_375 : i32
      %get3A_377 = arith.index_cast %add3A_376 : i32 to index
      %get3A_378 = arith.constant 48 : index
      %get3A_379 = tpu.vector_load %arg9[%get3A_377, %get3A_378] {strides = array<i32>} : memref<128x128xf32, #tpu.memory_space<vmem>>, vector<1x16xf32>,
      %get3A_380 = vector.shape_cast %get3A_379 : vector<1x16xf32> to vector<16xf32>
      %mul3A_381 = arith.constant 11.3137083 : f32
      %mul3A_382 = vector.broadcast %mul3A_381 : f32 to vector<16xf32>
      %mul3A_383 = arith.mulf %get3A_380, %mul3A_382 : vector<16xf32>
      %swap3A_384 = arith.index_cast %add3A_376 : i32 to index
      %swap3A_385 = arith.constant 48 : index
      %swap3A_386 = tpu.vector_load %arg9[%swap3A_384, %swap3A_385] {strides = array<i32>} : memref<128x128xf32, #tpu.memory_space<vmem>>, vector<1x16xf32>,
      %swap3A_387 = vector.shape_cast %swap3A_386 : vector<1x16xf32> to vector<16xf32>
      %swap3A_388 = vector.shape_cast %mul3A_383 : vector<16xf32> to vector<1x16xf32>
      tpu.vector_store %arg9[%swap3A_384, %swap3A_385], %swap3A_388 {strides = array<i32>} : memref<128x128xf32, #tpu.memory_space<vmem>>, vector<1x16xf32>,
      %mul3A_389 = arith.constant 2 : i32
      %mul3A_390 = arith.muli %scan3A_326, %mul3A_389 : i32
      %add3A_391 = arith.constant 0 : i32
      %add3A_392 = arith.addi %mul3A_390, %add3A_391 : i32
      %get3A_393 = arith.index_cast %add3A_392 : i32 to index
      %get3A_394 = arith.constant 64 : index
      %get3A_395 = tpu.vector_load %arg9[%get3A_393, %get3A_394] {strides = array<i32>} : memref<128x128xf32, #tpu.memory_space<vmem>>, vector<1x16xf32>,
      %get3A_396 = vector.shape_cast %get3A_395 : vector<1x16xf32> to vector<16xf32>
      %mul3A_397 = arith.constant 11.3137083 : f32
      %mul3A_398 = vector.broadcast %mul3A_397 : f32 to vector<16xf32>
      %mul3A_399 = arith.mulf %get3A_396, %mul3A_398 : vector<16xf32>
      %swap3A_400 = arith.index_cast %add3A_392 : i32 to index
      %swap3A_401 = arith.constant 64 : index
      %swap3A_402 = tpu.vector_load %arg9[%swap3A_400, %swap3A_401] {strides = array<i32>} : memref<128x128xf32, #tpu.memory_space<vmem>>, vector<1x16xf32>,
      %swap3A_403 = vector.shape_cast %swap3A_402 : vector<1x16xf32> to vector<16xf32>
      %swap3A_404 = vector.shape_cast %mul3A_399 : vector<16xf32> to vector<1x16xf32>
      tpu.vector_store %arg9[%swap3A_400, %swap3A_401], %swap3A_404 {strides = array<i32>} : memref<128x128xf32, #tpu.memory_space<vmem>>, vector<1x16xf32>,
      %mul3A_405 = arith.constant 2 : i32
      %mul3A_406 = arith.muli %scan3A_326, %mul3A_405 : i32
      %add3A_407 = arith.constant 0 : i32
      %add3A_408 = arith.addi %mul3A_406, %add3A_407 : i32
      %get3A_409 = arith.index_cast %add3A_408 : i32 to index
      %get3A_410 = arith.constant 80 : index
      %get3A_411 = tpu.vector_load %arg9[%get3A_409, %get3A_410] {strides = array<i32>} : memref<128x128xf32, #tpu.memory_space<vmem>>, vector<1x16xf32>,
      %get3A_412 = vector.shape_cast %get3A_411 : vector<1x16xf32> to vector<16xf32>
      %mul3A_413 = arith.constant 11.3137083 : f32
      %mul3A_414 = vector.broadcast %mul3A_413 : f32 to vector<16xf32>
      %mul3A_415 = arith.mulf %get3A_412, %mul3A_414 : vector<16xf32>
      %swap3A_416 = arith.index_cast %add3A_408 : i32 to index
      %swap3A_417 = arith.constant 80 : index
      %swap3A_418 = tpu.vector_load %arg9[%swap3A_416, %swap3A_417] {strides = array<i32>} : memref<128x128xf32, #tpu.memory_space<vmem>>, vector<1x16xf32>,
      %swap3A_419 = vector.shape_cast %swap3A_418 : vector<1x16xf32> to vector<16xf32>
      %swap3A_420 = vector.shape_cast %mul3A_415 : vector<16xf32> to vector<1x16xf32>
      tpu.vector_store %arg9[%swap3A_416, %swap3A_417], %swap3A_420 {strides = array<i32>} : memref<128x128xf32, #tpu.memory_space<vmem>>, vector<1x16xf32>,
      %mul3A_421 = arith.constant 2 : i32
      %mul3A_422 = arith.muli %scan3A_326, %mul3A_421 : i32
      %add3A_423 = arith.constant 0 : i32
      %add3A_424 = arith.addi %mul3A_422, %add3A_423 : i32
      %get3A_425 = arith.index_cast %add3A_424 : i32 to index
      %get3A_426 = arith.constant 96 : index
      %get3A_427 = tpu.vector_load %arg9[%get3A_425, %get3A_426] {strides = array<i32>} : memref<128x128xf32, #tpu.memory_space<vmem>>, vector<1x16xf32>,
      %get3A_428 = vector.shape_cast %get3A_427 : vector<1x16xf32> to vector<16xf32>
      %mul3A_429 = arith.constant 11.3137083 : f32
      %mul3A_430 = vector.broadcast %mul3A_429 : f32 to vector<16xf32>
      %mul3A_431 = arith.mulf %get3A_428, %mul3A_430 : vector<16xf32>
      %swap3A_432 = arith.index_cast %add3A_424 : i32 to index
      %swap3A_433 = arith.constant 96 : index
      %swap3A_434 = tpu.vector_load %arg9[%swap3A_432, %swap3A_433] {strides = array<i32>} : memref<128x128xf32, #tpu.memory_space<vmem>>, vector<1x16xf32>,
      %swap3A_435 = vector.shape_cast %swap3A_434 : vector<1x16xf32> to vector<16xf32>
      %swap3A_436 = vector.shape_cast %mul3A_431 : vector<16xf32> to vector<1x16xf32>
      tpu.vector_store %arg9[%swap3A_432, %swap3A_433], %swap3A_436 {strides = array<i32>} : memref<128x128xf32, #tpu.memory_space<vmem>>, vector<1x16xf32>,
      %mul3A_437 = arith.constant 2 : i32
      %mul3A_438 = arith.muli %scan3A_326, %mul3A_437 : i32
      %add3A_439 = arith.constant 0 : i32
      %add3A_440 = arith.addi %mul3A_438, %add3A_439 : i32
      %get3A_441 = arith.index_cast %add3A_440 : i32 to index
      %get3A_442 = arith.constant 112 : index
      %get3A_443 = tpu.vector_load %arg9[%get3A_441, %get3A_442] {strides = array<i32>} : memref<128x128xf32, #tpu.memory_space<vmem>>, vector<1x16xf32>,
      %get3A_444 = vector.shape_cast %get3A_443 : vector<1x16xf32> to vector<16xf32>
      %mul3A_445 = arith.constant 11.3137083 : f32
      %mul3A_446 = vector.broadcast %mul3A_445 : f32 to vector<16xf32>
      %mul3A_447 = arith.mulf %get3A_444, %mul3A_446 : vector<16xf32>
      %swap3A_448 = arith.index_cast %add3A_440 : i32 to index
      %swap3A_449 = arith.constant 112 : index
      %swap3A_450 = tpu.vector_load %arg9[%swap3A_448, %swap3A_449] {strides = array<i32>} : memref<128x128xf32, #tpu.memory_space<vmem>>, vector<1x16xf32>,
      %swap3A_451 = vector.shape_cast %swap3A_450 : vector<1x16xf32> to vector<16xf32>
      %swap3A_452 = vector.shape_cast %mul3A_447 : vector<16xf32> to vector<1x16xf32>
      tpu.vector_store %arg9[%swap3A_448, %swap3A_449], %swap3A_452 {strides = array<i32>} : memref<128x128xf32, #tpu.memory_space<vmem>>, vector<1x16xf32>,
      %mul3A_453 = arith.constant 2 : i32
      %mul3A_454 = arith.muli %scan3A_326, %mul3A_453 : i32
      %add3A_455 = arith.constant 1 : i32
      %add3A_456 = arith.addi %mul3A_454, %add3A_455 : i32
      %get3A_457 = arith.index_cast %add3A_456 : i32 to index
      %get3A_458 = arith.constant 0 : index
      %get3A_459 = tpu.vector_load %arg9[%get3A_457, %get3A_458] {strides = array<i32>} : memref<128x128xf32, #tpu.memory_space<vmem>>, vector<1x16xf32>,
      %get3A_460 = vector.shape_cast %get3A_459 : vector<1x16xf32> to vector<16xf32>
      %mul3A_461 = arith.constant 11.3137083 : f32
      %mul3A_462 = vector.broadcast %mul3A_461 : f32 to vector<16xf32>
      %mul3A_463 = arith.mulf %get3A_460, %mul3A_462 : vector<16xf32>
      %swap3A_464 = arith.index_cast %add3A_456 : i32 to index
      %swap3A_465 = arith.constant 0 : index
      %swap3A_466 = tpu.vector_load %arg9[%swap3A_464, %swap3A_465] {strides = array<i32>} : memref<128x128xf32, #tpu.memory_space<vmem>>, vector<1x16xf32>,
      %swap3A_467 = vector.shape_cast %swap3A_466 : vector<1x16xf32> to vector<16xf32>
      %swap3A_468 = vector.shape_cast %mul3A_463 : vector<16xf32> to vector<1x16xf32>
      tpu.vector_store %arg9[%swap3A_464, %swap3A_465], %swap3A_468 {strides = array<i32>} : memref<128x128xf32, #tpu.memory_space<vmem>>, vector<1x16xf32>,
      %mul3A_469 = arith.constant 2 : i32
      %mul3A_470 = arith.muli %scan3A_326, %mul3A_469 : i32
      %add3A_471 = arith.constant 1 : i32
      %add3A_472 = arith.addi %mul3A_470, %add3A_471 : i32
      %get3A_473 = arith.index_cast %add3A_472 : i32 to index
      %get3A_474 = arith.constant 16 : index
      %get3A_475 = tpu.vector_load %arg9[%get3A_473, %get3A_474] {strides = array<i32>} : memref<128x128xf32, #tpu.memory_space<vmem>>, vector<1x16xf32>,
      %get3A_476 = vector.shape_cast %get3A_475 : vector<1x16xf32> to vector<16xf32>
      %mul3A_477 = arith.constant 11.3137083 : f32
      %mul3A_478 = vector.broadcast %mul3A_477 : f32 to vector<16xf32>
      %mul3A_479 = arith.mulf %get3A_476, %mul3A_478 : vector<16xf32>
      %swap3A_480 = arith.index_cast %add3A_472 : i32 to index
      %swap3A_481 = arith.constant 16 : index
      %swap3A_482 = tpu.vector_load %arg9[%swap3A_480, %swap3A_481] {strides = array<i32>} : memref<128x128xf32, #tpu.memory_space<vmem>>, vector<1x16xf32>,
      %swap3A_483 = vector.shape_cast %swap3A_482 : vector<1x16xf32> to vector<16xf32>
      %swap3A_484 = vector.shape_cast %mul3A_479 : vector<16xf32> to vector<1x16xf32>
      tpu.vector_store %arg9[%swap3A_480, %swap3A_481], %swap3A_484 {strides = array<i32>} : memref<128x128xf32, #tpu.memory_space<vmem>>, vector<1x16xf32>,
      %mul3A_485 = arith.constant 2 : i32
      %mul3A_486 = arith.muli %scan3A_326, %mul3A_485 : i32
      %add3A_487 = arith.constant 1 : i32
      %add3A_488 = arith.addi %mul3A_486, %add3A_487 : i32
      %get3A_489 = arith.index_cast %add3A_488 : i32 to index
      %get3A_490 = arith.constant 32 : index
      %get3A_491 = tpu.vector_load %arg9[%get3A_489, %get3A_490] {strides = array<i32>} : memref<128x128xf32, #tpu.memory_space<vmem>>, vector<1x16xf32>,
      %get3A_492 = vector.shape_cast %get3A_491 : vector<1x16xf32> to vector<16xf32>
      %mul3A_493 = arith.constant 11.3137083 : f32
      %mul3A_494 = vector.broadcast %mul3A_493 : f32 to vector<16xf32>
      %mul3A_495 = arith.mulf %get3A_492, %mul3A_494 : vector<16xf32>
      %swap3A_496 = arith.index_cast %add3A_488 : i32 to index
      %swap3A_497 = arith.constant 32 : index
      %swap3A_498 = tpu.vector_load %arg9[%swap3A_496, %swap3A_497] {strides = array<i32>} : memref<128x128xf32, #tpu.memory_space<vmem>>, vector<1x16xf32>,
      %swap3A_499 = vector.shape_cast %swap3A_498 : vector<1x16xf32> to vector<16xf32>
      %swap3A_500 = vector.shape_cast %mul3A_495 : vector<16xf32> to vector<1x16xf32>
      tpu.vector_store %arg9[%swap3A_496, %swap3A_497], %swap3A_500 {strides = array<i32>} : memref<128x128xf32, #tpu.memory_space<vmem>>, vector<1x16xf32>,
      %mul3A_501 = arith.constant 2 : i32
      %mul3A_502 = arith.muli %scan3A_326, %mul3A_501 : i32
      %add3A_503 = arith.constant 1 : i32
      %add3A_504 = arith.addi %mul3A_502, %add3A_503 : i32
      %get3A_505 = arith.index_cast %add3A_504 : i32 to index
      %get3A_506 = arith.constant 48 : index
      %get3A_507 = tpu.vector_load %arg9[%get3A_505, %get3A_506] {strides = array<i32>} : memref<128x128xf32, #tpu.memory_space<vmem>>, vector<1x16xf32>,
      %get3A_508 = vector.shape_cast %get3A_507 : vector<1x16xf32> to vector<16xf32>
      %mul3A_509 = arith.constant 11.3137083 : f32
      %mul3A_510 = vector.broadcast %mul3A_509 : f32 to vector<16xf32>
      %mul3A_511 = arith.mulf %get3A_508, %mul3A_510 : vector<16xf32>
      %swap3A_512 = arith.index_cast %add3A_504 : i32 to index
      %swap3A_513 = arith.constant 48 : index
      %swap3A_514 = tpu.vector_load %arg9[%swap3A_512, %swap3A_513] {strides = array<i32>} : memref<128x128xf32, #tpu.memory_space<vmem>>, vector<1x16xf32>,
      %swap3A_515 = vector.shape_cast %swap3A_514 : vector<1x16xf32> to vector<16xf32>
      %swap3A_516 = vector.shape_cast %mul3A_511 : vector<16xf32> to vector<1x16xf32>
      tpu.vector_store %arg9[%swap3A_512, %swap3A_513], %swap3A_516 {strides = array<i32>} : memref<128x128xf32, #tpu.memory_space<vmem>>, vector<1x16xf32>,
      %mul3A_517 = arith.constant 2 : i32
      %mul3A_518 = arith.muli %scan3A_326, %mul3A_517 : i32
      %add3A_519 = arith.constant 1 : i32
      %add3A_520 = arith.addi %mul3A_518, %add3A_519 : i32
      %get3A_521 = arith.index_cast %add3A_520 : i32 to index
      %get3A_522 = arith.constant 64 : index
      %get3A_523 = tpu.vector_load %arg9[%get3A_521, %get3A_522] {strides = array<i32>} : memref<128x128xf32, #tpu.memory_space<vmem>>, vector<1x16xf32>,
      %get3A_524 = vector.shape_cast %get3A_523 : vector<1x16xf32> to vector<16xf32>
      %mul3A_525 = arith.constant 11.3137083 : f32
      %mul3A_526 = vector.broadcast %mul3A_525 : f32 to vector<16xf32>
      %mul3A_527 = arith.mulf %get3A_524, %mul3A_526 : vector<16xf32>
      %swap3A_528 = arith.index_cast %add3A_520 : i32 to index
      %swap3A_529 = arith.constant 64 : index
      %swap3A_530 = tpu.vector_load %arg9[%swap3A_528, %swap3A_529] {strides = array<i32>} : memref<128x128xf32, #tpu.memory_space<vmem>>, vector<1x16xf32>,
      %swap3A_531 = vector.shape_cast %swap3A_530 : vector<1x16xf32> to vector<16xf32>
      %swap3A_532 = vector.shape_cast %mul3A_527 : vector<16xf32> to vector<1x16xf32>
      tpu.vector_store %arg9[%swap3A_528, %swap3A_529], %swap3A_532 {strides = array<i32>} : memref<128x128xf32, #tpu.memory_space<vmem>>, vector<1x16xf32>,
      %mul3A_533 = arith.constant 2 : i32
      %mul3A_534 = arith.muli %scan3A_326, %mul3A_533 : i32
      %add3A_535 = arith.constant 1 : i32
      %add3A_536 = arith.addi %mul3A_534, %add3A_535 : i32
      %get3A_537 = arith.index_cast %add3A_536 : i32 to index
      %get3A_538 = arith.constant 80 : index
      %get3A_539 = tpu.vector_load %arg9[%get3A_537, %get3A_538] {strides = array<i32>} : memref<128x128xf32, #tpu.memory_space<vmem>>, vector<1x16xf32>,
      %get3A_540 = vector.shape_cast %get3A_539 : vector<1x16xf32> to vector<16xf32>
      %mul3A_541 = arith.constant 11.3137083 : f32
      %mul3A_542 = vector.broadcast %mul3A_541 : f32 to vector<16xf32>
      %mul3A_543 = arith.mulf %get3A_540, %mul3A_542 : vector<16xf32>
      %swap3A_544 = arith.index_cast %add3A_536 : i32 to index
      %swap3A_545 = arith.constant 80 : index
      %swap3A_546 = tpu.vector_load %arg9[%swap3A_544, %swap3A_545] {strides = array<i32>} : memref<128x128xf32, #tpu.memory_space<vmem>>, vector<1x16xf32>,
      %swap3A_547 = vector.shape_cast %swap3A_546 : vector<1x16xf32> to vector<16xf32>
      %swap3A_548 = vector.shape_cast %mul3A_543 : vector<16xf32> to vector<1x16xf32>
      tpu.vector_store %arg9[%swap3A_544, %swap3A_545], %swap3A_548 {strides = array<i32>} : memref<128x128xf32, #tpu.memory_space<vmem>>, vector<1x16xf32>,
      %mul3A_549 = arith.constant 2 : i32
      %mul3A_550 = arith.muli %scan3A_326, %mul3A_549 : i32
      %add3A_551 = arith.constant 1 : i32
      %add3A_552 = arith.addi %mul3A_550, %add3A_551 : i32
      %get3A_553 = arith.index_cast %add3A_552 : i32 to index
      %get3A_554 = arith.constant 96 : index
      %get3A_555 = tpu.vector_load %arg9[%get3A_553, %get3A_554] {strides = array<i32>} : memref<128x128xf32, #tpu.memory_space<vmem>>, vector<1x16xf32>,
      %get3A_556 = vector.shape_cast %get3A_555 : vector<1x16xf32> to vector<16xf32>
      %mul3A_557 = arith.constant 11.3137083 : f32
      %mul3A_558 = vector.broadcast %mul3A_557 : f32 to vector<16xf32>
      %mul3A_559 = arith.mulf %get3A_556, %mul3A_558 : vector<16xf32>
      %swap3A_560 = arith.index_cast %add3A_552 : i32 to index
      %swap3A_561 = arith.constant 96 : index
      %swap3A_562 = tpu.vector_load %arg9[%swap3A_560, %swap3A_561] {strides = array<i32>} : memref<128x128xf32, #tpu.memory_space<vmem>>, vector<1x16xf32>,
      %swap3A_563 = vector.shape_cast %swap3A_562 : vector<1x16xf32> to vector<16xf32>
      %swap3A_564 = vector.shape_cast %mul3A_559 : vector<16xf32> to vector<1x16xf32>
      tpu.vector_store %arg9[%swap3A_560, %swap3A_561], %swap3A_564 {strides = array<i32>} : memref<128x128xf32, #tpu.memory_space<vmem>>, vector<1x16xf32>,
      %mul3A_565 = arith.constant 2 : i32
      %mul3A_566 = arith.muli %scan3A_326, %mul3A_565 : i32
      %add3A_567 = arith.constant 1 : i32
      %add3A_568 = arith.addi %mul3A_566, %add3A_567 : i32
      %get3A_569 = arith.index_cast %add3A_568 : i32 to index
      %get3A_570 = arith.constant 112 : index
      %get3A_571 = tpu.vector_load %arg9[%get3A_569, %get3A_570] {strides = array<i32>} : memref<128x128xf32, #tpu.memory_space<vmem>>, vector<1x16xf32>,
      %get3A_572 = vector.shape_cast %get3A_571 : vector<1x16xf32> to vector<16xf32>
      %mul3A_573 = arith.constant 11.3137083 : f32
      %mul3A_574 = vector.broadcast %mul3A_573 : f32 to vector<16xf32>
      %mul3A_575 = arith.mulf %get3A_572, %mul3A_574 : vector<16xf32>
      %swap3A_576 = arith.index_cast %add3A_568 : i32 to index
      %swap3A_577 = arith.constant 112 : index
      %swap3A_578 = tpu.vector_load %arg9[%swap3A_576, %swap3A_577] {strides = array<i32>} : memref<128x128xf32, #tpu.memory_space<vmem>>, vector<1x16xf32>,
      %swap3A_579 = vector.shape_cast %swap3A_578 : vector<1x16xf32> to vector<16xf32>
      %swap3A_580 = vector.shape_cast %mul3A_575 : vector<16xf32> to vector<1x16xf32>
      tpu.vector_store %arg9[%swap3A_576, %swap3A_577], %swap3A_580 {strides = array<i32>} : memref<128x128xf32, #tpu.memory_space<vmem>>, vector<1x16xf32>,
    }
    %scan3A_270 = arith.constant 64 : i32
    %add3A_271 = arith.constant 25344 : i32
    %add3A_272 = arith.addi %mul3A_2, %add3A_271 : i32
    %dma_start3A_273 = arith.constant 0 : i32
    %dma_start3A_274 = tpu.memref_slice %arg4[%add3A_272, %dma_start3A_273] : memref<819200x128xf32, #tpu.memory_space<hbm>> -> memref<128x128xf32, #tpu.memory_space<hbm>>
    %dma_start3A_275 = arith.constant 0 : i32
    %dma_start3A_276 = tpu.memref_slice %arg4[%add3A_272, %dma_start3A_275] : memref<819200x128xf32, #tpu.memory_space<hbm>> -> memref<128x128xf32, #tpu.memory_space<hbm>>
    tpu.enqueue_dma source(%arg9 : memref<128x128xf32, #tpu.memory_space<vmem>>) target(%dma_start3A_276 : memref<128x128xf32, #tpu.memory_space<hbm>>) target_semaphore(%arg19 : memref<!tpu.dma_semaphore, #tpu.memory_space<semaphore_mem>>)
    %dma_wait3A_277 = arith.constant 199 : i32
    %dma_wait3A_278 = arith.constant 0 : i32
    %dma_wait3A_279 = tpu.memref_slice %arg5[%dma_wait3A_277, %dma_wait3A_278] : memref<200x128xi32, #tpu.memory_space<vmem>> -> memref<1x128xi32, #tpu.memory_space<vmem>>
    %dma_wait3A_280 = tpu.memref_squeeze %dma_wait3A_279 : memref<1x128xi32, #tpu.memory_space<vmem>> -> memref<128xi32, #tpu.memory_space<vmem>>
    %dma_wait3A_281 = arith.constant 0 : i32
    %dma_wait3A_282 = arith.constant 0 : i32
    %dma_wait3A_283 = tpu.memref_slice %arg3[%dma_wait3A_281, %dma_wait3A_282] : memref<100000x128xf32, #tpu.memory_space<hbm>> -> memref<100000x128xf32, #tpu.memory_space<hbm>>
    tpu.wait_indirect_dma semaphore(%arg15 : memref<!tpu.dma_semaphore, #tpu.memory_space<semaphore_mem>>) src(%dma_wait3A_283 : memref<100000x128xf32, #tpu.memory_space<hbm>>) dst(%arg10 : memref<128x128xf32, #tpu.memory_space<vmem>>)
    %scan3A_284 = arith.constant 0 : i32
    %scan3A_285 = arith.constant 0 : i32
    %scan3A_286 = arith.constant 64 : i32
    %scan3A_287 = arith.addi %scan3A_285, %scan3A_286 : i32
    %scan3A_288 = arith.constant 1 : i32
    scf.for %scan3A_326 = %scan3A_285 to %scan3A_287 step %scan3A_288  : i32 {
      %mul3A_327 = arith.constant 2 : i32
      %mul3A_328 = arith.muli %scan3A_326, %mul3A_327 : i32
      %add3A_329 = arith.constant 0 : i32
      %add3A_330 = arith.addi %mul3A_328, %add3A_329 : i32
      %get3A = arith.index_cast %add3A_330 : i32 to index
      %get3A_331 = arith.constant 0 : index
      %get3A_332 = tpu.vector_load %arg10[%get3A, %get3A_331] {strides = array<i32>} : memref<128x128xf32, #tpu.memory_space<vmem>>, vector<1x16xf32>,
      %get3A_333 = vector.shape_cast %get3A_332 : vector<1x16xf32> to vector<16xf32>
      %mul3A_334 = arith.constant 11.3137083 : f32
      %mul3A_335 = vector.broadcast %mul3A_334 : f32 to vector<16xf32>
      %mul3A_336 = arith.mulf %get3A_333, %mul3A_335 : vector<16xf32>
      %swap3A = arith.index_cast %add3A_330 : i32 to index
      %swap3A_337 = arith.constant 0 : index
      %swap3A_338 = tpu.vector_load %arg10[%swap3A, %swap3A_337] {strides = array<i32>} : memref<128x128xf32, #tpu.memory_space<vmem>>, vector<1x16xf32>,
      %swap3A_339 = vector.shape_cast %swap3A_338 : vector<1x16xf32> to vector<16xf32>
      %swap3A_340 = vector.shape_cast %mul3A_336 : vector<16xf32> to vector<1x16xf32>
      tpu.vector_store %arg10[%swap3A, %swap3A_337], %swap3A_340 {strides = array<i32>} : memref<128x128xf32, #tpu.memory_space<vmem>>, vector<1x16xf32>,
      %mul3A_341 = arith.constant 2 : i32
      %mul3A_342 = arith.muli %scan3A_326, %mul3A_341 : i32
      %add3A_343 = arith.constant 0 : i32
      %add3A_344 = arith.addi %mul3A_342, %add3A_343 : i32
      %get3A_345 = arith.index_cast %add3A_344 : i32 to index
      %get3A_346 = arith.constant 16 : index
      %get3A_347 = tpu.vector_load %arg10[%get3A_345, %get3A_346] {strides = array<i32>} : memref<128x128xf32, #tpu.memory_space<vmem>>, vector<1x16xf32>,
      %get3A_348 = vector.shape_cast %get3A_347 : vector<1x16xf32> to vector<16xf32>
      %mul3A_349 = arith.constant 11.3137083 : f32
      %mul3A_350 = vector.broadcast %mul3A_349 : f32 to vector<16xf32>
      %mul3A_351 = arith.mulf %get3A_348, %mul3A_350 : vector<16xf32>
      %swap3A_352 = arith.index_cast %add3A_344 : i32 to index
      %swap3A_353 = arith.constant 16 : index
      %swap3A_354 = tpu.vector_load %arg10[%swap3A_352, %swap3A_353] {strides = array<i32>} : memref<128x128xf32, #tpu.memory_space<vmem>>, vector<1x16xf32>,
      %swap3A_355 = vector.shape_cast %swap3A_354 : vector<1x16xf32> to vector<16xf32>
      %swap3A_356 = vector.shape_cast %mul3A_351 : vector<16xf32> to vector<1x16xf32>
      tpu.vector_store %arg10[%swap3A_352, %swap3A_353], %swap3A_356 {strides = array<i32>} : memref<128x128xf32, #tpu.memory_space<vmem>>, vector<1x16xf32>,
      %mul3A_357 = arith.constant 2 : i32
      %mul3A_358 = arith.muli %scan3A_326, %mul3A_357 : i32
      %add3A_359 = arith.constant 0 : i32
      %add3A_360 = arith.addi %mul3A_358, %add3A_359 : i32
      %get3A_361 = arith.index_cast %add3A_360 : i32 to index
      %get3A_362 = arith.constant 32 : index
      %get3A_363 = tpu.vector_load %arg10[%get3A_361, %get3A_362] {strides = array<i32>} : memref<128x128xf32, #tpu.memory_space<vmem>>, vector<1x16xf32>,
      %get3A_364 = vector.shape_cast %get3A_363 : vector<1x16xf32> to vector<16xf32>
      %mul3A_365 = arith.constant 11.3137083 : f32
      %mul3A_366 = vector.broadcast %mul3A_365 : f32 to vector<16xf32>
      %mul3A_367 = arith.mulf %get3A_364, %mul3A_366 : vector<16xf32>
      %swap3A_368 = arith.index_cast %add3A_360 : i32 to index
      %swap3A_369 = arith.constant 32 : index
      %swap3A_370 = tpu.vector_load %arg10[%swap3A_368, %swap3A_369] {strides = array<i32>} : memref<128x128xf32, #tpu.memory_space<vmem>>, vector<1x16xf32>,
      %swap3A_371 = vector.shape_cast %swap3A_370 : vector<1x16xf32> to vector<16xf32>
      %swap3A_372 = vector.shape_cast %mul3A_367 : vector<16xf32> to vector<1x16xf32>
      tpu.vector_store %arg10[%swap3A_368, %swap3A_369], %swap3A_372 {strides = array<i32>} : memref<128x128xf32, #tpu.memory_space<vmem>>, vector<1x16xf32>,
      %mul3A_373 = arith.constant 2 : i32
      %mul3A_374 = arith.muli %scan3A_326, %mul3A_373 : i32
      %add3A_375 = arith.constant 0 : i32
      %add3A_376 = arith.addi %mul3A_374, %add3A_375 : i32
      %get3A_377 = arith.index_cast %add3A_376 : i32 to index
      %get3A_378 = arith.constant 48 : index
      %get3A_379 = tpu.vector_load %arg10[%get3A_377, %get3A_378] {strides = array<i32>} : memref<128x128xf32, #tpu.memory_space<vmem>>, vector<1x16xf32>,
      %get3A_380 = vector.shape_cast %get3A_379 : vector<1x16xf32> to vector<16xf32>
      %mul3A_381 = arith.constant 11.3137083 : f32
      %mul3A_382 = vector.broadcast %mul3A_381 : f32 to vector<16xf32>
      %mul3A_383 = arith.mulf %get3A_380, %mul3A_382 : vector<16xf32>
      %swap3A_384 = arith.index_cast %add3A_376 : i32 to index
      %swap3A_385 = arith.constant 48 : index
      %swap3A_386 = tpu.vector_load %arg10[%swap3A_384, %swap3A_385] {strides = array<i32>} : memref<128x128xf32, #tpu.memory_space<vmem>>, vector<1x16xf32>,
      %swap3A_387 = vector.shape_cast %swap3A_386 : vector<1x16xf32> to vector<16xf32>
      %swap3A_388 = vector.shape_cast %mul3A_383 : vector<16xf32> to vector<1x16xf32>
      tpu.vector_store %arg10[%swap3A_384, %swap3A_385], %swap3A_388 {strides = array<i32>} : memref<128x128xf32, #tpu.memory_space<vmem>>, vector<1x16xf32>,
      %mul3A_389 = arith.constant 2 : i32
      %mul3A_390 = arith.muli %scan3A_326, %mul3A_389 : i32
      %add3A_391 = arith.constant 0 : i32
      %add3A_392 = arith.addi %mul3A_390, %add3A_391 : i32
      %get3A_393 = arith.index_cast %add3A_392 : i32 to index
      %get3A_394 = arith.constant 64 : index
      %get3A_395 = tpu.vector_load %arg10[%get3A_393, %get3A_394] {strides = array<i32>} : memref<128x128xf32, #tpu.memory_space<vmem>>, vector<1x16xf32>,
      %get3A_396 = vector.shape_cast %get3A_395 : vector<1x16xf32> to vector<16xf32>
      %mul3A_397 = arith.constant 11.3137083 : f32
      %mul3A_398 = vector.broadcast %mul3A_397 : f32 to vector<16xf32>
      %mul3A_399 = arith.mulf %get3A_396, %mul3A_398 : vector<16xf32>
      %swap3A_400 = arith.index_cast %add3A_392 : i32 to index
      %swap3A_401 = arith.constant 64 : index
      %swap3A_402 = tpu.vector_load %arg10[%swap3A_400, %swap3A_401] {strides = array<i32>} : memref<128x128xf32, #tpu.memory_space<vmem>>, vector<1x16xf32>,
      %swap3A_403 = vector.shape_cast %swap3A_402 : vector<1x16xf32> to vector<16xf32>
      %swap3A_404 = vector.shape_cast %mul3A_399 : vector<16xf32> to vector<1x16xf32>
      tpu.vector_store %arg10[%swap3A_400, %swap3A_401], %swap3A_404 {strides = array<i32>} : memref<128x128xf32, #tpu.memory_space<vmem>>, vector<1x16xf32>,
      %mul3A_405 = arith.constant 2 : i32
      %mul3A_406 = arith.muli %scan3A_326, %mul3A_405 : i32
      %add3A_407 = arith.constant 0 : i32
      %add3A_408 = arith.addi %mul3A_406, %add3A_407 : i32
      %get3A_409 = arith.index_cast %add3A_408 : i32 to index
      %get3A_410 = arith.constant 80 : index
      %get3A_411 = tpu.vector_load %arg10[%get3A_409, %get3A_410] {strides = array<i32>} : memref<128x128xf32, #tpu.memory_space<vmem>>, vector<1x16xf32>,
      %get3A_412 = vector.shape_cast %get3A_411 : vector<1x16xf32> to vector<16xf32>
      %mul3A_413 = arith.constant 11.3137083 : f32
      %mul3A_414 = vector.broadcast %mul3A_413 : f32 to vector<16xf32>
      %mul3A_415 = arith.mulf %get3A_412, %mul3A_414 : vector<16xf32>
      %swap3A_416 = arith.index_cast %add3A_408 : i32 to index
      %swap3A_417 = arith.constant 80 : index
      %swap3A_418 = tpu.vector_load %arg10[%swap3A_416, %swap3A_417] {strides = array<i32>} : memref<128x128xf32, #tpu.memory_space<vmem>>, vector<1x16xf32>,
      %swap3A_419 = vector.shape_cast %swap3A_418 : vector<1x16xf32> to vector<16xf32>
      %swap3A_420 = vector.shape_cast %mul3A_415 : vector<16xf32> to vector<1x16xf32>
      tpu.vector_store %arg10[%swap3A_416, %swap3A_417], %swap3A_420 {strides = array<i32>} : memref<128x128xf32, #tpu.memory_space<vmem>>, vector<1x16xf32>,
      %mul3A_421 = arith.constant 2 : i32
      %mul3A_422 = arith.muli %scan3A_326, %mul3A_421 : i32
      %add3A_423 = arith.constant 0 : i32
      %add3A_424 = arith.addi %mul3A_422, %add3A_423 : i32
      %get3A_425 = arith.index_cast %add3A_424 : i32 to index
      %get3A_426 = arith.constant 96 : index
      %get3A_427 = tpu.vector_load %arg10[%get3A_425, %get3A_426] {strides = array<i32>} : memref<128x128xf32, #tpu.memory_space<vmem>>, vector<1x16xf32>,
      %get3A_428 = vector.shape_cast %get3A_427 : vector<1x16xf32> to vector<16xf32>
      %mul3A_429 = arith.constant 11.3137083 : f32
      %mul3A_430 = vector.broadcast %mul3A_429 : f32 to vector<16xf32>
      %mul3A_431 = arith.mulf %get3A_428, %mul3A_430 : vector<16xf32>
      %swap3A_432 = arith.index_cast %add3A_424 : i32 to index
      %swap3A_433 = arith.constant 96 : index
      %swap3A_434 = tpu.vector_load %arg10[%swap3A_432, %swap3A_433] {strides = array<i32>} : memref<128x128xf32, #tpu.memory_space<vmem>>, vector<1x16xf32>,
      %swap3A_435 = vector.shape_cast %swap3A_434 : vector<1x16xf32> to vector<16xf32>
      %swap3A_436 = vector.shape_cast %mul3A_431 : vector<16xf32> to vector<1x16xf32>
      tpu.vector_store %arg10[%swap3A_432, %swap3A_433], %swap3A_436 {strides = array<i32>} : memref<128x128xf32, #tpu.memory_space<vmem>>, vector<1x16xf32>,
      %mul3A_437 = arith.constant 2 : i32
      %mul3A_438 = arith.muli %scan3A_326, %mul3A_437 : i32
      %add3A_439 = arith.constant 0 : i32
      %add3A_440 = arith.addi %mul3A_438, %add3A_439 : i32
      %get3A_441 = arith.index_cast %add3A_440 : i32 to index
      %get3A_442 = arith.constant 112 : index
      %get3A_443 = tpu.vector_load %arg10[%get3A_441, %get3A_442] {strides = array<i32>} : memref<128x128xf32, #tpu.memory_space<vmem>>, vector<1x16xf32>,
      %get3A_444 = vector.shape_cast %get3A_443 : vector<1x16xf32> to vector<16xf32>
      %mul3A_445 = arith.constant 11.3137083 : f32
      %mul3A_446 = vector.broadcast %mul3A_445 : f32 to vector<16xf32>
      %mul3A_447 = arith.mulf %get3A_444, %mul3A_446 : vector<16xf32>
      %swap3A_448 = arith.index_cast %add3A_440 : i32 to index
      %swap3A_449 = arith.constant 112 : index
      %swap3A_450 = tpu.vector_load %arg10[%swap3A_448, %swap3A_449] {strides = array<i32>} : memref<128x128xf32, #tpu.memory_space<vmem>>, vector<1x16xf32>,
      %swap3A_451 = vector.shape_cast %swap3A_450 : vector<1x16xf32> to vector<16xf32>
      %swap3A_452 = vector.shape_cast %mul3A_447 : vector<16xf32> to vector<1x16xf32>
      tpu.vector_store %arg10[%swap3A_448, %swap3A_449], %swap3A_452 {strides = array<i32>} : memref<128x128xf32, #tpu.memory_space<vmem>>, vector<1x16xf32>,
      %mul3A_453 = arith.constant 2 : i32
      %mul3A_454 = arith.muli %scan3A_326, %mul3A_453 : i32
      %add3A_455 = arith.constant 1 : i32
      %add3A_456 = arith.addi %mul3A_454, %add3A_455 : i32
      %get3A_457 = arith.index_cast %add3A_456 : i32 to index
      %get3A_458 = arith.constant 0 : index
      %get3A_459 = tpu.vector_load %arg10[%get3A_457, %get3A_458] {strides = array<i32>} : memref<128x128xf32, #tpu.memory_space<vmem>>, vector<1x16xf32>,
      %get3A_460 = vector.shape_cast %get3A_459 : vector<1x16xf32> to vector<16xf32>
      %mul3A_461 = arith.constant 11.3137083 : f32
      %mul3A_462 = vector.broadcast %mul3A_461 : f32 to vector<16xf32>
      %mul3A_463 = arith.mulf %get3A_460, %mul3A_462 : vector<16xf32>
      %swap3A_464 = arith.index_cast %add3A_456 : i32 to index
      %swap3A_465 = arith.constant 0 : index
      %swap3A_466 = tpu.vector_load %arg10[%swap3A_464, %swap3A_465] {strides = array<i32>} : memref<128x128xf32, #tpu.memory_space<vmem>>, vector<1x16xf32>,
      %swap3A_467 = vector.shape_cast %swap3A_466 : vector<1x16xf32> to vector<16xf32>
      %swap3A_468 = vector.shape_cast %mul3A_463 : vector<16xf32> to vector<1x16xf32>
      tpu.vector_store %arg10[%swap3A_464, %swap3A_465], %swap3A_468 {strides = array<i32>} : memref<128x128xf32, #tpu.memory_space<vmem>>, vector<1x16xf32>,
      %mul3A_469 = arith.constant 2 : i32
      %mul3A_470 = arith.muli %scan3A_326, %mul3A_469 : i32
      %add3A_471 = arith.constant 1 : i32
      %add3A_472 = arith.addi %mul3A_470, %add3A_471 : i32
      %get3A_473 = arith.index_cast %add3A_472 : i32 to index
      %get3A_474 = arith.constant 16 : index
      %get3A_475 = tpu.vector_load %arg10[%get3A_473, %get3A_474] {strides = array<i32>} : memref<128x128xf32, #tpu.memory_space<vmem>>, vector<1x16xf32>,
      %get3A_476 = vector.shape_cast %get3A_475 : vector<1x16xf32> to vector<16xf32>
      %mul3A_477 = arith.constant 11.3137083 : f32
      %mul3A_478 = vector.broadcast %mul3A_477 : f32 to vector<16xf32>
      %mul3A_479 = arith.mulf %get3A_476, %mul3A_478 : vector<16xf32>
      %swap3A_480 = arith.index_cast %add3A_472 : i32 to index
      %swap3A_481 = arith.constant 16 : index
      %swap3A_482 = tpu.vector_load %arg10[%swap3A_480, %swap3A_481] {strides = array<i32>} : memref<128x128xf32, #tpu.memory_space<vmem>>, vector<1x16xf32>,
      %swap3A_483 = vector.shape_cast %swap3A_482 : vector<1x16xf32> to vector<16xf32>
      %swap3A_484 = vector.shape_cast %mul3A_479 : vector<16xf32> to vector<1x16xf32>
      tpu.vector_store %arg10[%swap3A_480, %swap3A_481], %swap3A_484 {strides = array<i32>} : memref<128x128xf32, #tpu.memory_space<vmem>>, vector<1x16xf32>,
      %mul3A_485 = arith.constant 2 : i32
      %mul3A_486 = arith.muli %scan3A_326, %mul3A_485 : i32
      %add3A_487 = arith.constant 1 : i32
      %add3A_488 = arith.addi %mul3A_486, %add3A_487 : i32
      %get3A_489 = arith.index_cast %add3A_488 : i32 to index
      %get3A_490 = arith.constant 32 : index
      %get3A_491 = tpu.vector_load %arg10[%get3A_489, %get3A_490] {strides = array<i32>} : memref<128x128xf32, #tpu.memory_space<vmem>>, vector<1x16xf32>,
      %get3A_492 = vector.shape_cast %get3A_491 : vector<1x16xf32> to vector<16xf32>
      %mul3A_493 = arith.constant 11.3137083 : f32
      %mul3A_494 = vector.broadcast %mul3A_493 : f32 to vector<16xf32>
      %mul3A_495 = arith.mulf %get3A_492, %mul3A_494 : vector<16xf32>
      %swap3A_496 = arith.index_cast %add3A_488 : i32 to index
      %swap3A_497 = arith.constant 32 : index
      %swap3A_498 = tpu.vector_load %arg10[%swap3A_496, %swap3A_497] {strides = array<i32>} : memref<128x128xf32, #tpu.memory_space<vmem>>, vector<1x16xf32>,
      %swap3A_499 = vector.shape_cast %swap3A_498 : vector<1x16xf32> to vector<16xf32>
      %swap3A_500 = vector.shape_cast %mul3A_495 : vector<16xf32> to vector<1x16xf32>
      tpu.vector_store %arg10[%swap3A_496, %swap3A_497], %swap3A_500 {strides = array<i32>} : memref<128x128xf32, #tpu.memory_space<vmem>>, vector<1x16xf32>,
      %mul3A_501 = arith.constant 2 : i32
      %mul3A_502 = arith.muli %scan3A_326, %mul3A_501 : i32
      %add3A_503 = arith.constant 1 : i32
      %add3A_504 = arith.addi %mul3A_502, %add3A_503 : i32
      %get3A_505 = arith.index_cast %add3A_504 : i32 to index
      %get3A_506 = arith.constant 48 : index
      %get3A_507 = tpu.vector_load %arg10[%get3A_505, %get3A_506] {strides = array<i32>} : memref<128x128xf32, #tpu.memory_space<vmem>>, vector<1x16xf32>,
      %get3A_508 = vector.shape_cast %get3A_507 : vector<1x16xf32> to vector<16xf32>
      %mul3A_509 = arith.constant 11.3137083 : f32
      %mul3A_510 = vector.broadcast %mul3A_509 : f32 to vector<16xf32>
      %mul3A_511 = arith.mulf %get3A_508, %mul3A_510 : vector<16xf32>
      %swap3A_512 = arith.index_cast %add3A_504 : i32 to index
      %swap3A_513 = arith.constant 48 : index
      %swap3A_514 = tpu.vector_load %arg10[%swap3A_512, %swap3A_513] {strides = array<i32>} : memref<128x128xf32, #tpu.memory_space<vmem>>, vector<1x16xf32>,
      %swap3A_515 = vector.shape_cast %swap3A_514 : vector<1x16xf32> to vector<16xf32>
      %swap3A_516 = vector.shape_cast %mul3A_511 : vector<16xf32> to vector<1x16xf32>
      tpu.vector_store %arg10[%swap3A_512, %swap3A_513], %swap3A_516 {strides = array<i32>} : memref<128x128xf32, #tpu.memory_space<vmem>>, vector<1x16xf32>,
      %mul3A_517 = arith.constant 2 : i32
      %mul3A_518 = arith.muli %scan3A_326, %mul3A_517 : i32
      %add3A_519 = arith.constant 1 : i32
      %add3A_520 = arith.addi %mul3A_518, %add3A_519 : i32
      %get3A_521 = arith.index_cast %add3A_520 : i32 to index
      %get3A_522 = arith.constant 64 : index
      %get3A_523 = tpu.vector_load %arg10[%get3A_521, %get3A_522] {strides = array<i32>} : memref<128x128xf32, #tpu.memory_space<vmem>>, vector<1x16xf32>,
      %get3A_524 = vector.shape_cast %get3A_523 : vector<1x16xf32> to vector<16xf32>
      %mul3A_525 = arith.constant 11.3137083 : f32
      %mul3A_526 = vector.broadcast %mul3A_525 : f32 to vector<16xf32>
      %mul3A_527 = arith.mulf %get3A_524, %mul3A_526 : vector<16xf32>
      %swap3A_528 = arith.index_cast %add3A_520 : i32 to index
      %swap3A_529 = arith.constant 64 : index
      %swap3A_530 = tpu.vector_load %arg10[%swap3A_528, %swap3A_529] {strides = array<i32>} : memref<128x128xf32, #tpu.memory_space<vmem>>, vector<1x16xf32>,
      %swap3A_531 = vector.shape_cast %swap3A_530 : vector<1x16xf32> to vector<16xf32>
      %swap3A_532 = vector.shape_cast %mul3A_527 : vector<16xf32> to vector<1x16xf32>
      tpu.vector_store %arg10[%swap3A_528, %swap3A_529], %swap3A_532 {strides = array<i32>} : memref<128x128xf32, #tpu.memory_space<vmem>>, vector<1x16xf32>,
      %mul3A_533 = arith.constant 2 : i32
      %mul3A_534 = arith.muli %scan3A_326, %mul3A_533 : i32
      %add3A_535 = arith.constant 1 : i32
      %add3A_536 = arith.addi %mul3A_534, %add3A_535 : i32
      %get3A_537 = arith.index_cast %add3A_536 : i32 to index
      %get3A_538 = arith.constant 80 : index
      %get3A_539 = tpu.vector_load %arg10[%get3A_537, %get3A_538] {strides = array<i32>} : memref<128x128xf32, #tpu.memory_space<vmem>>, vector<1x16xf32>,
      %get3A_540 = vector.shape_cast %get3A_539 : vector<1x16xf32> to vector<16xf32>
      %mul3A_541 = arith.constant 11.3137083 : f32
      %mul3A_542 = vector.broadcast %mul3A_541 : f32 to vector<16xf32>
      %mul3A_543 = arith.mulf %get3A_540, %mul3A_542 : vector<16xf32>
      %swap3A_544 = arith.index_cast %add3A_536 : i32 to index
      %swap3A_545 = arith.constant 80 : index
      %swap3A_546 = tpu.vector_load %arg10[%swap3A_544, %swap3A_545] {strides = array<i32>} : memref<128x128xf32, #tpu.memory_space<vmem>>, vector<1x16xf32>,
      %swap3A_547 = vector.shape_cast %swap3A_546 : vector<1x16xf32> to vector<16xf32>
      %swap3A_548 = vector.shape_cast %mul3A_543 : vector<16xf32> to vector<1x16xf32>
      tpu.vector_store %arg10[%swap3A_544, %swap3A_545], %swap3A_548 {strides = array<i32>} : memref<128x128xf32, #tpu.memory_space<vmem>>, vector<1x16xf32>,
      %mul3A_549 = arith.constant 2 : i32
      %mul3A_550 = arith.muli %scan3A_326, %mul3A_549 : i32
      %add3A_551 = arith.constant 1 : i32
      %add3A_552 = arith.addi %mul3A_550, %add3A_551 : i32
      %get3A_553 = arith.index_cast %add3A_552 : i32 to index
      %get3A_554 = arith.constant 96 : index
      %get3A_555 = tpu.vector_load %arg10[%get3A_553, %get3A_554] {strides = array<i32>} : memref<128x128xf32, #tpu.memory_space<vmem>>, vector<1x16xf32>,
      %get3A_556 = vector.shape_cast %get3A_555 : vector<1x16xf32> to vector<16xf32>
      %mul3A_557 = arith.constant 11.3137083 : f32
      %mul3A_558 = vector.broadcast %mul3A_557 : f32 to vector<16xf32>
      %mul3A_559 = arith.mulf %get3A_556, %mul3A_558 : vector<16xf32>
      %swap3A_560 = arith.index_cast %add3A_552 : i32 to index
      %swap3A_561 = arith.constant 96 : index
      %swap3A_562 = tpu.vector_load %arg10[%swap3A_560, %swap3A_561] {strides = array<i32>} : memref<128x128xf32, #tpu.memory_space<vmem>>, vector<1x16xf32>,
      %swap3A_563 = vector.shape_cast %swap3A_562 : vector<1x16xf32> to vector<16xf32>
      %swap3A_564 = vector.shape_cast %mul3A_559 : vector<16xf32> to vector<1x16xf32>
      tpu.vector_store %arg10[%swap3A_560, %swap3A_561], %swap3A_564 {strides = array<i32>} : memref<128x128xf32, #tpu.memory_space<vmem>>, vector<1x16xf32>,
      %mul3A_565 = arith.constant 2 : i32
      %mul3A_566 = arith.muli %scan3A_326, %mul3A_565 : i32
      %add3A_567 = arith.constant 1 : i32
      %add3A_568 = arith.addi %mul3A_566, %add3A_567 : i32
      %get3A_569 = arith.index_cast %add3A_568 : i32 to index
      %get3A_570 = arith.constant 112 : index
      %get3A_571 = tpu.vector_load %arg10[%get3A_569, %get3A_570] {strides = array<i32>} : memref<128x128xf32, #tpu.memory_space<vmem>>, vector<1x16xf32>,
      %get3A_572 = vector.shape_cast %get3A_571 : vector<1x16xf32> to vector<16xf32>
      %mul3A_573 = arith.constant 11.3137083 : f32
      %mul3A_574 = vector.broadcast %mul3A_573 : f32 to vector<16xf32>
      %mul3A_575 = arith.mulf %get3A_572, %mul3A_574 : vector<16xf32>
      %swap3A_576 = arith.index_cast %add3A_568 : i32 to index
      %swap3A_577 = arith.constant 112 : index
      %swap3A_578 = tpu.vector_load %arg10[%swap3A_576, %swap3A_577] {strides = array<i32>} : memref<128x128xf32, #tpu.memory_space<vmem>>, vector<1x16xf32>,
      %swap3A_579 = vector.shape_cast %swap3A_578 : vector<1x16xf32> to vector<16xf32>
      %swap3A_580 = vector.shape_cast %mul3A_575 : vector<16xf32> to vector<1x16xf32>
      tpu.vector_store %arg10[%swap3A_576, %swap3A_577], %swap3A_580 {strides = array<i32>} : memref<128x128xf32, #tpu.memory_space<vmem>>, vector<1x16xf32>,
    }
    %scan3A_289 = arith.constant 64 : i32
    %add3A_290 = arith.constant 25472 : i32
    %add3A_291 = arith.addi %mul3A_2, %add3A_290 : i32
    %dma_start3A_292 = arith.constant 0 : i32
    %dma_start3A_293 = tpu.memref_slice %arg4[%add3A_291, %dma_start3A_292] : memref<819200x128xf32, #tpu.memory_space<hbm>> -> memref<128x128xf32, #tpu.memory_space<hbm>>
    %dma_start3A_294 = arith.constant 0 : i32
    %dma_start3A_295 = tpu.memref_slice %arg4[%add3A_291, %dma_start3A_294] : memref<819200x128xf32, #tpu.memory_space<hbm>> -> memref<128x128xf32, #tpu.memory_space<hbm>>
    tpu.enqueue_dma source(%arg10 : memref<128x128xf32, #tpu.memory_space<vmem>>) target(%dma_start3A_295 : memref<128x128xf32, #tpu.memory_space<hbm>>) target_semaphore(%arg20 : memref<!tpu.dma_semaphore, #tpu.memory_space<semaphore_mem>>)
    %add3A_296 = arith.constant 24960 : i32
    %add3A_297 = arith.addi %mul3A_2, %add3A_296 : i32
    %dma_wait3A_298 = arith.constant 0 : i32
    %dma_wait3A_299 = tpu.memref_slice %arg4[%add3A_297, %dma_wait3A_298] : memref<819200x128xf32, #tpu.memory_space<hbm>> -> memref<128x128xf32, #tpu.memory_space<hbm>>
    %dma_wait3A_300 = arith.constant 0 : i32
    %dma_wait3A_301 = tpu.memref_slice %arg4[%add3A_297, %dma_wait3A_300] : memref<819200x128xf32, #tpu.memory_space<hbm>> -> memref<128x128xf32, #tpu.memory_space<hbm>>
    tpu.wait_dma2 semaphore(%arg16 : memref<!tpu.dma_semaphore, #tpu.memory_space<semaphore_mem>>) src(%arg6 : memref<128x128xf32, #tpu.memory_space<vmem>>) dst(%dma_wait3A_301 : memref<128x128xf32, #tpu.memory_space<hbm>>)
    %add3A_302 = arith.constant 25088 : i32
    %add3A_303 = arith.addi %mul3A_2, %add3A_302 : i32
    %dma_wait3A_304 = arith.constant 0 : i32
    %dma_wait3A_305 = tpu.memref_slice %arg4[%add3A_303, %dma_wait3A_304] : memref<819200x128xf32, #tpu.memory_space<hbm>> -> memref<128x128xf32, #tpu.memory_space<hbm>>
    %dma_wait3A_306 = arith.constant 0 : i32
    %dma_wait3A_307 = tpu.memref_slice %arg4[%add3A_303, %dma_wait3A_306] : memref<819200x128xf32, #tpu.memory_space<hbm>> -> memref<128x128xf32, #tpu.memory_space<hbm>>
    tpu.wait_dma2 semaphore(%arg17 : memref<!tpu.dma_semaphore, #tpu.memory_space<semaphore_mem>>) src(%arg7 : memref<128x128xf32, #tpu.memory_space<vmem>>) dst(%dma_wait3A_307 : memref<128x128xf32, #tpu.memory_space<hbm>>)
    %add3A_308 = arith.constant 25216 : i32
    %add3A_309 = arith.addi %mul3A_2, %add3A_308 : i32
    %dma_wait3A_310 = arith.constant 0 : i32
    %dma_wait3A_311 = tpu.memref_slice %arg4[%add3A_309, %dma_wait3A_310] : memref<819200x128xf32, #tpu.memory_space<hbm>> -> memref<128x128xf32, #tpu.memory_space<hbm>>
    %dma_wait3A_312 = arith.constant 0 : i32
    %dma_wait3A_313 = tpu.memref_slice %arg4[%add3A_309, %dma_wait3A_312] : memref<819200x128xf32, #tpu.memory_space<hbm>> -> memref<128x128xf32, #tpu.memory_space<hbm>>
    tpu.wait_dma2 semaphore(%arg18 : memref<!tpu.dma_semaphore, #tpu.memory_space<semaphore_mem>>) src(%arg8 : memref<128x128xf32, #tpu.memory_space<vmem>>) dst(%dma_wait3A_313 : memref<128x128xf32, #tpu.memory_space<hbm>>)
    %add3A_314 = arith.constant 25344 : i32
    %add3A_315 = arith.addi %mul3A_2, %add3A_314 : i32
    %dma_wait3A_316 = arith.constant 0 : i32
    %dma_wait3A_317 = tpu.memref_slice %arg4[%add3A_315, %dma_wait3A_316] : memref<819200x128xf32, #tpu.memory_space<hbm>> -> memref<128x128xf32, #tpu.memory_space<hbm>>
    %dma_wait3A_318 = arith.constant 0 : i32
    %dma_wait3A_319 = tpu.memref_slice %arg4[%add3A_315, %dma_wait3A_318] : memref<819200x128xf32, #tpu.memory_space<hbm>> -> memref<128x128xf32, #tpu.memory_space<hbm>>
    tpu.wait_dma2 semaphore(%arg19 : memref<!tpu.dma_semaphore, #tpu.memory_space<semaphore_mem>>) src(%arg9 : memref<128x128xf32, #tpu.memory_space<vmem>>) dst(%dma_wait3A_319 : memref<128x128xf32, #tpu.memory_space<hbm>>)
    %add3A_320 = arith.constant 25472 : i32
    %add3A_321 = arith.addi %mul3A_2, %add3A_320 : i32
    %dma_wait3A_322 = arith.constant 0 : i32
    %dma_wait3A_323 = tpu.memref_slice %arg4[%add3A_321, %dma_wait3A_322] : memref<819200x128xf32, #tpu.memory_space<hbm>> -> memref<128x128xf32, #tpu.memory_space<hbm>>
    %dma_wait3A_324 = arith.constant 0 : i32
    %dma_wait3A_325 = tpu.memref_slice %arg4[%add3A_321, %dma_wait3A_324] : memref<819200x128xf32, #tpu.memory_space<hbm>> -> memref<128x128xf32, #tpu.memory_space<hbm>>
    tpu.wait_dma2 semaphore(%arg20 : memref<!tpu.dma_semaphore, #tpu.memory_space<semaphore_mem>>) src(%arg10 : memref<128x128xf32, #tpu.memory_space<vmem>>) dst(%dma_wait3A_325 : memref<128x128xf32, #tpu.memory_space<hbm>>)
    return
  }
}

</mosaic_0001>

<sc_bundles>
// kernel: kernel.3.cloned.1.call-start
scs
__scs_entry_jumppad:
0x0: {  	(pc) =	sbr.rel $0x88, $3  }
0x1: {  	(tag) =	ssettag $0x0;
	lr =	simm.s32 $0x1  }
0x2: {  	[smem:$0x3F9F] =	sst lr;
	_ =	strace $0xD0000000  }
0x3: {  	_ = 	snop  }
0x4: {  	_ = 	snop  }
0x5: {  	_ = 	snop  }
0x6: {  	_ = 	snop  }
0x7: {  	_ = 	snop  }
__scs_overlays_trampoline_lowered:
0x8: {  	[smem:$0x3FAE] =	sst s0  }
0x9: {  	[smem:$0x3FAF] =	sst s1  }
0xa: {  	[smem:$0x3FB0] =	sst s2  }
0xb: {  	[smem:$0x3FB1] =	sst s3  }
0xc: {  	[smem:$0x3FB2] =	sst s4  }
0xd: {  	[smem:$0x3FB3] =	sst s5  }
0xe: {  	[smem:$0x3FB4] =	sst s6  }
0xf: {  	[smem:$0x3FB5] =	sst s7  }
0x10: {  	[smem:$0x3FB6] =	sst s8  }
0x11: {  	[smem:$0x3FB7] =	sst s9;
	s0 =	simm.s32 @!p0 $0x0  }
0x12: {  	s1 =	sld [smem:$0x3F9D];
	s0 =	simm.s32 @p0 $0x1  }
0x13: {  	[smem:$0x3FB8] =	sst s0;
	s0 =	simm.s32 @!p1 $0x0  }
0x14: {  	s2 =	sld [smem:$0x3F9C];
	s0 =	simm.s32 @p1 $0x1  }
0x15: {  	[smem:$0x3FB9] =	sst s0;
	s0 =	simm.s32 @!p2 $0x0  }
0x16: {  	s3 =	sld [smem:$0x3FDB];
	s0 =	simm.s32 @p2 $0x1  }
0x17: {  	s4 =	simm.s32 $0x1BF5;
	[smem:$0x3FBB] =	sst s0  }
0x18: {  	s0 =	sld [smem:$0x3F9E];
	_ =	swait.ge [sflag:s4], $0x0  }
0x19: {  	s7 =	sld [smem:$0x3F9F]  }
0x1a: {  	s8 =	sadd.s32 $0xFFFFE003, lr  }
0x1b: {  	s9 =	sadd.s32 $0xFFFFFEF7, lr;
	s5 =	simm.s32 $0xFFFFFFFF;
	p2 =	slt.u32 s8, $0xFFFFF086  }
0x1c: {  	p1 =	slt.u32 s9, $0xF7A;
	s5 =	simm.s32 @!p2 $0x0  }
0x1d: {  	s5 =	simm.s32 @p1 $0x1;
	p0 =	seq.s32 s7, s2  }
0x1e: {  	s7 =	smul.u32 @!p0 $0xF7A, s2;
	p2 =	seq.s32 @!p0 s5, $0x0  }
0x1f: {  	s9 =	smul.u32 $0xF7A, s1;
	s8 =	simm.s32 @!p0 $0x1BF5;
	p2 =	por !p2, p0  }
0x20: {  	[sflag:s8] =	ssyncset.s32 @!p0 $0xFFFFF086;
	s6 =	sadd.s32 @!p0 s3, s7;
	s7 =	simm.s32 @!p0 $0x108  }
0x21: {  	s3 =	sadd.s32 s3, s9;
	s6 =	sadd.s32 @!p0 $0x88, s6;
	s7 =	simm.s32 @p2 $0x1082  }
0x22: {  	[simem:s7], [sflag:s8] =	dma.local @!p0 [hbm:s6], $0xF7A  }
0x23: {  	s9 =	sor.u32 $0xD0000000, s2;
	s6 =	simm.s32 $0x108;
	_ =	swait.ge @!p0 [sflag:s8], $0x0  }
0x24: {  	s3 =	sadd.s32 $0x88, s3;
	s6 =	simm.s32 @!p1 $0x1082;
	[sflag:s4] =	ssyncset.s32 $0xFFFFF086  }
0x25: {  	[simem:s6], [sflag:s4] =	dma.local [hbm:s3], $0xF7A  }
0x26: {  	[smem:$0x3F9F] =	sst s1;
	(tag) =	ssettag s2;
	_ =	strace s9  }
0x27: {  	s1 =	sld [smem:$0x3FAF]  }
0x28: {  	s2 =	sld [smem:$0x3FB0]  }
0x29: {  	s4 =	sld [smem:$0x3FB2]  }
0x2a: {  	p0 =	seq.s32 s5, $0x0;
	s5 =	sld [smem:$0x3FB3]  }
0x2b: {  	s6 =	sld [smem:$0x3FB4]  }
0x2c: {  	s7 =	sld [smem:$0x3FB5]  }
0x2d: {  	s3 =	simm.s32 $0x108;
	s8 =	sld [smem:$0x3FB6]  }
0x2e: {  	s3 =	simm.s32 @!p0 $0x1082;
	s9 =	sld [smem:$0x3FB7]  }
0x2f: {  	lr =	sadd.s32 s0, s3;
	s0 =	sld [smem:$0x3FAE]  }
0x30: {  	s3 =	sld [smem:$0x3FB1]  }
0x31: {  	[smem:$0x3FBA] =	sst s10  }
0x32: {  	s10 =	sld [smem:$0x3FB8];
	_ =	sdelay $0x3  }
0x33: {  	p0 =	seq.s32 s10, $0x1;
	s10 =	sld [smem:$0x3FBA];
	_ =	sdelay $0x3  }
0x34: {  	[smem:$0x3FBA] =	sst s10  }
0x35: {  	s10 =	sld [smem:$0x3FB9];
	_ =	sdelay $0x3  }
0x36: {  	p1 =	seq.s32 s10, $0x1;
	s10 =	sld [smem:$0x3FBA];
	_ =	sdelay $0x3  }
0x37: {  	[smem:$0x3FBA] =	sst s10  }
0x38: {  	s10 =	sld [smem:$0x3FBB]  }
0x39: {  	_ = 	snop;
	(pc) =	sbr.ind lr, $3  }
0x3a: {  	_ = 	snop  }
0x3b: {  	_ = 	snop  }
0x3c: {  	p2 =	seq.s32 s10, $0x1;
	s10 =	sld [smem:$0x3FBA]  }
0x3d: {  	_ =	shalt  }
0x3e: {  	_ =	shalt  }
0x3f: {  	_ =	shalt  }
0x40: {  	_ =	shalt  }
0x41: {  	_ =	shalt  }
0x42: {  	_ =	shalt  }
0x43: {  	_ =	shalt  }
0x44: {  	_ =	shalt  }
0x45: {  	_ =	shalt  }
0x46: {  	_ =	shalt  }
0x47: {  	_ =	shalt  }
0x48: {  	_ =	shalt  }
0x49: {  	_ =	shalt  }
0x4a: {  	_ =	shalt  }
0x4b: {  	_ =	shalt  }
0x4c: {  	_ =	shalt  }
0x4d: {  	_ =	shalt  }
0x4e: {  	_ =	shalt  }
0x4f: {  	_ =	shalt  }
0x50: {  	_ =	shalt  }
0x51: {  	_ =	shalt  }
0x52: {  	_ =	shalt  }
0x53: {  	_ =	shalt  }
0x54: {  	_ =	shalt  }
0x55: {  	_ =	shalt  }
0x56: {  	_ =	shalt  }
0x57: {  	_ =	shalt  }
0x58: {  	_ =	shalt  }
0x59: {  	_ =	shalt  }
0x5a: {  	_ =	shalt  }
0x5b: {  	_ =	shalt  }
0x5c: {  	_ =	shalt  }
0x5d: {  	_ =	shalt  }
0x5e: {  	_ =	shalt  }
0x5f: {  	_ =	shalt  }
0x60: {  	_ =	shalt  }
0x61: {  	_ =	shalt  }
0x62: {  	_ =	shalt  }
0x63: {  	_ =	shalt  }
0x64: {  	_ =	shalt  }
0x65: {  	_ =	shalt  }
0x66: {  	_ =	shalt  }
0x67: {  	_ =	shalt  }
0x68: {  	_ =	shalt  }
0x69: {  	_ =	shalt  }
0x6a: {  	_ =	shalt  }
0x6b: {  	_ =	shalt  }
0x6c: {  	_ =	shalt  }
0x6d: {  	_ =	shalt  }
0x6e: {  	_ =	shalt  }
0x6f: {  	_ =	shalt  }
0x70: {  	_ =	shalt  }
0x71: {  	_ =	shalt  }
0x72: {  	_ =	shalt  }
0x73: {  	_ =	shalt  }
0x74: {  	_ =	shalt  }
0x75: {  	_ =	shalt  }
0x76: {  	_ =	shalt  }
0x77: {  	_ =	shalt  }
0x78: {  	_ =	shalt  }
0x79: {  	_ =	shalt  }
0x7a: {  	_ =	shalt  }
0x7b: {  	_ =	shalt  }
0x7c: {  	_ =	shalt  }
0x7d: {  	_ =	shalt  }
0x7e: {  	_ =	shalt  }
0x7f: {  	_ =	shalt  }
0x80: {  	_ =	shalt  }
0x81: {  	_ =	shalt  }
0x82: {  	_ =	shalt  }
0x83: {  	_ =	shalt  }
0x84: {  	_ =	shalt  }
0x85: {  	_ =	shalt  }
0x86: {  	_ =	shalt  }
0x87: {  	_ =	shalt  }
.Lfunc_end0:
.L_simem_size_0:
called_computation_lowered:
.L_overlay_start_0:
0x88: {  	s2 =	sld [smem:$0x3FD9]  }
0x89: {  	s3 =	sld [smem:$0x3FFE];
	_ =	sdelay $0x1  }
0x8a: {  	s1 =	srdreg.scid  }
0x8b: {  	s0 =	sand.u32 $0x1, s1  }
0x8c: {  	s17 =	sshll.u32 s0, $0xA;
	s2 =	sadd.s32 s3, s2  }
0x8d: {  	s2 =	sadd.s32 s2, s17  }
0x8e: {  	[smem:$0x3FC6] =	sst s2  }
0x8f: {  	_ = 	snop  }
0x90: {  	s2 =	sld [smem:$0x3FC8]  }
0x91: {  	s18 =	sld [smem:$0x3FD0];
	(tm) =	ssettm $0x1  }
0x92: {  	s4 =	sld [smem:$0x3FFB];
	_ =	sdelay $0x3  }
0x93: {  	_ =	strace s4  }
0x94: {  	s4 =	sld [smem:$0x3FFC];
	_ =	sdelay $0x3  }
0x95: {  	_ =	strace s4  }
0x96: {  	s4 =	sld [smem:$0x3FFD];
	_ =	sdelay $0x3  }
0x97: {  	_ =	strace s4  }
0x98: {  	_ =	strace $0x8FFFFFFF  }
0x99: {  	s19 =	sld [smem:$0x3FDB];
	_ =	sdelay $0x1  }
0x9a: {  	s5 =	simm.s32 $_scs_section_size  }
0x9b: {  	s6 =	simm.s32 $_size__tile_overlayer_lowered;
	s7 =	simm.s32 $_tile_overlayer_lowered  }
0x9c: {  	s22 =	simm.s32 $0x1BFF;
	s21 =	sshll.u32 s7, $0x1;
	s4 =	sadd.s32 s5, s19  }
0x9d: {  	s8 =	simm.s32 $0x0;
	s20 =	sshll.u32 s6, $0x1;
	s6 =	sadd.s32 s21, s4  }
0x9e: {  	[timem:s8], [sflag:s22] =	dma.local [hbm:s6], s20  }
0x9f: {  	_ =	swait.ge [sflag:s22], s20  }
0xa0: {  	s5 =	ssub.s32 $0x0, s20;
	[sflag:s22] =	ssyncset.done $0x0  }
0xa1: {  	[sflag:s22] =	ssyncadd.s32 s5;
	_ =	sdelay $0x1  }
0xa2: {  	s23 =	simm.s32 $0x1B8B  }
0xa3: {  	_ =	swait.ge [sflag:s23], $0x1  }
0xa4: {  	[sflag:s23] =	ssyncset.done $0x0  }
0xa5: {  	s25 =	simm.s32 $0x1B8E;
	s24 =	sld [smem:$0x3FFE];
	[sflag:s23] =	ssyncadd.s32 $0xFFFFFFFF  }
0xa6: {  	s26 =	simm.s32 $execute0_lowered;
	[smem:$0x3FD2] =	sst s25  }
0xa7: {  	s6 =	sshll.u32 s26, $0x1;
	_ =	strace $0x80000046;
	[dreg:$0x1] =	wrdreg $0xFFFFFFFF  }
0xa8: {  	s28 =	simm.s32 $_size_execute0_lowered;
	s4 =	sadd.s32 s4, s6;
	[dreg:$0x0] =	wrdreg $0x0  }
0xa9: {  	s6 =	sshll.u32 s28, $0x1;
	[dreg:$0x2] =	wrdreg s4  }
0xaa: {  	[dreg:$0x3] =	wrdreg s6  }
0xab: {  	[dreg:$0x4] =	wrdreg $0xC0  }
0xac: {  	_ =	task [dreg:s8], $0x5FFFF  }
0xad: {  	[dreg:$0x1] =	wrdreg $0xFFFFFFFF  }
0xae: {  	[dreg:$0x0] =	wrdreg $0x60  }
0xaf: {  	[dreg:$0x2] =	wrdreg s24  }
0xb0: {  	[dreg:$0x3] =	wrdreg s2  }
0xb1: {  	[dreg:$0x4] =	wrdreg s18  }
0xb2: {  	[dreg:$0x5] =	wrdreg $0x9  }
0xb3: {  	_ =	task.clear_ibuf [dreg:s8], $0x6FFFF;
	_ =	strace $0x90000046  }
0xb4: {  	s29 =	simm.s32 $0x9;
	_ =	strace $0x80000048  }
0xb5: {  	_ =	swait.ge [sflag:s29], $0x1  }
0xb6: {  	[sflag:s29] =	ssyncadd.s32 $0xFFFFFFFF  }
0xb7: {  	_ =	strace $0x90000048  }
0xb8: {  	_ =	sfence  }
0xb9: {  	s30 =	sld [smem:$0x0];
	_ =	sdelay $0x2  }
0xba: {  	s31 =	sshll.u32 s1, $0xD;
	s1 =	sshrl.u32 s1, $0x2  }
0xbb: {  	s3 =	sand.u32 $0x4000, s31;
	s1 =	sadd.s32 s1, s30  }
0xbc: {  	s0 =	sor.u32 s3, s0;
	s1 =	sshll.u32 s1, $0x11  }
0xbd: {  	s0 =	sor.u32 s1, s0  }
0xbe: {  	s0 =	sadd.s32 $0x8F2B, s0  }
0xbf: {  	[sflag:s0] =	ssyncadd.remote.s32 $0x1  }
0xc0: {  	_ =	sfence.sel $0xFFFF  }
0xc1: {  	[dreg:$0x0] =	wrdreg $0xFFFFFFFF;
	(pc) =	sbr.abs _section_cstart, $3  }
0xc2: {  	[dreg:$0x1] =	wrdreg $0xFFFFFFFF  }
0xc3: {  	_ =	task.clear_ibuf [dreg:s8], $0x2FFFF;
	_ =	strace $0x9FFFFFFF  }
0xc4: {  	(tm) =	ssettm $0x7FFFFFFF  }
0xc5: {  	_ =	shalt  }
tec
execute0_lowered:
.L_overlay_start_1:
0x0: {  	(tag) =	ssettag $0x1  }
0x1: {  	s0 =	srdreg.scid;
	s2 =	stileid.u32  }
0x2: {  	s1 =	rddreg [dreg:$0x0];
	s5 =	simm.s32 $0x0;
	s29 =	simm.s32 $0x12400  }
0x3: {  	s30 =	simm.s32 $0x2;
	s31 =	simm.s32 $0x4;
	s28 =	simm.s32 $0x7  }
0x4: {  	s10 =	simm.s32 $0xA;
	s0 =	sand.u32 $0x1, s0;
	s3 =	sshll.u32 s2, $0x1  }
0x5: {  	s11 =	simm.s32 $0x0;
	s2 =	rddreg [dreg:$0x1];
	s7 =	sor.u32 s0, s3  }
0x6: {  	[smem:$0x7FF] =	sst s5;
	s0 =	ssub.s32 $0x2, s0;
	s4 =	smul.u32 $0x6400, s7  }
0x7: {  	s3 =	rddreg [dreg:$0x2];
	s8 =	smul.u32 $0x64000, s7;
	s9 =	sshrl.u32 s0, $0x1  }
0x8: {  	_ =	strace $0x80000047;
	s7 =	smul.u32 $0x320000, s7;
	s0 =	ssub.s32 s0, s9  }
0x9: {  	s9 =	simm.s32 $0x9;
	s6 =	sshrl.u32 s4, $0x3;
	s18 =	sadd.s32 s3, s8  }
0xa: {  	s22 =	sshrl.u32 s7, $0x3;
	s0 =	smax.u32 s0, $0x1;
	[dreg:$0x4] =	wrdreg s18  }
0xb: {  	s12 =	sor.u32 $0x80, s4;
	s19 =	sadd.s32 $0x800, s18;
	[dreg:$0xf] =	wrdreg s0  }
0xc: {  	s13 =	sor.u32 $0x100, s4;
	s20 =	sadd.s32 $0x1000, s18;
	[dreg:$0x6] =	wrdreg s19  }
0xd: {  	s1 =	sadd.s32 s6, s1;
	s21 =	sadd.s32 $0x1800, s18;
	[dreg:$0x7] =	wrdreg s20  }
0xe: {  	s7 =	simm.s32 $0x5;
	s1 =	sadd.s32 $0x400, s1;
	[dreg:$0x8] =	wrdreg s21  }
0xf: {  	s6 =	sadd.s32 $0x2000, s18;
	[dreg:$0x5] =	wrdreg s1;
	s1 =	sadd.s32 s3, s22  }
0x10: {  	s8 =	simm.s32 $0x8;
	[dreg:$0x9] =	wrdreg s6;
	s23 =	sadd.s32 $0x61800, s1  }
0x11: {  	s0 =	simm.s32 $0x3;
	s24 =	sadd.s32 $0x62000, s1;
	[dreg:$0xa] =	wrdreg s23  }
0x12: {  	s20 =	simm.s32 $0xB;
	s25 =	sadd.s32 $0x62800, s1;
	[dreg:$0xb] =	wrdreg s24  }
0x13: {  	s21 =	simm.s32 $0x80;
	s26 =	sadd.s32 $0x63000, s1;
	[dreg:$0xc] =	wrdreg s25  }
0x14: {  	s22 =	simm.s32 $0x6400;
	s1 =	sadd.s32 $0x63800, s1;
	[dreg:$0xd] =	wrdreg s26  }
0x15: {  	[dreg:$0xe] =	wrdreg s1;
	s23 =	simm.s32 $0xA400;
	s25 =	simm.s32 $0xE400  }
0x16: {  	s26 =	simm.s32 $0x1;
	s1 =	simm.s32 $0x16400;
	s24 =	simm.s32 $0x6  }
.LBB2_1:
0x17: {  	s6 =	rddreg [dreg:$0x5]  }
0x18: {  	[tilespmem:s5], [sflag:$0xB] =	stream.linear.gather [hbm4b:s6+s5], $0x6400, $0x38;
	[tilespmem:$0x1A400] =	vst v63  }
0x19: {  	_ =	swait.ge [sflag:s20], $0x6400  }
0x1a: {  	[sflag:s20] =	ssyncset.done $0x0  }
0x1b: {  	[sflag:s20] =	ssyncadd.s32 $0xFFFF9C00  }
0x1c: {  	[tilespmem:s22], [sflag:$0x1] =	stream.indirect.gather [hbm4b:s2+s21], $0x80, s5, s21, $0xb8;
	[tilespmem:$0x1A400] =	vst v63  }
0x1d: {  	_ = 	snop  }
0x1e: {  	[tilespmem:s23], [sflag:$0x2] =	stream.indirect.gather [hbm4b:s2+s21], $0x80, s21, s21, $0xb8;
	[tilespmem:$0x1A400] =	vst v63  }
0x1f: {  	s19 =	simm.s32 $0x100  }
0x20: {  	[tilespmem:s25], [sflag:$0x3] =	stream.indirect.gather [hbm4b:s2+s21], $0x80, s19, s21, $0xb8;
	[tilespmem:$0x1A400] =	vst v63  }
0x21: {  	_ =	swait.ge [sflag:s26], $0x4000  }
0x22: {  	[sflag:s26] =	ssyncset.done $0x0  }
0x23: {  	s14 =	simm.s32 $0x0;
	[sflag:s26] =	ssyncadd.s32 $0xFFFFC000  }
0x24: {  	v0 =	vld [tilespmem:s14+$0x6400]  }
0x25: {  	v1 =	vld [tilespmem:s14+$0x6410]  }
0x26: {  	v2 =	vld [tilespmem:s14+$0x6420]  }
0x27: {  	v3 =	vld [tilespmem:s14+$0x6430]  }
0x28: {  	v4 =	vld [tilespmem:s14+$0x6440]  }
0x29: {  	v5 =	vld [tilespmem:s14+$0x6450];
	v0 =	vmul.f32 $1.131370830e+01, v0  }
0x2a: {  	v6 =	vld [tilespmem:s14+$0x6460];
	v1 =	vmul.f32 $1.131370830e+01, v1  }
0x2b: {  	v7 =	vld [tilespmem:s14+$0x6470];
	[tilespmem:s14+$0x6400] =	vst v0;
	v0 =	vmul.f32 $1.131370830e+01, v2  }
0x2c: {  	v8 =	vld [tilespmem:s14+$0x6480];
	[tilespmem:s14+$0x6410] =	vst v1;
	v1 =	vmul.f32 $1.131370830e+01, v3  }
0x2d: {  	v9 =	vld [tilespmem:s14+$0x6490];
	[tilespmem:s14+$0x6420] =	vst v0;
	v0 =	vmul.f32 $1.131370830e+01, v4  }
0x2e: {  	v2 =	vmul.f32 $1.131370830e+01, v5;
	[tilespmem:s14+$0x6430] =	vst v1;
	v1 =	vld [tilespmem:s14+$0x64A0]  }
0x2f: {  	v3 =	vmul.f32 $1.131370830e+01, v6;
	[tilespmem:s14+$0x6440] =	vst v0;
	v0 =	vld [tilespmem:s14+$0x64B0]  }
0x30: {  	[tilespmem:s14+$0x6450] =	vst v2;
	v2 =	vld [tilespmem:s14+$0x64C0];
	v4 =	vmul.f32 $1.131370830e+01, v7  }
0x31: {  	v6 =	vmul.f32 $1.131370830e+01, v8;
	[tilespmem:s14+$0x6460] =	vst v3;
	v3 =	vld [tilespmem:s14+$0x64D0]  }
0x32: {  	s15 =	simm.s32 $0x400;
	v5 =	vmul.f32 $1.131370830e+01, v9;
	[tilespmem:s14+$0x6470] =	vst v4;
	v4 =	vld [tilespmem:s14+$0x64E0]  }
.LBB2_2:
0x33: {  	s16 =	sshra.s32 s15, $0x2;
	p0 =	sne.s32 s15, $0xFC00;
	[tilespmem:s14+$0x6480] =	vst v6;
	v1 =	vmul.f32 $1.131370830e+01, v1;
	v6 =	vld [tilespmem:s14+$0x64F0]  }
0x34: {  	v7 =	vld [tilespmem:s16+$0x6400];
	[tilespmem:s14+$0x6490] =	vst v5;
	v0 =	vmul.f32 $1.131370830e+01, v0  }
0x35: {  	v5 =	vld [tilespmem:s16+$0x6410];
	[tilespmem:s14+$0x64A0] =	vst v1;
	v1 =	vmul.f32 $1.131370830e+01, v2  }
0x36: {  	v2 =	vld [tilespmem:s16+$0x6420];
	[tilespmem:s14+$0x64B0] =	vst v0;
	v0 =	vmul.f32 $1.131370830e+01, v3  }
0x37: {  	v3 =	vld [tilespmem:s16+$0x6430];
	[tilespmem:s14+$0x64C0] =	vst v1;
	v1 =	vmul.f32 $1.131370830e+01, v4  }
0x38: {  	v4 =	vld [tilespmem:s16+$0x6440];
	[tilespmem:s14+$0x64D0] =	vst v0;
	v0 =	vmul.f32 $1.131370830e+01, v6  }
0x39: {  	v6 =	vmul.f32 $1.131370830e+01, v7;
	v7 =	vld [tilespmem:s16+$0x6450];
	[tilespmem:s14+$0x64E0] =	vst v1  }
0x3a: {  	v1 =	vmul.f32 $1.131370830e+01, v5;
	v5 =	vld [tilespmem:s16+$0x6460];
	[tilespmem:s14+$0x64F0] =	vst v0;
	s14 =	smov.u32 s16  }
0x3b: {  	[tilespmem:s14+$0x6400] =	vst v6;
	v0 =	vmul.f32 $1.131370830e+01, v2;
	v2 =	vld [tilespmem:s14+$0x6470]  }
0x3c: {  	[tilespmem:s14+$0x6410] =	vst v1;
	v1 =	vmul.f32 $1.131370830e+01, v3;
	v3 =	vld [tilespmem:s14+$0x6480]  }
0x3d: {  	[tilespmem:s14+$0x6420] =	vst v0;
	v0 =	vmul.f32 $1.131370830e+01, v4;
	v4 =	vld [tilespmem:s14+$0x6490]  }
.Ltmp0:
0x3e: {  	[tilespmem:s14+$0x6430] =	vst v1;
	v6 =	vmul.f32 $1.131370830e+01, v7;
	v1 =	vld [tilespmem:s14+$0x64A0];
	(pc) =	sbr.rel @p0 .LBB2_2-.Ltmp0, $4  }
0x3f: {  	[tilespmem:s14+$0x6440] =	vst v0;
	v5 =	vmul.f32 $1.131370830e+01, v5;
	v0 =	vld [tilespmem:s14+$0x64B0]  }
0x40: {  	[tilespmem:s14+$0x6450] =	vst v6;
	v7 =	vmul.f32 $1.131370830e+01, v2;
	v2 =	vld [tilespmem:s14+$0x64C0]  }
0x41: {  	[tilespmem:s14+$0x6460] =	vst v5;
	v6 =	vmul.f32 $1.131370830e+01, v3;
	v3 =	vld [tilespmem:s14+$0x64D0]  }
0x42: {  	s15 =	sadd.s32 $0x400, s15;
	[tilespmem:s14+$0x6470] =	vst v7;
	v5 =	vmul.f32 $1.131370830e+01, v4;
	v4 =	vld [tilespmem:s14+$0x64E0]  }
0x43: {  	[tilespmem:s14+$0x6480] =	vst v6;
	v1 =	vmul.f32 $1.131370830e+01, v1;
	v6 =	vld [tilespmem:s14+$0x64F0]  }
0x44: {  	[tilespmem:s14+$0x6490] =	vst v5;
	v0 =	vmul.f32 $1.131370830e+01, v0  }
0x45: {  	[tilespmem:s14+$0x64A0] =	vst v1;
	v1 =	vmul.f32 $1.131370830e+01, v2  }
0x46: {  	[tilespmem:s14+$0x64B0] =	vst v0;
	v0 =	vmul.f32 $1.131370830e+01, v3  }
0x47: {  	[tilespmem:s14+$0x64C0] =	vst v1;
	v1 =	vmul.f32 $1.131370830e+01, v4  }
0x48: {  	[tilespmem:s14+$0x64D0] =	vst v0;
	v0 =	vmul.f32 $1.131370830e+01, v6  }
0x49: {  	[tilespmem:s14+$0x64E0] =	vst v1  }
0x4a: {  	s18 =	simm.s32 $0x0;
	s6 =	rddreg [dreg:$0x4];
	[tilespmem:s14+$0x64F0] =	vst v0  }
0x4b: {  	[hbm4b:s6+s18] =	stream.linear.scatter [tilespmem:s22], [sflag:$0x6], $0x4000, $0x38;
	[tilespmem:$0x1A400] =	vst v63  }
0x4c: {  	s19 =	simm.s32 $0x180  }
0x4d: {  	[tilespmem:s29], [sflag:$0x4] =	stream.indirect.gather [hbm4b:s2+s21], $0x80, s19, s21, $0xb8;
	[tilespmem:$0x1A400] =	vst v63  }
0x4e: {  	_ =	swait.ge [sflag:s30], $0x4000  }
0x4f: {  	[sflag:s30] =	ssyncset.done $0x0  }
0x50: {  	s14 =	simm.s32 $0x0;
	[sflag:s30] =	ssyncadd.s32 $0xFFFFC000  }
0x51: {  	v0 =	vld [tilespmem:s14+$0xA400]  }
0x52: {  	v1 =	vld [tilespmem:s14+$0xA410]  }
0x53: {  	v2 =	vld [tilespmem:s14+$0xA420]  }
0x54: {  	v3 =	vld [tilespmem:s14+$0xA430]  }
0x55: {  	v4 =	vld [tilespmem:s14+$0xA440]  }
0x56: {  	v5 =	vld [tilespmem:s14+$0xA450];
	v0 =	vmul.f32 $1.131370830e+01, v0  }
0x57: {  	v6 =	vld [tilespmem:s14+$0xA460];
	v1 =	vmul.f32 $1.131370830e+01, v1  }
0x58: {  	v7 =	vld [tilespmem:s14+$0xA470];
	[tilespmem:s14+$0xA400] =	vst v0;
	v0 =	vmul.f32 $1.131370830e+01, v2  }
0x59: {  	v8 =	vld [tilespmem:s14+$0xA480];
	[tilespmem:s14+$0xA410] =	vst v1;
	v1 =	vmul.f32 $1.131370830e+01, v3  }
0x5a: {  	v9 =	vld [tilespmem:s14+$0xA490];
	[tilespmem:s14+$0xA420] =	vst v0;
	v0 =	vmul.f32 $1.131370830e+01, v4  }
0x5b: {  	v2 =	vmul.f32 $1.131370830e+01, v5;
	[tilespmem:s14+$0xA430] =	vst v1;
	v1 =	vld [tilespmem:s14+$0xA4A0]  }
0x5c: {  	v3 =	vmul.f32 $1.131370830e+01, v6;
	[tilespmem:s14+$0xA440] =	vst v0;
	v0 =	vld [tilespmem:s14+$0xA4B0]  }
0x5d: {  	[tilespmem:s14+$0xA450] =	vst v2;
	v2 =	vld [tilespmem:s14+$0xA4C0];
	v4 =	vmul.f32 $1.131370830e+01, v7  }
0x5e: {  	v6 =	vmul.f32 $1.131370830e+01, v8;
	[tilespmem:s14+$0xA460] =	vst v3;
	v3 =	vld [tilespmem:s14+$0xA4D0]  }
0x5f: {  	s15 =	simm.s32 $0x400;
	v5 =	vmul.f32 $1.131370830e+01, v9;
	[tilespmem:s14+$0xA470] =	vst v4;
	v4 =	vld [tilespmem:s14+$0xA4E0]  }
.LBB2_4:
0x60: {  	s16 =	sshra.s32 s15, $0x2;
	p0 =	sne.s32 s15, $0xFC00;
	[tilespmem:s14+$0xA480] =	vst v6;
	v1 =	vmul.f32 $1.131370830e+01, v1;
	v6 =	vld [tilespmem:s14+$0xA4F0]  }
0x61: {  	v7 =	vld [tilespmem:s16+$0xA400];
	[tilespmem:s14+$0xA490] =	vst v5;
	v0 =	vmul.f32 $1.131370830e+01, v0  }
0x62: {  	v5 =	vld [tilespmem:s16+$0xA410];
	[tilespmem:s14+$0xA4A0] =	vst v1;
	v1 =	vmul.f32 $1.131370830e+01, v2  }
0x63: {  	v2 =	vld [tilespmem:s16+$0xA420];
	[tilespmem:s14+$0xA4B0] =	vst v0;
	v0 =	vmul.f32 $1.131370830e+01, v3  }
0x64: {  	v3 =	vld [tilespmem:s16+$0xA430];
	[tilespmem:s14+$0xA4C0] =	vst v1;
	v1 =	vmul.f32 $1.131370830e+01, v4  }
0x65: {  	v4 =	vld [tilespmem:s16+$0xA440];
	[tilespmem:s14+$0xA4D0] =	vst v0;
	v0 =	vmul.f32 $1.131370830e+01, v6  }
0x66: {  	v6 =	vmul.f32 $1.131370830e+01, v7;
	v7 =	vld [tilespmem:s16+$0xA450];
	[tilespmem:s14+$0xA4E0] =	vst v1  }
0x67: {  	v1 =	vmul.f32 $1.131370830e+01, v5;
	v5 =	vld [tilespmem:s16+$0xA460];
	[tilespmem:s14+$0xA4F0] =	vst v0;
	s14 =	smov.u32 s16  }
0x68: {  	[tilespmem:s14+$0xA400] =	vst v6;
	v0 =	vmul.f32 $1.131370830e+01, v2;
	v2 =	vld [tilespmem:s14+$0xA470]  }
0x69: {  	[tilespmem:s14+$0xA410] =	vst v1;
	v1 =	vmul.f32 $1.131370830e+01, v3;
	v3 =	vld [tilespmem:s14+$0xA480]  }
0x6a: {  	[tilespmem:s14+$0xA420] =	vst v0;
	v0 =	vmul.f32 $1.131370830e+01, v4;
	v4 =	vld [tilespmem:s14+$0xA490]  }
.Ltmp1:
0x6b: {  	[tilespmem:s14+$0xA430] =	vst v1;
	v6 =	vmul.f32 $1.131370830e+01, v7;
	v1 =	vld [tilespmem:s14+$0xA4A0];
	(pc) =	sbr.rel @p0 .LBB2_4-.Ltmp1, $4  }
0x6c: {  	[tilespmem:s14+$0xA440] =	vst v0;
	v5 =	vmul.f32 $1.131370830e+01, v5;
	v0 =	vld [tilespmem:s14+$0xA4B0]  }
0x6d: {  	[tilespmem:s14+$0xA450] =	vst v6;
	v7 =	vmul.f32 $1.131370830e+01, v2;
	v2 =	vld [tilespmem:s14+$0xA4C0]  }
0x6e: {  	[tilespmem:s14+$0xA460] =	vst v5;
	v6 =	vmul.f32 $1.131370830e+01, v3;
	v3 =	vld [tilespmem:s14+$0xA4D0]  }
0x6f: {  	s15 =	sadd.s32 $0x400, s15;
	[tilespmem:s14+$0xA470] =	vst v7;
	v5 =	vmul.f32 $1.131370830e+01, v4;
	v4 =	vld [tilespmem:s14+$0xA4E0]  }
0x70: {  	[tilespmem:s14+$0xA480] =	vst v6;
	v1 =	vmul.f32 $1.131370830e+01, v1;
	v6 =	vld [tilespmem:s14+$0xA4F0]  }
0x71: {  	[tilespmem:s14+$0xA490] =	vst v5;
	v0 =	vmul.f32 $1.131370830e+01, v0  }
0x72: {  	[tilespmem:s14+$0xA4A0] =	vst v1;
	v1 =	vmul.f32 $1.131370830e+01, v2  }
0x73: {  	[tilespmem:s14+$0xA4B0] =	vst v0;
	v0 =	vmul.f32 $1.131370830e+01, v3  }
0x74: {  	[tilespmem:s14+$0xA4C0] =	vst v1;
	v1 =	vmul.f32 $1.131370830e+01, v4  }
0x75: {  	[tilespmem:s14+$0xA4D0] =	vst v0;
	v0 =	vmul.f32 $1.131370830e+01, v6  }
0x76: {  	[tilespmem:s14+$0xA4E0] =	vst v1  }
0x77: {  	s18 =	simm.s32 $0x0;
	s6 =	rddreg [dreg:$0x6];
	[tilespmem:s14+$0xA4F0] =	vst v0  }
0x78: {  	[hbm4b:s6+s18] =	stream.linear.scatter [tilespmem:s23], [sflag:$0x7], $0x4000, $0x38;
	[tilespmem:$0x1A400] =	vst v63  }
0x79: {  	s19 =	simm.s32 $0x200  }
0x7a: {  	[tilespmem:s1], [sflag:$0x5] =	stream.indirect.gather [hbm4b:s2+s21], $0x80, s19, s21, $0xb8;
	[tilespmem:$0x1A400] =	vst v63  }
0x7b: {  	_ =	swait.ge [sflag:s0], $0x4000  }
0x7c: {  	[sflag:s0] =	ssyncset.done $0x0  }
0x7d: {  	s14 =	simm.s32 $0x0;
	[sflag:s0] =	ssyncadd.s32 $0xFFFFC000  }
0x7e: {  	v0 =	vld [tilespmem:s14+$0xE400]  }
0x7f: {  	v1 =	vld [tilespmem:s14+$0xE410]  }
0x80: {  	v2 =	vld [tilespmem:s14+$0xE420]  }
0x81: {  	v3 =	vld [tilespmem:s14+$0xE430]  }
0x82: {  	v4 =	vld [tilespmem:s14+$0xE440]  }
0x83: {  	v5 =	vld [tilespmem:s14+$0xE450];
	v0 =	vmul.f32 $1.131370830e+01, v0  }
0x84: {  	v6 =	vld [tilespmem:s14+$0xE460];
	v1 =	vmul.f32 $1.131370830e+01, v1  }
0x85: {  	v7 =	vld [tilespmem:s14+$0xE470];
	[tilespmem:s14+$0xE400] =	vst v0;
	v0 =	vmul.f32 $1.131370830e+01, v2  }
0x86: {  	v8 =	vld [tilespmem:s14+$0xE480];
	[tilespmem:s14+$0xE410] =	vst v1;
	v1 =	vmul.f32 $1.131370830e+01, v3  }
0x87: {  	v9 =	vld [tilespmem:s14+$0xE490];
	[tilespmem:s14+$0xE420] =	vst v0;
	v0 =	vmul.f32 $1.131370830e+01, v4  }
0x88: {  	v2 =	vmul.f32 $1.131370830e+01, v5;
	[tilespmem:s14+$0xE430] =	vst v1;
	v1 =	vld [tilespmem:s14+$0xE4A0]  }
0x89: {  	v3 =	vmul.f32 $1.131370830e+01, v6;
	[tilespmem:s14+$0xE440] =	vst v0;
	v0 =	vld [tilespmem:s14+$0xE4B0]  }
0x8a: {  	[tilespmem:s14+$0xE450] =	vst v2;
	v2 =	vld [tilespmem:s14+$0xE4C0];
	v4 =	vmul.f32 $1.131370830e+01, v7  }
0x8b: {  	v6 =	vmul.f32 $1.131370830e+01, v8;
	[tilespmem:s14+$0xE460] =	vst v3;
	v3 =	vld [tilespmem:s14+$0xE4D0]  }
0x8c: {  	s15 =	simm.s32 $0x400;
	v5 =	vmul.f32 $1.131370830e+01, v9;
	[tilespmem:s14+$0xE470] =	vst v4;
	v4 =	vld [tilespmem:s14+$0xE4E0]  }
.LBB2_6:
0x8d: {  	s16 =	sshra.s32 s15, $0x2;
	p0 =	sne.s32 s15, $0xFC00;
	[tilespmem:s14+$0xE480] =	vst v6;
	v1 =	vmul.f32 $1.131370830e+01, v1;
	v6 =	vld [tilespmem:s14+$0xE4F0]  }
0x8e: {  	v7 =	vld [tilespmem:s16+$0xE400];
	[tilespmem:s14+$0xE490] =	vst v5;
	v0 =	vmul.f32 $1.131370830e+01, v0  }
0x8f: {  	v5 =	vld [tilespmem:s16+$0xE410];
	[tilespmem:s14+$0xE4A0] =	vst v1;
	v1 =	vmul.f32 $1.131370830e+01, v2  }
0x90: {  	v2 =	vld [tilespmem:s16+$0xE420];
	[tilespmem:s14+$0xE4B0] =	vst v0;
	v0 =	vmul.f32 $1.131370830e+01, v3  }
0x91: {  	v3 =	vld [tilespmem:s16+$0xE430];
	[tilespmem:s14+$0xE4C0] =	vst v1;
	v1 =	vmul.f32 $1.131370830e+01, v4  }
0x92: {  	v4 =	vld [tilespmem:s16+$0xE440];
	[tilespmem:s14+$0xE4D0] =	vst v0;
	v0 =	vmul.f32 $1.131370830e+01, v6  }
0x93: {  	v6 =	vmul.f32 $1.131370830e+01, v7;
	v7 =	vld [tilespmem:s16+$0xE450];
	[tilespmem:s14+$0xE4E0] =	vst v1  }
0x94: {  	v1 =	vmul.f32 $1.131370830e+01, v5;
	v5 =	vld [tilespmem:s16+$0xE460];
	[tilespmem:s14+$0xE4F0] =	vst v0;
	s14 =	smov.u32 s16  }
0x95: {  	[tilespmem:s14+$0xE400] =	vst v6;
	v0 =	vmul.f32 $1.131370830e+01, v2;
	v2 =	vld [tilespmem:s14+$0xE470]  }
0x96: {  	[tilespmem:s14+$0xE410] =	vst v1;
	v1 =	vmul.f32 $1.131370830e+01, v3;
	v3 =	vld [tilespmem:s14+$0xE480]  }
0x97: {  	[tilespmem:s14+$0xE420] =	vst v0;
	v0 =	vmul.f32 $1.131370830e+01, v4;
	v4 =	vld [tilespmem:s14+$0xE490]  }
.Ltmp2:
0x98: {  	[tilespmem:s14+$0xE430] =	vst v1;
	v6 =	vmul.f32 $1.131370830e+01, v7;
	v1 =	vld [tilespmem:s14+$0xE4A0];
	(pc) =	sbr.rel @p0 .LBB2_6-.Ltmp2, $4  }
0x99: {  	[tilespmem:s14+$0xE440] =	vst v0;
	v5 =	vmul.f32 $1.131370830e+01, v5;
	v0 =	vld [tilespmem:s14+$0xE4B0]  }
0x9a: {  	[tilespmem:s14+$0xE450] =	vst v6;
	v7 =	vmul.f32 $1.131370830e+01, v2;
	v2 =	vld [tilespmem:s14+$0xE4C0]  }
0x9b: {  	[tilespmem:s14+$0xE460] =	vst v5;
	v6 =	vmul.f32 $1.131370830e+01, v3;
	v3 =	vld [tilespmem:s14+$0xE4D0]  }
0x9c: {  	s15 =	sadd.s32 $0x400, s15;
	[tilespmem:s14+$0xE470] =	vst v7;
	v5 =	vmul.f32 $1.131370830e+01, v4;
	v4 =	vld [tilespmem:s14+$0xE4E0]  }
0x9d: {  	[tilespmem:s14+$0xE480] =	vst v6;
	v1 =	vmul.f32 $1.131370830e+01, v1;
	v6 =	vld [tilespmem:s14+$0xE4F0]  }
0x9e: {  	[tilespmem:s14+$0xE490] =	vst v5;
	v0 =	vmul.f32 $1.131370830e+01, v0  }
0x9f: {  	[tilespmem:s14+$0xE4A0] =	vst v1;
	v1 =	vmul.f32 $1.131370830e+01, v2  }
0xa0: {  	[tilespmem:s14+$0xE4B0] =	vst v0;
	v0 =	vmul.f32 $1.131370830e+01, v3  }
0xa1: {  	[tilespmem:s14+$0xE4C0] =	vst v1;
	v1 =	vmul.f32 $1.131370830e+01, v4  }
0xa2: {  	[tilespmem:s14+$0xE4D0] =	vst v0;
	v0 =	vmul.f32 $1.131370830e+01, v6  }
0xa3: {  	[tilespmem:s14+$0xE4E0] =	vst v1  }
0xa4: {  	s18 =	simm.s32 $0x0;
	s6 =	rddreg [dreg:$0x7];
	[tilespmem:s14+$0xE4F0] =	vst v0  }
0xa5: {  	[hbm4b:s6+s18] =	stream.linear.scatter [tilespmem:s25], [sflag:$0x8], $0x4000, $0x38;
	[tilespmem:$0x1A400] =	vst v63  }
0xa6: {  	_ =	swait.ge [sflag:s24], $0x4000  }
0xa7: {  	[sflag:s24] =	ssyncset.done $0x0  }
0xa8: {  	s19 =	simm.s32 $0x280;
	[sflag:s24] =	ssyncadd.s32 $0xFFFFC000  }
0xa9: {  	[tilespmem:s22], [sflag:$0x1] =	stream.indirect.gather [hbm4b:s2+s21], $0x80, s19, s21, $0xb8;
	[tilespmem:$0x1A400] =	vst v63  }
0xaa: {  	_ =	swait.ge [sflag:s31], $0x4000  }
0xab: {  	[sflag:s31] =	ssyncset.done $0x0  }
0xac: {  	s14 =	simm.s32 $0x0;
	[sflag:s31] =	ssyncadd.s32 $0xFFFFC000  }
0xad: {  	v0 =	vld [tilespmem:s14+$0x12400]  }
0xae: {  	v1 =	vld [tilespmem:s14+$0x12410]  }
0xaf: {  	v2 =	vld [tilespmem:s14+$0x12420]  }
0xb0: {  	v3 =	vld [tilespmem:s14+$0x12430]  }
0xb1: {  	v4 =	vld [tilespmem:s14+$0x12440]  }
0xb2: {  	v5 =	vld [tilespmem:s14+$0x12450];
	v0 =	vmul.f32 $1.131370830e+01, v0  }
0xb3: {  	v6 =	vld [tilespmem:s14+$0x12460];
	v1 =	vmul.f32 $1.131370830e+01, v1  }
0xb4: {  	v7 =	vld [tilespmem:s14+$0x12470];
	[tilespmem:s14+$0x12400] =	vst v0;
	v0 =	vmul.f32 $1.131370830e+01, v2  }
0xb5: {  	v8 =	vld [tilespmem:s14+$0x12480];
	[tilespmem:s14+$0x12410] =	vst v1;
	v1 =	vmul.f32 $1.131370830e+01, v3  }
0xb6: {  	v9 =	vld [tilespmem:s14+$0x12490];
	[tilespmem:s14+$0x12420] =	vst v0;
	v0 =	vmul.f32 $1.131370830e+01, v4  }
0xb7: {  	v2 =	vmul.f32 $1.131370830e+01, v5;
	[tilespmem:s14+$0x12430] =	vst v1;
	v1 =	vld [tilespmem:s14+$0x124A0]  }
0xb8: {  	v3 =	vmul.f32 $1.131370830e+01, v6;
	[tilespmem:s14+$0x12440] =	vst v0;
	v0 =	vld [tilespmem:s14+$0x124B0]  }
0xb9: {  	[tilespmem:s14+$0x12450] =	vst v2;
	v2 =	vld [tilespmem:s14+$0x124C0];
	v4 =	vmul.f32 $1.131370830e+01, v7  }
0xba: {  	v6 =	vmul.f32 $1.131370830e+01, v8;
	[tilespmem:s14+$0x12460] =	vst v3;
	v3 =	vld [tilespmem:s14+$0x124D0]  }
0xbb: {  	s15 =	simm.s32 $0x400;
	v5 =	vmul.f32 $1.131370830e+01, v9;
	[tilespmem:s14+$0x12470] =	vst v4;
	v4 =	vld [tilespmem:s14+$0x124E0]  }
.LBB2_8:
0xbc: {  	s16 =	sshra.s32 s15, $0x2;
	p0 =	sne.s32 s15, $0xFC00;
	[tilespmem:s14+$0x12480] =	vst v6;
	v1 =	vmul.f32 $1.131370830e+01, v1;
	v6 =	vld [tilespmem:s14+$0x124F0]  }
0xbd: {  	v7 =	vld [tilespmem:s16+$0x12400];
	[tilespmem:s14+$0x12490] =	vst v5;
	v0 =	vmul.f32 $1.131370830e+01, v0  }
0xbe: {  	v5 =	vld [tilespmem:s16+$0x12410];
	[tilespmem:s14+$0x124A0] =	vst v1;
	v1 =	vmul.f32 $1.131370830e+01, v2  }
0xbf: {  	v2 =	vld [tilespmem:s16+$0x12420];
	[tilespmem:s14+$0x124B0] =	vst v0;
	v0 =	vmul.f32 $1.131370830e+01, v3  }
0xc0: {  	v3 =	vld [tilespmem:s16+$0x12430];
	[tilespmem:s14+$0x124C0] =	vst v1;
	v1 =	vmul.f32 $1.131370830e+01, v4  }
0xc1: {  	v4 =	vld [tilespmem:s16+$0x12440];
	[tilespmem:s14+$0x124D0] =	vst v0;
	v0 =	vmul.f32 $1.131370830e+01, v6  }
0xc2: {  	v6 =	vmul.f32 $1.131370830e+01, v7;
	v7 =	vld [tilespmem:s16+$0x12450];
	[tilespmem:s14+$0x124E0] =	vst v1  }
0xc3: {  	v1 =	vmul.f32 $1.131370830e+01, v5;
	v5 =	vld [tilespmem:s16+$0x12460];
	[tilespmem:s14+$0x124F0] =	vst v0;
	s14 =	smov.u32 s16  }
0xc4: {  	[tilespmem:s14+$0x12400] =	vst v6;
	v0 =	vmul.f32 $1.131370830e+01, v2;
	v2 =	vld [tilespmem:s14+$0x12470]  }
0xc5: {  	[tilespmem:s14+$0x12410] =	vst v1;
	v1 =	vmul.f32 $1.131370830e+01, v3;
	v3 =	vld [tilespmem:s14+$0x12480]  }
0xc6: {  	[tilespmem:s14+$0x12420] =	vst v0;
	v0 =	vmul.f32 $1.131370830e+01, v4;
	v4 =	vld [tilespmem:s14+$0x12490]  }
.Ltmp3:
0xc7: {  	[tilespmem:s14+$0x12430] =	vst v1;
	v6 =	vmul.f32 $1.131370830e+01, v7;
	v1 =	vld [tilespmem:s14+$0x124A0];
	(pc) =	sbr.rel @p0 .LBB2_8-.Ltmp3, $4  }
0xc8: {  	[tilespmem:s14+$0x12440] =	vst v0;
	v5 =	vmul.f32 $1.131370830e+01, v5;
	v0 =	vld [tilespmem:s14+$0x124B0]  }
0xc9: {  	[tilespmem:s14+$0x12450] =	vst v6;
	v7 =	vmul.f32 $1.131370830e+01, v2;
	v2 =	vld [tilespmem:s14+$0x124C0]  }
0xca: {  	[tilespmem:s14+$0x12460] =	vst v5;
	v6 =	vmul.f32 $1.131370830e+01, v3;
	v3 =	vld [tilespmem:s14+$0x124D0]  }
0xcb: {  	s15 =	sadd.s32 $0x400, s15;
	[tilespmem:s14+$0x12470] =	vst v7;
	v5 =	vmul.f32 $1.131370830e+01, v4;
	v4 =	vld [tilespmem:s14+$0x124E0]  }
0xcc: {  	[tilespmem:s14+$0x12480] =	vst v6;
	v1 =	vmul.f32 $1.131370830e+01, v1;
	v6 =	vld [tilespmem:s14+$0x124F0]  }
0xcd: {  	[tilespmem:s14+$0x12490] =	vst v5;
	v0 =	vmul.f32 $1.131370830e+01, v0  }
0xce: {  	[tilespmem:s14+$0x124A0] =	vst v1;
	v1 =	vmul.f32 $1.131370830e+01, v2  }
0xcf: {  	[tilespmem:s14+$0x124B0] =	vst v0;
	v0 =	vmul.f32 $1.131370830e+01, v3  }
0xd0: {  	[tilespmem:s14+$0x124C0] =	vst v1;
	v1 =	vmul.f32 $1.131370830e+01, v4  }
0xd1: {  	[tilespmem:s14+$0x124D0] =	vst v0;
	v0 =	vmul.f32 $1.131370830e+01, v6  }
0xd2: {  	[tilespmem:s14+$0x124E0] =	vst v1  }
0xd3: {  	s18 =	simm.s32 $0x0;
	s6 =	rddreg [dreg:$0x8];
	[tilespmem:s14+$0x124F0] =	vst v0  }
0xd4: {  	[hbm4b:s6+s18] =	stream.linear.scatter [tilespmem:s29], [sflag:$0x9], $0x4000, $0x38;
	[tilespmem:$0x1A400] =	vst v63  }
0xd5: {  	_ =	swait.ge [sflag:s28], $0x4000  }
0xd6: {  	[sflag:s28] =	ssyncset.done $0x0  }
0xd7: {  	s19 =	simm.s32 $0x300;
	[sflag:s28] =	ssyncadd.s32 $0xFFFFC000  }
0xd8: {  	[tilespmem:s23], [sflag:$0x2] =	stream.indirect.gather [hbm4b:s2+s21], $0x80, s19, s21, $0xb8;
	[tilespmem:$0x1A400] =	vst v63  }
0xd9: {  	_ =	swait.ge [sflag:s7], $0x4000  }
0xda: {  	[sflag:s7] =	ssyncset.done $0x0  }
0xdb: {  	s14 =	simm.s32 $0x0;
	[sflag:s7] =	ssyncadd.s32 $0xFFFFC000  }
0xdc: {  	v0 =	vld [tilespmem:s14+$0x16400]  }
0xdd: {  	v1 =	vld [tilespmem:s14+$0x16410]  }
0xde: {  	v2 =	vld [tilespmem:s14+$0x16420]  }
0xdf: {  	v3 =	vld [tilespmem:s14+$0x16430]  }
0xe0: {  	v4 =	vld [tilespmem:s14+$0x16440]  }
0xe1: {  	v5 =	vld [tilespmem:s14+$0x16450];
	v0 =	vmul.f32 $1.131370830e+01, v0  }
0xe2: {  	v6 =	vld [tilespmem:s14+$0x16460];
	v1 =	vmul.f32 $1.131370830e+01, v1  }
0xe3: {  	v7 =	vld [tilespmem:s14+$0x16470];
	[tilespmem:s14+$0x16400] =	vst v0;
	v0 =	vmul.f32 $1.131370830e+01, v2  }
0xe4: {  	v8 =	vld [tilespmem:s14+$0x16480];
	[tilespmem:s14+$0x16410] =	vst v1;
	v1 =	vmul.f32 $1.131370830e+01, v3  }
0xe5: {  	v9 =	vld [tilespmem:s14+$0x16490];
	[tilespmem:s14+$0x16420] =	vst v0;
	v0 =	vmul.f32 $1.131370830e+01, v4  }
0xe6: {  	v2 =	vmul.f32 $1.131370830e+01, v5;
	[tilespmem:s14+$0x16430] =	vst v1;
	v1 =	vld [tilespmem:s14+$0x164A0]  }
0xe7: {  	v3 =	vmul.f32 $1.131370830e+01, v6;
	[tilespmem:s14+$0x16440] =	vst v0;
	v0 =	vld [tilespmem:s14+$0x164B0]  }
0xe8: {  	[tilespmem:s14+$0x16450] =	vst v2;
	v2 =	vld [tilespmem:s14+$0x164C0];
	v4 =	vmul.f32 $1.131370830e+01, v7  }
0xe9: {  	v6 =	vmul.f32 $1.131370830e+01, v8;
	[tilespmem:s14+$0x16460] =	vst v3;
	v3 =	vld [tilespmem:s14+$0x164D0]  }
0xea: {  	s15 =	simm.s32 $0x400;
	v5 =	vmul.f32 $1.131370830e+01, v9;
	[tilespmem:s14+$0x16470] =	vst v4;
	v4 =	vld [tilespmem:s14+$0x164E0]  }
.LBB2_10:
0xeb: {  	s16 =	sshra.s32 s15, $0x2;
	p0 =	sne.s32 s15, $0xFC00;
	[tilespmem:s14+$0x16480] =	vst v6;
	v1 =	vmul.f32 $1.131370830e+01, v1;
	v6 =	vld [tilespmem:s14+$0x164F0]  }
0xec: {  	v7 =	vld [tilespmem:s16+$0x16400];
	[tilespmem:s14+$0x16490] =	vst v5;
	v0 =	vmul.f32 $1.131370830e+01, v0  }
0xed: {  	v5 =	vld [tilespmem:s16+$0x16410];
	[tilespmem:s14+$0x164A0] =	vst v1;
	v1 =	vmul.f32 $1.131370830e+01, v2  }
0xee: {  	v2 =	vld [tilespmem:s16+$0x16420];
	[tilespmem:s14+$0x164B0] =	vst v0;
	v0 =	vmul.f32 $1.131370830e+01, v3  }
0xef: {  	v3 =	vld [tilespmem:s16+$0x16430];
	[tilespmem:s14+$0x164C0] =	vst v1;
	v1 =	vmul.f32 $1.131370830e+01, v4  }
0xf0: {  	v4 =	vld [tilespmem:s16+$0x16440];
	[tilespmem:s14+$0x164D0] =	vst v0;
	v0 =	vmul.f32 $1.131370830e+01, v6  }
0xf1: {  	v6 =	vmul.f32 $1.131370830e+01, v7;
	v7 =	vld [tilespmem:s16+$0x16450];
	[tilespmem:s14+$0x164E0] =	vst v1  }
0xf2: {  	v1 =	vmul.f32 $1.131370830e+01, v5;
	v5 =	vld [tilespmem:s16+$0x16460];
	[tilespmem:s14+$0x164F0] =	vst v0;
	s14 =	smov.u32 s16  }
0xf3: {  	[tilespmem:s14+$0x16400] =	vst v6;
	v0 =	vmul.f32 $1.131370830e+01, v2;
	v2 =	vld [tilespmem:s14+$0x16470]  }
0xf4: {  	[tilespmem:s14+$0x16410] =	vst v1;
	v1 =	vmul.f32 $1.131370830e+01, v3;
	v3 =	vld [tilespmem:s14+$0x16480]  }
0xf5: {  	[tilespmem:s14+$0x16420] =	vst v0;
	v0 =	vmul.f32 $1.131370830e+01, v4;
	v4 =	vld [tilespmem:s14+$0x16490]  }
.Ltmp4:
0xf6: {  	[tilespmem:s14+$0x16430] =	vst v1;
	v6 =	vmul.f32 $1.131370830e+01, v7;
	v1 =	vld [tilespmem:s14+$0x164A0];
	(pc) =	sbr.rel @p0 .LBB2_10-.Ltmp4, $4  }
0xf7: {  	[tilespmem:s14+$0x16440] =	vst v0;
	v5 =	vmul.f32 $1.131370830e+01, v5;
	v0 =	vld [tilespmem:s14+$0x164B0]  }
0xf8: {  	[tilespmem:s14+$0x16450] =	vst v6;
	v7 =	vmul.f32 $1.131370830e+01, v2;
	v2 =	vld [tilespmem:s14+$0x164C0]  }
0xf9: {  	[tilespmem:s14+$0x16460] =	vst v5;
	v6 =	vmul.f32 $1.131370830e+01, v3;
	v3 =	vld [tilespmem:s14+$0x164D0]  }
0xfa: {  	s15 =	sadd.s32 $0x400, s15;
	[tilespmem:s14+$0x16470] =	vst v7;
	v5 =	vmul.f32 $1.131370830e+01, v4;
	v4 =	vld [tilespmem:s14+$0x164E0]  }
0xfb: {  	[tilespmem:s14+$0x16480] =	vst v6;
	v1 =	vmul.f32 $1.131370830e+01, v1;
	v59 =	vld [tilespmem:s14+$0x164F0]  }
0xfc: {  	[tilespmem:s14+$0x16490] =	vst v5;
	v0 =	vmul.f32 $1.131370830e+01, v0  }
0xfd: {  	[tilespmem:s14+$0x164A0] =	vst v1;
	v60 =	vmul.f32 $1.131370830e+01, v2  }
0xfe: {  	[tilespmem:s14+$0x164B0] =	vst v0;
	v61 =	vmul.f32 $1.131370830e+01, v3  }
0xff: {  	[tilespmem:s14+$0x164C0] =	vst v60;
	v62 =	vmul.f32 $1.131370830e+01, v4  }
0x100: {  	[tilespmem:s14+$0x164D0] =	vst v61;
	v63 =	vmul.f32 $1.131370830e+01, v59  }
0x101: {  	[tilespmem:s14+$0x164E0] =	vst v62  }
0x102: {  	s6 =	rddreg [dreg:$0x9];
	[tilespmem:s14+$0x164F0] =	vst v63  }
0x103: {  	[hbm4b:s6+s5] =	stream.linear.scatter [tilespmem:s1], [sflag:$0xA], $0x4000, $0x38;
	[tilespmem:$0x1A400] =	vst v63  }
0x104: {  	_ =	swait.ge [sflag:s8], $0x4000  }
0x105: {  	[sflag:s8] =	ssyncset.done $0x0  }
0x106: {  	s19 =	simm.s32 $0x380;
	s14 =	simm.s32 $0x1;
	[sflag:s8] =	ssyncadd.s32 $0xFFFFC000  }
0x107: {  	[tilespmem:s25], [sflag:$0x3] =	stream.indirect.gather [hbm4b:s2+s21], $0x80, s19, s21, $0xb8;
	[tilespmem:$0x1A400] =	vst v63  }
.LBB2_12:
0x108: {  	_ =	swait.ge [sflag:s26], $0x4000  }
0x109: {  	[sflag:s26] =	ssyncset.done $0x0  }
0x10a: {  	s15 =	simm.s32 $0x0;
	[sflag:s26] =	ssyncadd.s32 $0xFFFFC000  }
0x10b: {  	v0 =	vld [tilespmem:s15+$0x6400]  }
0x10c: {  	v1 =	vld [tilespmem:s15+$0x6410]  }
0x10d: {  	v2 =	vld [tilespmem:s15+$0x6420]  }
0x10e: {  	v3 =	vld [tilespmem:s15+$0x6430]  }
0x10f: {  	v4 =	vld [tilespmem:s15+$0x6440]  }
0x110: {  	v5 =	vld [tilespmem:s15+$0x6450];
	v0 =	vmul.f32 $1.131370830e+01, v0  }
0x111: {  	v6 =	vld [tilespmem:s15+$0x6460];
	v1 =	vmul.f32 $1.131370830e+01, v1  }
0x112: {  	v7 =	vld [tilespmem:s15+$0x6470];
	[tilespmem:s15+$0x6400] =	vst v0;
	v0 =	vmul.f32 $1.131370830e+01, v2  }
0x113: {  	v8 =	vld [tilespmem:s15+$0x6480];
	[tilespmem:s15+$0x6410] =	vst v1;
	v1 =	vmul.f32 $1.131370830e+01, v3  }
0x114: {  	v9 =	vld [tilespmem:s15+$0x6490];
	[tilespmem:s15+$0x6420] =	vst v0;
	v0 =	vmul.f32 $1.131370830e+01, v4  }
0x115: {  	v2 =	vmul.f32 $1.131370830e+01, v5;
	[tilespmem:s15+$0x6430] =	vst v1;
	v1 =	vld [tilespmem:s15+$0x64A0]  }
0x116: {  	v3 =	vmul.f32 $1.131370830e+01, v6;
	[tilespmem:s15+$0x6440] =	vst v0;
	v0 =	vld [tilespmem:s15+$0x64B0]  }
0x117: {  	[tilespmem:s15+$0x6450] =	vst v2;
	v2 =	vld [tilespmem:s15+$0x64C0];
	v4 =	vmul.f32 $1.131370830e+01, v7  }
0x118: {  	v6 =	vmul.f32 $1.131370830e+01, v8;
	[tilespmem:s15+$0x6460] =	vst v3;
	v3 =	vld [tilespmem:s15+$0x64D0]  }
0x119: {  	s16 =	simm.s32 $0x400;
	v5 =	vmul.f32 $1.131370830e+01, v9;
	[tilespmem:s15+$0x6470] =	vst v4;
	v4 =	vld [tilespmem:s15+$0x64E0]  }
.LBB2_13:
0x11a: {  	s17 =	sshra.s32 s16, $0x2;
	p0 =	sne.s32 s16, $0xFC00;
	[tilespmem:s15+$0x6480] =	vst v6;
	v1 =	vmul.f32 $1.131370830e+01, v1;
	v6 =	vld [tilespmem:s15+$0x64F0]  }
0x11b: {  	v7 =	vld [tilespmem:s17+$0x6400];
	[tilespmem:s15+$0x6490] =	vst v5;
	v0 =	vmul.f32 $1.131370830e+01, v0  }
0x11c: {  	v5 =	vld [tilespmem:s17+$0x6410];
	[tilespmem:s15+$0x64A0] =	vst v1;
	v1 =	vmul.f32 $1.131370830e+01, v2  }
0x11d: {  	v2 =	vld [tilespmem:s17+$0x6420];
	[tilespmem:s15+$0x64B0] =	vst v0;
	v0 =	vmul.f32 $1.131370830e+01, v3  }
0x11e: {  	v3 =	vld [tilespmem:s17+$0x6430];
	[tilespmem:s15+$0x64C0] =	vst v1;
	v1 =	vmul.f32 $1.131370830e+01, v4  }
0x11f: {  	v4 =	vld [tilespmem:s17+$0x6440];
	[tilespmem:s15+$0x64D0] =	vst v0;
	v0 =	vmul.f32 $1.131370830e+01, v6  }
0x120: {  	v6 =	vmul.f32 $1.131370830e+01, v7;
	v7 =	vld [tilespmem:s17+$0x6450];
	[tilespmem:s15+$0x64E0] =	vst v1  }
0x121: {  	v1 =	vmul.f32 $1.131370830e+01, v5;
	v5 =	vld [tilespmem:s17+$0x6460];
	[tilespmem:s15+$0x64F0] =	vst v0;
	s15 =	smov.u32 s17  }
0x122: {  	[tilespmem:s15+$0x6400] =	vst v6;
	v0 =	vmul.f32 $1.131370830e+01, v2;
	v2 =	vld [tilespmem:s15+$0x6470]  }
0x123: {  	[tilespmem:s15+$0x6410] =	vst v1;
	v1 =	vmul.f32 $1.131370830e+01, v3;
	v3 =	vld [tilespmem:s15+$0x6480]  }
0x124: {  	[tilespmem:s15+$0x6420] =	vst v0;
	v0 =	vmul.f32 $1.131370830e+01, v4;
	v4 =	vld [tilespmem:s15+$0x6490]  }
.Ltmp5:
0x125: {  	[tilespmem:s15+$0x6430] =	vst v1;
	v6 =	vmul.f32 $1.131370830e+01, v7;
	v1 =	vld [tilespmem:s15+$0x64A0];
	(pc) =	sbr.rel @p0 .LBB2_13-.Ltmp5, $4  }
0x126: {  	[tilespmem:s15+$0x6440] =	vst v0;
	v5 =	vmul.f32 $1.131370830e+01, v5;
	v0 =	vld [tilespmem:s15+$0x64B0]  }
0x127: {  	[tilespmem:s15+$0x6450] =	vst v6;
	v7 =	vmul.f32 $1.131370830e+01, v2;
	v2 =	vld [tilespmem:s15+$0x64C0]  }
0x128: {  	[tilespmem:s15+$0x6460] =	vst v5;
	v6 =	vmul.f32 $1.131370830e+01, v3;
	v3 =	vld [tilespmem:s15+$0x64D0]  }
0x129: {  	s16 =	sadd.s32 $0x400, s16;
	[tilespmem:s15+$0x6470] =	vst v7;
	v5 =	vmul.f32 $1.131370830e+01, v4;
	v4 =	vld [tilespmem:s15+$0x64E0]  }
0x12a: {  	[tilespmem:s15+$0x6480] =	vst v6;
	v1 =	vmul.f32 $1.131370830e+01, v1;
	v6 =	vld [tilespmem:s15+$0x64F0]  }
0x12b: {  	[tilespmem:s15+$0x6490] =	vst v5;
	v0 =	vmul.f32 $1.131370830e+01, v0  }
0x12c: {  	[tilespmem:s15+$0x64A0] =	vst v1;
	v1 =	vmul.f32 $1.131370830e+01, v2  }
0x12d: {  	s17 =	smul.u32 $0x280, s14;
	[tilespmem:s15+$0x64B0] =	vst v0;
	v0 =	vmul.f32 $1.131370830e+01, v3  }
0x12e: {  	[tilespmem:s15+$0x64C0] =	vst v1;
	v1 =	vmul.f32 $1.131370830e+01, v4  }
0x12f: {  	s16 =	sadd.s32 s4, s17;
	[tilespmem:s15+$0x64D0] =	vst v0;
	v0 =	vmul.f32 $1.131370830e+01, v6  }
0x130: {  	s16 =	sshll.u32 s16, $0x4;
	[tilespmem:s15+$0x64E0] =	vst v1  }
0x131: {  	s19 =	simm.s32 $0x0;
	s18 =	sadd.s32 s3, s16;
	[tilespmem:s15+$0x64F0] =	vst v0  }
0x132: {  	[hbm4b:s18+s19] =	stream.linear.scatter [tilespmem:s22], [sflag:$0x6], $0x4000, $0x38;
	[tilespmem:$0x1A400] =	vst v63  }
0x133: {  	_ =	swait.ge [sflag:s9], $0x4000  }
0x134: {  	[sflag:s9] =	ssyncset.done $0x0  }
0x135: {  	s15 =	sadd.s32 $0x180, s17;
	[sflag:s9] =	ssyncadd.s32 $0xFFFFC000  }
0x136: {  	[tilespmem:s29], [sflag:$0x4] =	stream.indirect.gather [hbm4b:s2+s21], $0x80, s15, s21, $0xb8;
	[tilespmem:$0x1A400] =	vst v63  }
0x137: {  	_ =	swait.ge [sflag:s30], $0x4000  }
0x138: {  	[sflag:s30] =	ssyncset.done $0x0  }
0x139: {  	s16 =	simm.s32 $0x0;
	[sflag:s30] =	ssyncadd.s32 $0xFFFFC000  }
0x13a: {  	v0 =	vld [tilespmem:s16+$0xA400]  }
0x13b: {  	v1 =	vld [tilespmem:s16+$0xA410]  }
0x13c: {  	v2 =	vld [tilespmem:s16+$0xA420]  }
0x13d: {  	v3 =	vld [tilespmem:s16+$0xA430]  }
0x13e: {  	v4 =	vld [tilespmem:s16+$0xA440]  }
0x13f: {  	v5 =	vld [tilespmem:s16+$0xA450];
	v0 =	vmul.f32 $1.131370830e+01, v0  }
0x140: {  	v6 =	vld [tilespmem:s16+$0xA460];
	v1 =	vmul.f32 $1.131370830e+01, v1  }
0x141: {  	v7 =	vld [tilespmem:s16+$0xA470];
	[tilespmem:s16+$0xA400] =	vst v0;
	v0 =	vmul.f32 $1.131370830e+01, v2  }
0x142: {  	v8 =	vld [tilespmem:s16+$0xA480];
	[tilespmem:s16+$0xA410] =	vst v1;
	v1 =	vmul.f32 $1.131370830e+01, v3  }
0x143: {  	v9 =	vld [tilespmem:s16+$0xA490];
	[tilespmem:s16+$0xA420] =	vst v0;
	v0 =	vmul.f32 $1.131370830e+01, v4  }
0x144: {  	v2 =	vmul.f32 $1.131370830e+01, v5;
	[tilespmem:s16+$0xA430] =	vst v1;
	v1 =	vld [tilespmem:s16+$0xA4A0]  }
0x145: {  	v3 =	vmul.f32 $1.131370830e+01, v6;
	[tilespmem:s16+$0xA440] =	vst v0;
	v0 =	vld [tilespmem:s16+$0xA4B0]  }
0x146: {  	[tilespmem:s16+$0xA450] =	vst v2;
	v2 =	vld [tilespmem:s16+$0xA4C0];
	v4 =	vmul.f32 $1.131370830e+01, v7  }
0x147: {  	v6 =	vmul.f32 $1.131370830e+01, v8;
	[tilespmem:s16+$0xA460] =	vst v3;
	v3 =	vld [tilespmem:s16+$0xA4D0]  }
0x148: {  	s18 =	simm.s32 $0x400;
	v5 =	vmul.f32 $1.131370830e+01, v9;
	[tilespmem:s16+$0xA470] =	vst v4;
	v4 =	vld [tilespmem:s16+$0xA4E0]  }
.LBB2_15:
0x149: {  	s19 =	sshra.s32 s18, $0x2;
	p0 =	sne.s32 s18, $0xFC00;
	[tilespmem:s16+$0xA480] =	vst v6;
	v1 =	vmul.f32 $1.131370830e+01, v1;
	v6 =	vld [tilespmem:s16+$0xA4F0]  }
0x14a: {  	v7 =	vld [tilespmem:s19+$0xA400];
	[tilespmem:s16+$0xA490] =	vst v5;
	v0 =	vmul.f32 $1.131370830e+01, v0  }
0x14b: {  	v5 =	vld [tilespmem:s19+$0xA410];
	[tilespmem:s16+$0xA4A0] =	vst v1;
	v1 =	vmul.f32 $1.131370830e+01, v2  }
0x14c: {  	v2 =	vld [tilespmem:s19+$0xA420];
	[tilespmem:s16+$0xA4B0] =	vst v0;
	v0 =	vmul.f32 $1.131370830e+01, v3  }
0x14d: {  	v3 =	vld [tilespmem:s19+$0xA430];
	[tilespmem:s16+$0xA4C0] =	vst v1;
	v1 =	vmul.f32 $1.131370830e+01, v4  }
0x14e: {  	v4 =	vld [tilespmem:s19+$0xA440];
	[tilespmem:s16+$0xA4D0] =	vst v0;
	v0 =	vmul.f32 $1.131370830e+01, v6  }
0x14f: {  	v6 =	vmul.f32 $1.131370830e+01, v7;
	v7 =	vld [tilespmem:s19+$0xA450];
	[tilespmem:s16+$0xA4E0] =	vst v1  }
0x150: {  	v1 =	vmul.f32 $1.131370830e+01, v5;
	v5 =	vld [tilespmem:s19+$0xA460];
	[tilespmem:s16+$0xA4F0] =	vst v0;
	s16 =	smov.u32 s19  }
0x151: {  	[tilespmem:s16+$0xA400] =	vst v6;
	v0 =	vmul.f32 $1.131370830e+01, v2;
	v2 =	vld [tilespmem:s16+$0xA470]  }
0x152: {  	[tilespmem:s16+$0xA410] =	vst v1;
	v1 =	vmul.f32 $1.131370830e+01, v3;
	v3 =	vld [tilespmem:s16+$0xA480]  }
0x153: {  	[tilespmem:s16+$0xA420] =	vst v0;
	v0 =	vmul.f32 $1.131370830e+01, v4;
	v4 =	vld [tilespmem:s16+$0xA490]  }
.Ltmp6:
0x154: {  	[tilespmem:s16+$0xA430] =	vst v1;
	v6 =	vmul.f32 $1.131370830e+01, v7;
	v1 =	vld [tilespmem:s16+$0xA4A0];
	(pc) =	sbr.rel @p0 .LBB2_15-.Ltmp6, $4  }
0x155: {  	[tilespmem:s16+$0xA440] =	vst v0;
	v5 =	vmul.f32 $1.131370830e+01, v5;
	v0 =	vld [tilespmem:s16+$0xA4B0]  }
0x156: {  	[tilespmem:s16+$0xA450] =	vst v6;
	v7 =	vmul.f32 $1.131370830e+01, v2;
	v2 =	vld [tilespmem:s16+$0xA4C0]  }
0x157: {  	[tilespmem:s16+$0xA460] =	vst v5;
	v6 =	vmul.f32 $1.131370830e+01, v3;
	v3 =	vld [tilespmem:s16+$0xA4D0]  }
0x158: {  	s18 =	sadd.s32 $0x400, s18;
	[tilespmem:s16+$0xA470] =	vst v7;
	v5 =	vmul.f32 $1.131370830e+01, v4;
	v4 =	vld [tilespmem:s16+$0xA4E0]  }
0x159: {  	[tilespmem:s16+$0xA480] =	vst v6;
	v1 =	vmul.f32 $1.131370830e+01, v1;
	v6 =	vld [tilespmem:s16+$0xA4F0]  }
0x15a: {  	[tilespmem:s16+$0xA490] =	vst v5;
	v0 =	vmul.f32 $1.131370830e+01, v0  }
0x15b: {  	[tilespmem:s16+$0xA4A0] =	vst v1;
	v1 =	vmul.f32 $1.131370830e+01, v2  }
0x15c: {  	[tilespmem:s16+$0xA4B0] =	vst v0;
	v0 =	vmul.f32 $1.131370830e+01, v3  }
0x15d: {  	[tilespmem:s16+$0xA4C0] =	vst v1;
	v1 =	vmul.f32 $1.131370830e+01, v4  }
0x15e: {  	s18 =	sadd.s32 s17, s12;
	[tilespmem:s16+$0xA4D0] =	vst v0;
	v0 =	vmul.f32 $1.131370830e+01, v6  }
0x15f: {  	s18 =	sshll.u32 s18, $0x4;
	[tilespmem:s16+$0xA4E0] =	vst v1  }
0x160: {  	s19 =	simm.s32 $0x0;
	s18 =	sadd.s32 s3, s18;
	[tilespmem:s16+$0xA4F0] =	vst v0  }
0x161: {  	[hbm4b:s18+s19] =	stream.linear.scatter [tilespmem:s23], [sflag:$0x7], $0x4000, $0x38;
	[tilespmem:$0x1A400] =	vst v63  }
0x162: {  	_ =	swait.ge [sflag:s10], $0x4000  }
0x163: {  	[sflag:s10] =	ssyncset.done $0x0  }
0x164: {  	s16 =	sadd.s32 $0x200, s17;
	[sflag:s10] =	ssyncadd.s32 $0xFFFFC000  }
0x165: {  	[tilespmem:s1], [sflag:$0x5] =	stream.indirect.gather [hbm4b:s2+s21], $0x80, s16, s21, $0xb8;
	[tilespmem:$0x1A400] =	vst v63  }
0x166: {  	_ =	swait.ge [sflag:s0], $0x4000  }
0x167: {  	[sflag:s0] =	ssyncset.done $0x0  }
0x168: {  	s18 =	simm.s32 $0x0;
	[sflag:s0] =	ssyncadd.s32 $0xFFFFC000  }
0x169: {  	v0 =	vld [tilespmem:s18+$0xE400]  }
0x16a: {  	v1 =	vld [tilespmem:s18+$0xE410]  }
0x16b: {  	v2 =	vld [tilespmem:s18+$0xE420]  }
0x16c: {  	v3 =	vld [tilespmem:s18+$0xE430]  }
0x16d: {  	v4 =	vld [tilespmem:s18+$0xE440]  }
0x16e: {  	v5 =	vld [tilespmem:s18+$0xE450];
	v0 =	vmul.f32 $1.131370830e+01, v0  }
0x16f: {  	v6 =	vld [tilespmem:s18+$0xE460];
	v1 =	vmul.f32 $1.131370830e+01, v1  }
0x170: {  	v7 =	vld [tilespmem:s18+$0xE470];
	[tilespmem:s18+$0xE400] =	vst v0;
	v0 =	vmul.f32 $1.131370830e+01, v2  }
0x171: {  	v8 =	vld [tilespmem:s18+$0xE480];
	[tilespmem:s18+$0xE410] =	vst v1;
	v1 =	vmul.f32 $1.131370830e+01, v3  }
0x172: {  	v9 =	vld [tilespmem:s18+$0xE490];
	[tilespmem:s18+$0xE420] =	vst v0;
	v0 =	vmul.f32 $1.131370830e+01, v4  }
0x173: {  	v2 =	vmul.f32 $1.131370830e+01, v5;
	[tilespmem:s18+$0xE430] =	vst v1;
	v1 =	vld [tilespmem:s18+$0xE4A0]  }
0x174: {  	v3 =	vmul.f32 $1.131370830e+01, v6;
	[tilespmem:s18+$0xE440] =	vst v0;
	v0 =	vld [tilespmem:s18+$0xE4B0]  }
0x175: {  	[tilespmem:s18+$0xE450] =	vst v2;
	v2 =	vld [tilespmem:s18+$0xE4C0];
	v4 =	vmul.f32 $1.131370830e+01, v7  }
0x176: {  	v6 =	vmul.f32 $1.131370830e+01, v8;
	[tilespmem:s18+$0xE460] =	vst v3;
	v3 =	vld [tilespmem:s18+$0xE4D0]  }
0x177: {  	s19 =	simm.s32 $0x400;
	v5 =	vmul.f32 $1.131370830e+01, v9;
	[tilespmem:s18+$0xE470] =	vst v4;
	v4 =	vld [tilespmem:s18+$0xE4E0]  }
.LBB2_17:
0x178: {  	s6 =	sshra.s32 s19, $0x2;
	p0 =	sne.s32 s19, $0xFC00;
	[tilespmem:s18+$0xE480] =	vst v6;
	v1 =	vmul.f32 $1.131370830e+01, v1;
	v6 =	vld [tilespmem:s18+$0xE4F0]  }
0x179: {  	v7 =	vld [tilespmem:s6+$0xE400];
	[tilespmem:s18+$0xE490] =	vst v5;
	v0 =	vmul.f32 $1.131370830e+01, v0  }
0x17a: {  	v5 =	vld [tilespmem:s6+$0xE410];
	[tilespmem:s18+$0xE4A0] =	vst v1;
	v1 =	vmul.f32 $1.131370830e+01, v2  }
0x17b: {  	v2 =	vld [tilespmem:s6+$0xE420];
	[tilespmem:s18+$0xE4B0] =	vst v0;
	v0 =	vmul.f32 $1.131370830e+01, v3  }
0x17c: {  	v3 =	vld [tilespmem:s6+$0xE430];
	[tilespmem:s18+$0xE4C0] =	vst v1;
	v1 =	vmul.f32 $1.131370830e+01, v4  }
0x17d: {  	v4 =	vld [tilespmem:s6+$0xE440];
	[tilespmem:s18+$0xE4D0] =	vst v0;
	v0 =	vmul.f32 $1.131370830e+01, v6  }
0x17e: {  	v6 =	vmul.f32 $1.131370830e+01, v7;
	v7 =	vld [tilespmem:s6+$0xE450];
	[tilespmem:s18+$0xE4E0] =	vst v1  }
0x17f: {  	v1 =	vmul.f32 $1.131370830e+01, v5;
	v5 =	vld [tilespmem:s6+$0xE460];
	[tilespmem:s18+$0xE4F0] =	vst v0;
	s18 =	smov.u32 s6  }
0x180: {  	[tilespmem:s18+$0xE400] =	vst v6;
	v0 =	vmul.f32 $1.131370830e+01, v2;
	v2 =	vld [tilespmem:s18+$0xE470]  }
0x181: {  	[tilespmem:s18+$0xE410] =	vst v1;
	v1 =	vmul.f32 $1.131370830e+01, v3;
	v3 =	vld [tilespmem:s18+$0xE480]  }
0x182: {  	[tilespmem:s18+$0xE420] =	vst v0;
	v0 =	vmul.f32 $1.131370830e+01, v4;
	v4 =	vld [tilespmem:s18+$0xE490]  }
.Ltmp7:
0x183: {  	[tilespmem:s18+$0xE430] =	vst v1;
	v6 =	vmul.f32 $1.131370830e+01, v7;
	v1 =	vld [tilespmem:s18+$0xE4A0];
	(pc) =	sbr.rel @p0 .LBB2_17-.Ltmp7, $4  }
0x184: {  	[tilespmem:s18+$0xE440] =	vst v0;
	v5 =	vmul.f32 $1.131370830e+01, v5;
	v0 =	vld [tilespmem:s18+$0xE4B0]  }
0x185: {  	[tilespmem:s18+$0xE450] =	vst v6;
	v7 =	vmul.f32 $1.131370830e+01, v2;
	v2 =	vld [tilespmem:s18+$0xE4C0]  }
0x186: {  	[tilespmem:s18+$0xE460] =	vst v5;
	v6 =	vmul.f32 $1.131370830e+01, v3;
	v3 =	vld [tilespmem:s18+$0xE4D0]  }
0x187: {  	s19 =	sadd.s32 $0x400, s19;
	[tilespmem:s18+$0xE470] =	vst v7;
	v5 =	vmul.f32 $1.131370830e+01, v4;
	v4 =	vld [tilespmem:s18+$0xE4E0]  }
0x188: {  	[tilespmem:s18+$0xE480] =	vst v6;
	v1 =	vmul.f32 $1.131370830e+01, v1;
	v6 =	vld [tilespmem:s18+$0xE4F0]  }
0x189: {  	[tilespmem:s18+$0xE490] =	vst v5;
	v0 =	vmul.f32 $1.131370830e+01, v0  }
0x18a: {  	[tilespmem:s18+$0xE4A0] =	vst v1;
	v1 =	vmul.f32 $1.131370830e+01, v2  }
0x18b: {  	[tilespmem:s18+$0xE4B0] =	vst v0;
	v0 =	vmul.f32 $1.131370830e+01, v3  }
0x18c: {  	[tilespmem:s18+$0xE4C0] =	vst v1;
	v1 =	vmul.f32 $1.131370830e+01, v4  }
0x18d: {  	s6 =	sadd.s32 s17, s13;
	[tilespmem:s18+$0xE4D0] =	vst v0;
	v0 =	vmul.f32 $1.131370830e+01, v6  }
0x18e: {  	s6 =	sshll.u32 s6, $0x4;
	[tilespmem:s18+$0xE4E0] =	vst v1  }
0x18f: {  	s19 =	smul.u32 $0xA00, s14;
	s6 =	sadd.s32 s3, s6;
	[tilespmem:s18+$0xE4F0] =	vst v0;
	s18 =	simm.s32 $0x0  }
0x190: {  	[hbm4b:s6+s18] =	stream.linear.scatter [tilespmem:s25], [sflag:$0x8], $0x4000, $0x38;
	[tilespmem:$0x1A400] =	vst v63  }
0x191: {  	_ =	swait.ge [sflag:s24], $0x4000  }
0x192: {  	s17 =	sshra.s32 s19, $0x2;
	[sflag:s24] =	ssyncset.done $0x0  }
0x193: {  	s6 =	sadd.s32 $0x280, s17;
	[sflag:s24] =	ssyncadd.s32 $0xFFFFC000  }
0x194: {  	[tilespmem:s22], [sflag:$0x1] =	stream.indirect.gather [hbm4b:s2+s21], $0x80, s6, s21, $0xb8;
	[tilespmem:$0x1A400] =	vst v63  }
0x195: {  	_ =	swait.ge [sflag:s31], $0x4000  }
0x196: {  	[sflag:s31] =	ssyncset.done $0x0  }
0x197: {  	s18 =	simm.s32 $0x0;
	[sflag:s31] =	ssyncadd.s32 $0xFFFFC000  }
0x198: {  	v0 =	vld [tilespmem:s18+$0x12400]  }
0x199: {  	v1 =	vld [tilespmem:s18+$0x12410]  }
0x19a: {  	v2 =	vld [tilespmem:s18+$0x12420]  }
0x19b: {  	v3 =	vld [tilespmem:s18+$0x12430]  }
0x19c: {  	v4 =	vld [tilespmem:s18+$0x12440]  }
0x19d: {  	v5 =	vld [tilespmem:s18+$0x12450];
	v0 =	vmul.f32 $1.131370830e+01, v0  }
0x19e: {  	v6 =	vld [tilespmem:s18+$0x12460];
	v1 =	vmul.f32 $1.131370830e+01, v1  }
0x19f: {  	v7 =	vld [tilespmem:s18+$0x12470];
	[tilespmem:s18+$0x12400] =	vst v0;
	v0 =	vmul.f32 $1.131370830e+01, v2  }
0x1a0: {  	v8 =	vld [tilespmem:s18+$0x12480];
	[tilespmem:s18+$0x12410] =	vst v1;
	v1 =	vmul.f32 $1.131370830e+01, v3  }
0x1a1: {  	v9 =	vld [tilespmem:s18+$0x12490];
	[tilespmem:s18+$0x12420] =	vst v0;
	v0 =	vmul.f32 $1.131370830e+01, v4  }
0x1a2: {  	v2 =	vmul.f32 $1.131370830e+01, v5;
	[tilespmem:s18+$0x12430] =	vst v1;
	v1 =	vld [tilespmem:s18+$0x124A0]  }
0x1a3: {  	v3 =	vmul.f32 $1.131370830e+01, v6;
	[tilespmem:s18+$0x12440] =	vst v0;
	v0 =	vld [tilespmem:s18+$0x124B0]  }
0x1a4: {  	[tilespmem:s18+$0x12450] =	vst v2;
	v2 =	vld [tilespmem:s18+$0x124C0];
	v4 =	vmul.f32 $1.131370830e+01, v7  }
0x1a5: {  	v6 =	vmul.f32 $1.131370830e+01, v8;
	[tilespmem:s18+$0x12460] =	vst v3;
	v3 =	vld [tilespmem:s18+$0x124D0]  }
0x1a6: {  	s19 =	simm.s32 $0x400;
	v5 =	vmul.f32 $1.131370830e+01, v9;
	[tilespmem:s18+$0x12470] =	vst v4;
	v4 =	vld [tilespmem:s18+$0x124E0]  }
.LBB2_19:
0x1a7: {  	s6 =	sshra.s32 s19, $0x2;
	p0 =	sne.s32 s19, $0xFC00;
	[tilespmem:s18+$0x12480] =	vst v6;
	v1 =	vmul.f32 $1.131370830e+01, v1;
	v6 =	vld [tilespmem:s18+$0x124F0]  }
0x1a8: {  	v7 =	vld [tilespmem:s6+$0x12400];
	[tilespmem:s18+$0x12490] =	vst v5;
	v0 =	vmul.f32 $1.131370830e+01, v0  }
0x1a9: {  	v5 =	vld [tilespmem:s6+$0x12410];
	[tilespmem:s18+$0x124A0] =	vst v1;
	v1 =	vmul.f32 $1.131370830e+01, v2  }
0x1aa: {  	v2 =	vld [tilespmem:s6+$0x12420];
	[tilespmem:s18+$0x124B0] =	vst v0;
	v0 =	vmul.f32 $1.131370830e+01, v3  }
0x1ab: {  	v3 =	vld [tilespmem:s6+$0x12430];
	[tilespmem:s18+$0x124C0] =	vst v1;
	v1 =	vmul.f32 $1.131370830e+01, v4  }
0x1ac: {  	v4 =	vld [tilespmem:s6+$0x12440];
	[tilespmem:s18+$0x124D0] =	vst v0;
	v0 =	vmul.f32 $1.131370830e+01, v6  }
0x1ad: {  	v6 =	vmul.f32 $1.131370830e+01, v7;
	v7 =	vld [tilespmem:s6+$0x12450];
	[tilespmem:s18+$0x124E0] =	vst v1  }
0x1ae: {  	v1 =	vmul.f32 $1.131370830e+01, v5;
	v5 =	vld [tilespmem:s6+$0x12460];
	[tilespmem:s18+$0x124F0] =	vst v0;
	s18 =	smov.u32 s6  }
0x1af: {  	[tilespmem:s18+$0x12400] =	vst v6;
	v0 =	vmul.f32 $1.131370830e+01, v2;
	v2 =	vld [tilespmem:s18+$0x12470]  }
0x1b0: {  	[tilespmem:s18+$0x12410] =	vst v1;
	v1 =	vmul.f32 $1.131370830e+01, v3;
	v3 =	vld [tilespmem:s18+$0x12480]  }
0x1b1: {  	[tilespmem:s18+$0x12420] =	vst v0;
	v0 =	vmul.f32 $1.131370830e+01, v4;
	v4 =	vld [tilespmem:s18+$0x12490]  }
.Ltmp8:
0x1b2: {  	[tilespmem:s18+$0x12430] =	vst v1;
	v6 =	vmul.f32 $1.131370830e+01, v7;
	v1 =	vld [tilespmem:s18+$0x124A0];
	(pc) =	sbr.rel @p0 .LBB2_19-.Ltmp8, $4  }
0x1b3: {  	[tilespmem:s18+$0x12440] =	vst v0;
	v5 =	vmul.f32 $1.131370830e+01, v5;
	v0 =	vld [tilespmem:s18+$0x124B0]  }
0x1b4: {  	[tilespmem:s18+$0x12450] =	vst v6;
	v7 =	vmul.f32 $1.131370830e+01, v2;
	v2 =	vld [tilespmem:s18+$0x124C0]  }
0x1b5: {  	[tilespmem:s18+$0x12460] =	vst v5;
	v6 =	vmul.f32 $1.131370830e+01, v3;
	v3 =	vld [tilespmem:s18+$0x124D0]  }
0x1b6: {  	s19 =	sadd.s32 $0x400, s19;
	[tilespmem:s18+$0x12470] =	vst v7;
	v5 =	vmul.f32 $1.131370830e+01, v4;
	v4 =	vld [tilespmem:s18+$0x124E0]  }
0x1b7: {  	[tilespmem:s18+$0x12480] =	vst v6;
	v1 =	vmul.f32 $1.131370830e+01, v1;
	v6 =	vld [tilespmem:s18+$0x124F0]  }
0x1b8: {  	[tilespmem:s18+$0x12490] =	vst v5;
	v0 =	vmul.f32 $1.131370830e+01, v0  }
0x1b9: {  	[tilespmem:s18+$0x124A0] =	vst v1;
	v1 =	vmul.f32 $1.131370830e+01, v2  }
0x1ba: {  	[tilespmem:s18+$0x124B0] =	vst v0;
	v0 =	vmul.f32 $1.131370830e+01, v3  }
0x1bb: {  	[tilespmem:s18+$0x124C0] =	vst v1;
	v1 =	vmul.f32 $1.131370830e+01, v4  }
0x1bc: {  	s6 =	sadd.s32 s4, s15;
	[tilespmem:s18+$0x124D0] =	vst v0;
	v0 =	vmul.f32 $1.131370830e+01, v6  }
0x1bd: {  	s6 =	sshll.u32 s6, $0x4;
	[tilespmem:s18+$0x124E0] =	vst v1  }
0x1be: {  	s6 =	sadd.s32 s3, s6;
	[tilespmem:s18+$0x124F0] =	vst v0;
	s18 =	simm.s32 $0x0  }
0x1bf: {  	[hbm4b:s6+s18] =	stream.linear.scatter [tilespmem:s29], [sflag:$0x9], $0x4000, $0x38;
	[tilespmem:$0x1A400] =	vst v63  }
0x1c0: {  	_ =	swait.ge [sflag:s28], $0x4000  }
0x1c1: {  	[sflag:s28] =	ssyncset.done $0x0  }
0x1c2: {  	s19 =	sadd.s32 $0x300, s17;
	[sflag:s28] =	ssyncadd.s32 $0xFFFFC000  }
0x1c3: {  	[tilespmem:s23], [sflag:$0x2] =	stream.indirect.gather [hbm4b:s2+s21], $0x80, s19, s21, $0xb8;
	[tilespmem:$0x1A400] =	vst v63  }
0x1c4: {  	_ =	swait.ge [sflag:s7], $0x4000  }
0x1c5: {  	[sflag:s7] =	ssyncset.done $0x0  }
0x1c6: {  	s15 =	simm.s32 $0x0;
	[sflag:s7] =	ssyncadd.s32 $0xFFFFC000  }
0x1c7: {  	v0 =	vld [tilespmem:s15+$0x16400]  }
0x1c8: {  	v1 =	vld [tilespmem:s15+$0x16410]  }
0x1c9: {  	v2 =	vld [tilespmem:s15+$0x16420]  }
0x1ca: {  	v3 =	vld [tilespmem:s15+$0x16430]  }
0x1cb: {  	v4 =	vld [tilespmem:s15+$0x16440]  }
0x1cc: {  	v5 =	vld [tilespmem:s15+$0x16450];
	v0 =	vmul.f32 $1.131370830e+01, v0  }
0x1cd: {  	v6 =	vld [tilespmem:s15+$0x16460];
	v1 =	vmul.f32 $1.131370830e+01, v1  }
0x1ce: {  	v7 =	vld [tilespmem:s15+$0x16470];
	[tilespmem:s15+$0x16400] =	vst v0;
	v0 =	vmul.f32 $1.131370830e+01, v2  }
0x1cf: {  	v8 =	vld [tilespmem:s15+$0x16480];
	[tilespmem:s15+$0x16410] =	vst v1;
	v1 =	vmul.f32 $1.131370830e+01, v3  }
0x1d0: {  	v9 =	vld [tilespmem:s15+$0x16490];
	[tilespmem:s15+$0x16420] =	vst v0;
	v0 =	vmul.f32 $1.131370830e+01, v4  }
0x1d1: {  	v2 =	vmul.f32 $1.131370830e+01, v5;
	[tilespmem:s15+$0x16430] =	vst v1;
	v1 =	vld [tilespmem:s15+$0x164A0]  }
0x1d2: {  	v3 =	vmul.f32 $1.131370830e+01, v6;
	[tilespmem:s15+$0x16440] =	vst v0;
	v0 =	vld [tilespmem:s15+$0x164B0]  }
0x1d3: {  	[tilespmem:s15+$0x16450] =	vst v2;
	v2 =	vld [tilespmem:s15+$0x164C0];
	v4 =	vmul.f32 $1.131370830e+01, v7  }
0x1d4: {  	v6 =	vmul.f32 $1.131370830e+01, v8;
	[tilespmem:s15+$0x16460] =	vst v3;
	v3 =	vld [tilespmem:s15+$0x164D0]  }
0x1d5: {  	s18 =	simm.s32 $0x400;
	v5 =	vmul.f32 $1.131370830e+01, v9;
	[tilespmem:s15+$0x16470] =	vst v4;
	v4 =	vld [tilespmem:s15+$0x164E0]  }
.LBB2_21:
0x1d6: {  	s6 =	sshra.s32 s18, $0x2;
	p0 =	sne.s32 s18, $0xFC00;
	[tilespmem:s15+$0x16480] =	vst v6;
	v1 =	vmul.f32 $1.131370830e+01, v1;
	v6 =	vld [tilespmem:s15+$0x164F0]  }
0x1d7: {  	v7 =	vld [tilespmem:s6+$0x16400];
	[tilespmem:s15+$0x16490] =	vst v5;
	v0 =	vmul.f32 $1.131370830e+01, v0  }
0x1d8: {  	v5 =	vld [tilespmem:s6+$0x16410];
	[tilespmem:s15+$0x164A0] =	vst v1;
	v1 =	vmul.f32 $1.131370830e+01, v2  }
0x1d9: {  	v2 =	vld [tilespmem:s6+$0x16420];
	[tilespmem:s15+$0x164B0] =	vst v0;
	v0 =	vmul.f32 $1.131370830e+01, v3  }
0x1da: {  	v3 =	vld [tilespmem:s6+$0x16430];
	[tilespmem:s15+$0x164C0] =	vst v1;
	v1 =	vmul.f32 $1.131370830e+01, v4  }
0x1db: {  	v4 =	vld [tilespmem:s6+$0x16440];
	[tilespmem:s15+$0x164D0] =	vst v0;
	v0 =	vmul.f32 $1.131370830e+01, v6  }
0x1dc: {  	v6 =	vmul.f32 $1.131370830e+01, v7;
	v7 =	vld [tilespmem:s6+$0x16450];
	[tilespmem:s15+$0x164E0] =	vst v1  }
0x1dd: {  	v1 =	vmul.f32 $1.131370830e+01, v5;
	v5 =	vld [tilespmem:s6+$0x16460];
	[tilespmem:s15+$0x164F0] =	vst v0;
	s15 =	smov.u32 s6  }
0x1de: {  	[tilespmem:s15+$0x16400] =	vst v6;
	v0 =	vmul.f32 $1.131370830e+01, v2;
	v2 =	vld [tilespmem:s15+$0x16470]  }
0x1df: {  	[tilespmem:s15+$0x16410] =	vst v1;
	v1 =	vmul.f32 $1.131370830e+01, v3;
	v3 =	vld [tilespmem:s15+$0x16480]  }
0x1e0: {  	[tilespmem:s15+$0x16420] =	vst v0;
	v0 =	vmul.f32 $1.131370830e+01, v4;
	v4 =	vld [tilespmem:s15+$0x16490]  }
.Ltmp9:
0x1e1: {  	[tilespmem:s15+$0x16430] =	vst v1;
	v6 =	vmul.f32 $1.131370830e+01, v7;
	v1 =	vld [tilespmem:s15+$0x164A0];
	(pc) =	sbr.rel @p0 .LBB2_21-.Ltmp9, $4  }
0x1e2: {  	[tilespmem:s15+$0x16440] =	vst v0;
	v5 =	vmul.f32 $1.131370830e+01, v5;
	v0 =	vld [tilespmem:s15+$0x164B0]  }
0x1e3: {  	[tilespmem:s15+$0x16450] =	vst v6;
	v7 =	vmul.f32 $1.131370830e+01, v2;
	v2 =	vld [tilespmem:s15+$0x164C0]  }
0x1e4: {  	[tilespmem:s15+$0x16460] =	vst v5;
	v6 =	vmul.f32 $1.131370830e+01, v3;
	v3 =	vld [tilespmem:s15+$0x164D0]  }
0x1e5: {  	s18 =	sadd.s32 $0x400, s18;
	[tilespmem:s15+$0x16470] =	vst v7;
	v5 =	vmul.f32 $1.131370830e+01, v4;
	v4 =	vld [tilespmem:s15+$0x164E0]  }
0x1e6: {  	[tilespmem:s15+$0x16480] =	vst v6;
	v1 =	vmul.f32 $1.131370830e+01, v1;
	v59 =	vld [tilespmem:s15+$0x164F0]  }
0x1e7: {  	[tilespmem:s15+$0x16490] =	vst v5;
	v0 =	vmul.f32 $1.131370830e+01, v0  }
0x1e8: {  	[tilespmem:s15+$0x164A0] =	vst v1;
	v60 =	vmul.f32 $1.131370830e+01, v2  }
0x1e9: {  	[tilespmem:s15+$0x164B0] =	vst v0;
	v61 =	vmul.f32 $1.131370830e+01, v3  }
0x1ea: {  	[tilespmem:s15+$0x164C0] =	vst v60;
	v62 =	vmul.f32 $1.131370830e+01, v4  }
0x1eb: {  	s6 =	sadd.s32 s4, s16;
	[tilespmem:s15+$0x164D0] =	vst v61;
	v63 =	vmul.f32 $1.131370830e+01, v59  }
0x1ec: {  	s14 =	sadd.s32 $0x1, s14;
	s6 =	sshll.u32 s6, $0x4;
	[tilespmem:s15+$0x164E0] =	vst v62  }
0x1ed: {  	p0 =	sne.s32 s14, $0x27;
	s6 =	sadd.s32 s3, s6;
	[tilespmem:s15+$0x164F0] =	vst v63  }
0x1ee: {  	[hbm4b:s6+s5] =	stream.linear.scatter [tilespmem:s1], [sflag:$0xA], $0x4000, $0x38;
	[tilespmem:$0x1A400] =	vst v63  }
.Ltmp10:
0x1ef: {  	_ = 	snop;
	(pc) =	sbr.rel @p0 .LBB2_12-.Ltmp10, $4  }
0x1f0: {  	_ =	swait.ge [sflag:s8], $0x4000  }
0x1f1: {  	[sflag:s8] =	ssyncset.done $0x0  }
0x1f2: {  	s19 =	sadd.s32 $0x380, s17;
	[sflag:s8] =	ssyncadd.s32 $0xFFFFC000  }
0x1f3: {  	[tilespmem:s25], [sflag:$0x3] =	stream.indirect.gather [hbm4b:s2+s21], $0x80, s19, s21, $0xb8;
	[tilespmem:$0x1A400] =	vst v63  }
0x1f4: {  	_ =	swait.ge [sflag:s26], $0x4000  }
0x1f5: {  	[sflag:s26] =	ssyncset.done $0x0  }
0x1f6: {  	s14 =	simm.s32 $0x0;
	[sflag:s26] =	ssyncadd.s32 $0xFFFFC000  }
0x1f7: {  	v0 =	vld [tilespmem:s14+$0x6400]  }
0x1f8: {  	v1 =	vld [tilespmem:s14+$0x6410]  }
0x1f9: {  	v2 =	vld [tilespmem:s14+$0x6420]  }
0x1fa: {  	v3 =	vld [tilespmem:s14+$0x6430]  }
0x1fb: {  	v4 =	vld [tilespmem:s14+$0x6440]  }
0x1fc: {  	v5 =	vld [tilespmem:s14+$0x6450];
	v0 =	vmul.f32 $1.131370830e+01, v0  }
0x1fd: {  	v6 =	vld [tilespmem:s14+$0x6460];
	v1 =	vmul.f32 $1.131370830e+01, v1  }
0x1fe: {  	v7 =	vld [tilespmem:s14+$0x6470];
	[tilespmem:s14+$0x6400] =	vst v0;
	v0 =	vmul.f32 $1.131370830e+01, v2  }
0x1ff: {  	v8 =	vld [tilespmem:s14+$0x6480];
	[tilespmem:s14+$0x6410] =	vst v1;
	v1 =	vmul.f32 $1.131370830e+01, v3  }
0x200: {  	v9 =	vld [tilespmem:s14+$0x6490];
	[tilespmem:s14+$0x6420] =	vst v0;
	v0 =	vmul.f32 $1.131370830e+01, v4  }
0x201: {  	v2 =	vmul.f32 $1.131370830e+01, v5;
	[tilespmem:s14+$0x6430] =	vst v1;
	v1 =	vld [tilespmem:s14+$0x64A0]  }
0x202: {  	v3 =	vmul.f32 $1.131370830e+01, v6;
	[tilespmem:s14+$0x6440] =	vst v0;
	v0 =	vld [tilespmem:s14+$0x64B0]  }
0x203: {  	[tilespmem:s14+$0x6450] =	vst v2;
	v2 =	vld [tilespmem:s14+$0x64C0];
	v4 =	vmul.f32 $1.131370830e+01, v7  }
0x204: {  	v6 =	vmul.f32 $1.131370830e+01, v8;
	[tilespmem:s14+$0x6460] =	vst v3;
	v3 =	vld [tilespmem:s14+$0x64D0]  }
0x205: {  	s15 =	simm.s32 $0x400;
	v5 =	vmul.f32 $1.131370830e+01, v9;
	[tilespmem:s14+$0x6470] =	vst v4;
	v4 =	vld [tilespmem:s14+$0x64E0]  }
.LBB2_24:
0x206: {  	s6 =	sshra.s32 s15, $0x2;
	p0 =	sne.s32 s15, $0xFC00;
	[tilespmem:s14+$0x6480] =	vst v6;
	v1 =	vmul.f32 $1.131370830e+01, v1;
	v6 =	vld [tilespmem:s14+$0x64F0]  }
0x207: {  	v7 =	vld [tilespmem:s6+$0x6400];
	[tilespmem:s14+$0x6490] =	vst v5;
	v0 =	vmul.f32 $1.131370830e+01, v0  }
0x208: {  	v5 =	vld [tilespmem:s6+$0x6410];
	[tilespmem:s14+$0x64A0] =	vst v1;
	v1 =	vmul.f32 $1.131370830e+01, v2  }
0x209: {  	v2 =	vld [tilespmem:s6+$0x6420];
	[tilespmem:s14+$0x64B0] =	vst v0;
	v0 =	vmul.f32 $1.131370830e+01, v3  }
0x20a: {  	v3 =	vld [tilespmem:s6+$0x6430];
	[tilespmem:s14+$0x64C0] =	vst v1;
	v1 =	vmul.f32 $1.131370830e+01, v4  }
0x20b: {  	v4 =	vld [tilespmem:s6+$0x6440];
	[tilespmem:s14+$0x64D0] =	vst v0;
	v0 =	vmul.f32 $1.131370830e+01, v6  }
0x20c: {  	v6 =	vmul.f32 $1.131370830e+01, v7;
	v7 =	vld [tilespmem:s6+$0x6450];
	[tilespmem:s14+$0x64E0] =	vst v1  }
0x20d: {  	v1 =	vmul.f32 $1.131370830e+01, v5;
	v5 =	vld [tilespmem:s6+$0x6460];
	[tilespmem:s14+$0x64F0] =	vst v0;
	s14 =	smov.u32 s6  }
0x20e: {  	[tilespmem:s14+$0x6400] =	vst v6;
	v0 =	vmul.f32 $1.131370830e+01, v2;
	v2 =	vld [tilespmem:s14+$0x6470]  }
0x20f: {  	[tilespmem:s14+$0x6410] =	vst v1;
	v1 =	vmul.f32 $1.131370830e+01, v3;
	v3 =	vld [tilespmem:s14+$0x6480]  }
0x210: {  	[tilespmem:s14+$0x6420] =	vst v0;
	v0 =	vmul.f32 $1.131370830e+01, v4;
	v4 =	vld [tilespmem:s14+$0x6490]  }
.Ltmp11:
0x211: {  	[tilespmem:s14+$0x6430] =	vst v1;
	v6 =	vmul.f32 $1.131370830e+01, v7;
	v1 =	vld [tilespmem:s14+$0x64A0];
	(pc) =	sbr.rel @p0 .LBB2_24-.Ltmp11, $4  }
0x212: {  	[tilespmem:s14+$0x6440] =	vst v0;
	v5 =	vmul.f32 $1.131370830e+01, v5;
	v0 =	vld [tilespmem:s14+$0x64B0]  }
0x213: {  	[tilespmem:s14+$0x6450] =	vst v6;
	v7 =	vmul.f32 $1.131370830e+01, v2;
	v2 =	vld [tilespmem:s14+$0x64C0]  }
0x214: {  	[tilespmem:s14+$0x6460] =	vst v5;
	v6 =	vmul.f32 $1.131370830e+01, v3;
	v3 =	vld [tilespmem:s14+$0x64D0]  }
0x215: {  	s15 =	sadd.s32 $0x400, s15;
	[tilespmem:s14+$0x6470] =	vst v7;
	v5 =	vmul.f32 $1.131370830e+01, v4;
	v4 =	vld [tilespmem:s14+$0x64E0]  }
0x216: {  	[tilespmem:s14+$0x6480] =	vst v6;
	v1 =	vmul.f32 $1.131370830e+01, v1;
	v6 =	vld [tilespmem:s14+$0x64F0]  }
0x217: {  	[tilespmem:s14+$0x6490] =	vst v5;
	v0 =	vmul.f32 $1.131370830e+01, v0  }
0x218: {  	[tilespmem:s14+$0x64A0] =	vst v1;
	v1 =	vmul.f32 $1.131370830e+01, v2  }
0x219: {  	[tilespmem:s14+$0x64B0] =	vst v0;
	v0 =	vmul.f32 $1.131370830e+01, v3  }
0x21a: {  	[tilespmem:s14+$0x64C0] =	vst v1;
	v1 =	vmul.f32 $1.131370830e+01, v4  }
0x21b: {  	[tilespmem:s14+$0x64D0] =	vst v0;
	v0 =	vmul.f32 $1.131370830e+01, v6  }
0x21c: {  	[tilespmem:s14+$0x64E0] =	vst v1  }
0x21d: {  	s6 =	simm.s32 $0x0;
	s18 =	rddreg [dreg:$0xa];
	[tilespmem:s14+$0x64F0] =	vst v0  }
0x21e: {  	[hbm4b:s18+s6] =	stream.linear.scatter [tilespmem:s22], [sflag:$0x6], $0x4000, $0x38;
	[tilespmem:$0x1A400] =	vst v63  }
0x21f: {  	_ =	swait.ge [sflag:s9], $0x4000  }
0x220: {  	[sflag:s9] =	ssyncset.done $0x0  }
0x221: {  	s19 =	simm.s32 $0x6300;
	[sflag:s9] =	ssyncadd.s32 $0xFFFFC000  }
0x222: {  	[tilespmem:s29], [sflag:$0x4] =	stream.indirect.gather [hbm4b:s2+s21], $0x80, s19, s21, $0xb8;
	[tilespmem:$0x1A400] =	vst v63  }
0x223: {  	_ =	swait.ge [sflag:s30], $0x4000  }
0x224: {  	[sflag:s30] =	ssyncset.done $0x0  }
0x225: {  	s14 =	simm.s32 $0x0;
	[sflag:s30] =	ssyncadd.s32 $0xFFFFC000  }
0x226: {  	v0 =	vld [tilespmem:s14+$0xA400]  }
0x227: {  	v1 =	vld [tilespmem:s14+$0xA410]  }
0x228: {  	v2 =	vld [tilespmem:s14+$0xA420]  }
0x229: {  	v3 =	vld [tilespmem:s14+$0xA430]  }
0x22a: {  	v4 =	vld [tilespmem:s14+$0xA440]  }
0x22b: {  	v5 =	vld [tilespmem:s14+$0xA450];
	v0 =	vmul.f32 $1.131370830e+01, v0  }
0x22c: {  	v6 =	vld [tilespmem:s14+$0xA460];
	v1 =	vmul.f32 $1.131370830e+01, v1  }
0x22d: {  	v7 =	vld [tilespmem:s14+$0xA470];
	[tilespmem:s14+$0xA400] =	vst v0;
	v0 =	vmul.f32 $1.131370830e+01, v2  }
0x22e: {  	v8 =	vld [tilespmem:s14+$0xA480];
	[tilespmem:s14+$0xA410] =	vst v1;
	v1 =	vmul.f32 $1.131370830e+01, v3  }
0x22f: {  	v9 =	vld [tilespmem:s14+$0xA490];
	[tilespmem:s14+$0xA420] =	vst v0;
	v0 =	vmul.f32 $1.131370830e+01, v4  }
0x230: {  	v2 =	vmul.f32 $1.131370830e+01, v5;
	[tilespmem:s14+$0xA430] =	vst v1;
	v1 =	vld [tilespmem:s14+$0xA4A0]  }
0x231: {  	v3 =	vmul.f32 $1.131370830e+01, v6;
	[tilespmem:s14+$0xA440] =	vst v0;
	v0 =	vld [tilespmem:s14+$0xA4B0]  }
0x232: {  	[tilespmem:s14+$0xA450] =	vst v2;
	v2 =	vld [tilespmem:s14+$0xA4C0];
	v4 =	vmul.f32 $1.131370830e+01, v7  }
0x233: {  	v6 =	vmul.f32 $1.131370830e+01, v8;
	[tilespmem:s14+$0xA460] =	vst v3;
	v3 =	vld [tilespmem:s14+$0xA4D0]  }
0x234: {  	s15 =	simm.s32 $0x400;
	v5 =	vmul.f32 $1.131370830e+01, v9;
	[tilespmem:s14+$0xA470] =	vst v4;
	v4 =	vld [tilespmem:s14+$0xA4E0]  }
.LBB2_26:
0x235: {  	s6 =	sshra.s32 s15, $0x2;
	p0 =	sne.s32 s15, $0xFC00;
	[tilespmem:s14+$0xA480] =	vst v6;
	v1 =	vmul.f32 $1.131370830e+01, v1;
	v6 =	vld [tilespmem:s14+$0xA4F0]  }
0x236: {  	v7 =	vld [tilespmem:s6+$0xA400];
	[tilespmem:s14+$0xA490] =	vst v5;
	v0 =	vmul.f32 $1.131370830e+01, v0  }
0x237: {  	v5 =	vld [tilespmem:s6+$0xA410];
	[tilespmem:s14+$0xA4A0] =	vst v1;
	v1 =	vmul.f32 $1.131370830e+01, v2  }
0x238: {  	v2 =	vld [tilespmem:s6+$0xA420];
	[tilespmem:s14+$0xA4B0] =	vst v0;
	v0 =	vmul.f32 $1.131370830e+01, v3  }
0x239: {  	v3 =	vld [tilespmem:s6+$0xA430];
	[tilespmem:s14+$0xA4C0] =	vst v1;
	v1 =	vmul.f32 $1.131370830e+01, v4  }
0x23a: {  	v4 =	vld [tilespmem:s6+$0xA440];
	[tilespmem:s14+$0xA4D0] =	vst v0;
	v0 =	vmul.f32 $1.131370830e+01, v6  }
0x23b: {  	v6 =	vmul.f32 $1.131370830e+01, v7;
	v7 =	vld [tilespmem:s6+$0xA450];
	[tilespmem:s14+$0xA4E0] =	vst v1  }
0x23c: {  	v1 =	vmul.f32 $1.131370830e+01, v5;
	v5 =	vld [tilespmem:s6+$0xA460];
	[tilespmem:s14+$0xA4F0] =	vst v0;
	s14 =	smov.u32 s6  }
0x23d: {  	[tilespmem:s14+$0xA400] =	vst v6;
	v0 =	vmul.f32 $1.131370830e+01, v2;
	v2 =	vld [tilespmem:s14+$0xA470]  }
0x23e: {  	[tilespmem:s14+$0xA410] =	vst v1;
	v1 =	vmul.f32 $1.131370830e+01, v3;
	v3 =	vld [tilespmem:s14+$0xA480]  }
0x23f: {  	[tilespmem:s14+$0xA420] =	vst v0;
	v0 =	vmul.f32 $1.131370830e+01, v4;
	v4 =	vld [tilespmem:s14+$0xA490]  }
.Ltmp12:
0x240: {  	[tilespmem:s14+$0xA430] =	vst v1;
	v6 =	vmul.f32 $1.131370830e+01, v7;
	v1 =	vld [tilespmem:s14+$0xA4A0];
	(pc) =	sbr.rel @p0 .LBB2_26-.Ltmp12, $4  }
0x241: {  	[tilespmem:s14+$0xA440] =	vst v0;
	v5 =	vmul.f32 $1.131370830e+01, v5;
	v0 =	vld [tilespmem:s14+$0xA4B0]  }
0x242: {  	[tilespmem:s14+$0xA450] =	vst v6;
	v7 =	vmul.f32 $1.131370830e+01, v2;
	v2 =	vld [tilespmem:s14+$0xA4C0]  }
0x243: {  	[tilespmem:s14+$0xA460] =	vst v5;
	v6 =	vmul.f32 $1.131370830e+01, v3;
	v3 =	vld [tilespmem:s14+$0xA4D0]  }
0x244: {  	s15 =	sadd.s32 $0x400, s15;
	[tilespmem:s14+$0xA470] =	vst v7;
	v5 =	vmul.f32 $1.131370830e+01, v4;
	v4 =	vld [tilespmem:s14+$0xA4E0]  }
0x245: {  	[tilespmem:s14+$0xA480] =	vst v6;
	v1 =	vmul.f32 $1.131370830e+01, v1;
	v6 =	vld [tilespmem:s14+$0xA4F0]  }
0x246: {  	[tilespmem:s14+$0xA490] =	vst v5;
	v0 =	vmul.f32 $1.131370830e+01, v0  }
0x247: {  	[tilespmem:s14+$0xA4A0] =	vst v1;
	v1 =	vmul.f32 $1.131370830e+01, v2  }
0x248: {  	[tilespmem:s14+$0xA4B0] =	vst v0;
	v0 =	vmul.f32 $1.131370830e+01, v3  }
0x249: {  	[tilespmem:s14+$0xA4C0] =	vst v1;
	v1 =	vmul.f32 $1.131370830e+01, v4  }
0x24a: {  	[tilespmem:s14+$0xA4D0] =	vst v0;
	v0 =	vmul.f32 $1.131370830e+01, v6  }
0x24b: {  	[tilespmem:s14+$0xA4E0] =	vst v1  }
0x24c: {  	s6 =	simm.s32 $0x0;
	s18 =	rddreg [dreg:$0xb];
	[tilespmem:s14+$0xA4F0] =	vst v0  }
0x24d: {  	[hbm4b:s18+s6] =	stream.linear.scatter [tilespmem:s23], [sflag:$0x7], $0x4000, $0x38;
	[tilespmem:$0x1A400] =	vst v63  }
0x24e: {  	_ =	swait.ge [sflag:s10], $0x4000  }
0x24f: {  	[sflag:s10] =	ssyncset.done $0x0  }
0x250: {  	s19 =	simm.s32 $0x6380;
	[sflag:s10] =	ssyncadd.s32 $0xFFFFC000  }
0x251: {  	[tilespmem:s1], [sflag:$0x5] =	stream.indirect.gather [hbm4b:s2+s21], $0x80, s19, s21, $0xb8;
	[tilespmem:$0x1A400] =	vst v63  }
0x252: {  	_ =	swait.ge [sflag:s0], $0x4000  }
0x253: {  	[sflag:s0] =	ssyncset.done $0x0  }
0x254: {  	s14 =	simm.s32 $0x0;
	[sflag:s0] =	ssyncadd.s32 $0xFFFFC000  }
0x255: {  	v0 =	vld [tilespmem:s14+$0xE400]  }
0x256: {  	v1 =	vld [tilespmem:s14+$0xE410]  }
0x257: {  	v2 =	vld [tilespmem:s14+$0xE420]  }
0x258: {  	v3 =	vld [tilespmem:s14+$0xE430]  }
0x259: {  	v4 =	vld [tilespmem:s14+$0xE440]  }
0x25a: {  	v5 =	vld [tilespmem:s14+$0xE450];
	v0 =	vmul.f32 $1.131370830e+01, v0  }
0x25b: {  	v6 =	vld [tilespmem:s14+$0xE460];
	v1 =	vmul.f32 $1.131370830e+01, v1  }
0x25c: {  	v7 =	vld [tilespmem:s14+$0xE470];
	[tilespmem:s14+$0xE400] =	vst v0;
	v0 =	vmul.f32 $1.131370830e+01, v2  }
0x25d: {  	v8 =	vld [tilespmem:s14+$0xE480];
	[tilespmem:s14+$0xE410] =	vst v1;
	v1 =	vmul.f32 $1.131370830e+01, v3  }
0x25e: {  	v9 =	vld [tilespmem:s14+$0xE490];
	[tilespmem:s14+$0xE420] =	vst v0;
	v0 =	vmul.f32 $1.131370830e+01, v4  }
0x25f: {  	v2 =	vmul.f32 $1.131370830e+01, v5;
	[tilespmem:s14+$0xE430] =	vst v1;
	v1 =	vld [tilespmem:s14+$0xE4A0]  }
0x260: {  	v3 =	vmul.f32 $1.131370830e+01, v6;
	[tilespmem:s14+$0xE440] =	vst v0;
	v0 =	vld [tilespmem:s14+$0xE4B0]  }
0x261: {  	[tilespmem:s14+$0xE450] =	vst v2;
	v2 =	vld [tilespmem:s14+$0xE4C0];
	v4 =	vmul.f32 $1.131370830e+01, v7  }
0x262: {  	v6 =	vmul.f32 $1.131370830e+01, v8;
	[tilespmem:s14+$0xE460] =	vst v3;
	v3 =	vld [tilespmem:s14+$0xE4D0]  }
0x263: {  	s15 =	simm.s32 $0x400;
	v5 =	vmul.f32 $1.131370830e+01, v9;
	[tilespmem:s14+$0xE470] =	vst v4;
	v4 =	vld [tilespmem:s14+$0xE4E0]  }
.LBB2_28:
0x264: {  	s6 =	sshra.s32 s15, $0x2;
	p0 =	sne.s32 s15, $0xFC00;
	[tilespmem:s14+$0xE480] =	vst v6;
	v1 =	vmul.f32 $1.131370830e+01, v1;
	v6 =	vld [tilespmem:s14+$0xE4F0]  }
0x265: {  	v7 =	vld [tilespmem:s6+$0xE400];
	[tilespmem:s14+$0xE490] =	vst v5;
	v0 =	vmul.f32 $1.131370830e+01, v0  }
0x266: {  	v5 =	vld [tilespmem:s6+$0xE410];
	[tilespmem:s14+$0xE4A0] =	vst v1;
	v1 =	vmul.f32 $1.131370830e+01, v2  }
0x267: {  	v2 =	vld [tilespmem:s6+$0xE420];
	[tilespmem:s14+$0xE4B0] =	vst v0;
	v0 =	vmul.f32 $1.131370830e+01, v3  }
0x268: {  	v3 =	vld [tilespmem:s6+$0xE430];
	[tilespmem:s14+$0xE4C0] =	vst v1;
	v1 =	vmul.f32 $1.131370830e+01, v4  }
0x269: {  	v4 =	vld [tilespmem:s6+$0xE440];
	[tilespmem:s14+$0xE4D0] =	vst v0;
	v0 =	vmul.f32 $1.131370830e+01, v6  }
0x26a: {  	v6 =	vmul.f32 $1.131370830e+01, v7;
	v7 =	vld [tilespmem:s6+$0xE450];
	[tilespmem:s14+$0xE4E0] =	vst v1  }
0x26b: {  	v1 =	vmul.f32 $1.131370830e+01, v5;
	v5 =	vld [tilespmem:s6+$0xE460];
	[tilespmem:s14+$0xE4F0] =	vst v0;
	s14 =	smov.u32 s6  }
0x26c: {  	[tilespmem:s14+$0xE400] =	vst v6;
	v0 =	vmul.f32 $1.131370830e+01, v2;
	v2 =	vld [tilespmem:s14+$0xE470]  }
0x26d: {  	[tilespmem:s14+$0xE410] =	vst v1;
	v1 =	vmul.f32 $1.131370830e+01, v3;
	v3 =	vld [tilespmem:s14+$0xE480]  }
0x26e: {  	[tilespmem:s14+$0xE420] =	vst v0;
	v0 =	vmul.f32 $1.131370830e+01, v4;
	v4 =	vld [tilespmem:s14+$0xE490]  }
.Ltmp13:
0x26f: {  	[tilespmem:s14+$0xE430] =	vst v1;
	v6 =	vmul.f32 $1.131370830e+01, v7;
	v1 =	vld [tilespmem:s14+$0xE4A0];
	(pc) =	sbr.rel @p0 .LBB2_28-.Ltmp13, $4  }
0x270: {  	[tilespmem:s14+$0xE440] =	vst v0;
	v5 =	vmul.f32 $1.131370830e+01, v5;
	v0 =	vld [tilespmem:s14+$0xE4B0]  }
0x271: {  	[tilespmem:s14+$0xE450] =	vst v6;
	v7 =	vmul.f32 $1.131370830e+01, v2;
	v2 =	vld [tilespmem:s14+$0xE4C0]  }
0x272: {  	[tilespmem:s14+$0xE460] =	vst v5;
	v6 =	vmul.f32 $1.131370830e+01, v3;
	v3 =	vld [tilespmem:s14+$0xE4D0]  }
0x273: {  	s15 =	sadd.s32 $0x400, s15;
	[tilespmem:s14+$0xE470] =	vst v7;
	v5 =	vmul.f32 $1.131370830e+01, v4;
	v4 =	vld [tilespmem:s14+$0xE4E0]  }
0x274: {  	[tilespmem:s14+$0xE480] =	vst v6;
	v1 =	vmul.f32 $1.131370830e+01, v1;
	v6 =	vld [tilespmem:s14+$0xE4F0]  }
0x275: {  	[tilespmem:s14+$0xE490] =	vst v5;
	v0 =	vmul.f32 $1.131370830e+01, v0  }
0x276: {  	[tilespmem:s14+$0xE4A0] =	vst v1;
	v1 =	vmul.f32 $1.131370830e+01, v2  }
0x277: {  	[tilespmem:s14+$0xE4B0] =	vst v0;
	v0 =	vmul.f32 $1.131370830e+01, v3  }
0x278: {  	[tilespmem:s14+$0xE4C0] =	vst v1;
	v1 =	vmul.f32 $1.131370830e+01, v4  }
0x279: {  	[tilespmem:s14+$0xE4D0] =	vst v0;
	v0 =	vmul.f32 $1.131370830e+01, v6  }
0x27a: {  	[tilespmem:s14+$0xE4E0] =	vst v1  }
0x27b: {  	s6 =	simm.s32 $0x0;
	s19 =	rddreg [dreg:$0xc];
	[tilespmem:s14+$0xE4F0] =	vst v0  }
0x27c: {  	[hbm4b:s19+s6] =	stream.linear.scatter [tilespmem:s25], [sflag:$0x8], $0x4000, $0x38;
	[tilespmem:$0x1A400] =	vst v63  }
0x27d: {  	_ =	swait.ge [sflag:s31], $0x4000  }
0x27e: {  	[sflag:s31] =	ssyncset.done $0x0  }
0x27f: {  	s14 =	simm.s32 $0x0;
	[sflag:s31] =	ssyncadd.s32 $0xFFFFC000  }
0x280: {  	v0 =	vld [tilespmem:s14+$0x12400]  }
0x281: {  	v1 =	vld [tilespmem:s14+$0x12410]  }
0x282: {  	v2 =	vld [tilespmem:s14+$0x12420]  }
0x283: {  	v3 =	vld [tilespmem:s14+$0x12430]  }
0x284: {  	v4 =	vld [tilespmem:s14+$0x12440]  }
0x285: {  	v5 =	vld [tilespmem:s14+$0x12450];
	v0 =	vmul.f32 $1.131370830e+01, v0  }
0x286: {  	v6 =	vld [tilespmem:s14+$0x12460];
	v1 =	vmul.f32 $1.131370830e+01, v1  }
0x287: {  	v7 =	vld [tilespmem:s14+$0x12470];
	[tilespmem:s14+$0x12400] =	vst v0;
	v0 =	vmul.f32 $1.131370830e+01, v2  }
0x288: {  	v8 =	vld [tilespmem:s14+$0x12480];
	[tilespmem:s14+$0x12410] =	vst v1;
	v1 =	vmul.f32 $1.131370830e+01, v3  }
0x289: {  	v9 =	vld [tilespmem:s14+$0x12490];
	[tilespmem:s14+$0x12420] =	vst v0;
	v0 =	vmul.f32 $1.131370830e+01, v4  }
0x28a: {  	v2 =	vmul.f32 $1.131370830e+01, v5;
	[tilespmem:s14+$0x12430] =	vst v1;
	v1 =	vld [tilespmem:s14+$0x124A0]  }
0x28b: {  	v3 =	vmul.f32 $1.131370830e+01, v6;
	[tilespmem:s14+$0x12440] =	vst v0;
	v0 =	vld [tilespmem:s14+$0x124B0]  }
0x28c: {  	[tilespmem:s14+$0x12450] =	vst v2;
	v2 =	vld [tilespmem:s14+$0x124C0];
	v4 =	vmul.f32 $1.131370830e+01, v7  }
0x28d: {  	v6 =	vmul.f32 $1.131370830e+01, v8;
	[tilespmem:s14+$0x12460] =	vst v3;
	v3 =	vld [tilespmem:s14+$0x124D0]  }
0x28e: {  	s15 =	simm.s32 $0x400;
	v5 =	vmul.f32 $1.131370830e+01, v9;
	[tilespmem:s14+$0x12470] =	vst v4;
	v4 =	vld [tilespmem:s14+$0x124E0]  }
.LBB2_30:
0x28f: {  	s6 =	sshra.s32 s15, $0x2;
	p0 =	sne.s32 s15, $0xFC00;
	[tilespmem:s14+$0x12480] =	vst v6;
	v1 =	vmul.f32 $1.131370830e+01, v1;
	v6 =	vld [tilespmem:s14+$0x124F0]  }
0x290: {  	v7 =	vld [tilespmem:s6+$0x12400];
	[tilespmem:s14+$0x12490] =	vst v5;
	v0 =	vmul.f32 $1.131370830e+01, v0  }
0x291: {  	v5 =	vld [tilespmem:s6+$0x12410];
	[tilespmem:s14+$0x124A0] =	vst v1;
	v1 =	vmul.f32 $1.131370830e+01, v2  }
0x292: {  	v2 =	vld [tilespmem:s6+$0x12420];
	[tilespmem:s14+$0x124B0] =	vst v0;
	v0 =	vmul.f32 $1.131370830e+01, v3  }
0x293: {  	v3 =	vld [tilespmem:s6+$0x12430];
	[tilespmem:s14+$0x124C0] =	vst v1;
	v1 =	vmul.f32 $1.131370830e+01, v4  }
0x294: {  	v4 =	vld [tilespmem:s6+$0x12440];
	[tilespmem:s14+$0x124D0] =	vst v0;
	v0 =	vmul.f32 $1.131370830e+01, v6  }
0x295: {  	v6 =	vmul.f32 $1.131370830e+01, v7;
	v7 =	vld [tilespmem:s6+$0x12450];
	[tilespmem:s14+$0x124E0] =	vst v1  }
0x296: {  	v1 =	vmul.f32 $1.131370830e+01, v5;
	v5 =	vld [tilespmem:s6+$0x12460];
	[tilespmem:s14+$0x124F0] =	vst v0;
	s14 =	smov.u32 s6  }
0x297: {  	[tilespmem:s14+$0x12400] =	vst v6;
	v0 =	vmul.f32 $1.131370830e+01, v2;
	v2 =	vld [tilespmem:s14+$0x12470]  }
0x298: {  	[tilespmem:s14+$0x12410] =	vst v1;
	v1 =	vmul.f32 $1.131370830e+01, v3;
	v3 =	vld [tilespmem:s14+$0x12480]  }
0x299: {  	[tilespmem:s14+$0x12420] =	vst v0;
	v0 =	vmul.f32 $1.131370830e+01, v4;
	v4 =	vld [tilespmem:s14+$0x12490]  }
.Ltmp14:
0x29a: {  	[tilespmem:s14+$0x12430] =	vst v1;
	v6 =	vmul.f32 $1.131370830e+01, v7;
	v1 =	vld [tilespmem:s14+$0x124A0];
	(pc) =	sbr.rel @p0 .LBB2_30-.Ltmp14, $4  }
0x29b: {  	[tilespmem:s14+$0x12440] =	vst v0;
	v5 =	vmul.f32 $1.131370830e+01, v5;
	v0 =	vld [tilespmem:s14+$0x124B0]  }
0x29c: {  	[tilespmem:s14+$0x12450] =	vst v6;
	v7 =	vmul.f32 $1.131370830e+01, v2;
	v2 =	vld [tilespmem:s14+$0x124C0]  }
0x29d: {  	[tilespmem:s14+$0x12460] =	vst v5;
	v6 =	vmul.f32 $1.131370830e+01, v3;
	v3 =	vld [tilespmem:s14+$0x124D0]  }
0x29e: {  	s15 =	sadd.s32 $0x400, s15;
	[tilespmem:s14+$0x12470] =	vst v7;
	v5 =	vmul.f32 $1.131370830e+01, v4;
	v4 =	vld [tilespmem:s14+$0x124E0]  }
0x29f: {  	[tilespmem:s14+$0x12480] =	vst v6;
	v1 =	vmul.f32 $1.131370830e+01, v1;
	v6 =	vld [tilespmem:s14+$0x124F0]  }
0x2a0: {  	[tilespmem:s14+$0x12490] =	vst v5;
	v0 =	vmul.f32 $1.131370830e+01, v0  }
0x2a1: {  	[tilespmem:s14+$0x124A0] =	vst v1;
	v1 =	vmul.f32 $1.131370830e+01, v2  }
0x2a2: {  	[tilespmem:s14+$0x124B0] =	vst v0;
	v0 =	vmul.f32 $1.131370830e+01, v3  }
0x2a3: {  	[tilespmem:s14+$0x124C0] =	vst v1;
	v1 =	vmul.f32 $1.131370830e+01, v4  }
0x2a4: {  	[tilespmem:s14+$0x124D0] =	vst v0;
	v0 =	vmul.f32 $1.131370830e+01, v6  }
0x2a5: {  	[tilespmem:s14+$0x124E0] =	vst v1  }
0x2a6: {  	s6 =	simm.s32 $0x0;
	s19 =	rddreg [dreg:$0xd];
	[tilespmem:s14+$0x124F0] =	vst v0  }
0x2a7: {  	[hbm4b:s19+s6] =	stream.linear.scatter [tilespmem:s29], [sflag:$0x9], $0x4000, $0x38;
	[tilespmem:$0x1A400] =	vst v63  }
0x2a8: {  	_ =	swait.ge [sflag:s7], $0x4000  }
0x2a9: {  	[sflag:s7] =	ssyncset.done $0x0  }
0x2aa: {  	s14 =	simm.s32 $0x0;
	[sflag:s7] =	ssyncadd.s32 $0xFFFFC000  }
0x2ab: {  	v0 =	vld [tilespmem:s14+$0x16400]  }
0x2ac: {  	v1 =	vld [tilespmem:s14+$0x16410]  }
0x2ad: {  	v2 =	vld [tilespmem:s14+$0x16420]  }
0x2ae: {  	v3 =	vld [tilespmem:s14+$0x16430]  }
0x2af: {  	v4 =	vld [tilespmem:s14+$0x16440]  }
0x2b0: {  	v5 =	vld [tilespmem:s14+$0x16450];
	v0 =	vmul.f32 $1.131370830e+01, v0  }
0x2b1: {  	v6 =	vld [tilespmem:s14+$0x16460];
	v1 =	vmul.f32 $1.131370830e+01, v1  }
0x2b2: {  	v7 =	vld [tilespmem:s14+$0x16470];
	[tilespmem:s14+$0x16400] =	vst v0;
	v0 =	vmul.f32 $1.131370830e+01, v2  }
0x2b3: {  	v8 =	vld [tilespmem:s14+$0x16480];
	[tilespmem:s14+$0x16410] =	vst v1;
	v1 =	vmul.f32 $1.131370830e+01, v3  }
0x2b4: {  	v9 =	vld [tilespmem:s14+$0x16490];
	[tilespmem:s14+$0x16420] =	vst v0;
	v0 =	vmul.f32 $1.131370830e+01, v4  }
0x2b5: {  	v2 =	vmul.f32 $1.131370830e+01, v5;
	[tilespmem:s14+$0x16430] =	vst v1;
	v1 =	vld [tilespmem:s14+$0x164A0]  }
0x2b6: {  	v3 =	vmul.f32 $1.131370830e+01, v6;
	[tilespmem:s14+$0x16440] =	vst v0;
	v0 =	vld [tilespmem:s14+$0x164B0]  }
0x2b7: {  	[tilespmem:s14+$0x16450] =	vst v2;
	v2 =	vld [tilespmem:s14+$0x164C0];
	v4 =	vmul.f32 $1.131370830e+01, v7  }
0x2b8: {  	v6 =	vmul.f32 $1.131370830e+01, v8;
	[tilespmem:s14+$0x16460] =	vst v3;
	v3 =	vld [tilespmem:s14+$0x164D0]  }
0x2b9: {  	s15 =	simm.s32 $0x400;
	v5 =	vmul.f32 $1.131370830e+01, v9;
	[tilespmem:s14+$0x16470] =	vst v4;
	v4 =	vld [tilespmem:s14+$0x164E0]  }
.LBB2_32:
0x2ba: {  	s6 =	sshra.s32 s15, $0x2;
	p0 =	sne.s32 s15, $0xFC00;
	[tilespmem:s14+$0x16480] =	vst v6;
	v1 =	vmul.f32 $1.131370830e+01, v1;
	v6 =	vld [tilespmem:s14+$0x164F0]  }
0x2bb: {  	v7 =	vld [tilespmem:s6+$0x16400];
	[tilespmem:s14+$0x16490] =	vst v5;
	v0 =	vmul.f32 $1.131370830e+01, v0  }
0x2bc: {  	v5 =	vld [tilespmem:s6+$0x16410];
	[tilespmem:s14+$0x164A0] =	vst v1;
	v1 =	vmul.f32 $1.131370830e+01, v2  }
0x2bd: {  	v2 =	vld [tilespmem:s6+$0x16420];
	[tilespmem:s14+$0x164B0] =	vst v0;
	v0 =	vmul.f32 $1.131370830e+01, v3  }
0x2be: {  	v3 =	vld [tilespmem:s6+$0x16430];
	[tilespmem:s14+$0x164C0] =	vst v1;
	v1 =	vmul.f32 $1.131370830e+01, v4  }
0x2bf: {  	v4 =	vld [tilespmem:s6+$0x16440];
	[tilespmem:s14+$0x164D0] =	vst v0;
	v0 =	vmul.f32 $1.131370830e+01, v6  }
0x2c0: {  	v6 =	vmul.f32 $1.131370830e+01, v7;
	v7 =	vld [tilespmem:s6+$0x16450];
	[tilespmem:s14+$0x164E0] =	vst v1  }
0x2c1: {  	v1 =	vmul.f32 $1.131370830e+01, v5;
	v5 =	vld [tilespmem:s6+$0x16460];
	[tilespmem:s14+$0x164F0] =	vst v0;
	s14 =	smov.u32 s6  }
0x2c2: {  	[tilespmem:s14+$0x16400] =	vst v6;
	v0 =	vmul.f32 $1.131370830e+01, v2;
	v2 =	vld [tilespmem:s14+$0x16470]  }
0x2c3: {  	[tilespmem:s14+$0x16410] =	vst v1;
	v1 =	vmul.f32 $1.131370830e+01, v3;
	v3 =	vld [tilespmem:s14+$0x16480]  }
0x2c4: {  	[tilespmem:s14+$0x16420] =	vst v0;
	v0 =	vmul.f32 $1.131370830e+01, v4;
	v4 =	vld [tilespmem:s14+$0x16490]  }
.Ltmp15:
0x2c5: {  	[tilespmem:s14+$0x16430] =	vst v1;
	v6 =	vmul.f32 $1.131370830e+01, v7;
	v1 =	vld [tilespmem:s14+$0x164A0];
	(pc) =	sbr.rel @p0 .LBB2_32-.Ltmp15, $4  }
0x2c6: {  	[tilespmem:s14+$0x16440] =	vst v0;
	v5 =	vmul.f32 $1.131370830e+01, v5;
	v0 =	vld [tilespmem:s14+$0x164B0]  }
0x2c7: {  	[tilespmem:s14+$0x16450] =	vst v6;
	v7 =	vmul.f32 $1.131370830e+01, v2;
	v2 =	vld [tilespmem:s14+$0x164C0]  }
0x2c8: {  	[tilespmem:s14+$0x16460] =	vst v5;
	v6 =	vmul.f32 $1.131370830e+01, v3;
	v3 =	vld [tilespmem:s14+$0x164D0]  }
0x2c9: {  	s15 =	sadd.s32 $0x400, s15;
	[tilespmem:s14+$0x16470] =	vst v7;
	v5 =	vmul.f32 $1.131370830e+01, v4;
	v4 =	vld [tilespmem:s14+$0x164E0]  }
0x2ca: {  	[tilespmem:s14+$0x16480] =	vst v6;
	v1 =	vmul.f32 $1.131370830e+01, v1;
	v59 =	vld [tilespmem:s14+$0x164F0]  }
0x2cb: {  	[tilespmem:s14+$0x16490] =	vst v5;
	v0 =	vmul.f32 $1.131370830e+01, v0  }
0x2cc: {  	[tilespmem:s14+$0x164A0] =	vst v1;
	v60 =	vmul.f32 $1.131370830e+01, v2  }
0x2cd: {  	[tilespmem:s14+$0x164B0] =	vst v0;
	v61 =	vmul.f32 $1.131370830e+01, v3  }
0x2ce: {  	[tilespmem:s14+$0x164C0] =	vst v60;
	v62 =	vmul.f32 $1.131370830e+01, v4  }
0x2cf: {  	[tilespmem:s14+$0x164D0] =	vst v61;
	v63 =	vmul.f32 $1.131370830e+01, v59  }
0x2d0: {  	[tilespmem:s14+$0x164E0] =	vst v62  }
0x2d1: {  	s6 =	rddreg [dreg:$0xe];
	[tilespmem:s14+$0x164F0] =	vst v63  }
0x2d2: {  	[hbm4b:s6+s5] =	stream.linear.scatter [tilespmem:s1], [sflag:$0xA], $0x4000, $0x38;
	[tilespmem:$0x1A400] =	vst v63  }
0x2d3: {  	_ =	swait.ge [sflag:s24], $0x4000  }
0x2d4: {  	[sflag:s24] =	ssyncset.done $0x0  }
0x2d5: {  	[sflag:s24] =	ssyncadd.s32 $0xFFFFC000  }
0x2d6: {  	_ =	swait.ge [sflag:s28], $0x4000  }
0x2d7: {  	[sflag:s28] =	ssyncset.done $0x0  }
0x2d8: {  	[sflag:s28] =	ssyncadd.s32 $0xFFFFC000  }
0x2d9: {  	_ =	swait.ge [sflag:s8], $0x4000  }
0x2da: {  	[sflag:s8] =	ssyncset.done $0x0  }
0x2db: {  	[sflag:s8] =	ssyncadd.s32 $0xFFFFC000  }
0x2dc: {  	_ =	swait.ge [sflag:s9], $0x4000  }
0x2dd: {  	[sflag:s9] =	ssyncset.done $0x0  }
0x2de: {  	[sflag:s9] =	ssyncadd.s32 $0xFFFFC000  }
0x2df: {  	_ =	swait.ge [sflag:s10], $0x4000  }
0x2e0: {  	s11 =	sadd.s32 $0x1, s11;
	s19 =	rddreg [dreg:$0xf]  }
0x2e1: {  	p0 =	sne.s32 s11, s19  }
.Ltmp16:
0x2e2: {  	_ = 	snop;
	(pc) =	sbr.rel @p0 .LBB2_1-.Ltmp16, $3  }
0x2e3: {  	_ =	sdelay $0x1  }
0x2e4: {  	[sflag:s10] =	ssyncset.done $0x0  }
0x2e5: {  	[sflag:s10] =	ssyncadd.s32 $0xFFFFC000  }
0x2e6: {  	_ =	sfence.sel $0x180000  }
0x2e7: {  	[bflag:$0x0] =	sbarrier.arrive $0xFFFF  }
0x2e8: {  	_ =	strace $0x90000047  }
0x2e9: {  	s0 =	stileid.u32;
	[bflag:$0x2] =	sbarrier.arrive $0xFFFF  }
0x2ea: {  	p0 =	sne.s32 s0, $0x0;
	s0 =	rddreg [dreg:$0x3]  }
0x2eb: {  	s0 =	sadd.s32 @!p0 $0x100000, s0  }
0x2ec: {  	[sflag:s0] =	ssyncadd.tile.s32 @!p0 $0x1;
	_ =	shalt  }
.Lfunc_end2:
_tile_overlayer_lowered:
.L_overlay_start_2:
0x2ed: {  	(tag) =	ssettag $0x2  }
0x2ee: {  	s0 =	rddreg [dreg:$0x0];
	s2 =	stileid.u32  }
0x2ef: {  	s1 =	rddreg [dreg:$0x1];
	p0 =	sne.s32 s2, $0x0  }
0x2f0: {  	s3 =	rddreg [dreg:$0x2];
	[bflag:$0x3] =	sbarrier.arrive $0xFFFF;
	s2 =	simm.s32 @!p0 $0x1C0B  }
0x2f1: {  	[timem:s3], [sflag:s2] =	dma.local @!p0 [hbm:s0], s1  }
0x2f2: {  	s0 =	simm.s32 @!p0 $0xB  }
0x2f3: {  	_ =	swait.ge @!p0 [sflag:s0], s1  }
0x2f4: {  	s1 =	ssub.s32 @!p0 $0x0, s1;
	[sflag:s0] =	ssyncset.done @!p0 $0x0  }
0x2f5: {  	[sflag:s0] =	ssyncadd.s32 @!p0 s1  }
0x2f6: {  	[bflag:$0x3] =	sbarrier.arrive $0xFFFF  }
0x2f7: {  	_ =	shalt  }

</sc_bundles>
